<compile_context>
chip_gen: v7x
topology: tpu7x:2x2x1
jax: 0.10.2.dev20260603
libtpu: 0.0.44.dev20260713+nightly
codegen_flags: <defaults>
</compile_context>

<pallas_src>
import jax
import jax.numpy as jnp
from jax import lax
from jax.experimental import pallas as pl
from jax.experimental.pallas import tpu as pltpu
from jax.experimental.pallas import tpu_sc as plsc

NC = 2
NS = 16
NW = NC * NS
L = 16

B, S = 16384, 200
N = B * S
PER_W = N // NW
CH = 6400
NCHUNK = PER_W // CH

TC_BLK = 131072


def _tc_body(x0_ref, x1_ref, m_ref, c6_ref, al_ref):
    keep = jnp.logical_not(m_ref[...])
    c6_ref[...] = jnp.where(
        keep, jnp.exp(jnp.clip(x0_ref[...], -4.0, 4.0)), 0.0)
    al_ref[...] = jnp.where(
        keep, jnp.exp(jnp.clip(x1_ref[...], -4.0, 4.0)), 0.0)


def _sc_body(ec6_hbm, eal_hbm, nums_hbm, tab_hbm, c6_hbm, al_hbm,
             ec6_v0, ec6_v1, eal_v0, eal_v1, nums_v0, nums_v1, tab_v,
             oc6_v0, oc6_v1, oal_v0, oal_v1,
             sem_in0, sem_in1, sem_out0, sem_out1):
    wid = lax.axis_index("s") * NC + lax.axis_index("c")
    base = wid * PER_W
    ec6_v = (ec6_v0, ec6_v1)
    eal_v = (eal_v0, eal_v1)
    nums_v = (nums_v0, nums_v1)
    oc6_v = (oc6_v0, oc6_v1)
    oal_v = (oal_v0, oal_v1)
    sem_in = (sem_in0, sem_in1)
    sem_out = (sem_out0, sem_out1)

    pltpu.sync_copy(tab_hbm, tab_v)

    def load_chunk(c, slot):
        ebase = pl.multiple_of(base + c * CH, 64)
        return (
            pltpu.async_copy(ec6_hbm.at[pl.ds(ebase, CH)], ec6_v[slot],
                             sem_in[slot]),
            pltpu.async_copy(eal_hbm.at[pl.ds(ebase, CH)], eal_v[slot],
                             sem_in[slot]),
            pltpu.async_copy(nums_hbm.at[pl.ds(ebase, CH)], nums_v[slot],
                             sem_in[slot]),
        )

    def compute_chunk(c, slot):
        ec6s, eals, ns = ec6_v[slot], eal_v[slot], nums_v[slot]
        oc6, oal = oc6_v[slot], oal_v[slot]

        def step(g, _):
            for k in range(4):
                t = g * 4 + k
                nums16 = ns[pl.ds(t * L, L)]
                idx = nums16 * 2
                c6t = plsc.load_gather(tab_v, [idx])
                alt = plsc.load_gather(tab_v, [idx + 1])
                oc6[pl.ds(t * L, L)] = c6t * ec6s[pl.ds(t * L, L)]
                oal[pl.ds(t * L, L)] = alt * eals[pl.ds(t * L, L)]
            return _

        lax.fori_loop(0, CH // (4 * L), step, None)
        ebase = pl.multiple_of(base + c * CH, 64)
        return (
            pltpu.async_copy(oc6, c6_hbm.at[pl.ds(ebase, CH)], sem_out[slot]),
            pltpu.async_copy(oal, al_hbm.at[pl.ds(ebase, CH)], sem_out[slot]),
        )

    in_flight = load_chunk(0, 0)
    out_flight = (None, None)
    for c in range(NCHUNK):
        slot = c % 2
        next_flight = load_chunk(c + 1, 1 - slot) if c + 1 < NCHUNK else ()
        for d in in_flight:
            d.wait()
        if out_flight[slot] is not None:
            for d in out_flight[slot]:
                d.wait()
        descs = compute_chunk(c, slot)
        out_flight = (descs, out_flight[1]) if slot == 0 else (out_flight[0], descs)
        in_flight = next_flight
    for descs in out_flight:
        if descs is not None:
            for d in descs:
                d.wait()


@jax.jit
def kernel(disp_param, numbers, pad_mask, disp_param0):
    exc6, exal = pl.pallas_call(
        _tc_body,
        grid=(N // TC_BLK,),
        in_specs=[
            pl.BlockSpec((TC_BLK,), lambda i: (i,)),
            pl.BlockSpec((TC_BLK,), lambda i: (i,)),
            pl.BlockSpec((TC_BLK,), lambda i: (i,)),
        ],
        out_specs=[
            pl.BlockSpec((TC_BLK,), lambda i: (i,)),
            pl.BlockSpec((TC_BLK,), lambda i: (i,)),
        ],
        out_shape=[jax.ShapeDtypeStruct((N,), jnp.float32),
                   jax.ShapeDtypeStruct((N,), jnp.float32)],
    )(disp_param[:, :, 0].reshape(-1), disp_param[:, :, 1].reshape(-1),
      pad_mask.reshape(-1))

    nums = numbers.reshape(-1)
    tab = jnp.concatenate(
        [disp_param0.reshape(-1), jnp.zeros((8,), jnp.float32)])

    mesh = plsc.VectorSubcoreMesh(
        core_axis_name="c", subcore_axis_name="s",
        num_cores=NC, num_subcores=NS)
    c6, al = pl.kernel(
        _sc_body,
        out_type=[jax.ShapeDtypeStruct((N,), jnp.float32),
                  jax.ShapeDtypeStruct((N,), jnp.float32)],
        mesh=mesh,
        compiler_params=pltpu.CompilerParams(needs_layout_passes=False),
        scratch_types=[
            pltpu.VMEM((CH,), jnp.float32),
            pltpu.VMEM((CH,), jnp.float32),
            pltpu.VMEM((CH,), jnp.float32),
            pltpu.VMEM((CH,), jnp.float32),
            pltpu.VMEM((CH,), jnp.int32),
            pltpu.VMEM((CH,), jnp.int32),
            pltpu.VMEM((136,), jnp.float32),
            pltpu.VMEM((CH,), jnp.float32),
            pltpu.VMEM((CH,), jnp.float32),
            pltpu.VMEM((CH,), jnp.float32),
            pltpu.VMEM((CH,), jnp.float32),
            pltpu.SemaphoreType.DMA,
            pltpu.SemaphoreType.DMA,
            pltpu.SemaphoreType.DMA,
            pltpu.SemaphoreType.DMA,
        ],
    )(exc6, exal, nums, tab)
    return c6.reshape(B, S), al.reshape(B, S)

# --- scband reference (transcript-rebuilt; emitter-appended) ---
"""Pipeline reference for scband-disp-param-47991964566170 (READ-ONLY COPY).

The authoritative reference and input builder live on the scoring server;
editing this copy changes nothing except your own understanding.
"""

import jax, jax.numpy as jnp
import numpy as np


def _build_table():
    disp_param0 = np.zeros((64, 2), dtype=np.float32)
    _c6_d4 = [1.5122887314917994, 41.40182387769873, 27.252285365389284, 28.010607461450974, 20.756414983658626, 11.236458665855995, 167.93099777171867, 168.0238807938331, 139.3850326536157, 99.7981480487368, 236.68075142406505, 227.19301011811083, 182.5765835027261, 372.6816957649393]
    _alpha = [1.9110786, 11.809439, 8.214585, 7.743854, 6.041415, 3.8817358, 28.134447, 23.829082, 19.99253, 15.286761, 28.327911, 26.247684, 21.840067, 33.60986]
    _idx = [1, 5, 6, 7, 8, 9, 14, 15, 16, 17, 33, 34, 35, 53]
    for i, c, a in zip(_idx, _c6_d4, _alpha):
        disp_param0[i, 0] = c
        disp_param0[i, 1] = a
    disp_param0[0, 1] = 1.0
    return jnp.asarray(disp_param0)


def setup_inputs(seed: int = 0) -> dict:
    key = jax.random.key(seed)
    k1, k2, k3 = jax.random.split(key, 3)
    disp_param = jax.random.normal(k1, (16384, 200, 2), dtype=jnp.float32)
    numbers = jax.random.randint(k2, (16384, 200), 0, 64, dtype=jnp.int64 if jax.config.jax_enable_x64 else jnp.int32).astype(jnp.int32)
    pad_mask = jax.random.randint(k3, (16384, 200), 0, 2).astype(bool)
    disp_param0 = _build_table()
    return {"disp_param": disp_param, "numbers": numbers, "pad_mask": pad_mask, "disp_param0": disp_param0}


def reference(disp_param, numbers, pad_mask, disp_param0):
    dp = jnp.clip(disp_param, -4.0, 4.0)
    disp_param_mult = jnp.exp(dp)
    dparam = jnp.take(disp_param0, numbers, axis=0)
    prod = dparam * disp_param_mult
    c6i = prod[..., 0]
    alpha = prod[..., 1]
    if pad_mask.size > 1:
        alpha = jnp.where(pad_mask, 0.0, alpha)
        c6i = jnp.where(pad_mask, 0.0, c6i)
    return (c6i, alpha)

if __name__ == "__main__":
    import jax
    _d = setup_inputs()
    print(jax.jit(kernel)(*tuple(_d.values())))

</pallas_src>

<mosaic_0001>
#map = affine_map<(d0, d1) -> (0)>
module attributes {stable_mosaic.version = 14 : i64} {
  func.func @_sc_body(%arg0: i32, %arg1: i32, %arg2: memref<3276800xf32, #tpu.memory_space<hbm>>, %arg3: memref<3276800xf32, #tpu.memory_space<hbm>>, %arg4: memref<3276800xi32, #tpu.memory_space<hbm>>, %arg5: memref<136xf32, #tpu.memory_space<hbm>>, %arg6: memref<3276800xf32, #tpu.memory_space<hbm>>, %arg7: memref<3276800xf32, #tpu.memory_space<hbm>>, %arg8: memref<6400xf32, #tpu.memory_space<vmem>>, %arg9: memref<6400xf32, #tpu.memory_space<vmem>>, %arg10: memref<6400xf32, #tpu.memory_space<vmem>>, %arg11: memref<6400xf32, #tpu.memory_space<vmem>>, %arg12: memref<6400xi32, #tpu.memory_space<vmem>>, %arg13: memref<6400xi32, #tpu.memory_space<vmem>>, %arg14: memref<136xf32, #tpu.memory_space<vmem>>, %arg15: memref<6400xf32, #tpu.memory_space<vmem>>, %arg16: memref<6400xf32, #tpu.memory_space<vmem>>, %arg17: memref<6400xf32, #tpu.memory_space<vmem>>, %arg18: memref<6400xf32, #tpu.memory_space<vmem>>, %arg19: memref<!tpu.dma_semaphore, #tpu.memory_space<semaphore_mem>>, %arg20: memref<!tpu.dma_semaphore, #tpu.memory_space<semaphore_mem>>, %arg21: memref<!tpu.dma_semaphore, #tpu.memory_space<semaphore_mem>>, %arg22: memref<!tpu.dma_semaphore, #tpu.memory_space<semaphore_mem>>) attributes {dimension_semantics = [#tpu.dimension_semantics<core_parallel>, #tpu.dimension_semantics<subcore_parallel>], iteration_bounds = array<i64: 2, 16>, scalar_prefetch = 0 : i64, scratch_operands = 15 : i64, tpu.core_type = #tpu.core_type<sc_vector_subcore>, window_params = [{transform_indices = #map}, {transform_indices = #map}, {transform_indices = #map}, {transform_indices = #map}, {transform_indices = #map}, {transform_indices = #map}]} {
    %mul3A = arith.constant 2 : i32
    %mul3A_0 = arith.muli %arg1, %mul3A : i32
    %add3A = arith.addi %mul3A_0, %arg0 : i32
    %mul3A_1 = arith.constant 102400 : i32
    %mul3A_2 = arith.muli %add3A, %mul3A_1 : i32
    "tpu.region"() ({
      %run_scoped3A = tpu.sem_alloc : memref<!tpu.dma_semaphore, #tpu.memory_space<semaphore_mem>>
      tpu.enqueue_dma source(%arg5 : memref<136xf32, #tpu.memory_space<hbm>>) target(%arg14 : memref<136xf32, #tpu.memory_space<vmem>>) target_semaphore(%run_scoped3A : memref<!tpu.dma_semaphore, #tpu.memory_space<semaphore_mem>>)
      tpu.wait_dma2 semaphore(%run_scoped3A : memref<!tpu.dma_semaphore, #tpu.memory_space<semaphore_mem>>) src(%arg5 : memref<136xf32, #tpu.memory_space<hbm>>) dst(%arg14 : memref<136xf32, #tpu.memory_space<vmem>>)
      tpu.yield
    }) : () -> ()
    %add3A_3 = arith.constant 0 : i32
    %add3A_4 = arith.addi %mul3A_2, %add3A_3 : i32
    %multiple_of3A = tpu.assume_multiple %add3A_4, 64 : i32
    %dma_start3A = tpu.memref_slice %arg2[%multiple_of3A] : memref<3276800xf32, #tpu.memory_space<hbm>> -> memref<6400xf32, #tpu.memory_space<hbm>>
    %dma_start3A_5 = tpu.memref_slice %arg2[%multiple_of3A] : memref<3276800xf32, #tpu.memory_space<hbm>> -> memref<6400xf32, #tpu.memory_space<hbm>>
    tpu.enqueue_dma source(%dma_start3A_5 : memref<6400xf32, #tpu.memory_space<hbm>>) target(%arg8 : memref<6400xf32, #tpu.memory_space<vmem>>) target_semaphore(%arg19 : memref<!tpu.dma_semaphore, #tpu.memory_space<semaphore_mem>>)
    %dma_start3A_6 = tpu.memref_slice %arg3[%multiple_of3A] : memref<3276800xf32, #tpu.memory_space<hbm>> -> memref<6400xf32, #tpu.memory_space<hbm>>
    %dma_start3A_7 = tpu.memref_slice %arg3[%multiple_of3A] : memref<3276800xf32, #tpu.memory_space<hbm>> -> memref<6400xf32, #tpu.memory_space<hbm>>
    tpu.enqueue_dma source(%dma_start3A_7 : memref<6400xf32, #tpu.memory_space<hbm>>) target(%arg10 : memref<6400xf32, #tpu.memory_space<vmem>>) target_semaphore(%arg19 : memref<!tpu.dma_semaphore, #tpu.memory_space<semaphore_mem>>)
    %dma_start3A_8 = tpu.memref_slice %arg4[%multiple_of3A] : memref<3276800xi32, #tpu.memory_space<hbm>> -> memref<6400xi32, #tpu.memory_space<hbm>>
    %dma_start3A_9 = tpu.memref_slice %arg4[%multiple_of3A] : memref<3276800xi32, #tpu.memory_space<hbm>> -> memref<6400xi32, #tpu.memory_space<hbm>>
    tpu.enqueue_dma source(%dma_start3A_9 : memref<6400xi32, #tpu.memory_space<hbm>>) target(%arg12 : memref<6400xi32, #tpu.memory_space<vmem>>) target_semaphore(%arg19 : memref<!tpu.dma_semaphore, #tpu.memory_space<semaphore_mem>>)
    %add3A_10 = arith.constant 6400 : i32
    %add3A_11 = arith.addi %mul3A_2, %add3A_10 : i32
    %multiple_of3A_12 = tpu.assume_multiple %add3A_11, 64 : i32
    %dma_start3A_13 = tpu.memref_slice %arg2[%multiple_of3A_12] : memref<3276800xf32, #tpu.memory_space<hbm>> -> memref<6400xf32, #tpu.memory_space<hbm>>
    %dma_start3A_14 = tpu.memref_slice %arg2[%multiple_of3A_12] : memref<3276800xf32, #tpu.memory_space<hbm>> -> memref<6400xf32, #tpu.memory_space<hbm>>
    tpu.enqueue_dma source(%dma_start3A_14 : memref<6400xf32, #tpu.memory_space<hbm>>) target(%arg9 : memref<6400xf32, #tpu.memory_space<vmem>>) target_semaphore(%arg20 : memref<!tpu.dma_semaphore, #tpu.memory_space<semaphore_mem>>)
    %dma_start3A_15 = tpu.memref_slice %arg3[%multiple_of3A_12] : memref<3276800xf32, #tpu.memory_space<hbm>> -> memref<6400xf32, #tpu.memory_space<hbm>>
    %dma_start3A_16 = tpu.memref_slice %arg3[%multiple_of3A_12] : memref<3276800xf32, #tpu.memory_space<hbm>> -> memref<6400xf32, #tpu.memory_space<hbm>>
    tpu.enqueue_dma source(%dma_start3A_16 : memref<6400xf32, #tpu.memory_space<hbm>>) target(%arg11 : memref<6400xf32, #tpu.memory_space<vmem>>) target_semaphore(%arg20 : memref<!tpu.dma_semaphore, #tpu.memory_space<semaphore_mem>>)
    %dma_start3A_17 = tpu.memref_slice %arg4[%multiple_of3A_12] : memref<3276800xi32, #tpu.memory_space<hbm>> -> memref<6400xi32, #tpu.memory_space<hbm>>
    %dma_start3A_18 = tpu.memref_slice %arg4[%multiple_of3A_12] : memref<3276800xi32, #tpu.memory_space<hbm>> -> memref<6400xi32, #tpu.memory_space<hbm>>
    tpu.enqueue_dma source(%dma_start3A_18 : memref<6400xi32, #tpu.memory_space<hbm>>) target(%arg13 : memref<6400xi32, #tpu.memory_space<vmem>>) target_semaphore(%arg20 : memref<!tpu.dma_semaphore, #tpu.memory_space<semaphore_mem>>)
    %dma_wait3A = tpu.memref_slice %arg2[%multiple_of3A] : memref<3276800xf32, #tpu.memory_space<hbm>> -> memref<6400xf32, #tpu.memory_space<hbm>>
    %dma_wait3A_19 = tpu.memref_slice %arg2[%multiple_of3A] : memref<3276800xf32, #tpu.memory_space<hbm>> -> memref<6400xf32, #tpu.memory_space<hbm>>
    tpu.wait_dma2 semaphore(%arg19 : memref<!tpu.dma_semaphore, #tpu.memory_space<semaphore_mem>>) src(%dma_wait3A_19 : memref<6400xf32, #tpu.memory_space<hbm>>) dst(%arg8 : memref<6400xf32, #tpu.memory_space<vmem>>)
    %dma_wait3A_20 = tpu.memref_slice %arg3[%multiple_of3A] : memref<3276800xf32, #tpu.memory_space<hbm>> -> memref<6400xf32, #tpu.memory_space<hbm>>
    %dma_wait3A_21 = tpu.memref_slice %arg3[%multiple_of3A] : memref<3276800xf32, #tpu.memory_space<hbm>> -> memref<6400xf32, #tpu.memory_space<hbm>>
    tpu.wait_dma2 semaphore(%arg19 : memref<!tpu.dma_semaphore, #tpu.memory_space<semaphore_mem>>) src(%dma_wait3A_21 : memref<6400xf32, #tpu.memory_space<hbm>>) dst(%arg10 : memref<6400xf32, #tpu.memory_space<vmem>>)
    %dma_wait3A_22 = tpu.memref_slice %arg4[%multiple_of3A] : memref<3276800xi32, #tpu.memory_space<hbm>> -> memref<6400xi32, #tpu.memory_space<hbm>>
    %dma_wait3A_23 = tpu.memref_slice %arg4[%multiple_of3A] : memref<3276800xi32, #tpu.memory_space<hbm>> -> memref<6400xi32, #tpu.memory_space<hbm>>
    tpu.wait_dma2 semaphore(%arg19 : memref<!tpu.dma_semaphore, #tpu.memory_space<semaphore_mem>>) src(%dma_wait3A_23 : memref<6400xi32, #tpu.memory_space<hbm>>) dst(%arg12 : memref<6400xi32, #tpu.memory_space<vmem>>)
    %scan3A = arith.constant 0 : i32
    %scan3A_24 = arith.constant 100 : i32
    %scan3A_25 = arith.addi %scan3A, %scan3A_24 : i32
    %scan3A_26 = arith.constant 1 : i32
    scf.for %scan3A_495 = %scan3A to %scan3A_25 step %scan3A_26  : i32 {
      %mul3A_496 = arith.constant 4 : i32
      %mul3A_497 = arith.muli %scan3A_495, %mul3A_496 : i32
      %add3A_498 = arith.constant 0 : i32
      %add3A_499 = arith.addi %mul3A_497, %add3A_498 : i32
      %mul3A_500 = arith.constant 16 : i32
      %mul3A_501 = arith.muli %add3A_499, %mul3A_500 : i32
      %get3A = arith.index_cast %mul3A_501 : i32 to index
      %get3A_502 = tpu.vector_load %arg12[%get3A] {strides = array<i32>} : memref<6400xi32, #tpu.memory_space<vmem>>, vector<16xi32>,
      %mul3A_503 = arith.constant 2 : i32
      %mul3A_504 = vector.broadcast %mul3A_503 : i32 to vector<16xi32>
      %mul3A_505 = arith.muli %get3A_502, %mul3A_504 : vector<16xi32>
      %gather3A = tpu.vector_load_idx %arg14[%mul3A_505] : memref<136xf32, #tpu.memory_space<vmem>>[vector<16xi32>], vector<16xf32>,
      %add3A_506 = arith.constant 1 : i32
      %add3A_507 = vector.broadcast %add3A_506 : i32 to vector<16xi32>
      %add3A_508 = arith.addi %mul3A_505, %add3A_507 : vector<16xi32>
      %gather3A_509 = tpu.vector_load_idx %arg14[%add3A_508] : memref<136xf32, #tpu.memory_space<vmem>>[vector<16xi32>], vector<16xf32>,
      %mul3A_510 = arith.constant 16 : i32
      %mul3A_511 = arith.muli %add3A_499, %mul3A_510 : i32
      %get3A_512 = arith.index_cast %mul3A_511 : i32 to index
      %get3A_513 = tpu.vector_load %arg8[%get3A_512] {strides = array<i32>} : memref<6400xf32, #tpu.memory_space<vmem>>, vector<16xf32>,
      %mul3A_514 = arith.mulf %gather3A, %get3A_513 : vector<16xf32>
      %mul3A_515 = arith.constant 16 : i32
      %mul3A_516 = arith.muli %add3A_499, %mul3A_515 : i32
      %swap3A = arith.index_cast %mul3A_516 : i32 to index
      %swap3A_517 = tpu.vector_load %arg15[%swap3A] {strides = array<i32>} : memref<6400xf32, #tpu.memory_space<vmem>>, vector<16xf32>,
      tpu.vector_store %arg15[%swap3A], %mul3A_514 {strides = array<i32>} : memref<6400xf32, #tpu.memory_space<vmem>>, vector<16xf32>,
      %mul3A_518 = arith.constant 16 : i32
      %mul3A_519 = arith.muli %add3A_499, %mul3A_518 : i32
      %get3A_520 = arith.index_cast %mul3A_519 : i32 to index
      %get3A_521 = tpu.vector_load %arg10[%get3A_520] {strides = array<i32>} : memref<6400xf32, #tpu.memory_space<vmem>>, vector<16xf32>,
      %mul3A_522 = arith.mulf %gather3A_509, %get3A_521 : vector<16xf32>
      %mul3A_523 = arith.constant 16 : i32
      %mul3A_524 = arith.muli %add3A_499, %mul3A_523 : i32
      %swap3A_525 = arith.index_cast %mul3A_524 : i32 to index
      %swap3A_526 = tpu.vector_load %arg17[%swap3A_525] {strides = array<i32>} : memref<6400xf32, #tpu.memory_space<vmem>>, vector<16xf32>,
      tpu.vector_store %arg17[%swap3A_525], %mul3A_522 {strides = array<i32>} : memref<6400xf32, #tpu.memory_space<vmem>>, vector<16xf32>,
      %mul3A_527 = arith.constant 4 : i32
      %mul3A_528 = arith.muli %scan3A_495, %mul3A_527 : i32
      %add3A_529 = arith.constant 1 : i32
      %add3A_530 = arith.addi %mul3A_528, %add3A_529 : i32
      %mul3A_531 = arith.constant 16 : i32
      %mul3A_532 = arith.muli %add3A_530, %mul3A_531 : i32
      %get3A_533 = arith.index_cast %mul3A_532 : i32 to index
      %get3A_534 = tpu.vector_load %arg12[%get3A_533] {strides = array<i32>} : memref<6400xi32, #tpu.memory_space<vmem>>, vector<16xi32>,
      %mul3A_535 = arith.constant 2 : i32
      %mul3A_536 = vector.broadcast %mul3A_535 : i32 to vector<16xi32>
      %mul3A_537 = arith.muli %get3A_534, %mul3A_536 : vector<16xi32>
      %gather3A_538 = tpu.vector_load_idx %arg14[%mul3A_537] : memref<136xf32, #tpu.memory_space<vmem>>[vector<16xi32>], vector<16xf32>,
      %add3A_539 = arith.constant 1 : i32
      %add3A_540 = vector.broadcast %add3A_539 : i32 to vector<16xi32>
      %add3A_541 = arith.addi %mul3A_537, %add3A_540 : vector<16xi32>
      %gather3A_542 = tpu.vector_load_idx %arg14[%add3A_541] : memref<136xf32, #tpu.memory_space<vmem>>[vector<16xi32>], vector<16xf32>,
      %mul3A_543 = arith.constant 16 : i32
      %mul3A_544 = arith.muli %add3A_530, %mul3A_543 : i32
      %get3A_545 = arith.index_cast %mul3A_544 : i32 to index
      %get3A_546 = tpu.vector_load %arg8[%get3A_545] {strides = array<i32>} : memref<6400xf32, #tpu.memory_space<vmem>>, vector<16xf32>,
      %mul3A_547 = arith.mulf %gather3A_538, %get3A_546 : vector<16xf32>
      %mul3A_548 = arith.constant 16 : i32
      %mul3A_549 = arith.muli %add3A_530, %mul3A_548 : i32
      %swap3A_550 = arith.index_cast %mul3A_549 : i32 to index
      %swap3A_551 = tpu.vector_load %arg15[%swap3A_550] {strides = array<i32>} : memref<6400xf32, #tpu.memory_space<vmem>>, vector<16xf32>,
      tpu.vector_store %arg15[%swap3A_550], %mul3A_547 {strides = array<i32>} : memref<6400xf32, #tpu.memory_space<vmem>>, vector<16xf32>,
      %mul3A_552 = arith.constant 16 : i32
      %mul3A_553 = arith.muli %add3A_530, %mul3A_552 : i32
      %get3A_554 = arith.index_cast %mul3A_553 : i32 to index
      %get3A_555 = tpu.vector_load %arg10[%get3A_554] {strides = array<i32>} : memref<6400xf32, #tpu.memory_space<vmem>>, vector<16xf32>,
      %mul3A_556 = arith.mulf %gather3A_542, %get3A_555 : vector<16xf32>
      %mul3A_557 = arith.constant 16 : i32
      %mul3A_558 = arith.muli %add3A_530, %mul3A_557 : i32
      %swap3A_559 = arith.index_cast %mul3A_558 : i32 to index
      %swap3A_560 = tpu.vector_load %arg17[%swap3A_559] {strides = array<i32>} : memref<6400xf32, #tpu.memory_space<vmem>>, vector<16xf32>,
      tpu.vector_store %arg17[%swap3A_559], %mul3A_556 {strides = array<i32>} : memref<6400xf32, #tpu.memory_space<vmem>>, vector<16xf32>,
      %mul3A_561 = arith.constant 4 : i32
      %mul3A_562 = arith.muli %scan3A_495, %mul3A_561 : i32
      %add3A_563 = arith.constant 2 : i32
      %add3A_564 = arith.addi %mul3A_562, %add3A_563 : i32
      %mul3A_565 = arith.constant 16 : i32
      %mul3A_566 = arith.muli %add3A_564, %mul3A_565 : i32
      %get3A_567 = arith.index_cast %mul3A_566 : i32 to index
      %get3A_568 = tpu.vector_load %arg12[%get3A_567] {strides = array<i32>} : memref<6400xi32, #tpu.memory_space<vmem>>, vector<16xi32>,
      %mul3A_569 = arith.constant 2 : i32
      %mul3A_570 = vector.broadcast %mul3A_569 : i32 to vector<16xi32>
      %mul3A_571 = arith.muli %get3A_568, %mul3A_570 : vector<16xi32>
      %gather3A_572 = tpu.vector_load_idx %arg14[%mul3A_571] : memref<136xf32, #tpu.memory_space<vmem>>[vector<16xi32>], vector<16xf32>,
      %add3A_573 = arith.constant 1 : i32
      %add3A_574 = vector.broadcast %add3A_573 : i32 to vector<16xi32>
      %add3A_575 = arith.addi %mul3A_571, %add3A_574 : vector<16xi32>
      %gather3A_576 = tpu.vector_load_idx %arg14[%add3A_575] : memref<136xf32, #tpu.memory_space<vmem>>[vector<16xi32>], vector<16xf32>,
      %mul3A_577 = arith.constant 16 : i32
      %mul3A_578 = arith.muli %add3A_564, %mul3A_577 : i32
      %get3A_579 = arith.index_cast %mul3A_578 : i32 to index
      %get3A_580 = tpu.vector_load %arg8[%get3A_579] {strides = array<i32>} : memref<6400xf32, #tpu.memory_space<vmem>>, vector<16xf32>,
      %mul3A_581 = arith.mulf %gather3A_572, %get3A_580 : vector<16xf32>
      %mul3A_582 = arith.constant 16 : i32
      %mul3A_583 = arith.muli %add3A_564, %mul3A_582 : i32
      %swap3A_584 = arith.index_cast %mul3A_583 : i32 to index
      %swap3A_585 = tpu.vector_load %arg15[%swap3A_584] {strides = array<i32>} : memref<6400xf32, #tpu.memory_space<vmem>>, vector<16xf32>,
      tpu.vector_store %arg15[%swap3A_584], %mul3A_581 {strides = array<i32>} : memref<6400xf32, #tpu.memory_space<vmem>>, vector<16xf32>,
      %mul3A_586 = arith.constant 16 : i32
      %mul3A_587 = arith.muli %add3A_564, %mul3A_586 : i32
      %get3A_588 = arith.index_cast %mul3A_587 : i32 to index
      %get3A_589 = tpu.vector_load %arg10[%get3A_588] {strides = array<i32>} : memref<6400xf32, #tpu.memory_space<vmem>>, vector<16xf32>,
      %mul3A_590 = arith.mulf %gather3A_576, %get3A_589 : vector<16xf32>
      %mul3A_591 = arith.constant 16 : i32
      %mul3A_592 = arith.muli %add3A_564, %mul3A_591 : i32
      %swap3A_593 = arith.index_cast %mul3A_592 : i32 to index
      %swap3A_594 = tpu.vector_load %arg17[%swap3A_593] {strides = array<i32>} : memref<6400xf32, #tpu.memory_space<vmem>>, vector<16xf32>,
      tpu.vector_store %arg17[%swap3A_593], %mul3A_590 {strides = array<i32>} : memref<6400xf32, #tpu.memory_space<vmem>>, vector<16xf32>,
      %mul3A_595 = arith.constant 4 : i32
      %mul3A_596 = arith.muli %scan3A_495, %mul3A_595 : i32
      %add3A_597 = arith.constant 3 : i32
      %add3A_598 = arith.addi %mul3A_596, %add3A_597 : i32
      %mul3A_599 = arith.constant 16 : i32
      %mul3A_600 = arith.muli %add3A_598, %mul3A_599 : i32
      %get3A_601 = arith.index_cast %mul3A_600 : i32 to index
      %get3A_602 = tpu.vector_load %arg12[%get3A_601] {strides = array<i32>} : memref<6400xi32, #tpu.memory_space<vmem>>, vector<16xi32>,
      %mul3A_603 = arith.constant 2 : i32
      %mul3A_604 = vector.broadcast %mul3A_603 : i32 to vector<16xi32>
      %mul3A_605 = arith.muli %get3A_602, %mul3A_604 : vector<16xi32>
      %gather3A_606 = tpu.vector_load_idx %arg14[%mul3A_605] : memref<136xf32, #tpu.memory_space<vmem>>[vector<16xi32>], vector<16xf32>,
      %add3A_607 = arith.constant 1 : i32
      %add3A_608 = vector.broadcast %add3A_607 : i32 to vector<16xi32>
      %add3A_609 = arith.addi %mul3A_605, %add3A_608 : vector<16xi32>
      %gather3A_610 = tpu.vector_load_idx %arg14[%add3A_609] : memref<136xf32, #tpu.memory_space<vmem>>[vector<16xi32>], vector<16xf32>,
      %mul3A_611 = arith.constant 16 : i32
      %mul3A_612 = arith.muli %add3A_598, %mul3A_611 : i32
      %get3A_613 = arith.index_cast %mul3A_612 : i32 to index
      %get3A_614 = tpu.vector_load %arg8[%get3A_613] {strides = array<i32>} : memref<6400xf32, #tpu.memory_space<vmem>>, vector<16xf32>,
      %mul3A_615 = arith.mulf %gather3A_606, %get3A_614 : vector<16xf32>
      %mul3A_616 = arith.constant 16 : i32
      %mul3A_617 = arith.muli %add3A_598, %mul3A_616 : i32
      %swap3A_618 = arith.index_cast %mul3A_617 : i32 to index
      %swap3A_619 = tpu.vector_load %arg15[%swap3A_618] {strides = array<i32>} : memref<6400xf32, #tpu.memory_space<vmem>>, vector<16xf32>,
      tpu.vector_store %arg15[%swap3A_618], %mul3A_615 {strides = array<i32>} : memref<6400xf32, #tpu.memory_space<vmem>>, vector<16xf32>,
      %mul3A_620 = arith.constant 16 : i32
      %mul3A_621 = arith.muli %add3A_598, %mul3A_620 : i32
      %get3A_622 = arith.index_cast %mul3A_621 : i32 to index
      %get3A_623 = tpu.vector_load %arg10[%get3A_622] {strides = array<i32>} : memref<6400xf32, #tpu.memory_space<vmem>>, vector<16xf32>,
      %mul3A_624 = arith.mulf %gather3A_610, %get3A_623 : vector<16xf32>
      %mul3A_625 = arith.constant 16 : i32
      %mul3A_626 = arith.muli %add3A_598, %mul3A_625 : i32
      %swap3A_627 = arith.index_cast %mul3A_626 : i32 to index
      %swap3A_628 = tpu.vector_load %arg17[%swap3A_627] {strides = array<i32>} : memref<6400xf32, #tpu.memory_space<vmem>>, vector<16xf32>,
      tpu.vector_store %arg17[%swap3A_627], %mul3A_624 {strides = array<i32>} : memref<6400xf32, #tpu.memory_space<vmem>>, vector<16xf32>,
    }
    %scan3A_27 = arith.constant 100 : i32
    %add3A_28 = arith.constant 0 : i32
    %add3A_29 = arith.addi %mul3A_2, %add3A_28 : i32
    %multiple_of3A_30 = tpu.assume_multiple %add3A_29, 64 : i32
    %dma_start3A_31 = tpu.memref_slice %arg6[%multiple_of3A_30] : memref<3276800xf32, #tpu.memory_space<hbm>> -> memref<6400xf32, #tpu.memory_space<hbm>>
    %dma_start3A_32 = tpu.memref_slice %arg6[%multiple_of3A_30] : memref<3276800xf32, #tpu.memory_space<hbm>> -> memref<6400xf32, #tpu.memory_space<hbm>>
    tpu.enqueue_dma source(%arg15 : memref<6400xf32, #tpu.memory_space<vmem>>) target(%dma_start3A_32 : memref<6400xf32, #tpu.memory_space<hbm>>) target_semaphore(%arg21 : memref<!tpu.dma_semaphore, #tpu.memory_space<semaphore_mem>>)
    %dma_start3A_33 = tpu.memref_slice %arg7[%multiple_of3A_30] : memref<3276800xf32, #tpu.memory_space<hbm>> -> memref<6400xf32, #tpu.memory_space<hbm>>
    %dma_start3A_34 = tpu.memref_slice %arg7[%multiple_of3A_30] : memref<3276800xf32, #tpu.memory_space<hbm>> -> memref<6400xf32, #tpu.memory_space<hbm>>
    tpu.enqueue_dma source(%arg17 : memref<6400xf32, #tpu.memory_space<vmem>>) target(%dma_start3A_34 : memref<6400xf32, #tpu.memory_space<hbm>>) target_semaphore(%arg21 : memref<!tpu.dma_semaphore, #tpu.memory_space<semaphore_mem>>)
    %add3A_35 = arith.constant 12800 : i32
    %add3A_36 = arith.addi %mul3A_2, %add3A_35 : i32
    %multiple_of3A_37 = tpu.assume_multiple %add3A_36, 64 : i32
    %dma_start3A_38 = tpu.memref_slice %arg2[%multiple_of3A_37] : memref<3276800xf32, #tpu.memory_space<hbm>> -> memref<6400xf32, #tpu.memory_space<hbm>>
    %dma_start3A_39 = tpu.memref_slice %arg2[%multiple_of3A_37] : memref<3276800xf32, #tpu.memory_space<hbm>> -> memref<6400xf32, #tpu.memory_space<hbm>>
    tpu.enqueue_dma source(%dma_start3A_39 : memref<6400xf32, #tpu.memory_space<hbm>>) target(%arg8 : memref<6400xf32, #tpu.memory_space<vmem>>) target_semaphore(%arg19 : memref<!tpu.dma_semaphore, #tpu.memory_space<semaphore_mem>>)
    %dma_start3A_40 = tpu.memref_slice %arg3[%multiple_of3A_37] : memref<3276800xf32, #tpu.memory_space<hbm>> -> memref<6400xf32, #tpu.memory_space<hbm>>
    %dma_start3A_41 = tpu.memref_slice %arg3[%multiple_of3A_37] : memref<3276800xf32, #tpu.memory_space<hbm>> -> memref<6400xf32, #tpu.memory_space<hbm>>
    tpu.enqueue_dma source(%dma_start3A_41 : memref<6400xf32, #tpu.memory_space<hbm>>) target(%arg10 : memref<6400xf32, #tpu.memory_space<vmem>>) target_semaphore(%arg19 : memref<!tpu.dma_semaphore, #tpu.memory_space<semaphore_mem>>)
    %dma_start3A_42 = tpu.memref_slice %arg4[%multiple_of3A_37] : memref<3276800xi32, #tpu.memory_space<hbm>> -> memref<6400xi32, #tpu.memory_space<hbm>>
    %dma_start3A_43 = tpu.memref_slice %arg4[%multiple_of3A_37] : memref<3276800xi32, #tpu.memory_space<hbm>> -> memref<6400xi32, #tpu.memory_space<hbm>>
    tpu.enqueue_dma source(%dma_start3A_43 : memref<6400xi32, #tpu.memory_space<hbm>>) target(%arg12 : memref<6400xi32, #tpu.memory_space<vmem>>) target_semaphore(%arg19 : memref<!tpu.dma_semaphore, #tpu.memory_space<semaphore_mem>>)
    %dma_wait3A_44 = tpu.memref_slice %arg2[%multiple_of3A_12] : memref<3276800xf32, #tpu.memory_space<hbm>> -> memref<6400xf32, #tpu.memory_space<hbm>>
    %dma_wait3A_45 = tpu.memref_slice %arg2[%multiple_of3A_12] : memref<3276800xf32, #tpu.memory_space<hbm>> -> memref<6400xf32, #tpu.memory_space<hbm>>
    tpu.wait_dma2 semaphore(%arg20 : memref<!tpu.dma_semaphore, #tpu.memory_space<semaphore_mem>>) src(%dma_wait3A_45 : memref<6400xf32, #tpu.memory_space<hbm>>) dst(%arg9 : memref<6400xf32, #tpu.memory_space<vmem>>)
    %dma_wait3A_46 = tpu.memref_slice %arg3[%multiple_of3A_12] : memref<3276800xf32, #tpu.memory_space<hbm>> -> memref<6400xf32, #tpu.memory_space<hbm>>
    %dma_wait3A_47 = tpu.memref_slice %arg3[%multiple_of3A_12] : memref<3276800xf32, #tpu.memory_space<hbm>> -> memref<6400xf32, #tpu.memory_space<hbm>>
    tpu.wait_dma2 semaphore(%arg20 : memref<!tpu.dma_semaphore, #tpu.memory_space<semaphore_mem>>) src(%dma_wait3A_47 : memref<6400xf32, #tpu.memory_space<hbm>>) dst(%arg11 : memref<6400xf32, #tpu.memory_space<vmem>>)
    %dma_wait3A_48 = tpu.memref_slice %arg4[%multiple_of3A_12] : memref<3276800xi32, #tpu.memory_space<hbm>> -> memref<6400xi32, #tpu.memory_space<hbm>>
    %dma_wait3A_49 = tpu.memref_slice %arg4[%multiple_of3A_12] : memref<3276800xi32, #tpu.memory_space<hbm>> -> memref<6400xi32, #tpu.memory_space<hbm>>
    tpu.wait_dma2 semaphore(%arg20 : memref<!tpu.dma_semaphore, #tpu.memory_space<semaphore_mem>>) src(%dma_wait3A_49 : memref<6400xi32, #tpu.memory_space<hbm>>) dst(%arg13 : memref<6400xi32, #tpu.memory_space<vmem>>)
    %scan3A_50 = arith.constant 0 : i32
    %scan3A_51 = arith.constant 100 : i32
    %scan3A_52 = arith.addi %scan3A_50, %scan3A_51 : i32
    %scan3A_53 = arith.constant 1 : i32
    scf.for %scan3A_495 = %scan3A_50 to %scan3A_52 step %scan3A_53  : i32 {
      %mul3A_496 = arith.constant 4 : i32
      %mul3A_497 = arith.muli %scan3A_495, %mul3A_496 : i32
      %add3A_498 = arith.constant 0 : i32
      %add3A_499 = arith.addi %mul3A_497, %add3A_498 : i32
      %mul3A_500 = arith.constant 16 : i32
      %mul3A_501 = arith.muli %add3A_499, %mul3A_500 : i32
      %get3A = arith.index_cast %mul3A_501 : i32 to index
      %get3A_502 = tpu.vector_load %arg13[%get3A] {strides = array<i32>} : memref<6400xi32, #tpu.memory_space<vmem>>, vector<16xi32>,
      %mul3A_503 = arith.constant 2 : i32
      %mul3A_504 = vector.broadcast %mul3A_503 : i32 to vector<16xi32>
      %mul3A_505 = arith.muli %get3A_502, %mul3A_504 : vector<16xi32>
      %gather3A = tpu.vector_load_idx %arg14[%mul3A_505] : memref<136xf32, #tpu.memory_space<vmem>>[vector<16xi32>], vector<16xf32>,
      %add3A_506 = arith.constant 1 : i32
      %add3A_507 = vector.broadcast %add3A_506 : i32 to vector<16xi32>
      %add3A_508 = arith.addi %mul3A_505, %add3A_507 : vector<16xi32>
      %gather3A_509 = tpu.vector_load_idx %arg14[%add3A_508] : memref<136xf32, #tpu.memory_space<vmem>>[vector<16xi32>], vector<16xf32>,
      %mul3A_510 = arith.constant 16 : i32
      %mul3A_511 = arith.muli %add3A_499, %mul3A_510 : i32
      %get3A_512 = arith.index_cast %mul3A_511 : i32 to index
      %get3A_513 = tpu.vector_load %arg9[%get3A_512] {strides = array<i32>} : memref<6400xf32, #tpu.memory_space<vmem>>, vector<16xf32>,
      %mul3A_514 = arith.mulf %gather3A, %get3A_513 : vector<16xf32>
      %mul3A_515 = arith.constant 16 : i32
      %mul3A_516 = arith.muli %add3A_499, %mul3A_515 : i32
      %swap3A = arith.index_cast %mul3A_516 : i32 to index
      %swap3A_517 = tpu.vector_load %arg16[%swap3A] {strides = array<i32>} : memref<6400xf32, #tpu.memory_space<vmem>>, vector<16xf32>,
      tpu.vector_store %arg16[%swap3A], %mul3A_514 {strides = array<i32>} : memref<6400xf32, #tpu.memory_space<vmem>>, vector<16xf32>,
      %mul3A_518 = arith.constant 16 : i32
      %mul3A_519 = arith.muli %add3A_499, %mul3A_518 : i32
      %get3A_520 = arith.index_cast %mul3A_519 : i32 to index
      %get3A_521 = tpu.vector_load %arg11[%get3A_520] {strides = array<i32>} : memref<6400xf32, #tpu.memory_space<vmem>>, vector<16xf32>,
      %mul3A_522 = arith.mulf %gather3A_509, %get3A_521 : vector<16xf32>
      %mul3A_523 = arith.constant 16 : i32
      %mul3A_524 = arith.muli %add3A_499, %mul3A_523 : i32
      %swap3A_525 = arith.index_cast %mul3A_524 : i32 to index
      %swap3A_526 = tpu.vector_load %arg18[%swap3A_525] {strides = array<i32>} : memref<6400xf32, #tpu.memory_space<vmem>>, vector<16xf32>,
      tpu.vector_store %arg18[%swap3A_525], %mul3A_522 {strides = array<i32>} : memref<6400xf32, #tpu.memory_space<vmem>>, vector<16xf32>,
      %mul3A_527 = arith.constant 4 : i32
      %mul3A_528 = arith.muli %scan3A_495, %mul3A_527 : i32
      %add3A_529 = arith.constant 1 : i32
      %add3A_530 = arith.addi %mul3A_528, %add3A_529 : i32
      %mul3A_531 = arith.constant 16 : i32
      %mul3A_532 = arith.muli %add3A_530, %mul3A_531 : i32
      %get3A_533 = arith.index_cast %mul3A_532 : i32 to index
      %get3A_534 = tpu.vector_load %arg13[%get3A_533] {strides = array<i32>} : memref<6400xi32, #tpu.memory_space<vmem>>, vector<16xi32>,
      %mul3A_535 = arith.constant 2 : i32
      %mul3A_536 = vector.broadcast %mul3A_535 : i32 to vector<16xi32>
      %mul3A_537 = arith.muli %get3A_534, %mul3A_536 : vector<16xi32>
      %gather3A_538 = tpu.vector_load_idx %arg14[%mul3A_537] : memref<136xf32, #tpu.memory_space<vmem>>[vector<16xi32>], vector<16xf32>,
      %add3A_539 = arith.constant 1 : i32
      %add3A_540 = vector.broadcast %add3A_539 : i32 to vector<16xi32>
      %add3A_541 = arith.addi %mul3A_537, %add3A_540 : vector<16xi32>
      %gather3A_542 = tpu.vector_load_idx %arg14[%add3A_541] : memref<136xf32, #tpu.memory_space<vmem>>[vector<16xi32>], vector<16xf32>,
      %mul3A_543 = arith.constant 16 : i32
      %mul3A_544 = arith.muli %add3A_530, %mul3A_543 : i32
      %get3A_545 = arith.index_cast %mul3A_544 : i32 to index
      %get3A_546 = tpu.vector_load %arg9[%get3A_545] {strides = array<i32>} : memref<6400xf32, #tpu.memory_space<vmem>>, vector<16xf32>,
      %mul3A_547 = arith.mulf %gather3A_538, %get3A_546 : vector<16xf32>
      %mul3A_548 = arith.constant 16 : i32
      %mul3A_549 = arith.muli %add3A_530, %mul3A_548 : i32
      %swap3A_550 = arith.index_cast %mul3A_549 : i32 to index
      %swap3A_551 = tpu.vector_load %arg16[%swap3A_550] {strides = array<i32>} : memref<6400xf32, #tpu.memory_space<vmem>>, vector<16xf32>,
      tpu.vector_store %arg16[%swap3A_550], %mul3A_547 {strides = array<i32>} : memref<6400xf32, #tpu.memory_space<vmem>>, vector<16xf32>,
      %mul3A_552 = arith.constant 16 : i32
      %mul3A_553 = arith.muli %add3A_530, %mul3A_552 : i32
      %get3A_554 = arith.index_cast %mul3A_553 : i32 to index
      %get3A_555 = tpu.vector_load %arg11[%get3A_554] {strides = array<i32>} : memref<6400xf32, #tpu.memory_space<vmem>>, vector<16xf32>,
      %mul3A_556 = arith.mulf %gather3A_542, %get3A_555 : vector<16xf32>
      %mul3A_557 = arith.constant 16 : i32
      %mul3A_558 = arith.muli %add3A_530, %mul3A_557 : i32
      %swap3A_559 = arith.index_cast %mul3A_558 : i32 to index
      %swap3A_560 = tpu.vector_load %arg18[%swap3A_559] {strides = array<i32>} : memref<6400xf32, #tpu.memory_space<vmem>>, vector<16xf32>,
      tpu.vector_store %arg18[%swap3A_559], %mul3A_556 {strides = array<i32>} : memref<6400xf32, #tpu.memory_space<vmem>>, vector<16xf32>,
      %mul3A_561 = arith.constant 4 : i32
      %mul3A_562 = arith.muli %scan3A_495, %mul3A_561 : i32
      %add3A_563 = arith.constant 2 : i32
      %add3A_564 = arith.addi %mul3A_562, %add3A_563 : i32
      %mul3A_565 = arith.constant 16 : i32
      %mul3A_566 = arith.muli %add3A_564, %mul3A_565 : i32
      %get3A_567 = arith.index_cast %mul3A_566 : i32 to index
      %get3A_568 = tpu.vector_load %arg13[%get3A_567] {strides = array<i32>} : memref<6400xi32, #tpu.memory_space<vmem>>, vector<16xi32>,
      %mul3A_569 = arith.constant 2 : i32
      %mul3A_570 = vector.broadcast %mul3A_569 : i32 to vector<16xi32>
      %mul3A_571 = arith.muli %get3A_568, %mul3A_570 : vector<16xi32>
      %gather3A_572 = tpu.vector_load_idx %arg14[%mul3A_571] : memref<136xf32, #tpu.memory_space<vmem>>[vector<16xi32>], vector<16xf32>,
      %add3A_573 = arith.constant 1 : i32
      %add3A_574 = vector.broadcast %add3A_573 : i32 to vector<16xi32>
      %add3A_575 = arith.addi %mul3A_571, %add3A_574 : vector<16xi32>
      %gather3A_576 = tpu.vector_load_idx %arg14[%add3A_575] : memref<136xf32, #tpu.memory_space<vmem>>[vector<16xi32>], vector<16xf32>,
      %mul3A_577 = arith.constant 16 : i32
      %mul3A_578 = arith.muli %add3A_564, %mul3A_577 : i32
      %get3A_579 = arith.index_cast %mul3A_578 : i32 to index
      %get3A_580 = tpu.vector_load %arg9[%get3A_579] {strides = array<i32>} : memref<6400xf32, #tpu.memory_space<vmem>>, vector<16xf32>,
      %mul3A_581 = arith.mulf %gather3A_572, %get3A_580 : vector<16xf32>
      %mul3A_582 = arith.constant 16 : i32
      %mul3A_583 = arith.muli %add3A_564, %mul3A_582 : i32
      %swap3A_584 = arith.index_cast %mul3A_583 : i32 to index
      %swap3A_585 = tpu.vector_load %arg16[%swap3A_584] {strides = array<i32>} : memref<6400xf32, #tpu.memory_space<vmem>>, vector<16xf32>,
      tpu.vector_store %arg16[%swap3A_584], %mul3A_581 {strides = array<i32>} : memref<6400xf32, #tpu.memory_space<vmem>>, vector<16xf32>,
      %mul3A_586 = arith.constant 16 : i32
      %mul3A_587 = arith.muli %add3A_564, %mul3A_586 : i32
      %get3A_588 = arith.index_cast %mul3A_587 : i32 to index
      %get3A_589 = tpu.vector_load %arg11[%get3A_588] {strides = array<i32>} : memref<6400xf32, #tpu.memory_space<vmem>>, vector<16xf32>,
      %mul3A_590 = arith.mulf %gather3A_576, %get3A_589 : vector<16xf32>
      %mul3A_591 = arith.constant 16 : i32
      %mul3A_592 = arith.muli %add3A_564, %mul3A_591 : i32
      %swap3A_593 = arith.index_cast %mul3A_592 : i32 to index
      %swap3A_594 = tpu.vector_load %arg18[%swap3A_593] {strides = array<i32>} : memref<6400xf32, #tpu.memory_space<vmem>>, vector<16xf32>,
      tpu.vector_store %arg18[%swap3A_593], %mul3A_590 {strides = array<i32>} : memref<6400xf32, #tpu.memory_space<vmem>>, vector<16xf32>,
      %mul3A_595 = arith.constant 4 : i32
      %mul3A_596 = arith.muli %scan3A_495, %mul3A_595 : i32
      %add3A_597 = arith.constant 3 : i32
      %add3A_598 = arith.addi %mul3A_596, %add3A_597 : i32
      %mul3A_599 = arith.constant 16 : i32
      %mul3A_600 = arith.muli %add3A_598, %mul3A_599 : i32
      %get3A_601 = arith.index_cast %mul3A_600 : i32 to index
      %get3A_602 = tpu.vector_load %arg13[%get3A_601] {strides = array<i32>} : memref<6400xi32, #tpu.memory_space<vmem>>, vector<16xi32>,
      %mul3A_603 = arith.constant 2 : i32
      %mul3A_604 = vector.broadcast %mul3A_603 : i32 to vector<16xi32>
      %mul3A_605 = arith.muli %get3A_602, %mul3A_604 : vector<16xi32>
      %gather3A_606 = tpu.vector_load_idx %arg14[%mul3A_605] : memref<136xf32, #tpu.memory_space<vmem>>[vector<16xi32>], vector<16xf32>,
      %add3A_607 = arith.constant 1 : i32
      %add3A_608 = vector.broadcast %add3A_607 : i32 to vector<16xi32>
      %add3A_609 = arith.addi %mul3A_605, %add3A_608 : vector<16xi32>
      %gather3A_610 = tpu.vector_load_idx %arg14[%add3A_609] : memref<136xf32, #tpu.memory_space<vmem>>[vector<16xi32>], vector<16xf32>,
      %mul3A_611 = arith.constant 16 : i32
      %mul3A_612 = arith.muli %add3A_598, %mul3A_611 : i32
      %get3A_613 = arith.index_cast %mul3A_612 : i32 to index
      %get3A_614 = tpu.vector_load %arg9[%get3A_613] {strides = array<i32>} : memref<6400xf32, #tpu.memory_space<vmem>>, vector<16xf32>,
      %mul3A_615 = arith.mulf %gather3A_606, %get3A_614 : vector<16xf32>
      %mul3A_616 = arith.constant 16 : i32
      %mul3A_617 = arith.muli %add3A_598, %mul3A_616 : i32
      %swap3A_618 = arith.index_cast %mul3A_617 : i32 to index
      %swap3A_619 = tpu.vector_load %arg16[%swap3A_618] {strides = array<i32>} : memref<6400xf32, #tpu.memory_space<vmem>>, vector<16xf32>,
      tpu.vector_store %arg16[%swap3A_618], %mul3A_615 {strides = array<i32>} : memref<6400xf32, #tpu.memory_space<vmem>>, vector<16xf32>,
      %mul3A_620 = arith.constant 16 : i32
      %mul3A_621 = arith.muli %add3A_598, %mul3A_620 : i32
      %get3A_622 = arith.index_cast %mul3A_621 : i32 to index
      %get3A_623 = tpu.vector_load %arg11[%get3A_622] {strides = array<i32>} : memref<6400xf32, #tpu.memory_space<vmem>>, vector<16xf32>,
      %mul3A_624 = arith.mulf %gather3A_610, %get3A_623 : vector<16xf32>
      %mul3A_625 = arith.constant 16 : i32
      %mul3A_626 = arith.muli %add3A_598, %mul3A_625 : i32
      %swap3A_627 = arith.index_cast %mul3A_626 : i32 to index
      %swap3A_628 = tpu.vector_load %arg18[%swap3A_627] {strides = array<i32>} : memref<6400xf32, #tpu.memory_space<vmem>>, vector<16xf32>,
      tpu.vector_store %arg18[%swap3A_627], %mul3A_624 {strides = array<i32>} : memref<6400xf32, #tpu.memory_space<vmem>>, vector<16xf32>,
    }
    %scan3A_54 = arith.constant 100 : i32
    %add3A_55 = arith.constant 6400 : i32
    %add3A_56 = arith.addi %mul3A_2, %add3A_55 : i32
    %multiple_of3A_57 = tpu.assume_multiple %add3A_56, 64 : i32
    %dma_start3A_58 = tpu.memref_slice %arg6[%multiple_of3A_57] : memref<3276800xf32, #tpu.memory_space<hbm>> -> memref<6400xf32, #tpu.memory_space<hbm>>
    %dma_start3A_59 = tpu.memref_slice %arg6[%multiple_of3A_57] : memref<3276800xf32, #tpu.memory_space<hbm>> -> memref<6400xf32, #tpu.memory_space<hbm>>
    tpu.enqueue_dma source(%arg16 : memref<6400xf32, #tpu.memory_space<vmem>>) target(%dma_start3A_59 : memref<6400xf32, #tpu.memory_space<hbm>>) target_semaphore(%arg22 : memref<!tpu.dma_semaphore, #tpu.memory_space<semaphore_mem>>)
    %dma_start3A_60 = tpu.memref_slice %arg7[%multiple_of3A_57] : memref<3276800xf32, #tpu.memory_space<hbm>> -> memref<6400xf32, #tpu.memory_space<hbm>>
    %dma_start3A_61 = tpu.memref_slice %arg7[%multiple_of3A_57] : memref<3276800xf32, #tpu.memory_space<hbm>> -> memref<6400xf32, #tpu.memory_space<hbm>>
    tpu.enqueue_dma source(%arg18 : memref<6400xf32, #tpu.memory_space<vmem>>) target(%dma_start3A_61 : memref<6400xf32, #tpu.memory_space<hbm>>) target_semaphore(%arg22 : memref<!tpu.dma_semaphore, #tpu.memory_space<semaphore_mem>>)
    %add3A_62 = arith.constant 19200 : i32
    %add3A_63 = arith.addi %mul3A_2, %add3A_62 : i32
    %multiple_of3A_64 = tpu.assume_multiple %add3A_63, 64 : i32
    %dma_start3A_65 = tpu.memref_slice %arg2[%multiple_of3A_64] : memref<3276800xf32, #tpu.memory_space<hbm>> -> memref<6400xf32, #tpu.memory_space<hbm>>
    %dma_start3A_66 = tpu.memref_slice %arg2[%multiple_of3A_64] : memref<3276800xf32, #tpu.memory_space<hbm>> -> memref<6400xf32, #tpu.memory_space<hbm>>
    tpu.enqueue_dma source(%dma_start3A_66 : memref<6400xf32, #tpu.memory_space<hbm>>) target(%arg9 : memref<6400xf32, #tpu.memory_space<vmem>>) target_semaphore(%arg20 : memref<!tpu.dma_semaphore, #tpu.memory_space<semaphore_mem>>)
    %dma_start3A_67 = tpu.memref_slice %arg3[%multiple_of3A_64] : memref<3276800xf32, #tpu.memory_space<hbm>> -> memref<6400xf32, #tpu.memory_space<hbm>>
    %dma_start3A_68 = tpu.memref_slice %arg3[%multiple_of3A_64] : memref<3276800xf32, #tpu.memory_space<hbm>> -> memref<6400xf32, #tpu.memory_space<hbm>>
    tpu.enqueue_dma source(%dma_start3A_68 : memref<6400xf32, #tpu.memory_space<hbm>>) target(%arg11 : memref<6400xf32, #tpu.memory_space<vmem>>) target_semaphore(%arg20 : memref<!tpu.dma_semaphore, #tpu.memory_space<semaphore_mem>>)
    %dma_start3A_69 = tpu.memref_slice %arg4[%multiple_of3A_64] : memref<3276800xi32, #tpu.memory_space<hbm>> -> memref<6400xi32, #tpu.memory_space<hbm>>
    %dma_start3A_70 = tpu.memref_slice %arg4[%multiple_of3A_64] : memref<3276800xi32, #tpu.memory_space<hbm>> -> memref<6400xi32, #tpu.memory_space<hbm>>
    tpu.enqueue_dma source(%dma_start3A_70 : memref<6400xi32, #tpu.memory_space<hbm>>) target(%arg13 : memref<6400xi32, #tpu.memory_space<vmem>>) target_semaphore(%arg20 : memref<!tpu.dma_semaphore, #tpu.memory_space<semaphore_mem>>)
    %dma_wait3A_71 = tpu.memref_slice %arg2[%multiple_of3A_37] : memref<3276800xf32, #tpu.memory_space<hbm>> -> memref<6400xf32, #tpu.memory_space<hbm>>
    %dma_wait3A_72 = tpu.memref_slice %arg2[%multiple_of3A_37] : memref<3276800xf32, #tpu.memory_space<hbm>> -> memref<6400xf32, #tpu.memory_space<hbm>>
    tpu.wait_dma2 semaphore(%arg19 : memref<!tpu.dma_semaphore, #tpu.memory_space<semaphore_mem>>) src(%dma_wait3A_72 : memref<6400xf32, #tpu.memory_space<hbm>>) dst(%arg8 : memref<6400xf32, #tpu.memory_space<vmem>>)
    %dma_wait3A_73 = tpu.memref_slice %arg3[%multiple_of3A_37] : memref<3276800xf32, #tpu.memory_space<hbm>> -> memref<6400xf32, #tpu.memory_space<hbm>>
    %dma_wait3A_74 = tpu.memref_slice %arg3[%multiple_of3A_37] : memref<3276800xf32, #tpu.memory_space<hbm>> -> memref<6400xf32, #tpu.memory_space<hbm>>
    tpu.wait_dma2 semaphore(%arg19 : memref<!tpu.dma_semaphore, #tpu.memory_space<semaphore_mem>>) src(%dma_wait3A_74 : memref<6400xf32, #tpu.memory_space<hbm>>) dst(%arg10 : memref<6400xf32, #tpu.memory_space<vmem>>)
    %dma_wait3A_75 = tpu.memref_slice %arg4[%multiple_of3A_37] : memref<3276800xi32, #tpu.memory_space<hbm>> -> memref<6400xi32, #tpu.memory_space<hbm>>
    %dma_wait3A_76 = tpu.memref_slice %arg4[%multiple_of3A_37] : memref<3276800xi32, #tpu.memory_space<hbm>> -> memref<6400xi32, #tpu.memory_space<hbm>>
    tpu.wait_dma2 semaphore(%arg19 : memref<!tpu.dma_semaphore, #tpu.memory_space<semaphore_mem>>) src(%dma_wait3A_76 : memref<6400xi32, #tpu.memory_space<hbm>>) dst(%arg12 : memref<6400xi32, #tpu.memory_space<vmem>>)
    %dma_wait3A_77 = tpu.memref_slice %arg6[%multiple_of3A_30] : memref<3276800xf32, #tpu.memory_space<hbm>> -> memref<6400xf32, #tpu.memory_space<hbm>>
    %dma_wait3A_78 = tpu.memref_slice %arg6[%multiple_of3A_30] : memref<3276800xf32, #tpu.memory_space<hbm>> -> memref<6400xf32, #tpu.memory_space<hbm>>
    tpu.wait_dma2 semaphore(%arg21 : memref<!tpu.dma_semaphore, #tpu.memory_space<semaphore_mem>>) src(%arg15 : memref<6400xf32, #tpu.memory_space<vmem>>) dst(%dma_wait3A_78 : memref<6400xf32, #tpu.memory_space<hbm>>)
    %dma_wait3A_79 = tpu.memref_slice %arg7[%multiple_of3A_30] : memref<3276800xf32, #tpu.memory_space<hbm>> -> memref<6400xf32, #tpu.memory_space<hbm>>
    %dma_wait3A_80 = tpu.memref_slice %arg7[%multiple_of3A_30] : memref<3276800xf32, #tpu.memory_space<hbm>> -> memref<6400xf32, #tpu.memory_space<hbm>>
    tpu.wait_dma2 semaphore(%arg21 : memref<!tpu.dma_semaphore, #tpu.memory_space<semaphore_mem>>) src(%arg17 : memref<6400xf32, #tpu.memory_space<vmem>>) dst(%dma_wait3A_80 : memref<6400xf32, #tpu.memory_space<hbm>>)
    %scan3A_81 = arith.constant 0 : i32
    %scan3A_82 = arith.constant 100 : i32
    %scan3A_83 = arith.addi %scan3A_81, %scan3A_82 : i32
    %scan3A_84 = arith.constant 1 : i32
    scf.for %scan3A_495 = %scan3A_81 to %scan3A_83 step %scan3A_84  : i32 {
      %mul3A_496 = arith.constant 4 : i32
      %mul3A_497 = arith.muli %scan3A_495, %mul3A_496 : i32
      %add3A_498 = arith.constant 0 : i32
      %add3A_499 = arith.addi %mul3A_497, %add3A_498 : i32
      %mul3A_500 = arith.constant 16 : i32
      %mul3A_501 = arith.muli %add3A_499, %mul3A_500 : i32
      %get3A = arith.index_cast %mul3A_501 : i32 to index
      %get3A_502 = tpu.vector_load %arg12[%get3A] {strides = array<i32>} : memref<6400xi32, #tpu.memory_space<vmem>>, vector<16xi32>,
      %mul3A_503 = arith.constant 2 : i32
      %mul3A_504 = vector.broadcast %mul3A_503 : i32 to vector<16xi32>
      %mul3A_505 = arith.muli %get3A_502, %mul3A_504 : vector<16xi32>
      %gather3A = tpu.vector_load_idx %arg14[%mul3A_505] : memref<136xf32, #tpu.memory_space<vmem>>[vector<16xi32>], vector<16xf32>,
      %add3A_506 = arith.constant 1 : i32
      %add3A_507 = vector.broadcast %add3A_506 : i32 to vector<16xi32>
      %add3A_508 = arith.addi %mul3A_505, %add3A_507 : vector<16xi32>
      %gather3A_509 = tpu.vector_load_idx %arg14[%add3A_508] : memref<136xf32, #tpu.memory_space<vmem>>[vector<16xi32>], vector<16xf32>,
      %mul3A_510 = arith.constant 16 : i32
      %mul3A_511 = arith.muli %add3A_499, %mul3A_510 : i32
      %get3A_512 = arith.index_cast %mul3A_511 : i32 to index
      %get3A_513 = tpu.vector_load %arg8[%get3A_512] {strides = array<i32>} : memref<6400xf32, #tpu.memory_space<vmem>>, vector<16xf32>,
      %mul3A_514 = arith.mulf %gather3A, %get3A_513 : vector<16xf32>
      %mul3A_515 = arith.constant 16 : i32
      %mul3A_516 = arith.muli %add3A_499, %mul3A_515 : i32
      %swap3A = arith.index_cast %mul3A_516 : i32 to index
      %swap3A_517 = tpu.vector_load %arg15[%swap3A] {strides = array<i32>} : memref<6400xf32, #tpu.memory_space<vmem>>, vector<16xf32>,
      tpu.vector_store %arg15[%swap3A], %mul3A_514 {strides = array<i32>} : memref<6400xf32, #tpu.memory_space<vmem>>, vector<16xf32>,
      %mul3A_518 = arith.constant 16 : i32
      %mul3A_519 = arith.muli %add3A_499, %mul3A_518 : i32
      %get3A_520 = arith.index_cast %mul3A_519 : i32 to index
      %get3A_521 = tpu.vector_load %arg10[%get3A_520] {strides = array<i32>} : memref<6400xf32, #tpu.memory_space<vmem>>, vector<16xf32>,
      %mul3A_522 = arith.mulf %gather3A_509, %get3A_521 : vector<16xf32>
      %mul3A_523 = arith.constant 16 : i32
      %mul3A_524 = arith.muli %add3A_499, %mul3A_523 : i32
      %swap3A_525 = arith.index_cast %mul3A_524 : i32 to index
      %swap3A_526 = tpu.vector_load %arg17[%swap3A_525] {strides = array<i32>} : memref<6400xf32, #tpu.memory_space<vmem>>, vector<16xf32>,
      tpu.vector_store %arg17[%swap3A_525], %mul3A_522 {strides = array<i32>} : memref<6400xf32, #tpu.memory_space<vmem>>, vector<16xf32>,
      %mul3A_527 = arith.constant 4 : i32
      %mul3A_528 = arith.muli %scan3A_495, %mul3A_527 : i32
      %add3A_529 = arith.constant 1 : i32
      %add3A_530 = arith.addi %mul3A_528, %add3A_529 : i32
      %mul3A_531 = arith.constant 16 : i32
      %mul3A_532 = arith.muli %add3A_530, %mul3A_531 : i32
      %get3A_533 = arith.index_cast %mul3A_532 : i32 to index
      %get3A_534 = tpu.vector_load %arg12[%get3A_533] {strides = array<i32>} : memref<6400xi32, #tpu.memory_space<vmem>>, vector<16xi32>,
      %mul3A_535 = arith.constant 2 : i32
      %mul3A_536 = vector.broadcast %mul3A_535 : i32 to vector<16xi32>
      %mul3A_537 = arith.muli %get3A_534, %mul3A_536 : vector<16xi32>
      %gather3A_538 = tpu.vector_load_idx %arg14[%mul3A_537] : memref<136xf32, #tpu.memory_space<vmem>>[vector<16xi32>], vector<16xf32>,
      %add3A_539 = arith.constant 1 : i32
      %add3A_540 = vector.broadcast %add3A_539 : i32 to vector<16xi32>
      %add3A_541 = arith.addi %mul3A_537, %add3A_540 : vector<16xi32>
      %gather3A_542 = tpu.vector_load_idx %arg14[%add3A_541] : memref<136xf32, #tpu.memory_space<vmem>>[vector<16xi32>], vector<16xf32>,
      %mul3A_543 = arith.constant 16 : i32
      %mul3A_544 = arith.muli %add3A_530, %mul3A_543 : i32
      %get3A_545 = arith.index_cast %mul3A_544 : i32 to index
      %get3A_546 = tpu.vector_load %arg8[%get3A_545] {strides = array<i32>} : memref<6400xf32, #tpu.memory_space<vmem>>, vector<16xf32>,
      %mul3A_547 = arith.mulf %gather3A_538, %get3A_546 : vector<16xf32>
      %mul3A_548 = arith.constant 16 : i32
      %mul3A_549 = arith.muli %add3A_530, %mul3A_548 : i32
      %swap3A_550 = arith.index_cast %mul3A_549 : i32 to index
      %swap3A_551 = tpu.vector_load %arg15[%swap3A_550] {strides = array<i32>} : memref<6400xf32, #tpu.memory_space<vmem>>, vector<16xf32>,
      tpu.vector_store %arg15[%swap3A_550], %mul3A_547 {strides = array<i32>} : memref<6400xf32, #tpu.memory_space<vmem>>, vector<16xf32>,
      %mul3A_552 = arith.constant 16 : i32
      %mul3A_553 = arith.muli %add3A_530, %mul3A_552 : i32
      %get3A_554 = arith.index_cast %mul3A_553 : i32 to index
      %get3A_555 = tpu.vector_load %arg10[%get3A_554] {strides = array<i32>} : memref<6400xf32, #tpu.memory_space<vmem>>, vector<16xf32>,
      %mul3A_556 = arith.mulf %gather3A_542, %get3A_555 : vector<16xf32>
      %mul3A_557 = arith.constant 16 : i32
      %mul3A_558 = arith.muli %add3A_530, %mul3A_557 : i32
      %swap3A_559 = arith.index_cast %mul3A_558 : i32 to index
      %swap3A_560 = tpu.vector_load %arg17[%swap3A_559] {strides = array<i32>} : memref<6400xf32, #tpu.memory_space<vmem>>, vector<16xf32>,
      tpu.vector_store %arg17[%swap3A_559], %mul3A_556 {strides = array<i32>} : memref<6400xf32, #tpu.memory_space<vmem>>, vector<16xf32>,
      %mul3A_561 = arith.constant 4 : i32
      %mul3A_562 = arith.muli %scan3A_495, %mul3A_561 : i32
      %add3A_563 = arith.constant 2 : i32
      %add3A_564 = arith.addi %mul3A_562, %add3A_563 : i32
      %mul3A_565 = arith.constant 16 : i32
      %mul3A_566 = arith.muli %add3A_564, %mul3A_565 : i32
      %get3A_567 = arith.index_cast %mul3A_566 : i32 to index
      %get3A_568 = tpu.vector_load %arg12[%get3A_567] {strides = array<i32>} : memref<6400xi32, #tpu.memory_space<vmem>>, vector<16xi32>,
      %mul3A_569 = arith.constant 2 : i32
      %mul3A_570 = vector.broadcast %mul3A_569 : i32 to vector<16xi32>
      %mul3A_571 = arith.muli %get3A_568, %mul3A_570 : vector<16xi32>
      %gather3A_572 = tpu.vector_load_idx %arg14[%mul3A_571] : memref<136xf32, #tpu.memory_space<vmem>>[vector<16xi32>], vector<16xf32>,
      %add3A_573 = arith.constant 1 : i32
      %add3A_574 = vector.broadcast %add3A_573 : i32 to vector<16xi32>
      %add3A_575 = arith.addi %mul3A_571, %add3A_574 : vector<16xi32>
      %gather3A_576 = tpu.vector_load_idx %arg14[%add3A_575] : memref<136xf32, #tpu.memory_space<vmem>>[vector<16xi32>], vector<16xf32>,
      %mul3A_577 = arith.constant 16 : i32
      %mul3A_578 = arith.muli %add3A_564, %mul3A_577 : i32
      %get3A_579 = arith.index_cast %mul3A_578 : i32 to index
      %get3A_580 = tpu.vector_load %arg8[%get3A_579] {strides = array<i32>} : memref<6400xf32, #tpu.memory_space<vmem>>, vector<16xf32>,
      %mul3A_581 = arith.mulf %gather3A_572, %get3A_580 : vector<16xf32>
      %mul3A_582 = arith.constant 16 : i32
      %mul3A_583 = arith.muli %add3A_564, %mul3A_582 : i32
      %swap3A_584 = arith.index_cast %mul3A_583 : i32 to index
      %swap3A_585 = tpu.vector_load %arg15[%swap3A_584] {strides = array<i32>} : memref<6400xf32, #tpu.memory_space<vmem>>, vector<16xf32>,
      tpu.vector_store %arg15[%swap3A_584], %mul3A_581 {strides = array<i32>} : memref<6400xf32, #tpu.memory_space<vmem>>, vector<16xf32>,
      %mul3A_586 = arith.constant 16 : i32
      %mul3A_587 = arith.muli %add3A_564, %mul3A_586 : i32
      %get3A_588 = arith.index_cast %mul3A_587 : i32 to index
      %get3A_589 = tpu.vector_load %arg10[%get3A_588] {strides = array<i32>} : memref<6400xf32, #tpu.memory_space<vmem>>, vector<16xf32>,
      %mul3A_590 = arith.mulf %gather3A_576, %get3A_589 : vector<16xf32>
      %mul3A_591 = arith.constant 16 : i32
      %mul3A_592 = arith.muli %add3A_564, %mul3A_591 : i32
      %swap3A_593 = arith.index_cast %mul3A_592 : i32 to index
      %swap3A_594 = tpu.vector_load %arg17[%swap3A_593] {strides = array<i32>} : memref<6400xf32, #tpu.memory_space<vmem>>, vector<16xf32>,
      tpu.vector_store %arg17[%swap3A_593], %mul3A_590 {strides = array<i32>} : memref<6400xf32, #tpu.memory_space<vmem>>, vector<16xf32>,
      %mul3A_595 = arith.constant 4 : i32
      %mul3A_596 = arith.muli %scan3A_495, %mul3A_595 : i32
      %add3A_597 = arith.constant 3 : i32
      %add3A_598 = arith.addi %mul3A_596, %add3A_597 : i32
      %mul3A_599 = arith.constant 16 : i32
      %mul3A_600 = arith.muli %add3A_598, %mul3A_599 : i32
      %get3A_601 = arith.index_cast %mul3A_600 : i32 to index
      %get3A_602 = tpu.vector_load %arg12[%get3A_601] {strides = array<i32>} : memref<6400xi32, #tpu.memory_space<vmem>>, vector<16xi32>,
      %mul3A_603 = arith.constant 2 : i32
      %mul3A_604 = vector.broadcast %mul3A_603 : i32 to vector<16xi32>
      %mul3A_605 = arith.muli %get3A_602, %mul3A_604 : vector<16xi32>
      %gather3A_606 = tpu.vector_load_idx %arg14[%mul3A_605] : memref<136xf32, #tpu.memory_space<vmem>>[vector<16xi32>], vector<16xf32>,
      %add3A_607 = arith.constant 1 : i32
      %add3A_608 = vector.broadcast %add3A_607 : i32 to vector<16xi32>
      %add3A_609 = arith.addi %mul3A_605, %add3A_608 : vector<16xi32>
      %gather3A_610 = tpu.vector_load_idx %arg14[%add3A_609] : memref<136xf32, #tpu.memory_space<vmem>>[vector<16xi32>], vector<16xf32>,
      %mul3A_611 = arith.constant 16 : i32
      %mul3A_612 = arith.muli %add3A_598, %mul3A_611 : i32
      %get3A_613 = arith.index_cast %mul3A_612 : i32 to index
      %get3A_614 = tpu.vector_load %arg8[%get3A_613] {strides = array<i32>} : memref<6400xf32, #tpu.memory_space<vmem>>, vector<16xf32>,
      %mul3A_615 = arith.mulf %gather3A_606, %get3A_614 : vector<16xf32>
      %mul3A_616 = arith.constant 16 : i32
      %mul3A_617 = arith.muli %add3A_598, %mul3A_616 : i32
      %swap3A_618 = arith.index_cast %mul3A_617 : i32 to index
      %swap3A_619 = tpu.vector_load %arg15[%swap3A_618] {strides = array<i32>} : memref<6400xf32, #tpu.memory_space<vmem>>, vector<16xf32>,
      tpu.vector_store %arg15[%swap3A_618], %mul3A_615 {strides = array<i32>} : memref<6400xf32, #tpu.memory_space<vmem>>, vector<16xf32>,
      %mul3A_620 = arith.constant 16 : i32
      %mul3A_621 = arith.muli %add3A_598, %mul3A_620 : i32
      %get3A_622 = arith.index_cast %mul3A_621 : i32 to index
      %get3A_623 = tpu.vector_load %arg10[%get3A_622] {strides = array<i32>} : memref<6400xf32, #tpu.memory_space<vmem>>, vector<16xf32>,
      %mul3A_624 = arith.mulf %gather3A_610, %get3A_623 : vector<16xf32>
      %mul3A_625 = arith.constant 16 : i32
      %mul3A_626 = arith.muli %add3A_598, %mul3A_625 : i32
      %swap3A_627 = arith.index_cast %mul3A_626 : i32 to index
      %swap3A_628 = tpu.vector_load %arg17[%swap3A_627] {strides = array<i32>} : memref<6400xf32, #tpu.memory_space<vmem>>, vector<16xf32>,
      tpu.vector_store %arg17[%swap3A_627], %mul3A_624 {strides = array<i32>} : memref<6400xf32, #tpu.memory_space<vmem>>, vector<16xf32>,
    }
    %scan3A_85 = arith.constant 100 : i32
    %add3A_86 = arith.constant 12800 : i32
    %add3A_87 = arith.addi %mul3A_2, %add3A_86 : i32
    %multiple_of3A_88 = tpu.assume_multiple %add3A_87, 64 : i32
    %dma_start3A_89 = tpu.memref_slice %arg6[%multiple_of3A_88] : memref<3276800xf32, #tpu.memory_space<hbm>> -> memref<6400xf32, #tpu.memory_space<hbm>>
    %dma_start3A_90 = tpu.memref_slice %arg6[%multiple_of3A_88] : memref<3276800xf32, #tpu.memory_space<hbm>> -> memref<6400xf32, #tpu.memory_space<hbm>>
    tpu.enqueue_dma source(%arg15 : memref<6400xf32, #tpu.memory_space<vmem>>) target(%dma_start3A_90 : memref<6400xf32, #tpu.memory_space<hbm>>) target_semaphore(%arg21 : memref<!tpu.dma_semaphore, #tpu.memory_space<semaphore_mem>>)
    %dma_start3A_91 = tpu.memref_slice %arg7[%multiple_of3A_88] : memref<3276800xf32, #tpu.memory_space<hbm>> -> memref<6400xf32, #tpu.memory_space<hbm>>
    %dma_start3A_92 = tpu.memref_slice %arg7[%multiple_of3A_88] : memref<3276800xf32, #tpu.memory_space<hbm>> -> memref<6400xf32, #tpu.memory_space<hbm>>
    tpu.enqueue_dma source(%arg17 : memref<6400xf32, #tpu.memory_space<vmem>>) target(%dma_start3A_92 : memref<6400xf32, #tpu.memory_space<hbm>>) target_semaphore(%arg21 : memref<!tpu.dma_semaphore, #tpu.memory_space<semaphore_mem>>)
    %add3A_93 = arith.constant 25600 : i32
    %add3A_94 = arith.addi %mul3A_2, %add3A_93 : i32
    %multiple_of3A_95 = tpu.assume_multiple %add3A_94, 64 : i32
    %dma_start3A_96 = tpu.memref_slice %arg2[%multiple_of3A_95] : memref<3276800xf32, #tpu.memory_space<hbm>> -> memref<6400xf32, #tpu.memory_space<hbm>>
    %dma_start3A_97 = tpu.memref_slice %arg2[%multiple_of3A_95] : memref<3276800xf32, #tpu.memory_space<hbm>> -> memref<6400xf32, #tpu.memory_space<hbm>>
    tpu.enqueue_dma source(%dma_start3A_97 : memref<6400xf32, #tpu.memory_space<hbm>>) target(%arg8 : memref<6400xf32, #tpu.memory_space<vmem>>) target_semaphore(%arg19 : memref<!tpu.dma_semaphore, #tpu.memory_space<semaphore_mem>>)
    %dma_start3A_98 = tpu.memref_slice %arg3[%multiple_of3A_95] : memref<3276800xf32, #tpu.memory_space<hbm>> -> memref<6400xf32, #tpu.memory_space<hbm>>
    %dma_start3A_99 = tpu.memref_slice %arg3[%multiple_of3A_95] : memref<3276800xf32, #tpu.memory_space<hbm>> -> memref<6400xf32, #tpu.memory_space<hbm>>
    tpu.enqueue_dma source(%dma_start3A_99 : memref<6400xf32, #tpu.memory_space<hbm>>) target(%arg10 : memref<6400xf32, #tpu.memory_space<vmem>>) target_semaphore(%arg19 : memref<!tpu.dma_semaphore, #tpu.memory_space<semaphore_mem>>)
    %dma_start3A_100 = tpu.memref_slice %arg4[%multiple_of3A_95] : memref<3276800xi32, #tpu.memory_space<hbm>> -> memref<6400xi32, #tpu.memory_space<hbm>>
    %dma_start3A_101 = tpu.memref_slice %arg4[%multiple_of3A_95] : memref<3276800xi32, #tpu.memory_space<hbm>> -> memref<6400xi32, #tpu.memory_space<hbm>>
    tpu.enqueue_dma source(%dma_start3A_101 : memref<6400xi32, #tpu.memory_space<hbm>>) target(%arg12 : memref<6400xi32, #tpu.memory_space<vmem>>) target_semaphore(%arg19 : memref<!tpu.dma_semaphore, #tpu.memory_space<semaphore_mem>>)
    %dma_wait3A_102 = tpu.memref_slice %arg2[%multiple_of3A_64] : memref<3276800xf32, #tpu.memory_space<hbm>> -> memref<6400xf32, #tpu.memory_space<hbm>>
    %dma_wait3A_103 = tpu.memref_slice %arg2[%multiple_of3A_64] : memref<3276800xf32, #tpu.memory_space<hbm>> -> memref<6400xf32, #tpu.memory_space<hbm>>
    tpu.wait_dma2 semaphore(%arg20 : memref<!tpu.dma_semaphore, #tpu.memory_space<semaphore_mem>>) src(%dma_wait3A_103 : memref<6400xf32, #tpu.memory_space<hbm>>) dst(%arg9 : memref<6400xf32, #tpu.memory_space<vmem>>)
    %dma_wait3A_104 = tpu.memref_slice %arg3[%multiple_of3A_64] : memref<3276800xf32, #tpu.memory_space<hbm>> -> memref<6400xf32, #tpu.memory_space<hbm>>
    %dma_wait3A_105 = tpu.memref_slice %arg3[%multiple_of3A_64] : memref<3276800xf32, #tpu.memory_space<hbm>> -> memref<6400xf32, #tpu.memory_space<hbm>>
    tpu.wait_dma2 semaphore(%arg20 : memref<!tpu.dma_semaphore, #tpu.memory_space<semaphore_mem>>) src(%dma_wait3A_105 : memref<6400xf32, #tpu.memory_space<hbm>>) dst(%arg11 : memref<6400xf32, #tpu.memory_space<vmem>>)
    %dma_wait3A_106 = tpu.memref_slice %arg4[%multiple_of3A_64] : memref<3276800xi32, #tpu.memory_space<hbm>> -> memref<6400xi32, #tpu.memory_space<hbm>>
    %dma_wait3A_107 = tpu.memref_slice %arg4[%multiple_of3A_64] : memref<3276800xi32, #tpu.memory_space<hbm>> -> memref<6400xi32, #tpu.memory_space<hbm>>
    tpu.wait_dma2 semaphore(%arg20 : memref<!tpu.dma_semaphore, #tpu.memory_space<semaphore_mem>>) src(%dma_wait3A_107 : memref<6400xi32, #tpu.memory_space<hbm>>) dst(%arg13 : memref<6400xi32, #tpu.memory_space<vmem>>)
    %dma_wait3A_108 = tpu.memref_slice %arg6[%multiple_of3A_57] : memref<3276800xf32, #tpu.memory_space<hbm>> -> memref<6400xf32, #tpu.memory_space<hbm>>
    %dma_wait3A_109 = tpu.memref_slice %arg6[%multiple_of3A_57] : memref<3276800xf32, #tpu.memory_space<hbm>> -> memref<6400xf32, #tpu.memory_space<hbm>>
    tpu.wait_dma2 semaphore(%arg22 : memref<!tpu.dma_semaphore, #tpu.memory_space<semaphore_mem>>) src(%arg16 : memref<6400xf32, #tpu.memory_space<vmem>>) dst(%dma_wait3A_109 : memref<6400xf32, #tpu.memory_space<hbm>>)
    %dma_wait3A_110 = tpu.memref_slice %arg7[%multiple_of3A_57] : memref<3276800xf32, #tpu.memory_space<hbm>> -> memref<6400xf32, #tpu.memory_space<hbm>>
    %dma_wait3A_111 = tpu.memref_slice %arg7[%multiple_of3A_57] : memref<3276800xf32, #tpu.memory_space<hbm>> -> memref<6400xf32, #tpu.memory_space<hbm>>
    tpu.wait_dma2 semaphore(%arg22 : memref<!tpu.dma_semaphore, #tpu.memory_space<semaphore_mem>>) src(%arg18 : memref<6400xf32, #tpu.memory_space<vmem>>) dst(%dma_wait3A_111 : memref<6400xf32, #tpu.memory_space<hbm>>)
    %scan3A_112 = arith.constant 0 : i32
    %scan3A_113 = arith.constant 100 : i32
    %scan3A_114 = arith.addi %scan3A_112, %scan3A_113 : i32
    %scan3A_115 = arith.constant 1 : i32
    scf.for %scan3A_495 = %scan3A_112 to %scan3A_114 step %scan3A_115  : i32 {
      %mul3A_496 = arith.constant 4 : i32
      %mul3A_497 = arith.muli %scan3A_495, %mul3A_496 : i32
      %add3A_498 = arith.constant 0 : i32
      %add3A_499 = arith.addi %mul3A_497, %add3A_498 : i32
      %mul3A_500 = arith.constant 16 : i32
      %mul3A_501 = arith.muli %add3A_499, %mul3A_500 : i32
      %get3A = arith.index_cast %mul3A_501 : i32 to index
      %get3A_502 = tpu.vector_load %arg13[%get3A] {strides = array<i32>} : memref<6400xi32, #tpu.memory_space<vmem>>, vector<16xi32>,
      %mul3A_503 = arith.constant 2 : i32
      %mul3A_504 = vector.broadcast %mul3A_503 : i32 to vector<16xi32>
      %mul3A_505 = arith.muli %get3A_502, %mul3A_504 : vector<16xi32>
      %gather3A = tpu.vector_load_idx %arg14[%mul3A_505] : memref<136xf32, #tpu.memory_space<vmem>>[vector<16xi32>], vector<16xf32>,
      %add3A_506 = arith.constant 1 : i32
      %add3A_507 = vector.broadcast %add3A_506 : i32 to vector<16xi32>
      %add3A_508 = arith.addi %mul3A_505, %add3A_507 : vector<16xi32>
      %gather3A_509 = tpu.vector_load_idx %arg14[%add3A_508] : memref<136xf32, #tpu.memory_space<vmem>>[vector<16xi32>], vector<16xf32>,
      %mul3A_510 = arith.constant 16 : i32
      %mul3A_511 = arith.muli %add3A_499, %mul3A_510 : i32
      %get3A_512 = arith.index_cast %mul3A_511 : i32 to index
      %get3A_513 = tpu.vector_load %arg9[%get3A_512] {strides = array<i32>} : memref<6400xf32, #tpu.memory_space<vmem>>, vector<16xf32>,
      %mul3A_514 = arith.mulf %gather3A, %get3A_513 : vector<16xf32>
      %mul3A_515 = arith.constant 16 : i32
      %mul3A_516 = arith.muli %add3A_499, %mul3A_515 : i32
      %swap3A = arith.index_cast %mul3A_516 : i32 to index
      %swap3A_517 = tpu.vector_load %arg16[%swap3A] {strides = array<i32>} : memref<6400xf32, #tpu.memory_space<vmem>>, vector<16xf32>,
      tpu.vector_store %arg16[%swap3A], %mul3A_514 {strides = array<i32>} : memref<6400xf32, #tpu.memory_space<vmem>>, vector<16xf32>,
      %mul3A_518 = arith.constant 16 : i32
      %mul3A_519 = arith.muli %add3A_499, %mul3A_518 : i32
      %get3A_520 = arith.index_cast %mul3A_519 : i32 to index
      %get3A_521 = tpu.vector_load %arg11[%get3A_520] {strides = array<i32>} : memref<6400xf32, #tpu.memory_space<vmem>>, vector<16xf32>,
      %mul3A_522 = arith.mulf %gather3A_509, %get3A_521 : vector<16xf32>
      %mul3A_523 = arith.constant 16 : i32
      %mul3A_524 = arith.muli %add3A_499, %mul3A_523 : i32
      %swap3A_525 = arith.index_cast %mul3A_524 : i32 to index
      %swap3A_526 = tpu.vector_load %arg18[%swap3A_525] {strides = array<i32>} : memref<6400xf32, #tpu.memory_space<vmem>>, vector<16xf32>,
      tpu.vector_store %arg18[%swap3A_525], %mul3A_522 {strides = array<i32>} : memref<6400xf32, #tpu.memory_space<vmem>>, vector<16xf32>,
      %mul3A_527 = arith.constant 4 : i32
      %mul3A_528 = arith.muli %scan3A_495, %mul3A_527 : i32
      %add3A_529 = arith.constant 1 : i32
      %add3A_530 = arith.addi %mul3A_528, %add3A_529 : i32
      %mul3A_531 = arith.constant 16 : i32
      %mul3A_532 = arith.muli %add3A_530, %mul3A_531 : i32
      %get3A_533 = arith.index_cast %mul3A_532 : i32 to index
      %get3A_534 = tpu.vector_load %arg13[%get3A_533] {strides = array<i32>} : memref<6400xi32, #tpu.memory_space<vmem>>, vector<16xi32>,
      %mul3A_535 = arith.constant 2 : i32
      %mul3A_536 = vector.broadcast %mul3A_535 : i32 to vector<16xi32>
      %mul3A_537 = arith.muli %get3A_534, %mul3A_536 : vector<16xi32>
      %gather3A_538 = tpu.vector_load_idx %arg14[%mul3A_537] : memref<136xf32, #tpu.memory_space<vmem>>[vector<16xi32>], vector<16xf32>,
      %add3A_539 = arith.constant 1 : i32
      %add3A_540 = vector.broadcast %add3A_539 : i32 to vector<16xi32>
      %add3A_541 = arith.addi %mul3A_537, %add3A_540 : vector<16xi32>
      %gather3A_542 = tpu.vector_load_idx %arg14[%add3A_541] : memref<136xf32, #tpu.memory_space<vmem>>[vector<16xi32>], vector<16xf32>,
      %mul3A_543 = arith.constant 16 : i32
      %mul3A_544 = arith.muli %add3A_530, %mul3A_543 : i32
      %get3A_545 = arith.index_cast %mul3A_544 : i32 to index
      %get3A_546 = tpu.vector_load %arg9[%get3A_545] {strides = array<i32>} : memref<6400xf32, #tpu.memory_space<vmem>>, vector<16xf32>,
      %mul3A_547 = arith.mulf %gather3A_538, %get3A_546 : vector<16xf32>
      %mul3A_548 = arith.constant 16 : i32
      %mul3A_549 = arith.muli %add3A_530, %mul3A_548 : i32
      %swap3A_550 = arith.index_cast %mul3A_549 : i32 to index
      %swap3A_551 = tpu.vector_load %arg16[%swap3A_550] {strides = array<i32>} : memref<6400xf32, #tpu.memory_space<vmem>>, vector<16xf32>,
      tpu.vector_store %arg16[%swap3A_550], %mul3A_547 {strides = array<i32>} : memref<6400xf32, #tpu.memory_space<vmem>>, vector<16xf32>,
      %mul3A_552 = arith.constant 16 : i32
      %mul3A_553 = arith.muli %add3A_530, %mul3A_552 : i32
      %get3A_554 = arith.index_cast %mul3A_553 : i32 to index
      %get3A_555 = tpu.vector_load %arg11[%get3A_554] {strides = array<i32>} : memref<6400xf32, #tpu.memory_space<vmem>>, vector<16xf32>,
      %mul3A_556 = arith.mulf %gather3A_542, %get3A_555 : vector<16xf32>
      %mul3A_557 = arith.constant 16 : i32
      %mul3A_558 = arith.muli %add3A_530, %mul3A_557 : i32
      %swap3A_559 = arith.index_cast %mul3A_558 : i32 to index
      %swap3A_560 = tpu.vector_load %arg18[%swap3A_559] {strides = array<i32>} : memref<6400xf32, #tpu.memory_space<vmem>>, vector<16xf32>,
      tpu.vector_store %arg18[%swap3A_559], %mul3A_556 {strides = array<i32>} : memref<6400xf32, #tpu.memory_space<vmem>>, vector<16xf32>,
      %mul3A_561 = arith.constant 4 : i32
      %mul3A_562 = arith.muli %scan3A_495, %mul3A_561 : i32
      %add3A_563 = arith.constant 2 : i32
      %add3A_564 = arith.addi %mul3A_562, %add3A_563 : i32
      %mul3A_565 = arith.constant 16 : i32
      %mul3A_566 = arith.muli %add3A_564, %mul3A_565 : i32
      %get3A_567 = arith.index_cast %mul3A_566 : i32 to index
      %get3A_568 = tpu.vector_load %arg13[%get3A_567] {strides = array<i32>} : memref<6400xi32, #tpu.memory_space<vmem>>, vector<16xi32>,
      %mul3A_569 = arith.constant 2 : i32
      %mul3A_570 = vector.broadcast %mul3A_569 : i32 to vector<16xi32>
      %mul3A_571 = arith.muli %get3A_568, %mul3A_570 : vector<16xi32>
      %gather3A_572 = tpu.vector_load_idx %arg14[%mul3A_571] : memref<136xf32, #tpu.memory_space<vmem>>[vector<16xi32>], vector<16xf32>,
      %add3A_573 = arith.constant 1 : i32
      %add3A_574 = vector.broadcast %add3A_573 : i32 to vector<16xi32>
      %add3A_575 = arith.addi %mul3A_571, %add3A_574 : vector<16xi32>
      %gather3A_576 = tpu.vector_load_idx %arg14[%add3A_575] : memref<136xf32, #tpu.memory_space<vmem>>[vector<16xi32>], vector<16xf32>,
      %mul3A_577 = arith.constant 16 : i32
      %mul3A_578 = arith.muli %add3A_564, %mul3A_577 : i32
      %get3A_579 = arith.index_cast %mul3A_578 : i32 to index
      %get3A_580 = tpu.vector_load %arg9[%get3A_579] {strides = array<i32>} : memref<6400xf32, #tpu.memory_space<vmem>>, vector<16xf32>,
      %mul3A_581 = arith.mulf %gather3A_572, %get3A_580 : vector<16xf32>
      %mul3A_582 = arith.constant 16 : i32
      %mul3A_583 = arith.muli %add3A_564, %mul3A_582 : i32
      %swap3A_584 = arith.index_cast %mul3A_583 : i32 to index
      %swap3A_585 = tpu.vector_load %arg16[%swap3A_584] {strides = array<i32>} : memref<6400xf32, #tpu.memory_space<vmem>>, vector<16xf32>,
      tpu.vector_store %arg16[%swap3A_584], %mul3A_581 {strides = array<i32>} : memref<6400xf32, #tpu.memory_space<vmem>>, vector<16xf32>,
      %mul3A_586 = arith.constant 16 : i32
      %mul3A_587 = arith.muli %add3A_564, %mul3A_586 : i32
      %get3A_588 = arith.index_cast %mul3A_587 : i32 to index
      %get3A_589 = tpu.vector_load %arg11[%get3A_588] {strides = array<i32>} : memref<6400xf32, #tpu.memory_space<vmem>>, vector<16xf32>,
      %mul3A_590 = arith.mulf %gather3A_576, %get3A_589 : vector<16xf32>
      %mul3A_591 = arith.constant 16 : i32
      %mul3A_592 = arith.muli %add3A_564, %mul3A_591 : i32
      %swap3A_593 = arith.index_cast %mul3A_592 : i32 to index
      %swap3A_594 = tpu.vector_load %arg18[%swap3A_593] {strides = array<i32>} : memref<6400xf32, #tpu.memory_space<vmem>>, vector<16xf32>,
      tpu.vector_store %arg18[%swap3A_593], %mul3A_590 {strides = array<i32>} : memref<6400xf32, #tpu.memory_space<vmem>>, vector<16xf32>,
      %mul3A_595 = arith.constant 4 : i32
      %mul3A_596 = arith.muli %scan3A_495, %mul3A_595 : i32
      %add3A_597 = arith.constant 3 : i32
      %add3A_598 = arith.addi %mul3A_596, %add3A_597 : i32
      %mul3A_599 = arith.constant 16 : i32
      %mul3A_600 = arith.muli %add3A_598, %mul3A_599 : i32
      %get3A_601 = arith.index_cast %mul3A_600 : i32 to index
      %get3A_602 = tpu.vector_load %arg13[%get3A_601] {strides = array<i32>} : memref<6400xi32, #tpu.memory_space<vmem>>, vector<16xi32>,
      %mul3A_603 = arith.constant 2 : i32
      %mul3A_604 = vector.broadcast %mul3A_603 : i32 to vector<16xi32>
      %mul3A_605 = arith.muli %get3A_602, %mul3A_604 : vector<16xi32>
      %gather3A_606 = tpu.vector_load_idx %arg14[%mul3A_605] : memref<136xf32, #tpu.memory_space<vmem>>[vector<16xi32>], vector<16xf32>,
      %add3A_607 = arith.constant 1 : i32
      %add3A_608 = vector.broadcast %add3A_607 : i32 to vector<16xi32>
      %add3A_609 = arith.addi %mul3A_605, %add3A_608 : vector<16xi32>
      %gather3A_610 = tpu.vector_load_idx %arg14[%add3A_609] : memref<136xf32, #tpu.memory_space<vmem>>[vector<16xi32>], vector<16xf32>,
      %mul3A_611 = arith.constant 16 : i32
      %mul3A_612 = arith.muli %add3A_598, %mul3A_611 : i32
      %get3A_613 = arith.index_cast %mul3A_612 : i32 to index
      %get3A_614 = tpu.vector_load %arg9[%get3A_613] {strides = array<i32>} : memref<6400xf32, #tpu.memory_space<vmem>>, vector<16xf32>,
      %mul3A_615 = arith.mulf %gather3A_606, %get3A_614 : vector<16xf32>
      %mul3A_616 = arith.constant 16 : i32
      %mul3A_617 = arith.muli %add3A_598, %mul3A_616 : i32
      %swap3A_618 = arith.index_cast %mul3A_617 : i32 to index
      %swap3A_619 = tpu.vector_load %arg16[%swap3A_618] {strides = array<i32>} : memref<6400xf32, #tpu.memory_space<vmem>>, vector<16xf32>,
      tpu.vector_store %arg16[%swap3A_618], %mul3A_615 {strides = array<i32>} : memref<6400xf32, #tpu.memory_space<vmem>>, vector<16xf32>,
      %mul3A_620 = arith.constant 16 : i32
      %mul3A_621 = arith.muli %add3A_598, %mul3A_620 : i32
      %get3A_622 = arith.index_cast %mul3A_621 : i32 to index
      %get3A_623 = tpu.vector_load %arg11[%get3A_622] {strides = array<i32>} : memref<6400xf32, #tpu.memory_space<vmem>>, vector<16xf32>,
      %mul3A_624 = arith.mulf %gather3A_610, %get3A_623 : vector<16xf32>
      %mul3A_625 = arith.constant 16 : i32
      %mul3A_626 = arith.muli %add3A_598, %mul3A_625 : i32
      %swap3A_627 = arith.index_cast %mul3A_626 : i32 to index
      %swap3A_628 = tpu.vector_load %arg18[%swap3A_627] {strides = array<i32>} : memref<6400xf32, #tpu.memory_space<vmem>>, vector<16xf32>,
      tpu.vector_store %arg18[%swap3A_627], %mul3A_624 {strides = array<i32>} : memref<6400xf32, #tpu.memory_space<vmem>>, vector<16xf32>,
    }
    %scan3A_116 = arith.constant 100 : i32
    %add3A_117 = arith.constant 19200 : i32
    %add3A_118 = arith.addi %mul3A_2, %add3A_117 : i32
    %multiple_of3A_119 = tpu.assume_multiple %add3A_118, 64 : i32
    %dma_start3A_120 = tpu.memref_slice %arg6[%multiple_of3A_119] : memref<3276800xf32, #tpu.memory_space<hbm>> -> memref<6400xf32, #tpu.memory_space<hbm>>
    %dma_start3A_121 = tpu.memref_slice %arg6[%multiple_of3A_119] : memref<3276800xf32, #tpu.memory_space<hbm>> -> memref<6400xf32, #tpu.memory_space<hbm>>
    tpu.enqueue_dma source(%arg16 : memref<6400xf32, #tpu.memory_space<vmem>>) target(%dma_start3A_121 : memref<6400xf32, #tpu.memory_space<hbm>>) target_semaphore(%arg22 : memref<!tpu.dma_semaphore, #tpu.memory_space<semaphore_mem>>)
    %dma_start3A_122 = tpu.memref_slice %arg7[%multiple_of3A_119] : memref<3276800xf32, #tpu.memory_space<hbm>> -> memref<6400xf32, #tpu.memory_space<hbm>>
    %dma_start3A_123 = tpu.memref_slice %arg7[%multiple_of3A_119] : memref<3276800xf32, #tpu.memory_space<hbm>> -> memref<6400xf32, #tpu.memory_space<hbm>>
    tpu.enqueue_dma source(%arg18 : memref<6400xf32, #tpu.memory_space<vmem>>) target(%dma_start3A_123 : memref<6400xf32, #tpu.memory_space<hbm>>) target_semaphore(%arg22 : memref<!tpu.dma_semaphore, #tpu.memory_space<semaphore_mem>>)
    %add3A_124 = arith.constant 32000 : i32
    %add3A_125 = arith.addi %mul3A_2, %add3A_124 : i32
    %multiple_of3A_126 = tpu.assume_multiple %add3A_125, 64 : i32
    %dma_start3A_127 = tpu.memref_slice %arg2[%multiple_of3A_126] : memref<3276800xf32, #tpu.memory_space<hbm>> -> memref<6400xf32, #tpu.memory_space<hbm>>
    %dma_start3A_128 = tpu.memref_slice %arg2[%multiple_of3A_126] : memref<3276800xf32, #tpu.memory_space<hbm>> -> memref<6400xf32, #tpu.memory_space<hbm>>
    tpu.enqueue_dma source(%dma_start3A_128 : memref<6400xf32, #tpu.memory_space<hbm>>) target(%arg9 : memref<6400xf32, #tpu.memory_space<vmem>>) target_semaphore(%arg20 : memref<!tpu.dma_semaphore, #tpu.memory_space<semaphore_mem>>)
    %dma_start3A_129 = tpu.memref_slice %arg3[%multiple_of3A_126] : memref<3276800xf32, #tpu.memory_space<hbm>> -> memref<6400xf32, #tpu.memory_space<hbm>>
    %dma_start3A_130 = tpu.memref_slice %arg3[%multiple_of3A_126] : memref<3276800xf32, #tpu.memory_space<hbm>> -> memref<6400xf32, #tpu.memory_space<hbm>>
    tpu.enqueue_dma source(%dma_start3A_130 : memref<6400xf32, #tpu.memory_space<hbm>>) target(%arg11 : memref<6400xf32, #tpu.memory_space<vmem>>) target_semaphore(%arg20 : memref<!tpu.dma_semaphore, #tpu.memory_space<semaphore_mem>>)
    %dma_start3A_131 = tpu.memref_slice %arg4[%multiple_of3A_126] : memref<3276800xi32, #tpu.memory_space<hbm>> -> memref<6400xi32, #tpu.memory_space<hbm>>
    %dma_start3A_132 = tpu.memref_slice %arg4[%multiple_of3A_126] : memref<3276800xi32, #tpu.memory_space<hbm>> -> memref<6400xi32, #tpu.memory_space<hbm>>
    tpu.enqueue_dma source(%dma_start3A_132 : memref<6400xi32, #tpu.memory_space<hbm>>) target(%arg13 : memref<6400xi32, #tpu.memory_space<vmem>>) target_semaphore(%arg20 : memref<!tpu.dma_semaphore, #tpu.memory_space<semaphore_mem>>)
    %dma_wait3A_133 = tpu.memref_slice %arg2[%multiple_of3A_95] : memref<3276800xf32, #tpu.memory_space<hbm>> -> memref<6400xf32, #tpu.memory_space<hbm>>
    %dma_wait3A_134 = tpu.memref_slice %arg2[%multiple_of3A_95] : memref<3276800xf32, #tpu.memory_space<hbm>> -> memref<6400xf32, #tpu.memory_space<hbm>>
    tpu.wait_dma2 semaphore(%arg19 : memref<!tpu.dma_semaphore, #tpu.memory_space<semaphore_mem>>) src(%dma_wait3A_134 : memref<6400xf32, #tpu.memory_space<hbm>>) dst(%arg8 : memref<6400xf32, #tpu.memory_space<vmem>>)
    %dma_wait3A_135 = tpu.memref_slice %arg3[%multiple_of3A_95] : memref<3276800xf32, #tpu.memory_space<hbm>> -> memref<6400xf32, #tpu.memory_space<hbm>>
    %dma_wait3A_136 = tpu.memref_slice %arg3[%multiple_of3A_95] : memref<3276800xf32, #tpu.memory_space<hbm>> -> memref<6400xf32, #tpu.memory_space<hbm>>
    tpu.wait_dma2 semaphore(%arg19 : memref<!tpu.dma_semaphore, #tpu.memory_space<semaphore_mem>>) src(%dma_wait3A_136 : memref<6400xf32, #tpu.memory_space<hbm>>) dst(%arg10 : memref<6400xf32, #tpu.memory_space<vmem>>)
    %dma_wait3A_137 = tpu.memref_slice %arg4[%multiple_of3A_95] : memref<3276800xi32, #tpu.memory_space<hbm>> -> memref<6400xi32, #tpu.memory_space<hbm>>
    %dma_wait3A_138 = tpu.memref_slice %arg4[%multiple_of3A_95] : memref<3276800xi32, #tpu.memory_space<hbm>> -> memref<6400xi32, #tpu.memory_space<hbm>>
    tpu.wait_dma2 semaphore(%arg19 : memref<!tpu.dma_semaphore, #tpu.memory_space<semaphore_mem>>) src(%dma_wait3A_138 : memref<6400xi32, #tpu.memory_space<hbm>>) dst(%arg12 : memref<6400xi32, #tpu.memory_space<vmem>>)
    %dma_wait3A_139 = tpu.memref_slice %arg6[%multiple_of3A_88] : memref<3276800xf32, #tpu.memory_space<hbm>> -> memref<6400xf32, #tpu.memory_space<hbm>>
    %dma_wait3A_140 = tpu.memref_slice %arg6[%multiple_of3A_88] : memref<3276800xf32, #tpu.memory_space<hbm>> -> memref<6400xf32, #tpu.memory_space<hbm>>
    tpu.wait_dma2 semaphore(%arg21 : memref<!tpu.dma_semaphore, #tpu.memory_space<semaphore_mem>>) src(%arg15 : memref<6400xf32, #tpu.memory_space<vmem>>) dst(%dma_wait3A_140 : memref<6400xf32, #tpu.memory_space<hbm>>)
    %dma_wait3A_141 = tpu.memref_slice %arg7[%multiple_of3A_88] : memref<3276800xf32, #tpu.memory_space<hbm>> -> memref<6400xf32, #tpu.memory_space<hbm>>
    %dma_wait3A_142 = tpu.memref_slice %arg7[%multiple_of3A_88] : memref<3276800xf32, #tpu.memory_space<hbm>> -> memref<6400xf32, #tpu.memory_space<hbm>>
    tpu.wait_dma2 semaphore(%arg21 : memref<!tpu.dma_semaphore, #tpu.memory_space<semaphore_mem>>) src(%arg17 : memref<6400xf32, #tpu.memory_space<vmem>>) dst(%dma_wait3A_142 : memref<6400xf32, #tpu.memory_space<hbm>>)
    %scan3A_143 = arith.constant 0 : i32
    %scan3A_144 = arith.constant 100 : i32
    %scan3A_145 = arith.addi %scan3A_143, %scan3A_144 : i32
    %scan3A_146 = arith.constant 1 : i32
    scf.for %scan3A_495 = %scan3A_143 to %scan3A_145 step %scan3A_146  : i32 {
      %mul3A_496 = arith.constant 4 : i32
      %mul3A_497 = arith.muli %scan3A_495, %mul3A_496 : i32
      %add3A_498 = arith.constant 0 : i32
      %add3A_499 = arith.addi %mul3A_497, %add3A_498 : i32
      %mul3A_500 = arith.constant 16 : i32
      %mul3A_501 = arith.muli %add3A_499, %mul3A_500 : i32
      %get3A = arith.index_cast %mul3A_501 : i32 to index
      %get3A_502 = tpu.vector_load %arg12[%get3A] {strides = array<i32>} : memref<6400xi32, #tpu.memory_space<vmem>>, vector<16xi32>,
      %mul3A_503 = arith.constant 2 : i32
      %mul3A_504 = vector.broadcast %mul3A_503 : i32 to vector<16xi32>
      %mul3A_505 = arith.muli %get3A_502, %mul3A_504 : vector<16xi32>
      %gather3A = tpu.vector_load_idx %arg14[%mul3A_505] : memref<136xf32, #tpu.memory_space<vmem>>[vector<16xi32>], vector<16xf32>,
      %add3A_506 = arith.constant 1 : i32
      %add3A_507 = vector.broadcast %add3A_506 : i32 to vector<16xi32>
      %add3A_508 = arith.addi %mul3A_505, %add3A_507 : vector<16xi32>
      %gather3A_509 = tpu.vector_load_idx %arg14[%add3A_508] : memref<136xf32, #tpu.memory_space<vmem>>[vector<16xi32>], vector<16xf32>,
      %mul3A_510 = arith.constant 16 : i32
      %mul3A_511 = arith.muli %add3A_499, %mul3A_510 : i32
      %get3A_512 = arith.index_cast %mul3A_511 : i32 to index
      %get3A_513 = tpu.vector_load %arg8[%get3A_512] {strides = array<i32>} : memref<6400xf32, #tpu.memory_space<vmem>>, vector<16xf32>,
      %mul3A_514 = arith.mulf %gather3A, %get3A_513 : vector<16xf32>
      %mul3A_515 = arith.constant 16 : i32
      %mul3A_516 = arith.muli %add3A_499, %mul3A_515 : i32
      %swap3A = arith.index_cast %mul3A_516 : i32 to index
      %swap3A_517 = tpu.vector_load %arg15[%swap3A] {strides = array<i32>} : memref<6400xf32, #tpu.memory_space<vmem>>, vector<16xf32>,
      tpu.vector_store %arg15[%swap3A], %mul3A_514 {strides = array<i32>} : memref<6400xf32, #tpu.memory_space<vmem>>, vector<16xf32>,
      %mul3A_518 = arith.constant 16 : i32
      %mul3A_519 = arith.muli %add3A_499, %mul3A_518 : i32
      %get3A_520 = arith.index_cast %mul3A_519 : i32 to index
      %get3A_521 = tpu.vector_load %arg10[%get3A_520] {strides = array<i32>} : memref<6400xf32, #tpu.memory_space<vmem>>, vector<16xf32>,
      %mul3A_522 = arith.mulf %gather3A_509, %get3A_521 : vector<16xf32>
      %mul3A_523 = arith.constant 16 : i32
      %mul3A_524 = arith.muli %add3A_499, %mul3A_523 : i32
      %swap3A_525 = arith.index_cast %mul3A_524 : i32 to index
      %swap3A_526 = tpu.vector_load %arg17[%swap3A_525] {strides = array<i32>} : memref<6400xf32, #tpu.memory_space<vmem>>, vector<16xf32>,
      tpu.vector_store %arg17[%swap3A_525], %mul3A_522 {strides = array<i32>} : memref<6400xf32, #tpu.memory_space<vmem>>, vector<16xf32>,
      %mul3A_527 = arith.constant 4 : i32
      %mul3A_528 = arith.muli %scan3A_495, %mul3A_527 : i32
      %add3A_529 = arith.constant 1 : i32
      %add3A_530 = arith.addi %mul3A_528, %add3A_529 : i32
      %mul3A_531 = arith.constant 16 : i32
      %mul3A_532 = arith.muli %add3A_530, %mul3A_531 : i32
      %get3A_533 = arith.index_cast %mul3A_532 : i32 to index
      %get3A_534 = tpu.vector_load %arg12[%get3A_533] {strides = array<i32>} : memref<6400xi32, #tpu.memory_space<vmem>>, vector<16xi32>,
      %mul3A_535 = arith.constant 2 : i32
      %mul3A_536 = vector.broadcast %mul3A_535 : i32 to vector<16xi32>
      %mul3A_537 = arith.muli %get3A_534, %mul3A_536 : vector<16xi32>
      %gather3A_538 = tpu.vector_load_idx %arg14[%mul3A_537] : memref<136xf32, #tpu.memory_space<vmem>>[vector<16xi32>], vector<16xf32>,
      %add3A_539 = arith.constant 1 : i32
      %add3A_540 = vector.broadcast %add3A_539 : i32 to vector<16xi32>
      %add3A_541 = arith.addi %mul3A_537, %add3A_540 : vector<16xi32>
      %gather3A_542 = tpu.vector_load_idx %arg14[%add3A_541] : memref<136xf32, #tpu.memory_space<vmem>>[vector<16xi32>], vector<16xf32>,
      %mul3A_543 = arith.constant 16 : i32
      %mul3A_544 = arith.muli %add3A_530, %mul3A_543 : i32
      %get3A_545 = arith.index_cast %mul3A_544 : i32 to index
      %get3A_546 = tpu.vector_load %arg8[%get3A_545] {strides = array<i32>} : memref<6400xf32, #tpu.memory_space<vmem>>, vector<16xf32>,
      %mul3A_547 = arith.mulf %gather3A_538, %get3A_546 : vector<16xf32>
      %mul3A_548 = arith.constant 16 : i32
      %mul3A_549 = arith.muli %add3A_530, %mul3A_548 : i32
      %swap3A_550 = arith.index_cast %mul3A_549 : i32 to index
      %swap3A_551 = tpu.vector_load %arg15[%swap3A_550] {strides = array<i32>} : memref<6400xf32, #tpu.memory_space<vmem>>, vector<16xf32>,
      tpu.vector_store %arg15[%swap3A_550], %mul3A_547 {strides = array<i32>} : memref<6400xf32, #tpu.memory_space<vmem>>, vector<16xf32>,
      %mul3A_552 = arith.constant 16 : i32
      %mul3A_553 = arith.muli %add3A_530, %mul3A_552 : i32
      %get3A_554 = arith.index_cast %mul3A_553 : i32 to index
      %get3A_555 = tpu.vector_load %arg10[%get3A_554] {strides = array<i32>} : memref<6400xf32, #tpu.memory_space<vmem>>, vector<16xf32>,
      %mul3A_556 = arith.mulf %gather3A_542, %get3A_555 : vector<16xf32>
      %mul3A_557 = arith.constant 16 : i32
      %mul3A_558 = arith.muli %add3A_530, %mul3A_557 : i32
      %swap3A_559 = arith.index_cast %mul3A_558 : i32 to index
      %swap3A_560 = tpu.vector_load %arg17[%swap3A_559] {strides = array<i32>} : memref<6400xf32, #tpu.memory_space<vmem>>, vector<16xf32>,
      tpu.vector_store %arg17[%swap3A_559], %mul3A_556 {strides = array<i32>} : memref<6400xf32, #tpu.memory_space<vmem>>, vector<16xf32>,
      %mul3A_561 = arith.constant 4 : i32
      %mul3A_562 = arith.muli %scan3A_495, %mul3A_561 : i32
      %add3A_563 = arith.constant 2 : i32
      %add3A_564 = arith.addi %mul3A_562, %add3A_563 : i32
      %mul3A_565 = arith.constant 16 : i32
      %mul3A_566 = arith.muli %add3A_564, %mul3A_565 : i32
      %get3A_567 = arith.index_cast %mul3A_566 : i32 to index
      %get3A_568 = tpu.vector_load %arg12[%get3A_567] {strides = array<i32>} : memref<6400xi32, #tpu.memory_space<vmem>>, vector<16xi32>,
      %mul3A_569 = arith.constant 2 : i32
      %mul3A_570 = vector.broadcast %mul3A_569 : i32 to vector<16xi32>
      %mul3A_571 = arith.muli %get3A_568, %mul3A_570 : vector<16xi32>
      %gather3A_572 = tpu.vector_load_idx %arg14[%mul3A_571] : memref<136xf32, #tpu.memory_space<vmem>>[vector<16xi32>], vector<16xf32>,
      %add3A_573 = arith.constant 1 : i32
      %add3A_574 = vector.broadcast %add3A_573 : i32 to vector<16xi32>
      %add3A_575 = arith.addi %mul3A_571, %add3A_574 : vector<16xi32>
      %gather3A_576 = tpu.vector_load_idx %arg14[%add3A_575] : memref<136xf32, #tpu.memory_space<vmem>>[vector<16xi32>], vector<16xf32>,
      %mul3A_577 = arith.constant 16 : i32
      %mul3A_578 = arith.muli %add3A_564, %mul3A_577 : i32
      %get3A_579 = arith.index_cast %mul3A_578 : i32 to index
      %get3A_580 = tpu.vector_load %arg8[%get3A_579] {strides = array<i32>} : memref<6400xf32, #tpu.memory_space<vmem>>, vector<16xf32>,
      %mul3A_581 = arith.mulf %gather3A_572, %get3A_580 : vector<16xf32>
      %mul3A_582 = arith.constant 16 : i32
      %mul3A_583 = arith.muli %add3A_564, %mul3A_582 : i32
      %swap3A_584 = arith.index_cast %mul3A_583 : i32 to index
      %swap3A_585 = tpu.vector_load %arg15[%swap3A_584] {strides = array<i32>} : memref<6400xf32, #tpu.memory_space<vmem>>, vector<16xf32>,
      tpu.vector_store %arg15[%swap3A_584], %mul3A_581 {strides = array<i32>} : memref<6400xf32, #tpu.memory_space<vmem>>, vector<16xf32>,
      %mul3A_586 = arith.constant 16 : i32
      %mul3A_587 = arith.muli %add3A_564, %mul3A_586 : i32
      %get3A_588 = arith.index_cast %mul3A_587 : i32 to index
      %get3A_589 = tpu.vector_load %arg10[%get3A_588] {strides = array<i32>} : memref<6400xf32, #tpu.memory_space<vmem>>, vector<16xf32>,
      %mul3A_590 = arith.mulf %gather3A_576, %get3A_589 : vector<16xf32>
      %mul3A_591 = arith.constant 16 : i32
      %mul3A_592 = arith.muli %add3A_564, %mul3A_591 : i32
      %swap3A_593 = arith.index_cast %mul3A_592 : i32 to index
      %swap3A_594 = tpu.vector_load %arg17[%swap3A_593] {strides = array<i32>} : memref<6400xf32, #tpu.memory_space<vmem>>, vector<16xf32>,
      tpu.vector_store %arg17[%swap3A_593], %mul3A_590 {strides = array<i32>} : memref<6400xf32, #tpu.memory_space<vmem>>, vector<16xf32>,
      %mul3A_595 = arith.constant 4 : i32
      %mul3A_596 = arith.muli %scan3A_495, %mul3A_595 : i32
      %add3A_597 = arith.constant 3 : i32
      %add3A_598 = arith.addi %mul3A_596, %add3A_597 : i32
      %mul3A_599 = arith.constant 16 : i32
      %mul3A_600 = arith.muli %add3A_598, %mul3A_599 : i32
      %get3A_601 = arith.index_cast %mul3A_600 : i32 to index
      %get3A_602 = tpu.vector_load %arg12[%get3A_601] {strides = array<i32>} : memref<6400xi32, #tpu.memory_space<vmem>>, vector<16xi32>,
      %mul3A_603 = arith.constant 2 : i32
      %mul3A_604 = vector.broadcast %mul3A_603 : i32 to vector<16xi32>
      %mul3A_605 = arith.muli %get3A_602, %mul3A_604 : vector<16xi32>
      %gather3A_606 = tpu.vector_load_idx %arg14[%mul3A_605] : memref<136xf32, #tpu.memory_space<vmem>>[vector<16xi32>], vector<16xf32>,
      %add3A_607 = arith.constant 1 : i32
      %add3A_608 = vector.broadcast %add3A_607 : i32 to vector<16xi32>
      %add3A_609 = arith.addi %mul3A_605, %add3A_608 : vector<16xi32>
      %gather3A_610 = tpu.vector_load_idx %arg14[%add3A_609] : memref<136xf32, #tpu.memory_space<vmem>>[vector<16xi32>], vector<16xf32>,
      %mul3A_611 = arith.constant 16 : i32
      %mul3A_612 = arith.muli %add3A_598, %mul3A_611 : i32
      %get3A_613 = arith.index_cast %mul3A_612 : i32 to index
      %get3A_614 = tpu.vector_load %arg8[%get3A_613] {strides = array<i32>} : memref<6400xf32, #tpu.memory_space<vmem>>, vector<16xf32>,
      %mul3A_615 = arith.mulf %gather3A_606, %get3A_614 : vector<16xf32>
      %mul3A_616 = arith.constant 16 : i32
      %mul3A_617 = arith.muli %add3A_598, %mul3A_616 : i32
      %swap3A_618 = arith.index_cast %mul3A_617 : i32 to index
      %swap3A_619 = tpu.vector_load %arg15[%swap3A_618] {strides = array<i32>} : memref<6400xf32, #tpu.memory_space<vmem>>, vector<16xf32>,
      tpu.vector_store %arg15[%swap3A_618], %mul3A_615 {strides = array<i32>} : memref<6400xf32, #tpu.memory_space<vmem>>, vector<16xf32>,
      %mul3A_620 = arith.constant 16 : i32
      %mul3A_621 = arith.muli %add3A_598, %mul3A_620 : i32
      %get3A_622 = arith.index_cast %mul3A_621 : i32 to index
      %get3A_623 = tpu.vector_load %arg10[%get3A_622] {strides = array<i32>} : memref<6400xf32, #tpu.memory_space<vmem>>, vector<16xf32>,
      %mul3A_624 = arith.mulf %gather3A_610, %get3A_623 : vector<16xf32>
      %mul3A_625 = arith.constant 16 : i32
      %mul3A_626 = arith.muli %add3A_598, %mul3A_625 : i32
      %swap3A_627 = arith.index_cast %mul3A_626 : i32 to index
      %swap3A_628 = tpu.vector_load %arg17[%swap3A_627] {strides = array<i32>} : memref<6400xf32, #tpu.memory_space<vmem>>, vector<16xf32>,
      tpu.vector_store %arg17[%swap3A_627], %mul3A_624 {strides = array<i32>} : memref<6400xf32, #tpu.memory_space<vmem>>, vector<16xf32>,
    }
    %scan3A_147 = arith.constant 100 : i32
    %add3A_148 = arith.constant 25600 : i32
    %add3A_149 = arith.addi %mul3A_2, %add3A_148 : i32
    %multiple_of3A_150 = tpu.assume_multiple %add3A_149, 64 : i32
    %dma_start3A_151 = tpu.memref_slice %arg6[%multiple_of3A_150] : memref<3276800xf32, #tpu.memory_space<hbm>> -> memref<6400xf32, #tpu.memory_space<hbm>>
    %dma_start3A_152 = tpu.memref_slice %arg6[%multiple_of3A_150] : memref<3276800xf32, #tpu.memory_space<hbm>> -> memref<6400xf32, #tpu.memory_space<hbm>>
    tpu.enqueue_dma source(%arg15 : memref<6400xf32, #tpu.memory_space<vmem>>) target(%dma_start3A_152 : memref<6400xf32, #tpu.memory_space<hbm>>) target_semaphore(%arg21 : memref<!tpu.dma_semaphore, #tpu.memory_space<semaphore_mem>>)
    %dma_start3A_153 = tpu.memref_slice %arg7[%multiple_of3A_150] : memref<3276800xf32, #tpu.memory_space<hbm>> -> memref<6400xf32, #tpu.memory_space<hbm>>
    %dma_start3A_154 = tpu.memref_slice %arg7[%multiple_of3A_150] : memref<3276800xf32, #tpu.memory_space<hbm>> -> memref<6400xf32, #tpu.memory_space<hbm>>
    tpu.enqueue_dma source(%arg17 : memref<6400xf32, #tpu.memory_space<vmem>>) target(%dma_start3A_154 : memref<6400xf32, #tpu.memory_space<hbm>>) target_semaphore(%arg21 : memref<!tpu.dma_semaphore, #tpu.memory_space<semaphore_mem>>)
    %add3A_155 = arith.constant 38400 : i32
    %add3A_156 = arith.addi %mul3A_2, %add3A_155 : i32
    %multiple_of3A_157 = tpu.assume_multiple %add3A_156, 64 : i32
    %dma_start3A_158 = tpu.memref_slice %arg2[%multiple_of3A_157] : memref<3276800xf32, #tpu.memory_space<hbm>> -> memref<6400xf32, #tpu.memory_space<hbm>>
    %dma_start3A_159 = tpu.memref_slice %arg2[%multiple_of3A_157] : memref<3276800xf32, #tpu.memory_space<hbm>> -> memref<6400xf32, #tpu.memory_space<hbm>>
    tpu.enqueue_dma source(%dma_start3A_159 : memref<6400xf32, #tpu.memory_space<hbm>>) target(%arg8 : memref<6400xf32, #tpu.memory_space<vmem>>) target_semaphore(%arg19 : memref<!tpu.dma_semaphore, #tpu.memory_space<semaphore_mem>>)
    %dma_start3A_160 = tpu.memref_slice %arg3[%multiple_of3A_157] : memref<3276800xf32, #tpu.memory_space<hbm>> -> memref<6400xf32, #tpu.memory_space<hbm>>
    %dma_start3A_161 = tpu.memref_slice %arg3[%multiple_of3A_157] : memref<3276800xf32, #tpu.memory_space<hbm>> -> memref<6400xf32, #tpu.memory_space<hbm>>
    tpu.enqueue_dma source(%dma_start3A_161 : memref<6400xf32, #tpu.memory_space<hbm>>) target(%arg10 : memref<6400xf32, #tpu.memory_space<vmem>>) target_semaphore(%arg19 : memref<!tpu.dma_semaphore, #tpu.memory_space<semaphore_mem>>)
    %dma_start3A_162 = tpu.memref_slice %arg4[%multiple_of3A_157] : memref<3276800xi32, #tpu.memory_space<hbm>> -> memref<6400xi32, #tpu.memory_space<hbm>>
    %dma_start3A_163 = tpu.memref_slice %arg4[%multiple_of3A_157] : memref<3276800xi32, #tpu.memory_space<hbm>> -> memref<6400xi32, #tpu.memory_space<hbm>>
    tpu.enqueue_dma source(%dma_start3A_163 : memref<6400xi32, #tpu.memory_space<hbm>>) target(%arg12 : memref<6400xi32, #tpu.memory_space<vmem>>) target_semaphore(%arg19 : memref<!tpu.dma_semaphore, #tpu.memory_space<semaphore_mem>>)
    %dma_wait3A_164 = tpu.memref_slice %arg2[%multiple_of3A_126] : memref<3276800xf32, #tpu.memory_space<hbm>> -> memref<6400xf32, #tpu.memory_space<hbm>>
    %dma_wait3A_165 = tpu.memref_slice %arg2[%multiple_of3A_126] : memref<3276800xf32, #tpu.memory_space<hbm>> -> memref<6400xf32, #tpu.memory_space<hbm>>
    tpu.wait_dma2 semaphore(%arg20 : memref<!tpu.dma_semaphore, #tpu.memory_space<semaphore_mem>>) src(%dma_wait3A_165 : memref<6400xf32, #tpu.memory_space<hbm>>) dst(%arg9 : memref<6400xf32, #tpu.memory_space<vmem>>)
    %dma_wait3A_166 = tpu.memref_slice %arg3[%multiple_of3A_126] : memref<3276800xf32, #tpu.memory_space<hbm>> -> memref<6400xf32, #tpu.memory_space<hbm>>
    %dma_wait3A_167 = tpu.memref_slice %arg3[%multiple_of3A_126] : memref<3276800xf32, #tpu.memory_space<hbm>> -> memref<6400xf32, #tpu.memory_space<hbm>>
    tpu.wait_dma2 semaphore(%arg20 : memref<!tpu.dma_semaphore, #tpu.memory_space<semaphore_mem>>) src(%dma_wait3A_167 : memref<6400xf32, #tpu.memory_space<hbm>>) dst(%arg11 : memref<6400xf32, #tpu.memory_space<vmem>>)
    %dma_wait3A_168 = tpu.memref_slice %arg4[%multiple_of3A_126] : memref<3276800xi32, #tpu.memory_space<hbm>> -> memref<6400xi32, #tpu.memory_space<hbm>>
    %dma_wait3A_169 = tpu.memref_slice %arg4[%multiple_of3A_126] : memref<3276800xi32, #tpu.memory_space<hbm>> -> memref<6400xi32, #tpu.memory_space<hbm>>
    tpu.wait_dma2 semaphore(%arg20 : memref<!tpu.dma_semaphore, #tpu.memory_space<semaphore_mem>>) src(%dma_wait3A_169 : memref<6400xi32, #tpu.memory_space<hbm>>) dst(%arg13 : memref<6400xi32, #tpu.memory_space<vmem>>)
    %dma_wait3A_170 = tpu.memref_slice %arg6[%multiple_of3A_119] : memref<3276800xf32, #tpu.memory_space<hbm>> -> memref<6400xf32, #tpu.memory_space<hbm>>
    %dma_wait3A_171 = tpu.memref_slice %arg6[%multiple_of3A_119] : memref<3276800xf32, #tpu.memory_space<hbm>> -> memref<6400xf32, #tpu.memory_space<hbm>>
    tpu.wait_dma2 semaphore(%arg22 : memref<!tpu.dma_semaphore, #tpu.memory_space<semaphore_mem>>) src(%arg16 : memref<6400xf32, #tpu.memory_space<vmem>>) dst(%dma_wait3A_171 : memref<6400xf32, #tpu.memory_space<hbm>>)
    %dma_wait3A_172 = tpu.memref_slice %arg7[%multiple_of3A_119] : memref<3276800xf32, #tpu.memory_space<hbm>> -> memref<6400xf32, #tpu.memory_space<hbm>>
    %dma_wait3A_173 = tpu.memref_slice %arg7[%multiple_of3A_119] : memref<3276800xf32, #tpu.memory_space<hbm>> -> memref<6400xf32, #tpu.memory_space<hbm>>
    tpu.wait_dma2 semaphore(%arg22 : memref<!tpu.dma_semaphore, #tpu.memory_space<semaphore_mem>>) src(%arg18 : memref<6400xf32, #tpu.memory_space<vmem>>) dst(%dma_wait3A_173 : memref<6400xf32, #tpu.memory_space<hbm>>)
    %scan3A_174 = arith.constant 0 : i32
    %scan3A_175 = arith.constant 100 : i32
    %scan3A_176 = arith.addi %scan3A_174, %scan3A_175 : i32
    %scan3A_177 = arith.constant 1 : i32
    scf.for %scan3A_495 = %scan3A_174 to %scan3A_176 step %scan3A_177  : i32 {
      %mul3A_496 = arith.constant 4 : i32
      %mul3A_497 = arith.muli %scan3A_495, %mul3A_496 : i32
      %add3A_498 = arith.constant 0 : i32
      %add3A_499 = arith.addi %mul3A_497, %add3A_498 : i32
      %mul3A_500 = arith.constant 16 : i32
      %mul3A_501 = arith.muli %add3A_499, %mul3A_500 : i32
      %get3A = arith.index_cast %mul3A_501 : i32 to index
      %get3A_502 = tpu.vector_load %arg13[%get3A] {strides = array<i32>} : memref<6400xi32, #tpu.memory_space<vmem>>, vector<16xi32>,
      %mul3A_503 = arith.constant 2 : i32
      %mul3A_504 = vector.broadcast %mul3A_503 : i32 to vector<16xi32>
      %mul3A_505 = arith.muli %get3A_502, %mul3A_504 : vector<16xi32>
      %gather3A = tpu.vector_load_idx %arg14[%mul3A_505] : memref<136xf32, #tpu.memory_space<vmem>>[vector<16xi32>], vector<16xf32>,
      %add3A_506 = arith.constant 1 : i32
      %add3A_507 = vector.broadcast %add3A_506 : i32 to vector<16xi32>
      %add3A_508 = arith.addi %mul3A_505, %add3A_507 : vector<16xi32>
      %gather3A_509 = tpu.vector_load_idx %arg14[%add3A_508] : memref<136xf32, #tpu.memory_space<vmem>>[vector<16xi32>], vector<16xf32>,
      %mul3A_510 = arith.constant 16 : i32
      %mul3A_511 = arith.muli %add3A_499, %mul3A_510 : i32
      %get3A_512 = arith.index_cast %mul3A_511 : i32 to index
      %get3A_513 = tpu.vector_load %arg9[%get3A_512] {strides = array<i32>} : memref<6400xf32, #tpu.memory_space<vmem>>, vector<16xf32>,
      %mul3A_514 = arith.mulf %gather3A, %get3A_513 : vector<16xf32>
      %mul3A_515 = arith.constant 16 : i32
      %mul3A_516 = arith.muli %add3A_499, %mul3A_515 : i32
      %swap3A = arith.index_cast %mul3A_516 : i32 to index
      %swap3A_517 = tpu.vector_load %arg16[%swap3A] {strides = array<i32>} : memref<6400xf32, #tpu.memory_space<vmem>>, vector<16xf32>,
      tpu.vector_store %arg16[%swap3A], %mul3A_514 {strides = array<i32>} : memref<6400xf32, #tpu.memory_space<vmem>>, vector<16xf32>,
      %mul3A_518 = arith.constant 16 : i32
      %mul3A_519 = arith.muli %add3A_499, %mul3A_518 : i32
      %get3A_520 = arith.index_cast %mul3A_519 : i32 to index
      %get3A_521 = tpu.vector_load %arg11[%get3A_520] {strides = array<i32>} : memref<6400xf32, #tpu.memory_space<vmem>>, vector<16xf32>,
      %mul3A_522 = arith.mulf %gather3A_509, %get3A_521 : vector<16xf32>
      %mul3A_523 = arith.constant 16 : i32
      %mul3A_524 = arith.muli %add3A_499, %mul3A_523 : i32
      %swap3A_525 = arith.index_cast %mul3A_524 : i32 to index
      %swap3A_526 = tpu.vector_load %arg18[%swap3A_525] {strides = array<i32>} : memref<6400xf32, #tpu.memory_space<vmem>>, vector<16xf32>,
      tpu.vector_store %arg18[%swap3A_525], %mul3A_522 {strides = array<i32>} : memref<6400xf32, #tpu.memory_space<vmem>>, vector<16xf32>,
      %mul3A_527 = arith.constant 4 : i32
      %mul3A_528 = arith.muli %scan3A_495, %mul3A_527 : i32
      %add3A_529 = arith.constant 1 : i32
      %add3A_530 = arith.addi %mul3A_528, %add3A_529 : i32
      %mul3A_531 = arith.constant 16 : i32
      %mul3A_532 = arith.muli %add3A_530, %mul3A_531 : i32
      %get3A_533 = arith.index_cast %mul3A_532 : i32 to index
      %get3A_534 = tpu.vector_load %arg13[%get3A_533] {strides = array<i32>} : memref<6400xi32, #tpu.memory_space<vmem>>, vector<16xi32>,
      %mul3A_535 = arith.constant 2 : i32
      %mul3A_536 = vector.broadcast %mul3A_535 : i32 to vector<16xi32>
      %mul3A_537 = arith.muli %get3A_534, %mul3A_536 : vector<16xi32>
      %gather3A_538 = tpu.vector_load_idx %arg14[%mul3A_537] : memref<136xf32, #tpu.memory_space<vmem>>[vector<16xi32>], vector<16xf32>,
      %add3A_539 = arith.constant 1 : i32
      %add3A_540 = vector.broadcast %add3A_539 : i32 to vector<16xi32>
      %add3A_541 = arith.addi %mul3A_537, %add3A_540 : vector<16xi32>
      %gather3A_542 = tpu.vector_load_idx %arg14[%add3A_541] : memref<136xf32, #tpu.memory_space<vmem>>[vector<16xi32>], vector<16xf32>,
      %mul3A_543 = arith.constant 16 : i32
      %mul3A_544 = arith.muli %add3A_530, %mul3A_543 : i32
      %get3A_545 = arith.index_cast %mul3A_544 : i32 to index
      %get3A_546 = tpu.vector_load %arg9[%get3A_545] {strides = array<i32>} : memref<6400xf32, #tpu.memory_space<vmem>>, vector<16xf32>,
      %mul3A_547 = arith.mulf %gather3A_538, %get3A_546 : vector<16xf32>
      %mul3A_548 = arith.constant 16 : i32
      %mul3A_549 = arith.muli %add3A_530, %mul3A_548 : i32
      %swap3A_550 = arith.index_cast %mul3A_549 : i32 to index
      %swap3A_551 = tpu.vector_load %arg16[%swap3A_550] {strides = array<i32>} : memref<6400xf32, #tpu.memory_space<vmem>>, vector<16xf32>,
      tpu.vector_store %arg16[%swap3A_550], %mul3A_547 {strides = array<i32>} : memref<6400xf32, #tpu.memory_space<vmem>>, vector<16xf32>,
      %mul3A_552 = arith.constant 16 : i32
      %mul3A_553 = arith.muli %add3A_530, %mul3A_552 : i32
      %get3A_554 = arith.index_cast %mul3A_553 : i32 to index
      %get3A_555 = tpu.vector_load %arg11[%get3A_554] {strides = array<i32>} : memref<6400xf32, #tpu.memory_space<vmem>>, vector<16xf32>,
      %mul3A_556 = arith.mulf %gather3A_542, %get3A_555 : vector<16xf32>
      %mul3A_557 = arith.constant 16 : i32
      %mul3A_558 = arith.muli %add3A_530, %mul3A_557 : i32
      %swap3A_559 = arith.index_cast %mul3A_558 : i32 to index
      %swap3A_560 = tpu.vector_load %arg18[%swap3A_559] {strides = array<i32>} : memref<6400xf32, #tpu.memory_space<vmem>>, vector<16xf32>,
      tpu.vector_store %arg18[%swap3A_559], %mul3A_556 {strides = array<i32>} : memref<6400xf32, #tpu.memory_space<vmem>>, vector<16xf32>,
      %mul3A_561 = arith.constant 4 : i32
      %mul3A_562 = arith.muli %scan3A_495, %mul3A_561 : i32
      %add3A_563 = arith.constant 2 : i32
      %add3A_564 = arith.addi %mul3A_562, %add3A_563 : i32
      %mul3A_565 = arith.constant 16 : i32
      %mul3A_566 = arith.muli %add3A_564, %mul3A_565 : i32
      %get3A_567 = arith.index_cast %mul3A_566 : i32 to index
      %get3A_568 = tpu.vector_load %arg13[%get3A_567] {strides = array<i32>} : memref<6400xi32, #tpu.memory_space<vmem>>, vector<16xi32>,
      %mul3A_569 = arith.constant 2 : i32
      %mul3A_570 = vector.broadcast %mul3A_569 : i32 to vector<16xi32>
      %mul3A_571 = arith.muli %get3A_568, %mul3A_570 : vector<16xi32>
      %gather3A_572 = tpu.vector_load_idx %arg14[%mul3A_571] : memref<136xf32, #tpu.memory_space<vmem>>[vector<16xi32>], vector<16xf32>,
      %add3A_573 = arith.constant 1 : i32
      %add3A_574 = vector.broadcast %add3A_573 : i32 to vector<16xi32>
      %add3A_575 = arith.addi %mul3A_571, %add3A_574 : vector<16xi32>
      %gather3A_576 = tpu.vector_load_idx %arg14[%add3A_575] : memref<136xf32, #tpu.memory_space<vmem>>[vector<16xi32>], vector<16xf32>,
      %mul3A_577 = arith.constant 16 : i32
      %mul3A_578 = arith.muli %add3A_564, %mul3A_577 : i32
      %get3A_579 = arith.index_cast %mul3A_578 : i32 to index
      %get3A_580 = tpu.vector_load %arg9[%get3A_579] {strides = array<i32>} : memref<6400xf32, #tpu.memory_space<vmem>>, vector<16xf32>,
      %mul3A_581 = arith.mulf %gather3A_572, %get3A_580 : vector<16xf32>
      %mul3A_582 = arith.constant 16 : i32
      %mul3A_583 = arith.muli %add3A_564, %mul3A_582 : i32
      %swap3A_584 = arith.index_cast %mul3A_583 : i32 to index
      %swap3A_585 = tpu.vector_load %arg16[%swap3A_584] {strides = array<i32>} : memref<6400xf32, #tpu.memory_space<vmem>>, vector<16xf32>,
      tpu.vector_store %arg16[%swap3A_584], %mul3A_581 {strides = array<i32>} : memref<6400xf32, #tpu.memory_space<vmem>>, vector<16xf32>,
      %mul3A_586 = arith.constant 16 : i32
      %mul3A_587 = arith.muli %add3A_564, %mul3A_586 : i32
      %get3A_588 = arith.index_cast %mul3A_587 : i32 to index
      %get3A_589 = tpu.vector_load %arg11[%get3A_588] {strides = array<i32>} : memref<6400xf32, #tpu.memory_space<vmem>>, vector<16xf32>,
      %mul3A_590 = arith.mulf %gather3A_576, %get3A_589 : vector<16xf32>
      %mul3A_591 = arith.constant 16 : i32
      %mul3A_592 = arith.muli %add3A_564, %mul3A_591 : i32
      %swap3A_593 = arith.index_cast %mul3A_592 : i32 to index
      %swap3A_594 = tpu.vector_load %arg18[%swap3A_593] {strides = array<i32>} : memref<6400xf32, #tpu.memory_space<vmem>>, vector<16xf32>,
      tpu.vector_store %arg18[%swap3A_593], %mul3A_590 {strides = array<i32>} : memref<6400xf32, #tpu.memory_space<vmem>>, vector<16xf32>,
      %mul3A_595 = arith.constant 4 : i32
      %mul3A_596 = arith.muli %scan3A_495, %mul3A_595 : i32
      %add3A_597 = arith.constant 3 : i32
      %add3A_598 = arith.addi %mul3A_596, %add3A_597 : i32
      %mul3A_599 = arith.constant 16 : i32
      %mul3A_600 = arith.muli %add3A_598, %mul3A_599 : i32
      %get3A_601 = arith.index_cast %mul3A_600 : i32 to index
      %get3A_602 = tpu.vector_load %arg13[%get3A_601] {strides = array<i32>} : memref<6400xi32, #tpu.memory_space<vmem>>, vector<16xi32>,
      %mul3A_603 = arith.constant 2 : i32
      %mul3A_604 = vector.broadcast %mul3A_603 : i32 to vector<16xi32>
      %mul3A_605 = arith.muli %get3A_602, %mul3A_604 : vector<16xi32>
      %gather3A_606 = tpu.vector_load_idx %arg14[%mul3A_605] : memref<136xf32, #tpu.memory_space<vmem>>[vector<16xi32>], vector<16xf32>,
      %add3A_607 = arith.constant 1 : i32
      %add3A_608 = vector.broadcast %add3A_607 : i32 to vector<16xi32>
      %add3A_609 = arith.addi %mul3A_605, %add3A_608 : vector<16xi32>
      %gather3A_610 = tpu.vector_load_idx %arg14[%add3A_609] : memref<136xf32, #tpu.memory_space<vmem>>[vector<16xi32>], vector<16xf32>,
      %mul3A_611 = arith.constant 16 : i32
      %mul3A_612 = arith.muli %add3A_598, %mul3A_611 : i32
      %get3A_613 = arith.index_cast %mul3A_612 : i32 to index
      %get3A_614 = tpu.vector_load %arg9[%get3A_613] {strides = array<i32>} : memref<6400xf32, #tpu.memory_space<vmem>>, vector<16xf32>,
      %mul3A_615 = arith.mulf %gather3A_606, %get3A_614 : vector<16xf32>
      %mul3A_616 = arith.constant 16 : i32
      %mul3A_617 = arith.muli %add3A_598, %mul3A_616 : i32
      %swap3A_618 = arith.index_cast %mul3A_617 : i32 to index
      %swap3A_619 = tpu.vector_load %arg16[%swap3A_618] {strides = array<i32>} : memref<6400xf32, #tpu.memory_space<vmem>>, vector<16xf32>,
      tpu.vector_store %arg16[%swap3A_618], %mul3A_615 {strides = array<i32>} : memref<6400xf32, #tpu.memory_space<vmem>>, vector<16xf32>,
      %mul3A_620 = arith.constant 16 : i32
      %mul3A_621 = arith.muli %add3A_598, %mul3A_620 : i32
      %get3A_622 = arith.index_cast %mul3A_621 : i32 to index
      %get3A_623 = tpu.vector_load %arg11[%get3A_622] {strides = array<i32>} : memref<6400xf32, #tpu.memory_space<vmem>>, vector<16xf32>,
      %mul3A_624 = arith.mulf %gather3A_610, %get3A_623 : vector<16xf32>
      %mul3A_625 = arith.constant 16 : i32
      %mul3A_626 = arith.muli %add3A_598, %mul3A_625 : i32
      %swap3A_627 = arith.index_cast %mul3A_626 : i32 to index
      %swap3A_628 = tpu.vector_load %arg18[%swap3A_627] {strides = array<i32>} : memref<6400xf32, #tpu.memory_space<vmem>>, vector<16xf32>,
      tpu.vector_store %arg18[%swap3A_627], %mul3A_624 {strides = array<i32>} : memref<6400xf32, #tpu.memory_space<vmem>>, vector<16xf32>,
    }
    %scan3A_178 = arith.constant 100 : i32
    %add3A_179 = arith.constant 32000 : i32
    %add3A_180 = arith.addi %mul3A_2, %add3A_179 : i32
    %multiple_of3A_181 = tpu.assume_multiple %add3A_180, 64 : i32
    %dma_start3A_182 = tpu.memref_slice %arg6[%multiple_of3A_181] : memref<3276800xf32, #tpu.memory_space<hbm>> -> memref<6400xf32, #tpu.memory_space<hbm>>
    %dma_start3A_183 = tpu.memref_slice %arg6[%multiple_of3A_181] : memref<3276800xf32, #tpu.memory_space<hbm>> -> memref<6400xf32, #tpu.memory_space<hbm>>
    tpu.enqueue_dma source(%arg16 : memref<6400xf32, #tpu.memory_space<vmem>>) target(%dma_start3A_183 : memref<6400xf32, #tpu.memory_space<hbm>>) target_semaphore(%arg22 : memref<!tpu.dma_semaphore, #tpu.memory_space<semaphore_mem>>)
    %dma_start3A_184 = tpu.memref_slice %arg7[%multiple_of3A_181] : memref<3276800xf32, #tpu.memory_space<hbm>> -> memref<6400xf32, #tpu.memory_space<hbm>>
    %dma_start3A_185 = tpu.memref_slice %arg7[%multiple_of3A_181] : memref<3276800xf32, #tpu.memory_space<hbm>> -> memref<6400xf32, #tpu.memory_space<hbm>>
    tpu.enqueue_dma source(%arg18 : memref<6400xf32, #tpu.memory_space<vmem>>) target(%dma_start3A_185 : memref<6400xf32, #tpu.memory_space<hbm>>) target_semaphore(%arg22 : memref<!tpu.dma_semaphore, #tpu.memory_space<semaphore_mem>>)
    %add3A_186 = arith.constant 44800 : i32
    %add3A_187 = arith.addi %mul3A_2, %add3A_186 : i32
    %multiple_of3A_188 = tpu.assume_multiple %add3A_187, 64 : i32
    %dma_start3A_189 = tpu.memref_slice %arg2[%multiple_of3A_188] : memref<3276800xf32, #tpu.memory_space<hbm>> -> memref<6400xf32, #tpu.memory_space<hbm>>
    %dma_start3A_190 = tpu.memref_slice %arg2[%multiple_of3A_188] : memref<3276800xf32, #tpu.memory_space<hbm>> -> memref<6400xf32, #tpu.memory_space<hbm>>
    tpu.enqueue_dma source(%dma_start3A_190 : memref<6400xf32, #tpu.memory_space<hbm>>) target(%arg9 : memref<6400xf32, #tpu.memory_space<vmem>>) target_semaphore(%arg20 : memref<!tpu.dma_semaphore, #tpu.memory_space<semaphore_mem>>)
    %dma_start3A_191 = tpu.memref_slice %arg3[%multiple_of3A_188] : memref<3276800xf32, #tpu.memory_space<hbm>> -> memref<6400xf32, #tpu.memory_space<hbm>>
    %dma_start3A_192 = tpu.memref_slice %arg3[%multiple_of3A_188] : memref<3276800xf32, #tpu.memory_space<hbm>> -> memref<6400xf32, #tpu.memory_space<hbm>>
    tpu.enqueue_dma source(%dma_start3A_192 : memref<6400xf32, #tpu.memory_space<hbm>>) target(%arg11 : memref<6400xf32, #tpu.memory_space<vmem>>) target_semaphore(%arg20 : memref<!tpu.dma_semaphore, #tpu.memory_space<semaphore_mem>>)
    %dma_start3A_193 = tpu.memref_slice %arg4[%multiple_of3A_188] : memref<3276800xi32, #tpu.memory_space<hbm>> -> memref<6400xi32, #tpu.memory_space<hbm>>
    %dma_start3A_194 = tpu.memref_slice %arg4[%multiple_of3A_188] : memref<3276800xi32, #tpu.memory_space<hbm>> -> memref<6400xi32, #tpu.memory_space<hbm>>
    tpu.enqueue_dma source(%dma_start3A_194 : memref<6400xi32, #tpu.memory_space<hbm>>) target(%arg13 : memref<6400xi32, #tpu.memory_space<vmem>>) target_semaphore(%arg20 : memref<!tpu.dma_semaphore, #tpu.memory_space<semaphore_mem>>)
    %dma_wait3A_195 = tpu.memref_slice %arg2[%multiple_of3A_157] : memref<3276800xf32, #tpu.memory_space<hbm>> -> memref<6400xf32, #tpu.memory_space<hbm>>
    %dma_wait3A_196 = tpu.memref_slice %arg2[%multiple_of3A_157] : memref<3276800xf32, #tpu.memory_space<hbm>> -> memref<6400xf32, #tpu.memory_space<hbm>>
    tpu.wait_dma2 semaphore(%arg19 : memref<!tpu.dma_semaphore, #tpu.memory_space<semaphore_mem>>) src(%dma_wait3A_196 : memref<6400xf32, #tpu.memory_space<hbm>>) dst(%arg8 : memref<6400xf32, #tpu.memory_space<vmem>>)
    %dma_wait3A_197 = tpu.memref_slice %arg3[%multiple_of3A_157] : memref<3276800xf32, #tpu.memory_space<hbm>> -> memref<6400xf32, #tpu.memory_space<hbm>>
    %dma_wait3A_198 = tpu.memref_slice %arg3[%multiple_of3A_157] : memref<3276800xf32, #tpu.memory_space<hbm>> -> memref<6400xf32, #tpu.memory_space<hbm>>
    tpu.wait_dma2 semaphore(%arg19 : memref<!tpu.dma_semaphore, #tpu.memory_space<semaphore_mem>>) src(%dma_wait3A_198 : memref<6400xf32, #tpu.memory_space<hbm>>) dst(%arg10 : memref<6400xf32, #tpu.memory_space<vmem>>)
    %dma_wait3A_199 = tpu.memref_slice %arg4[%multiple_of3A_157] : memref<3276800xi32, #tpu.memory_space<hbm>> -> memref<6400xi32, #tpu.memory_space<hbm>>
    %dma_wait3A_200 = tpu.memref_slice %arg4[%multiple_of3A_157] : memref<3276800xi32, #tpu.memory_space<hbm>> -> memref<6400xi32, #tpu.memory_space<hbm>>
    tpu.wait_dma2 semaphore(%arg19 : memref<!tpu.dma_semaphore, #tpu.memory_space<semaphore_mem>>) src(%dma_wait3A_200 : memref<6400xi32, #tpu.memory_space<hbm>>) dst(%arg12 : memref<6400xi32, #tpu.memory_space<vmem>>)
    %dma_wait3A_201 = tpu.memref_slice %arg6[%multiple_of3A_150] : memref<3276800xf32, #tpu.memory_space<hbm>> -> memref<6400xf32, #tpu.memory_space<hbm>>
    %dma_wait3A_202 = tpu.memref_slice %arg6[%multiple_of3A_150] : memref<3276800xf32, #tpu.memory_space<hbm>> -> memref<6400xf32, #tpu.memory_space<hbm>>
    tpu.wait_dma2 semaphore(%arg21 : memref<!tpu.dma_semaphore, #tpu.memory_space<semaphore_mem>>) src(%arg15 : memref<6400xf32, #tpu.memory_space<vmem>>) dst(%dma_wait3A_202 : memref<6400xf32, #tpu.memory_space<hbm>>)
    %dma_wait3A_203 = tpu.memref_slice %arg7[%multiple_of3A_150] : memref<3276800xf32, #tpu.memory_space<hbm>> -> memref<6400xf32, #tpu.memory_space<hbm>>
    %dma_wait3A_204 = tpu.memref_slice %arg7[%multiple_of3A_150] : memref<3276800xf32, #tpu.memory_space<hbm>> -> memref<6400xf32, #tpu.memory_space<hbm>>
    tpu.wait_dma2 semaphore(%arg21 : memref<!tpu.dma_semaphore, #tpu.memory_space<semaphore_mem>>) src(%arg17 : memref<6400xf32, #tpu.memory_space<vmem>>) dst(%dma_wait3A_204 : memref<6400xf32, #tpu.memory_space<hbm>>)
    %scan3A_205 = arith.constant 0 : i32
    %scan3A_206 = arith.constant 100 : i32
    %scan3A_207 = arith.addi %scan3A_205, %scan3A_206 : i32
    %scan3A_208 = arith.constant 1 : i32
    scf.for %scan3A_495 = %scan3A_205 to %scan3A_207 step %scan3A_208  : i32 {
      %mul3A_496 = arith.constant 4 : i32
      %mul3A_497 = arith.muli %scan3A_495, %mul3A_496 : i32
      %add3A_498 = arith.constant 0 : i32
      %add3A_499 = arith.addi %mul3A_497, %add3A_498 : i32
      %mul3A_500 = arith.constant 16 : i32
      %mul3A_501 = arith.muli %add3A_499, %mul3A_500 : i32
      %get3A = arith.index_cast %mul3A_501 : i32 to index
      %get3A_502 = tpu.vector_load %arg12[%get3A] {strides = array<i32>} : memref<6400xi32, #tpu.memory_space<vmem>>, vector<16xi32>,
      %mul3A_503 = arith.constant 2 : i32
      %mul3A_504 = vector.broadcast %mul3A_503 : i32 to vector<16xi32>
      %mul3A_505 = arith.muli %get3A_502, %mul3A_504 : vector<16xi32>
      %gather3A = tpu.vector_load_idx %arg14[%mul3A_505] : memref<136xf32, #tpu.memory_space<vmem>>[vector<16xi32>], vector<16xf32>,
      %add3A_506 = arith.constant 1 : i32
      %add3A_507 = vector.broadcast %add3A_506 : i32 to vector<16xi32>
      %add3A_508 = arith.addi %mul3A_505, %add3A_507 : vector<16xi32>
      %gather3A_509 = tpu.vector_load_idx %arg14[%add3A_508] : memref<136xf32, #tpu.memory_space<vmem>>[vector<16xi32>], vector<16xf32>,
      %mul3A_510 = arith.constant 16 : i32
      %mul3A_511 = arith.muli %add3A_499, %mul3A_510 : i32
      %get3A_512 = arith.index_cast %mul3A_511 : i32 to index
      %get3A_513 = tpu.vector_load %arg8[%get3A_512] {strides = array<i32>} : memref<6400xf32, #tpu.memory_space<vmem>>, vector<16xf32>,
      %mul3A_514 = arith.mulf %gather3A, %get3A_513 : vector<16xf32>
      %mul3A_515 = arith.constant 16 : i32
      %mul3A_516 = arith.muli %add3A_499, %mul3A_515 : i32
      %swap3A = arith.index_cast %mul3A_516 : i32 to index
      %swap3A_517 = tpu.vector_load %arg15[%swap3A] {strides = array<i32>} : memref<6400xf32, #tpu.memory_space<vmem>>, vector<16xf32>,
      tpu.vector_store %arg15[%swap3A], %mul3A_514 {strides = array<i32>} : memref<6400xf32, #tpu.memory_space<vmem>>, vector<16xf32>,
      %mul3A_518 = arith.constant 16 : i32
      %mul3A_519 = arith.muli %add3A_499, %mul3A_518 : i32
      %get3A_520 = arith.index_cast %mul3A_519 : i32 to index
      %get3A_521 = tpu.vector_load %arg10[%get3A_520] {strides = array<i32>} : memref<6400xf32, #tpu.memory_space<vmem>>, vector<16xf32>,
      %mul3A_522 = arith.mulf %gather3A_509, %get3A_521 : vector<16xf32>
      %mul3A_523 = arith.constant 16 : i32
      %mul3A_524 = arith.muli %add3A_499, %mul3A_523 : i32
      %swap3A_525 = arith.index_cast %mul3A_524 : i32 to index
      %swap3A_526 = tpu.vector_load %arg17[%swap3A_525] {strides = array<i32>} : memref<6400xf32, #tpu.memory_space<vmem>>, vector<16xf32>,
      tpu.vector_store %arg17[%swap3A_525], %mul3A_522 {strides = array<i32>} : memref<6400xf32, #tpu.memory_space<vmem>>, vector<16xf32>,
      %mul3A_527 = arith.constant 4 : i32
      %mul3A_528 = arith.muli %scan3A_495, %mul3A_527 : i32
      %add3A_529 = arith.constant 1 : i32
      %add3A_530 = arith.addi %mul3A_528, %add3A_529 : i32
      %mul3A_531 = arith.constant 16 : i32
      %mul3A_532 = arith.muli %add3A_530, %mul3A_531 : i32
      %get3A_533 = arith.index_cast %mul3A_532 : i32 to index
      %get3A_534 = tpu.vector_load %arg12[%get3A_533] {strides = array<i32>} : memref<6400xi32, #tpu.memory_space<vmem>>, vector<16xi32>,
      %mul3A_535 = arith.constant 2 : i32
      %mul3A_536 = vector.broadcast %mul3A_535 : i32 to vector<16xi32>
      %mul3A_537 = arith.muli %get3A_534, %mul3A_536 : vector<16xi32>
      %gather3A_538 = tpu.vector_load_idx %arg14[%mul3A_537] : memref<136xf32, #tpu.memory_space<vmem>>[vector<16xi32>], vector<16xf32>,
      %add3A_539 = arith.constant 1 : i32
      %add3A_540 = vector.broadcast %add3A_539 : i32 to vector<16xi32>
      %add3A_541 = arith.addi %mul3A_537, %add3A_540 : vector<16xi32>
      %gather3A_542 = tpu.vector_load_idx %arg14[%add3A_541] : memref<136xf32, #tpu.memory_space<vmem>>[vector<16xi32>], vector<16xf32>,
      %mul3A_543 = arith.constant 16 : i32
      %mul3A_544 = arith.muli %add3A_530, %mul3A_543 : i32
      %get3A_545 = arith.index_cast %mul3A_544 : i32 to index
      %get3A_546 = tpu.vector_load %arg8[%get3A_545] {strides = array<i32>} : memref<6400xf32, #tpu.memory_space<vmem>>, vector<16xf32>,
      %mul3A_547 = arith.mulf %gather3A_538, %get3A_546 : vector<16xf32>
      %mul3A_548 = arith.constant 16 : i32
      %mul3A_549 = arith.muli %add3A_530, %mul3A_548 : i32
      %swap3A_550 = arith.index_cast %mul3A_549 : i32 to index
      %swap3A_551 = tpu.vector_load %arg15[%swap3A_550] {strides = array<i32>} : memref<6400xf32, #tpu.memory_space<vmem>>, vector<16xf32>,
      tpu.vector_store %arg15[%swap3A_550], %mul3A_547 {strides = array<i32>} : memref<6400xf32, #tpu.memory_space<vmem>>, vector<16xf32>,
      %mul3A_552 = arith.constant 16 : i32
      %mul3A_553 = arith.muli %add3A_530, %mul3A_552 : i32
      %get3A_554 = arith.index_cast %mul3A_553 : i32 to index
      %get3A_555 = tpu.vector_load %arg10[%get3A_554] {strides = array<i32>} : memref<6400xf32, #tpu.memory_space<vmem>>, vector<16xf32>,
      %mul3A_556 = arith.mulf %gather3A_542, %get3A_555 : vector<16xf32>
      %mul3A_557 = arith.constant 16 : i32
      %mul3A_558 = arith.muli %add3A_530, %mul3A_557 : i32
      %swap3A_559 = arith.index_cast %mul3A_558 : i32 to index
      %swap3A_560 = tpu.vector_load %arg17[%swap3A_559] {strides = array<i32>} : memref<6400xf32, #tpu.memory_space<vmem>>, vector<16xf32>,
      tpu.vector_store %arg17[%swap3A_559], %mul3A_556 {strides = array<i32>} : memref<6400xf32, #tpu.memory_space<vmem>>, vector<16xf32>,
      %mul3A_561 = arith.constant 4 : i32
      %mul3A_562 = arith.muli %scan3A_495, %mul3A_561 : i32
      %add3A_563 = arith.constant 2 : i32
      %add3A_564 = arith.addi %mul3A_562, %add3A_563 : i32
      %mul3A_565 = arith.constant 16 : i32
      %mul3A_566 = arith.muli %add3A_564, %mul3A_565 : i32
      %get3A_567 = arith.index_cast %mul3A_566 : i32 to index
      %get3A_568 = tpu.vector_load %arg12[%get3A_567] {strides = array<i32>} : memref<6400xi32, #tpu.memory_space<vmem>>, vector<16xi32>,
      %mul3A_569 = arith.constant 2 : i32
      %mul3A_570 = vector.broadcast %mul3A_569 : i32 to vector<16xi32>
      %mul3A_571 = arith.muli %get3A_568, %mul3A_570 : vector<16xi32>
      %gather3A_572 = tpu.vector_load_idx %arg14[%mul3A_571] : memref<136xf32, #tpu.memory_space<vmem>>[vector<16xi32>], vector<16xf32>,
      %add3A_573 = arith.constant 1 : i32
      %add3A_574 = vector.broadcast %add3A_573 : i32 to vector<16xi32>
      %add3A_575 = arith.addi %mul3A_571, %add3A_574 : vector<16xi32>
      %gather3A_576 = tpu.vector_load_idx %arg14[%add3A_575] : memref<136xf32, #tpu.memory_space<vmem>>[vector<16xi32>], vector<16xf32>,
      %mul3A_577 = arith.constant 16 : i32
      %mul3A_578 = arith.muli %add3A_564, %mul3A_577 : i32
      %get3A_579 = arith.index_cast %mul3A_578 : i32 to index
      %get3A_580 = tpu.vector_load %arg8[%get3A_579] {strides = array<i32>} : memref<6400xf32, #tpu.memory_space<vmem>>, vector<16xf32>,
      %mul3A_581 = arith.mulf %gather3A_572, %get3A_580 : vector<16xf32>
      %mul3A_582 = arith.constant 16 : i32
      %mul3A_583 = arith.muli %add3A_564, %mul3A_582 : i32
      %swap3A_584 = arith.index_cast %mul3A_583 : i32 to index
      %swap3A_585 = tpu.vector_load %arg15[%swap3A_584] {strides = array<i32>} : memref<6400xf32, #tpu.memory_space<vmem>>, vector<16xf32>,
      tpu.vector_store %arg15[%swap3A_584], %mul3A_581 {strides = array<i32>} : memref<6400xf32, #tpu.memory_space<vmem>>, vector<16xf32>,
      %mul3A_586 = arith.constant 16 : i32
      %mul3A_587 = arith.muli %add3A_564, %mul3A_586 : i32
      %get3A_588 = arith.index_cast %mul3A_587 : i32 to index
      %get3A_589 = tpu.vector_load %arg10[%get3A_588] {strides = array<i32>} : memref<6400xf32, #tpu.memory_space<vmem>>, vector<16xf32>,
      %mul3A_590 = arith.mulf %gather3A_576, %get3A_589 : vector<16xf32>
      %mul3A_591 = arith.constant 16 : i32
      %mul3A_592 = arith.muli %add3A_564, %mul3A_591 : i32
      %swap3A_593 = arith.index_cast %mul3A_592 : i32 to index
      %swap3A_594 = tpu.vector_load %arg17[%swap3A_593] {strides = array<i32>} : memref<6400xf32, #tpu.memory_space<vmem>>, vector<16xf32>,
      tpu.vector_store %arg17[%swap3A_593], %mul3A_590 {strides = array<i32>} : memref<6400xf32, #tpu.memory_space<vmem>>, vector<16xf32>,
      %mul3A_595 = arith.constant 4 : i32
      %mul3A_596 = arith.muli %scan3A_495, %mul3A_595 : i32
      %add3A_597 = arith.constant 3 : i32
      %add3A_598 = arith.addi %mul3A_596, %add3A_597 : i32
      %mul3A_599 = arith.constant 16 : i32
      %mul3A_600 = arith.muli %add3A_598, %mul3A_599 : i32
      %get3A_601 = arith.index_cast %mul3A_600 : i32 to index
      %get3A_602 = tpu.vector_load %arg12[%get3A_601] {strides = array<i32>} : memref<6400xi32, #tpu.memory_space<vmem>>, vector<16xi32>,
      %mul3A_603 = arith.constant 2 : i32
      %mul3A_604 = vector.broadcast %mul3A_603 : i32 to vector<16xi32>
      %mul3A_605 = arith.muli %get3A_602, %mul3A_604 : vector<16xi32>
      %gather3A_606 = tpu.vector_load_idx %arg14[%mul3A_605] : memref<136xf32, #tpu.memory_space<vmem>>[vector<16xi32>], vector<16xf32>,
      %add3A_607 = arith.constant 1 : i32
      %add3A_608 = vector.broadcast %add3A_607 : i32 to vector<16xi32>
      %add3A_609 = arith.addi %mul3A_605, %add3A_608 : vector<16xi32>
      %gather3A_610 = tpu.vector_load_idx %arg14[%add3A_609] : memref<136xf32, #tpu.memory_space<vmem>>[vector<16xi32>], vector<16xf32>,
      %mul3A_611 = arith.constant 16 : i32
      %mul3A_612 = arith.muli %add3A_598, %mul3A_611 : i32
      %get3A_613 = arith.index_cast %mul3A_612 : i32 to index
      %get3A_614 = tpu.vector_load %arg8[%get3A_613] {strides = array<i32>} : memref<6400xf32, #tpu.memory_space<vmem>>, vector<16xf32>,
      %mul3A_615 = arith.mulf %gather3A_606, %get3A_614 : vector<16xf32>
      %mul3A_616 = arith.constant 16 : i32
      %mul3A_617 = arith.muli %add3A_598, %mul3A_616 : i32
      %swap3A_618 = arith.index_cast %mul3A_617 : i32 to index
      %swap3A_619 = tpu.vector_load %arg15[%swap3A_618] {strides = array<i32>} : memref<6400xf32, #tpu.memory_space<vmem>>, vector<16xf32>,
      tpu.vector_store %arg15[%swap3A_618], %mul3A_615 {strides = array<i32>} : memref<6400xf32, #tpu.memory_space<vmem>>, vector<16xf32>,
      %mul3A_620 = arith.constant 16 : i32
      %mul3A_621 = arith.muli %add3A_598, %mul3A_620 : i32
      %get3A_622 = arith.index_cast %mul3A_621 : i32 to index
      %get3A_623 = tpu.vector_load %arg10[%get3A_622] {strides = array<i32>} : memref<6400xf32, #tpu.memory_space<vmem>>, vector<16xf32>,
      %mul3A_624 = arith.mulf %gather3A_610, %get3A_623 : vector<16xf32>
      %mul3A_625 = arith.constant 16 : i32
      %mul3A_626 = arith.muli %add3A_598, %mul3A_625 : i32
      %swap3A_627 = arith.index_cast %mul3A_626 : i32 to index
      %swap3A_628 = tpu.vector_load %arg17[%swap3A_627] {strides = array<i32>} : memref<6400xf32, #tpu.memory_space<vmem>>, vector<16xf32>,
      tpu.vector_store %arg17[%swap3A_627], %mul3A_624 {strides = array<i32>} : memref<6400xf32, #tpu.memory_space<vmem>>, vector<16xf32>,
    }
    %scan3A_209 = arith.constant 100 : i32
    %add3A_210 = arith.constant 38400 : i32
    %add3A_211 = arith.addi %mul3A_2, %add3A_210 : i32
    %multiple_of3A_212 = tpu.assume_multiple %add3A_211, 64 : i32
    %dma_start3A_213 = tpu.memref_slice %arg6[%multiple_of3A_212] : memref<3276800xf32, #tpu.memory_space<hbm>> -> memref<6400xf32, #tpu.memory_space<hbm>>
    %dma_start3A_214 = tpu.memref_slice %arg6[%multiple_of3A_212] : memref<3276800xf32, #tpu.memory_space<hbm>> -> memref<6400xf32, #tpu.memory_space<hbm>>
    tpu.enqueue_dma source(%arg15 : memref<6400xf32, #tpu.memory_space<vmem>>) target(%dma_start3A_214 : memref<6400xf32, #tpu.memory_space<hbm>>) target_semaphore(%arg21 : memref<!tpu.dma_semaphore, #tpu.memory_space<semaphore_mem>>)
    %dma_start3A_215 = tpu.memref_slice %arg7[%multiple_of3A_212] : memref<3276800xf32, #tpu.memory_space<hbm>> -> memref<6400xf32, #tpu.memory_space<hbm>>
    %dma_start3A_216 = tpu.memref_slice %arg7[%multiple_of3A_212] : memref<3276800xf32, #tpu.memory_space<hbm>> -> memref<6400xf32, #tpu.memory_space<hbm>>
    tpu.enqueue_dma source(%arg17 : memref<6400xf32, #tpu.memory_space<vmem>>) target(%dma_start3A_216 : memref<6400xf32, #tpu.memory_space<hbm>>) target_semaphore(%arg21 : memref<!tpu.dma_semaphore, #tpu.memory_space<semaphore_mem>>)
    %add3A_217 = arith.constant 51200 : i32
    %add3A_218 = arith.addi %mul3A_2, %add3A_217 : i32
    %multiple_of3A_219 = tpu.assume_multiple %add3A_218, 64 : i32
    %dma_start3A_220 = tpu.memref_slice %arg2[%multiple_of3A_219] : memref<3276800xf32, #tpu.memory_space<hbm>> -> memref<6400xf32, #tpu.memory_space<hbm>>
    %dma_start3A_221 = tpu.memref_slice %arg2[%multiple_of3A_219] : memref<3276800xf32, #tpu.memory_space<hbm>> -> memref<6400xf32, #tpu.memory_space<hbm>>
    tpu.enqueue_dma source(%dma_start3A_221 : memref<6400xf32, #tpu.memory_space<hbm>>) target(%arg8 : memref<6400xf32, #tpu.memory_space<vmem>>) target_semaphore(%arg19 : memref<!tpu.dma_semaphore, #tpu.memory_space<semaphore_mem>>)
    %dma_start3A_222 = tpu.memref_slice %arg3[%multiple_of3A_219] : memref<3276800xf32, #tpu.memory_space<hbm>> -> memref<6400xf32, #tpu.memory_space<hbm>>
    %dma_start3A_223 = tpu.memref_slice %arg3[%multiple_of3A_219] : memref<3276800xf32, #tpu.memory_space<hbm>> -> memref<6400xf32, #tpu.memory_space<hbm>>
    tpu.enqueue_dma source(%dma_start3A_223 : memref<6400xf32, #tpu.memory_space<hbm>>) target(%arg10 : memref<6400xf32, #tpu.memory_space<vmem>>) target_semaphore(%arg19 : memref<!tpu.dma_semaphore, #tpu.memory_space<semaphore_mem>>)
    %dma_start3A_224 = tpu.memref_slice %arg4[%multiple_of3A_219] : memref<3276800xi32, #tpu.memory_space<hbm>> -> memref<6400xi32, #tpu.memory_space<hbm>>
    %dma_start3A_225 = tpu.memref_slice %arg4[%multiple_of3A_219] : memref<3276800xi32, #tpu.memory_space<hbm>> -> memref<6400xi32, #tpu.memory_space<hbm>>
    tpu.enqueue_dma source(%dma_start3A_225 : memref<6400xi32, #tpu.memory_space<hbm>>) target(%arg12 : memref<6400xi32, #tpu.memory_space<vmem>>) target_semaphore(%arg19 : memref<!tpu.dma_semaphore, #tpu.memory_space<semaphore_mem>>)
    %dma_wait3A_226 = tpu.memref_slice %arg2[%multiple_of3A_188] : memref<3276800xf32, #tpu.memory_space<hbm>> -> memref<6400xf32, #tpu.memory_space<hbm>>
    %dma_wait3A_227 = tpu.memref_slice %arg2[%multiple_of3A_188] : memref<3276800xf32, #tpu.memory_space<hbm>> -> memref<6400xf32, #tpu.memory_space<hbm>>
    tpu.wait_dma2 semaphore(%arg20 : memref<!tpu.dma_semaphore, #tpu.memory_space<semaphore_mem>>) src(%dma_wait3A_227 : memref<6400xf32, #tpu.memory_space<hbm>>) dst(%arg9 : memref<6400xf32, #tpu.memory_space<vmem>>)
    %dma_wait3A_228 = tpu.memref_slice %arg3[%multiple_of3A_188] : memref<3276800xf32, #tpu.memory_space<hbm>> -> memref<6400xf32, #tpu.memory_space<hbm>>
    %dma_wait3A_229 = tpu.memref_slice %arg3[%multiple_of3A_188] : memref<3276800xf32, #tpu.memory_space<hbm>> -> memref<6400xf32, #tpu.memory_space<hbm>>
    tpu.wait_dma2 semaphore(%arg20 : memref<!tpu.dma_semaphore, #tpu.memory_space<semaphore_mem>>) src(%dma_wait3A_229 : memref<6400xf32, #tpu.memory_space<hbm>>) dst(%arg11 : memref<6400xf32, #tpu.memory_space<vmem>>)
    %dma_wait3A_230 = tpu.memref_slice %arg4[%multiple_of3A_188] : memref<3276800xi32, #tpu.memory_space<hbm>> -> memref<6400xi32, #tpu.memory_space<hbm>>
    %dma_wait3A_231 = tpu.memref_slice %arg4[%multiple_of3A_188] : memref<3276800xi32, #tpu.memory_space<hbm>> -> memref<6400xi32, #tpu.memory_space<hbm>>
    tpu.wait_dma2 semaphore(%arg20 : memref<!tpu.dma_semaphore, #tpu.memory_space<semaphore_mem>>) src(%dma_wait3A_231 : memref<6400xi32, #tpu.memory_space<hbm>>) dst(%arg13 : memref<6400xi32, #tpu.memory_space<vmem>>)
    %dma_wait3A_232 = tpu.memref_slice %arg6[%multiple_of3A_181] : memref<3276800xf32, #tpu.memory_space<hbm>> -> memref<6400xf32, #tpu.memory_space<hbm>>
    %dma_wait3A_233 = tpu.memref_slice %arg6[%multiple_of3A_181] : memref<3276800xf32, #tpu.memory_space<hbm>> -> memref<6400xf32, #tpu.memory_space<hbm>>
    tpu.wait_dma2 semaphore(%arg22 : memref<!tpu.dma_semaphore, #tpu.memory_space<semaphore_mem>>) src(%arg16 : memref<6400xf32, #tpu.memory_space<vmem>>) dst(%dma_wait3A_233 : memref<6400xf32, #tpu.memory_space<hbm>>)
    %dma_wait3A_234 = tpu.memref_slice %arg7[%multiple_of3A_181] : memref<3276800xf32, #tpu.memory_space<hbm>> -> memref<6400xf32, #tpu.memory_space<hbm>>
    %dma_wait3A_235 = tpu.memref_slice %arg7[%multiple_of3A_181] : memref<3276800xf32, #tpu.memory_space<hbm>> -> memref<6400xf32, #tpu.memory_space<hbm>>
    tpu.wait_dma2 semaphore(%arg22 : memref<!tpu.dma_semaphore, #tpu.memory_space<semaphore_mem>>) src(%arg18 : memref<6400xf32, #tpu.memory_space<vmem>>) dst(%dma_wait3A_235 : memref<6400xf32, #tpu.memory_space<hbm>>)
    %scan3A_236 = arith.constant 0 : i32
    %scan3A_237 = arith.constant 100 : i32
    %scan3A_238 = arith.addi %scan3A_236, %scan3A_237 : i32
    %scan3A_239 = arith.constant 1 : i32
    scf.for %scan3A_495 = %scan3A_236 to %scan3A_238 step %scan3A_239  : i32 {
      %mul3A_496 = arith.constant 4 : i32
      %mul3A_497 = arith.muli %scan3A_495, %mul3A_496 : i32
      %add3A_498 = arith.constant 0 : i32
      %add3A_499 = arith.addi %mul3A_497, %add3A_498 : i32
      %mul3A_500 = arith.constant 16 : i32
      %mul3A_501 = arith.muli %add3A_499, %mul3A_500 : i32
      %get3A = arith.index_cast %mul3A_501 : i32 to index
      %get3A_502 = tpu.vector_load %arg13[%get3A] {strides = array<i32>} : memref<6400xi32, #tpu.memory_space<vmem>>, vector<16xi32>,
      %mul3A_503 = arith.constant 2 : i32
      %mul3A_504 = vector.broadcast %mul3A_503 : i32 to vector<16xi32>
      %mul3A_505 = arith.muli %get3A_502, %mul3A_504 : vector<16xi32>
      %gather3A = tpu.vector_load_idx %arg14[%mul3A_505] : memref<136xf32, #tpu.memory_space<vmem>>[vector<16xi32>], vector<16xf32>,
      %add3A_506 = arith.constant 1 : i32
      %add3A_507 = vector.broadcast %add3A_506 : i32 to vector<16xi32>
      %add3A_508 = arith.addi %mul3A_505, %add3A_507 : vector<16xi32>
      %gather3A_509 = tpu.vector_load_idx %arg14[%add3A_508] : memref<136xf32, #tpu.memory_space<vmem>>[vector<16xi32>], vector<16xf32>,
      %mul3A_510 = arith.constant 16 : i32
      %mul3A_511 = arith.muli %add3A_499, %mul3A_510 : i32
      %get3A_512 = arith.index_cast %mul3A_511 : i32 to index
      %get3A_513 = tpu.vector_load %arg9[%get3A_512] {strides = array<i32>} : memref<6400xf32, #tpu.memory_space<vmem>>, vector<16xf32>,
      %mul3A_514 = arith.mulf %gather3A, %get3A_513 : vector<16xf32>
      %mul3A_515 = arith.constant 16 : i32
      %mul3A_516 = arith.muli %add3A_499, %mul3A_515 : i32
      %swap3A = arith.index_cast %mul3A_516 : i32 to index
      %swap3A_517 = tpu.vector_load %arg16[%swap3A] {strides = array<i32>} : memref<6400xf32, #tpu.memory_space<vmem>>, vector<16xf32>,
      tpu.vector_store %arg16[%swap3A], %mul3A_514 {strides = array<i32>} : memref<6400xf32, #tpu.memory_space<vmem>>, vector<16xf32>,
      %mul3A_518 = arith.constant 16 : i32
      %mul3A_519 = arith.muli %add3A_499, %mul3A_518 : i32
      %get3A_520 = arith.index_cast %mul3A_519 : i32 to index
      %get3A_521 = tpu.vector_load %arg11[%get3A_520] {strides = array<i32>} : memref<6400xf32, #tpu.memory_space<vmem>>, vector<16xf32>,
      %mul3A_522 = arith.mulf %gather3A_509, %get3A_521 : vector<16xf32>
      %mul3A_523 = arith.constant 16 : i32
      %mul3A_524 = arith.muli %add3A_499, %mul3A_523 : i32
      %swap3A_525 = arith.index_cast %mul3A_524 : i32 to index
      %swap3A_526 = tpu.vector_load %arg18[%swap3A_525] {strides = array<i32>} : memref<6400xf32, #tpu.memory_space<vmem>>, vector<16xf32>,
      tpu.vector_store %arg18[%swap3A_525], %mul3A_522 {strides = array<i32>} : memref<6400xf32, #tpu.memory_space<vmem>>, vector<16xf32>,
      %mul3A_527 = arith.constant 4 : i32
      %mul3A_528 = arith.muli %scan3A_495, %mul3A_527 : i32
      %add3A_529 = arith.constant 1 : i32
      %add3A_530 = arith.addi %mul3A_528, %add3A_529 : i32
      %mul3A_531 = arith.constant 16 : i32
      %mul3A_532 = arith.muli %add3A_530, %mul3A_531 : i32
      %get3A_533 = arith.index_cast %mul3A_532 : i32 to index
      %get3A_534 = tpu.vector_load %arg13[%get3A_533] {strides = array<i32>} : memref<6400xi32, #tpu.memory_space<vmem>>, vector<16xi32>,
      %mul3A_535 = arith.constant 2 : i32
      %mul3A_536 = vector.broadcast %mul3A_535 : i32 to vector<16xi32>
      %mul3A_537 = arith.muli %get3A_534, %mul3A_536 : vector<16xi32>
      %gather3A_538 = tpu.vector_load_idx %arg14[%mul3A_537] : memref<136xf32, #tpu.memory_space<vmem>>[vector<16xi32>], vector<16xf32>,
      %add3A_539 = arith.constant 1 : i32
      %add3A_540 = vector.broadcast %add3A_539 : i32 to vector<16xi32>
      %add3A_541 = arith.addi %mul3A_537, %add3A_540 : vector<16xi32>
      %gather3A_542 = tpu.vector_load_idx %arg14[%add3A_541] : memref<136xf32, #tpu.memory_space<vmem>>[vector<16xi32>], vector<16xf32>,
      %mul3A_543 = arith.constant 16 : i32
      %mul3A_544 = arith.muli %add3A_530, %mul3A_543 : i32
      %get3A_545 = arith.index_cast %mul3A_544 : i32 to index
      %get3A_546 = tpu.vector_load %arg9[%get3A_545] {strides = array<i32>} : memref<6400xf32, #tpu.memory_space<vmem>>, vector<16xf32>,
      %mul3A_547 = arith.mulf %gather3A_538, %get3A_546 : vector<16xf32>
      %mul3A_548 = arith.constant 16 : i32
      %mul3A_549 = arith.muli %add3A_530, %mul3A_548 : i32
      %swap3A_550 = arith.index_cast %mul3A_549 : i32 to index
      %swap3A_551 = tpu.vector_load %arg16[%swap3A_550] {strides = array<i32>} : memref<6400xf32, #tpu.memory_space<vmem>>, vector<16xf32>,
      tpu.vector_store %arg16[%swap3A_550], %mul3A_547 {strides = array<i32>} : memref<6400xf32, #tpu.memory_space<vmem>>, vector<16xf32>,
      %mul3A_552 = arith.constant 16 : i32
      %mul3A_553 = arith.muli %add3A_530, %mul3A_552 : i32
      %get3A_554 = arith.index_cast %mul3A_553 : i32 to index
      %get3A_555 = tpu.vector_load %arg11[%get3A_554] {strides = array<i32>} : memref<6400xf32, #tpu.memory_space<vmem>>, vector<16xf32>,
      %mul3A_556 = arith.mulf %gather3A_542, %get3A_555 : vector<16xf32>
      %mul3A_557 = arith.constant 16 : i32
      %mul3A_558 = arith.muli %add3A_530, %mul3A_557 : i32
      %swap3A_559 = arith.index_cast %mul3A_558 : i32 to index
      %swap3A_560 = tpu.vector_load %arg18[%swap3A_559] {strides = array<i32>} : memref<6400xf32, #tpu.memory_space<vmem>>, vector<16xf32>,
      tpu.vector_store %arg18[%swap3A_559], %mul3A_556 {strides = array<i32>} : memref<6400xf32, #tpu.memory_space<vmem>>, vector<16xf32>,
      %mul3A_561 = arith.constant 4 : i32
      %mul3A_562 = arith.muli %scan3A_495, %mul3A_561 : i32
      %add3A_563 = arith.constant 2 : i32
      %add3A_564 = arith.addi %mul3A_562, %add3A_563 : i32
      %mul3A_565 = arith.constant 16 : i32
      %mul3A_566 = arith.muli %add3A_564, %mul3A_565 : i32
      %get3A_567 = arith.index_cast %mul3A_566 : i32 to index
      %get3A_568 = tpu.vector_load %arg13[%get3A_567] {strides = array<i32>} : memref<6400xi32, #tpu.memory_space<vmem>>, vector<16xi32>,
      %mul3A_569 = arith.constant 2 : i32
      %mul3A_570 = vector.broadcast %mul3A_569 : i32 to vector<16xi32>
      %mul3A_571 = arith.muli %get3A_568, %mul3A_570 : vector<16xi32>
      %gather3A_572 = tpu.vector_load_idx %arg14[%mul3A_571] : memref<136xf32, #tpu.memory_space<vmem>>[vector<16xi32>], vector<16xf32>,
      %add3A_573 = arith.constant 1 : i32
      %add3A_574 = vector.broadcast %add3A_573 : i32 to vector<16xi32>
      %add3A_575 = arith.addi %mul3A_571, %add3A_574 : vector<16xi32>
      %gather3A_576 = tpu.vector_load_idx %arg14[%add3A_575] : memref<136xf32, #tpu.memory_space<vmem>>[vector<16xi32>], vector<16xf32>,
      %mul3A_577 = arith.constant 16 : i32
      %mul3A_578 = arith.muli %add3A_564, %mul3A_577 : i32
      %get3A_579 = arith.index_cast %mul3A_578 : i32 to index
      %get3A_580 = tpu.vector_load %arg9[%get3A_579] {strides = array<i32>} : memref<6400xf32, #tpu.memory_space<vmem>>, vector<16xf32>,
      %mul3A_581 = arith.mulf %gather3A_572, %get3A_580 : vector<16xf32>
      %mul3A_582 = arith.constant 16 : i32
      %mul3A_583 = arith.muli %add3A_564, %mul3A_582 : i32
      %swap3A_584 = arith.index_cast %mul3A_583 : i32 to index
      %swap3A_585 = tpu.vector_load %arg16[%swap3A_584] {strides = array<i32>} : memref<6400xf32, #tpu.memory_space<vmem>>, vector<16xf32>,
      tpu.vector_store %arg16[%swap3A_584], %mul3A_581 {strides = array<i32>} : memref<6400xf32, #tpu.memory_space<vmem>>, vector<16xf32>,
      %mul3A_586 = arith.constant 16 : i32
      %mul3A_587 = arith.muli %add3A_564, %mul3A_586 : i32
      %get3A_588 = arith.index_cast %mul3A_587 : i32 to index
      %get3A_589 = tpu.vector_load %arg11[%get3A_588] {strides = array<i32>} : memref<6400xf32, #tpu.memory_space<vmem>>, vector<16xf32>,
      %mul3A_590 = arith.mulf %gather3A_576, %get3A_589 : vector<16xf32>
      %mul3A_591 = arith.constant 16 : i32
      %mul3A_592 = arith.muli %add3A_564, %mul3A_591 : i32
      %swap3A_593 = arith.index_cast %mul3A_592 : i32 to index
      %swap3A_594 = tpu.vector_load %arg18[%swap3A_593] {strides = array<i32>} : memref<6400xf32, #tpu.memory_space<vmem>>, vector<16xf32>,
      tpu.vector_store %arg18[%swap3A_593], %mul3A_590 {strides = array<i32>} : memref<6400xf32, #tpu.memory_space<vmem>>, vector<16xf32>,
      %mul3A_595 = arith.constant 4 : i32
      %mul3A_596 = arith.muli %scan3A_495, %mul3A_595 : i32
      %add3A_597 = arith.constant 3 : i32
      %add3A_598 = arith.addi %mul3A_596, %add3A_597 : i32
      %mul3A_599 = arith.constant 16 : i32
      %mul3A_600 = arith.muli %add3A_598, %mul3A_599 : i32
      %get3A_601 = arith.index_cast %mul3A_600 : i32 to index
      %get3A_602 = tpu.vector_load %arg13[%get3A_601] {strides = array<i32>} : memref<6400xi32, #tpu.memory_space<vmem>>, vector<16xi32>,
      %mul3A_603 = arith.constant 2 : i32
      %mul3A_604 = vector.broadcast %mul3A_603 : i32 to vector<16xi32>
      %mul3A_605 = arith.muli %get3A_602, %mul3A_604 : vector<16xi32>
      %gather3A_606 = tpu.vector_load_idx %arg14[%mul3A_605] : memref<136xf32, #tpu.memory_space<vmem>>[vector<16xi32>], vector<16xf32>,
      %add3A_607 = arith.constant 1 : i32
      %add3A_608 = vector.broadcast %add3A_607 : i32 to vector<16xi32>
      %add3A_609 = arith.addi %mul3A_605, %add3A_608 : vector<16xi32>
      %gather3A_610 = tpu.vector_load_idx %arg14[%add3A_609] : memref<136xf32, #tpu.memory_space<vmem>>[vector<16xi32>], vector<16xf32>,
      %mul3A_611 = arith.constant 16 : i32
      %mul3A_612 = arith.muli %add3A_598, %mul3A_611 : i32
      %get3A_613 = arith.index_cast %mul3A_612 : i32 to index
      %get3A_614 = tpu.vector_load %arg9[%get3A_613] {strides = array<i32>} : memref<6400xf32, #tpu.memory_space<vmem>>, vector<16xf32>,
      %mul3A_615 = arith.mulf %gather3A_606, %get3A_614 : vector<16xf32>
      %mul3A_616 = arith.constant 16 : i32
      %mul3A_617 = arith.muli %add3A_598, %mul3A_616 : i32
      %swap3A_618 = arith.index_cast %mul3A_617 : i32 to index
      %swap3A_619 = tpu.vector_load %arg16[%swap3A_618] {strides = array<i32>} : memref<6400xf32, #tpu.memory_space<vmem>>, vector<16xf32>,
      tpu.vector_store %arg16[%swap3A_618], %mul3A_615 {strides = array<i32>} : memref<6400xf32, #tpu.memory_space<vmem>>, vector<16xf32>,
      %mul3A_620 = arith.constant 16 : i32
      %mul3A_621 = arith.muli %add3A_598, %mul3A_620 : i32
      %get3A_622 = arith.index_cast %mul3A_621 : i32 to index
      %get3A_623 = tpu.vector_load %arg11[%get3A_622] {strides = array<i32>} : memref<6400xf32, #tpu.memory_space<vmem>>, vector<16xf32>,
      %mul3A_624 = arith.mulf %gather3A_610, %get3A_623 : vector<16xf32>
      %mul3A_625 = arith.constant 16 : i32
      %mul3A_626 = arith.muli %add3A_598, %mul3A_625 : i32
      %swap3A_627 = arith.index_cast %mul3A_626 : i32 to index
      %swap3A_628 = tpu.vector_load %arg18[%swap3A_627] {strides = array<i32>} : memref<6400xf32, #tpu.memory_space<vmem>>, vector<16xf32>,
      tpu.vector_store %arg18[%swap3A_627], %mul3A_624 {strides = array<i32>} : memref<6400xf32, #tpu.memory_space<vmem>>, vector<16xf32>,
    }
    %scan3A_240 = arith.constant 100 : i32
    %add3A_241 = arith.constant 44800 : i32
    %add3A_242 = arith.addi %mul3A_2, %add3A_241 : i32
    %multiple_of3A_243 = tpu.assume_multiple %add3A_242, 64 : i32
    %dma_start3A_244 = tpu.memref_slice %arg6[%multiple_of3A_243] : memref<3276800xf32, #tpu.memory_space<hbm>> -> memref<6400xf32, #tpu.memory_space<hbm>>
    %dma_start3A_245 = tpu.memref_slice %arg6[%multiple_of3A_243] : memref<3276800xf32, #tpu.memory_space<hbm>> -> memref<6400xf32, #tpu.memory_space<hbm>>
    tpu.enqueue_dma source(%arg16 : memref<6400xf32, #tpu.memory_space<vmem>>) target(%dma_start3A_245 : memref<6400xf32, #tpu.memory_space<hbm>>) target_semaphore(%arg22 : memref<!tpu.dma_semaphore, #tpu.memory_space<semaphore_mem>>)
    %dma_start3A_246 = tpu.memref_slice %arg7[%multiple_of3A_243] : memref<3276800xf32, #tpu.memory_space<hbm>> -> memref<6400xf32, #tpu.memory_space<hbm>>
    %dma_start3A_247 = tpu.memref_slice %arg7[%multiple_of3A_243] : memref<3276800xf32, #tpu.memory_space<hbm>> -> memref<6400xf32, #tpu.memory_space<hbm>>
    tpu.enqueue_dma source(%arg18 : memref<6400xf32, #tpu.memory_space<vmem>>) target(%dma_start3A_247 : memref<6400xf32, #tpu.memory_space<hbm>>) target_semaphore(%arg22 : memref<!tpu.dma_semaphore, #tpu.memory_space<semaphore_mem>>)
    %add3A_248 = arith.constant 57600 : i32
    %add3A_249 = arith.addi %mul3A_2, %add3A_248 : i32
    %multiple_of3A_250 = tpu.assume_multiple %add3A_249, 64 : i32
    %dma_start3A_251 = tpu.memref_slice %arg2[%multiple_of3A_250] : memref<3276800xf32, #tpu.memory_space<hbm>> -> memref<6400xf32, #tpu.memory_space<hbm>>
    %dma_start3A_252 = tpu.memref_slice %arg2[%multiple_of3A_250] : memref<3276800xf32, #tpu.memory_space<hbm>> -> memref<6400xf32, #tpu.memory_space<hbm>>
    tpu.enqueue_dma source(%dma_start3A_252 : memref<6400xf32, #tpu.memory_space<hbm>>) target(%arg9 : memref<6400xf32, #tpu.memory_space<vmem>>) target_semaphore(%arg20 : memref<!tpu.dma_semaphore, #tpu.memory_space<semaphore_mem>>)
    %dma_start3A_253 = tpu.memref_slice %arg3[%multiple_of3A_250] : memref<3276800xf32, #tpu.memory_space<hbm>> -> memref<6400xf32, #tpu.memory_space<hbm>>
    %dma_start3A_254 = tpu.memref_slice %arg3[%multiple_of3A_250] : memref<3276800xf32, #tpu.memory_space<hbm>> -> memref<6400xf32, #tpu.memory_space<hbm>>
    tpu.enqueue_dma source(%dma_start3A_254 : memref<6400xf32, #tpu.memory_space<hbm>>) target(%arg11 : memref<6400xf32, #tpu.memory_space<vmem>>) target_semaphore(%arg20 : memref<!tpu.dma_semaphore, #tpu.memory_space<semaphore_mem>>)
    %dma_start3A_255 = tpu.memref_slice %arg4[%multiple_of3A_250] : memref<3276800xi32, #tpu.memory_space<hbm>> -> memref<6400xi32, #tpu.memory_space<hbm>>
    %dma_start3A_256 = tpu.memref_slice %arg4[%multiple_of3A_250] : memref<3276800xi32, #tpu.memory_space<hbm>> -> memref<6400xi32, #tpu.memory_space<hbm>>
    tpu.enqueue_dma source(%dma_start3A_256 : memref<6400xi32, #tpu.memory_space<hbm>>) target(%arg13 : memref<6400xi32, #tpu.memory_space<vmem>>) target_semaphore(%arg20 : memref<!tpu.dma_semaphore, #tpu.memory_space<semaphore_mem>>)
    %dma_wait3A_257 = tpu.memref_slice %arg2[%multiple_of3A_219] : memref<3276800xf32, #tpu.memory_space<hbm>> -> memref<6400xf32, #tpu.memory_space<hbm>>
    %dma_wait3A_258 = tpu.memref_slice %arg2[%multiple_of3A_219] : memref<3276800xf32, #tpu.memory_space<hbm>> -> memref<6400xf32, #tpu.memory_space<hbm>>
    tpu.wait_dma2 semaphore(%arg19 : memref<!tpu.dma_semaphore, #tpu.memory_space<semaphore_mem>>) src(%dma_wait3A_258 : memref<6400xf32, #tpu.memory_space<hbm>>) dst(%arg8 : memref<6400xf32, #tpu.memory_space<vmem>>)
    %dma_wait3A_259 = tpu.memref_slice %arg3[%multiple_of3A_219] : memref<3276800xf32, #tpu.memory_space<hbm>> -> memref<6400xf32, #tpu.memory_space<hbm>>
    %dma_wait3A_260 = tpu.memref_slice %arg3[%multiple_of3A_219] : memref<3276800xf32, #tpu.memory_space<hbm>> -> memref<6400xf32, #tpu.memory_space<hbm>>
    tpu.wait_dma2 semaphore(%arg19 : memref<!tpu.dma_semaphore, #tpu.memory_space<semaphore_mem>>) src(%dma_wait3A_260 : memref<6400xf32, #tpu.memory_space<hbm>>) dst(%arg10 : memref<6400xf32, #tpu.memory_space<vmem>>)
    %dma_wait3A_261 = tpu.memref_slice %arg4[%multiple_of3A_219] : memref<3276800xi32, #tpu.memory_space<hbm>> -> memref<6400xi32, #tpu.memory_space<hbm>>
    %dma_wait3A_262 = tpu.memref_slice %arg4[%multiple_of3A_219] : memref<3276800xi32, #tpu.memory_space<hbm>> -> memref<6400xi32, #tpu.memory_space<hbm>>
    tpu.wait_dma2 semaphore(%arg19 : memref<!tpu.dma_semaphore, #tpu.memory_space<semaphore_mem>>) src(%dma_wait3A_262 : memref<6400xi32, #tpu.memory_space<hbm>>) dst(%arg12 : memref<6400xi32, #tpu.memory_space<vmem>>)
    %dma_wait3A_263 = tpu.memref_slice %arg6[%multiple_of3A_212] : memref<3276800xf32, #tpu.memory_space<hbm>> -> memref<6400xf32, #tpu.memory_space<hbm>>
    %dma_wait3A_264 = tpu.memref_slice %arg6[%multiple_of3A_212] : memref<3276800xf32, #tpu.memory_space<hbm>> -> memref<6400xf32, #tpu.memory_space<hbm>>
    tpu.wait_dma2 semaphore(%arg21 : memref<!tpu.dma_semaphore, #tpu.memory_space<semaphore_mem>>) src(%arg15 : memref<6400xf32, #tpu.memory_space<vmem>>) dst(%dma_wait3A_264 : memref<6400xf32, #tpu.memory_space<hbm>>)
    %dma_wait3A_265 = tpu.memref_slice %arg7[%multiple_of3A_212] : memref<3276800xf32, #tpu.memory_space<hbm>> -> memref<6400xf32, #tpu.memory_space<hbm>>
    %dma_wait3A_266 = tpu.memref_slice %arg7[%multiple_of3A_212] : memref<3276800xf32, #tpu.memory_space<hbm>> -> memref<6400xf32, #tpu.memory_space<hbm>>
    tpu.wait_dma2 semaphore(%arg21 : memref<!tpu.dma_semaphore, #tpu.memory_space<semaphore_mem>>) src(%arg17 : memref<6400xf32, #tpu.memory_space<vmem>>) dst(%dma_wait3A_266 : memref<6400xf32, #tpu.memory_space<hbm>>)
    %scan3A_267 = arith.constant 0 : i32
    %scan3A_268 = arith.constant 100 : i32
    %scan3A_269 = arith.addi %scan3A_267, %scan3A_268 : i32
    %scan3A_270 = arith.constant 1 : i32
    scf.for %scan3A_495 = %scan3A_267 to %scan3A_269 step %scan3A_270  : i32 {
      %mul3A_496 = arith.constant 4 : i32
      %mul3A_497 = arith.muli %scan3A_495, %mul3A_496 : i32
      %add3A_498 = arith.constant 0 : i32
      %add3A_499 = arith.addi %mul3A_497, %add3A_498 : i32
      %mul3A_500 = arith.constant 16 : i32
      %mul3A_501 = arith.muli %add3A_499, %mul3A_500 : i32
      %get3A = arith.index_cast %mul3A_501 : i32 to index
      %get3A_502 = tpu.vector_load %arg12[%get3A] {strides = array<i32>} : memref<6400xi32, #tpu.memory_space<vmem>>, vector<16xi32>,
      %mul3A_503 = arith.constant 2 : i32
      %mul3A_504 = vector.broadcast %mul3A_503 : i32 to vector<16xi32>
      %mul3A_505 = arith.muli %get3A_502, %mul3A_504 : vector<16xi32>
      %gather3A = tpu.vector_load_idx %arg14[%mul3A_505] : memref<136xf32, #tpu.memory_space<vmem>>[vector<16xi32>], vector<16xf32>,
      %add3A_506 = arith.constant 1 : i32
      %add3A_507 = vector.broadcast %add3A_506 : i32 to vector<16xi32>
      %add3A_508 = arith.addi %mul3A_505, %add3A_507 : vector<16xi32>
      %gather3A_509 = tpu.vector_load_idx %arg14[%add3A_508] : memref<136xf32, #tpu.memory_space<vmem>>[vector<16xi32>], vector<16xf32>,
      %mul3A_510 = arith.constant 16 : i32
      %mul3A_511 = arith.muli %add3A_499, %mul3A_510 : i32
      %get3A_512 = arith.index_cast %mul3A_511 : i32 to index
      %get3A_513 = tpu.vector_load %arg8[%get3A_512] {strides = array<i32>} : memref<6400xf32, #tpu.memory_space<vmem>>, vector<16xf32>,
      %mul3A_514 = arith.mulf %gather3A, %get3A_513 : vector<16xf32>
      %mul3A_515 = arith.constant 16 : i32
      %mul3A_516 = arith.muli %add3A_499, %mul3A_515 : i32
      %swap3A = arith.index_cast %mul3A_516 : i32 to index
      %swap3A_517 = tpu.vector_load %arg15[%swap3A] {strides = array<i32>} : memref<6400xf32, #tpu.memory_space<vmem>>, vector<16xf32>,
      tpu.vector_store %arg15[%swap3A], %mul3A_514 {strides = array<i32>} : memref<6400xf32, #tpu.memory_space<vmem>>, vector<16xf32>,
      %mul3A_518 = arith.constant 16 : i32
      %mul3A_519 = arith.muli %add3A_499, %mul3A_518 : i32
      %get3A_520 = arith.index_cast %mul3A_519 : i32 to index
      %get3A_521 = tpu.vector_load %arg10[%get3A_520] {strides = array<i32>} : memref<6400xf32, #tpu.memory_space<vmem>>, vector<16xf32>,
      %mul3A_522 = arith.mulf %gather3A_509, %get3A_521 : vector<16xf32>
      %mul3A_523 = arith.constant 16 : i32
      %mul3A_524 = arith.muli %add3A_499, %mul3A_523 : i32
      %swap3A_525 = arith.index_cast %mul3A_524 : i32 to index
      %swap3A_526 = tpu.vector_load %arg17[%swap3A_525] {strides = array<i32>} : memref<6400xf32, #tpu.memory_space<vmem>>, vector<16xf32>,
      tpu.vector_store %arg17[%swap3A_525], %mul3A_522 {strides = array<i32>} : memref<6400xf32, #tpu.memory_space<vmem>>, vector<16xf32>,
      %mul3A_527 = arith.constant 4 : i32
      %mul3A_528 = arith.muli %scan3A_495, %mul3A_527 : i32
      %add3A_529 = arith.constant 1 : i32
      %add3A_530 = arith.addi %mul3A_528, %add3A_529 : i32
      %mul3A_531 = arith.constant 16 : i32
      %mul3A_532 = arith.muli %add3A_530, %mul3A_531 : i32
      %get3A_533 = arith.index_cast %mul3A_532 : i32 to index
      %get3A_534 = tpu.vector_load %arg12[%get3A_533] {strides = array<i32>} : memref<6400xi32, #tpu.memory_space<vmem>>, vector<16xi32>,
      %mul3A_535 = arith.constant 2 : i32
      %mul3A_536 = vector.broadcast %mul3A_535 : i32 to vector<16xi32>
      %mul3A_537 = arith.muli %get3A_534, %mul3A_536 : vector<16xi32>
      %gather3A_538 = tpu.vector_load_idx %arg14[%mul3A_537] : memref<136xf32, #tpu.memory_space<vmem>>[vector<16xi32>], vector<16xf32>,
      %add3A_539 = arith.constant 1 : i32
      %add3A_540 = vector.broadcast %add3A_539 : i32 to vector<16xi32>
      %add3A_541 = arith.addi %mul3A_537, %add3A_540 : vector<16xi32>
      %gather3A_542 = tpu.vector_load_idx %arg14[%add3A_541] : memref<136xf32, #tpu.memory_space<vmem>>[vector<16xi32>], vector<16xf32>,
      %mul3A_543 = arith.constant 16 : i32
      %mul3A_544 = arith.muli %add3A_530, %mul3A_543 : i32
      %get3A_545 = arith.index_cast %mul3A_544 : i32 to index
      %get3A_546 = tpu.vector_load %arg8[%get3A_545] {strides = array<i32>} : memref<6400xf32, #tpu.memory_space<vmem>>, vector<16xf32>,
      %mul3A_547 = arith.mulf %gather3A_538, %get3A_546 : vector<16xf32>
      %mul3A_548 = arith.constant 16 : i32
      %mul3A_549 = arith.muli %add3A_530, %mul3A_548 : i32
      %swap3A_550 = arith.index_cast %mul3A_549 : i32 to index
      %swap3A_551 = tpu.vector_load %arg15[%swap3A_550] {strides = array<i32>} : memref<6400xf32, #tpu.memory_space<vmem>>, vector<16xf32>,
      tpu.vector_store %arg15[%swap3A_550], %mul3A_547 {strides = array<i32>} : memref<6400xf32, #tpu.memory_space<vmem>>, vector<16xf32>,
      %mul3A_552 = arith.constant 16 : i32
      %mul3A_553 = arith.muli %add3A_530, %mul3A_552 : i32
      %get3A_554 = arith.index_cast %mul3A_553 : i32 to index
      %get3A_555 = tpu.vector_load %arg10[%get3A_554] {strides = array<i32>} : memref<6400xf32, #tpu.memory_space<vmem>>, vector<16xf32>,
      %mul3A_556 = arith.mulf %gather3A_542, %get3A_555 : vector<16xf32>
      %mul3A_557 = arith.constant 16 : i32
      %mul3A_558 = arith.muli %add3A_530, %mul3A_557 : i32
      %swap3A_559 = arith.index_cast %mul3A_558 : i32 to index
      %swap3A_560 = tpu.vector_load %arg17[%swap3A_559] {strides = array<i32>} : memref<6400xf32, #tpu.memory_space<vmem>>, vector<16xf32>,
      tpu.vector_store %arg17[%swap3A_559], %mul3A_556 {strides = array<i32>} : memref<6400xf32, #tpu.memory_space<vmem>>, vector<16xf32>,
      %mul3A_561 = arith.constant 4 : i32
      %mul3A_562 = arith.muli %scan3A_495, %mul3A_561 : i32
      %add3A_563 = arith.constant 2 : i32
      %add3A_564 = arith.addi %mul3A_562, %add3A_563 : i32
      %mul3A_565 = arith.constant 16 : i32
      %mul3A_566 = arith.muli %add3A_564, %mul3A_565 : i32
      %get3A_567 = arith.index_cast %mul3A_566 : i32 to index
      %get3A_568 = tpu.vector_load %arg12[%get3A_567] {strides = array<i32>} : memref<6400xi32, #tpu.memory_space<vmem>>, vector<16xi32>,
      %mul3A_569 = arith.constant 2 : i32
      %mul3A_570 = vector.broadcast %mul3A_569 : i32 to vector<16xi32>
      %mul3A_571 = arith.muli %get3A_568, %mul3A_570 : vector<16xi32>
      %gather3A_572 = tpu.vector_load_idx %arg14[%mul3A_571] : memref<136xf32, #tpu.memory_space<vmem>>[vector<16xi32>], vector<16xf32>,
      %add3A_573 = arith.constant 1 : i32
      %add3A_574 = vector.broadcast %add3A_573 : i32 to vector<16xi32>
      %add3A_575 = arith.addi %mul3A_571, %add3A_574 : vector<16xi32>
      %gather3A_576 = tpu.vector_load_idx %arg14[%add3A_575] : memref<136xf32, #tpu.memory_space<vmem>>[vector<16xi32>], vector<16xf32>,
      %mul3A_577 = arith.constant 16 : i32
      %mul3A_578 = arith.muli %add3A_564, %mul3A_577 : i32
      %get3A_579 = arith.index_cast %mul3A_578 : i32 to index
      %get3A_580 = tpu.vector_load %arg8[%get3A_579] {strides = array<i32>} : memref<6400xf32, #tpu.memory_space<vmem>>, vector<16xf32>,
      %mul3A_581 = arith.mulf %gather3A_572, %get3A_580 : vector<16xf32>
      %mul3A_582 = arith.constant 16 : i32
      %mul3A_583 = arith.muli %add3A_564, %mul3A_582 : i32
      %swap3A_584 = arith.index_cast %mul3A_583 : i32 to index
      %swap3A_585 = tpu.vector_load %arg15[%swap3A_584] {strides = array<i32>} : memref<6400xf32, #tpu.memory_space<vmem>>, vector<16xf32>,
      tpu.vector_store %arg15[%swap3A_584], %mul3A_581 {strides = array<i32>} : memref<6400xf32, #tpu.memory_space<vmem>>, vector<16xf32>,
      %mul3A_586 = arith.constant 16 : i32
      %mul3A_587 = arith.muli %add3A_564, %mul3A_586 : i32
      %get3A_588 = arith.index_cast %mul3A_587 : i32 to index
      %get3A_589 = tpu.vector_load %arg10[%get3A_588] {strides = array<i32>} : memref<6400xf32, #tpu.memory_space<vmem>>, vector<16xf32>,
      %mul3A_590 = arith.mulf %gather3A_576, %get3A_589 : vector<16xf32>
      %mul3A_591 = arith.constant 16 : i32
      %mul3A_592 = arith.muli %add3A_564, %mul3A_591 : i32
      %swap3A_593 = arith.index_cast %mul3A_592 : i32 to index
      %swap3A_594 = tpu.vector_load %arg17[%swap3A_593] {strides = array<i32>} : memref<6400xf32, #tpu.memory_space<vmem>>, vector<16xf32>,
      tpu.vector_store %arg17[%swap3A_593], %mul3A_590 {strides = array<i32>} : memref<6400xf32, #tpu.memory_space<vmem>>, vector<16xf32>,
      %mul3A_595 = arith.constant 4 : i32
      %mul3A_596 = arith.muli %scan3A_495, %mul3A_595 : i32
      %add3A_597 = arith.constant 3 : i32
      %add3A_598 = arith.addi %mul3A_596, %add3A_597 : i32
      %mul3A_599 = arith.constant 16 : i32
      %mul3A_600 = arith.muli %add3A_598, %mul3A_599 : i32
      %get3A_601 = arith.index_cast %mul3A_600 : i32 to index
      %get3A_602 = tpu.vector_load %arg12[%get3A_601] {strides = array<i32>} : memref<6400xi32, #tpu.memory_space<vmem>>, vector<16xi32>,
      %mul3A_603 = arith.constant 2 : i32
      %mul3A_604 = vector.broadcast %mul3A_603 : i32 to vector<16xi32>
      %mul3A_605 = arith.muli %get3A_602, %mul3A_604 : vector<16xi32>
      %gather3A_606 = tpu.vector_load_idx %arg14[%mul3A_605] : memref<136xf32, #tpu.memory_space<vmem>>[vector<16xi32>], vector<16xf32>,
      %add3A_607 = arith.constant 1 : i32
      %add3A_608 = vector.broadcast %add3A_607 : i32 to vector<16xi32>
      %add3A_609 = arith.addi %mul3A_605, %add3A_608 : vector<16xi32>
      %gather3A_610 = tpu.vector_load_idx %arg14[%add3A_609] : memref<136xf32, #tpu.memory_space<vmem>>[vector<16xi32>], vector<16xf32>,
      %mul3A_611 = arith.constant 16 : i32
      %mul3A_612 = arith.muli %add3A_598, %mul3A_611 : i32
      %get3A_613 = arith.index_cast %mul3A_612 : i32 to index
      %get3A_614 = tpu.vector_load %arg8[%get3A_613] {strides = array<i32>} : memref<6400xf32, #tpu.memory_space<vmem>>, vector<16xf32>,
      %mul3A_615 = arith.mulf %gather3A_606, %get3A_614 : vector<16xf32>
      %mul3A_616 = arith.constant 16 : i32
      %mul3A_617 = arith.muli %add3A_598, %mul3A_616 : i32
      %swap3A_618 = arith.index_cast %mul3A_617 : i32 to index
      %swap3A_619 = tpu.vector_load %arg15[%swap3A_618] {strides = array<i32>} : memref<6400xf32, #tpu.memory_space<vmem>>, vector<16xf32>,
      tpu.vector_store %arg15[%swap3A_618], %mul3A_615 {strides = array<i32>} : memref<6400xf32, #tpu.memory_space<vmem>>, vector<16xf32>,
      %mul3A_620 = arith.constant 16 : i32
      %mul3A_621 = arith.muli %add3A_598, %mul3A_620 : i32
      %get3A_622 = arith.index_cast %mul3A_621 : i32 to index
      %get3A_623 = tpu.vector_load %arg10[%get3A_622] {strides = array<i32>} : memref<6400xf32, #tpu.memory_space<vmem>>, vector<16xf32>,
      %mul3A_624 = arith.mulf %gather3A_610, %get3A_623 : vector<16xf32>
      %mul3A_625 = arith.constant 16 : i32
      %mul3A_626 = arith.muli %add3A_598, %mul3A_625 : i32
      %swap3A_627 = arith.index_cast %mul3A_626 : i32 to index
      %swap3A_628 = tpu.vector_load %arg17[%swap3A_627] {strides = array<i32>} : memref<6400xf32, #tpu.memory_space<vmem>>, vector<16xf32>,
      tpu.vector_store %arg17[%swap3A_627], %mul3A_624 {strides = array<i32>} : memref<6400xf32, #tpu.memory_space<vmem>>, vector<16xf32>,
    }
    %scan3A_271 = arith.constant 100 : i32
    %add3A_272 = arith.constant 51200 : i32
    %add3A_273 = arith.addi %mul3A_2, %add3A_272 : i32
    %multiple_of3A_274 = tpu.assume_multiple %add3A_273, 64 : i32
    %dma_start3A_275 = tpu.memref_slice %arg6[%multiple_of3A_274] : memref<3276800xf32, #tpu.memory_space<hbm>> -> memref<6400xf32, #tpu.memory_space<hbm>>
    %dma_start3A_276 = tpu.memref_slice %arg6[%multiple_of3A_274] : memref<3276800xf32, #tpu.memory_space<hbm>> -> memref<6400xf32, #tpu.memory_space<hbm>>
    tpu.enqueue_dma source(%arg15 : memref<6400xf32, #tpu.memory_space<vmem>>) target(%dma_start3A_276 : memref<6400xf32, #tpu.memory_space<hbm>>) target_semaphore(%arg21 : memref<!tpu.dma_semaphore, #tpu.memory_space<semaphore_mem>>)
    %dma_start3A_277 = tpu.memref_slice %arg7[%multiple_of3A_274] : memref<3276800xf32, #tpu.memory_space<hbm>> -> memref<6400xf32, #tpu.memory_space<hbm>>
    %dma_start3A_278 = tpu.memref_slice %arg7[%multiple_of3A_274] : memref<3276800xf32, #tpu.memory_space<hbm>> -> memref<6400xf32, #tpu.memory_space<hbm>>
    tpu.enqueue_dma source(%arg17 : memref<6400xf32, #tpu.memory_space<vmem>>) target(%dma_start3A_278 : memref<6400xf32, #tpu.memory_space<hbm>>) target_semaphore(%arg21 : memref<!tpu.dma_semaphore, #tpu.memory_space<semaphore_mem>>)
    %add3A_279 = arith.constant 64000 : i32
    %add3A_280 = arith.addi %mul3A_2, %add3A_279 : i32
    %multiple_of3A_281 = tpu.assume_multiple %add3A_280, 64 : i32
    %dma_start3A_282 = tpu.memref_slice %arg2[%multiple_of3A_281] : memref<3276800xf32, #tpu.memory_space<hbm>> -> memref<6400xf32, #tpu.memory_space<hbm>>
    %dma_start3A_283 = tpu.memref_slice %arg2[%multiple_of3A_281] : memref<3276800xf32, #tpu.memory_space<hbm>> -> memref<6400xf32, #tpu.memory_space<hbm>>
    tpu.enqueue_dma source(%dma_start3A_283 : memref<6400xf32, #tpu.memory_space<hbm>>) target(%arg8 : memref<6400xf32, #tpu.memory_space<vmem>>) target_semaphore(%arg19 : memref<!tpu.dma_semaphore, #tpu.memory_space<semaphore_mem>>)
    %dma_start3A_284 = tpu.memref_slice %arg3[%multiple_of3A_281] : memref<3276800xf32, #tpu.memory_space<hbm>> -> memref<6400xf32, #tpu.memory_space<hbm>>
    %dma_start3A_285 = tpu.memref_slice %arg3[%multiple_of3A_281] : memref<3276800xf32, #tpu.memory_space<hbm>> -> memref<6400xf32, #tpu.memory_space<hbm>>
    tpu.enqueue_dma source(%dma_start3A_285 : memref<6400xf32, #tpu.memory_space<hbm>>) target(%arg10 : memref<6400xf32, #tpu.memory_space<vmem>>) target_semaphore(%arg19 : memref<!tpu.dma_semaphore, #tpu.memory_space<semaphore_mem>>)
    %dma_start3A_286 = tpu.memref_slice %arg4[%multiple_of3A_281] : memref<3276800xi32, #tpu.memory_space<hbm>> -> memref<6400xi32, #tpu.memory_space<hbm>>
    %dma_start3A_287 = tpu.memref_slice %arg4[%multiple_of3A_281] : memref<3276800xi32, #tpu.memory_space<hbm>> -> memref<6400xi32, #tpu.memory_space<hbm>>
    tpu.enqueue_dma source(%dma_start3A_287 : memref<6400xi32, #tpu.memory_space<hbm>>) target(%arg12 : memref<6400xi32, #tpu.memory_space<vmem>>) target_semaphore(%arg19 : memref<!tpu.dma_semaphore, #tpu.memory_space<semaphore_mem>>)
    %dma_wait3A_288 = tpu.memref_slice %arg2[%multiple_of3A_250] : memref<3276800xf32, #tpu.memory_space<hbm>> -> memref<6400xf32, #tpu.memory_space<hbm>>
    %dma_wait3A_289 = tpu.memref_slice %arg2[%multiple_of3A_250] : memref<3276800xf32, #tpu.memory_space<hbm>> -> memref<6400xf32, #tpu.memory_space<hbm>>
    tpu.wait_dma2 semaphore(%arg20 : memref<!tpu.dma_semaphore, #tpu.memory_space<semaphore_mem>>) src(%dma_wait3A_289 : memref<6400xf32, #tpu.memory_space<hbm>>) dst(%arg9 : memref<6400xf32, #tpu.memory_space<vmem>>)
    %dma_wait3A_290 = tpu.memref_slice %arg3[%multiple_of3A_250] : memref<3276800xf32, #tpu.memory_space<hbm>> -> memref<6400xf32, #tpu.memory_space<hbm>>
    %dma_wait3A_291 = tpu.memref_slice %arg3[%multiple_of3A_250] : memref<3276800xf32, #tpu.memory_space<hbm>> -> memref<6400xf32, #tpu.memory_space<hbm>>
    tpu.wait_dma2 semaphore(%arg20 : memref<!tpu.dma_semaphore, #tpu.memory_space<semaphore_mem>>) src(%dma_wait3A_291 : memref<6400xf32, #tpu.memory_space<hbm>>) dst(%arg11 : memref<6400xf32, #tpu.memory_space<vmem>>)
    %dma_wait3A_292 = tpu.memref_slice %arg4[%multiple_of3A_250] : memref<3276800xi32, #tpu.memory_space<hbm>> -> memref<6400xi32, #tpu.memory_space<hbm>>
    %dma_wait3A_293 = tpu.memref_slice %arg4[%multiple_of3A_250] : memref<3276800xi32, #tpu.memory_space<hbm>> -> memref<6400xi32, #tpu.memory_space<hbm>>
    tpu.wait_dma2 semaphore(%arg20 : memref<!tpu.dma_semaphore, #tpu.memory_space<semaphore_mem>>) src(%dma_wait3A_293 : memref<6400xi32, #tpu.memory_space<hbm>>) dst(%arg13 : memref<6400xi32, #tpu.memory_space<vmem>>)
    %dma_wait3A_294 = tpu.memref_slice %arg6[%multiple_of3A_243] : memref<3276800xf32, #tpu.memory_space<hbm>> -> memref<6400xf32, #tpu.memory_space<hbm>>
    %dma_wait3A_295 = tpu.memref_slice %arg6[%multiple_of3A_243] : memref<3276800xf32, #tpu.memory_space<hbm>> -> memref<6400xf32, #tpu.memory_space<hbm>>
    tpu.wait_dma2 semaphore(%arg22 : memref<!tpu.dma_semaphore, #tpu.memory_space<semaphore_mem>>) src(%arg16 : memref<6400xf32, #tpu.memory_space<vmem>>) dst(%dma_wait3A_295 : memref<6400xf32, #tpu.memory_space<hbm>>)
    %dma_wait3A_296 = tpu.memref_slice %arg7[%multiple_of3A_243] : memref<3276800xf32, #tpu.memory_space<hbm>> -> memref<6400xf32, #tpu.memory_space<hbm>>
    %dma_wait3A_297 = tpu.memref_slice %arg7[%multiple_of3A_243] : memref<3276800xf32, #tpu.memory_space<hbm>> -> memref<6400xf32, #tpu.memory_space<hbm>>
    tpu.wait_dma2 semaphore(%arg22 : memref<!tpu.dma_semaphore, #tpu.memory_space<semaphore_mem>>) src(%arg18 : memref<6400xf32, #tpu.memory_space<vmem>>) dst(%dma_wait3A_297 : memref<6400xf32, #tpu.memory_space<hbm>>)
    %scan3A_298 = arith.constant 0 : i32
    %scan3A_299 = arith.constant 100 : i32
    %scan3A_300 = arith.addi %scan3A_298, %scan3A_299 : i32
    %scan3A_301 = arith.constant 1 : i32
    scf.for %scan3A_495 = %scan3A_298 to %scan3A_300 step %scan3A_301  : i32 {
      %mul3A_496 = arith.constant 4 : i32
      %mul3A_497 = arith.muli %scan3A_495, %mul3A_496 : i32
      %add3A_498 = arith.constant 0 : i32
      %add3A_499 = arith.addi %mul3A_497, %add3A_498 : i32
      %mul3A_500 = arith.constant 16 : i32
      %mul3A_501 = arith.muli %add3A_499, %mul3A_500 : i32
      %get3A = arith.index_cast %mul3A_501 : i32 to index
      %get3A_502 = tpu.vector_load %arg13[%get3A] {strides = array<i32>} : memref<6400xi32, #tpu.memory_space<vmem>>, vector<16xi32>,
      %mul3A_503 = arith.constant 2 : i32
      %mul3A_504 = vector.broadcast %mul3A_503 : i32 to vector<16xi32>
      %mul3A_505 = arith.muli %get3A_502, %mul3A_504 : vector<16xi32>
      %gather3A = tpu.vector_load_idx %arg14[%mul3A_505] : memref<136xf32, #tpu.memory_space<vmem>>[vector<16xi32>], vector<16xf32>,
      %add3A_506 = arith.constant 1 : i32
      %add3A_507 = vector.broadcast %add3A_506 : i32 to vector<16xi32>
      %add3A_508 = arith.addi %mul3A_505, %add3A_507 : vector<16xi32>
      %gather3A_509 = tpu.vector_load_idx %arg14[%add3A_508] : memref<136xf32, #tpu.memory_space<vmem>>[vector<16xi32>], vector<16xf32>,
      %mul3A_510 = arith.constant 16 : i32
      %mul3A_511 = arith.muli %add3A_499, %mul3A_510 : i32
      %get3A_512 = arith.index_cast %mul3A_511 : i32 to index
      %get3A_513 = tpu.vector_load %arg9[%get3A_512] {strides = array<i32>} : memref<6400xf32, #tpu.memory_space<vmem>>, vector<16xf32>,
      %mul3A_514 = arith.mulf %gather3A, %get3A_513 : vector<16xf32>
      %mul3A_515 = arith.constant 16 : i32
      %mul3A_516 = arith.muli %add3A_499, %mul3A_515 : i32
      %swap3A = arith.index_cast %mul3A_516 : i32 to index
      %swap3A_517 = tpu.vector_load %arg16[%swap3A] {strides = array<i32>} : memref<6400xf32, #tpu.memory_space<vmem>>, vector<16xf32>,
      tpu.vector_store %arg16[%swap3A], %mul3A_514 {strides = array<i32>} : memref<6400xf32, #tpu.memory_space<vmem>>, vector<16xf32>,
      %mul3A_518 = arith.constant 16 : i32
      %mul3A_519 = arith.muli %add3A_499, %mul3A_518 : i32
      %get3A_520 = arith.index_cast %mul3A_519 : i32 to index
      %get3A_521 = tpu.vector_load %arg11[%get3A_520] {strides = array<i32>} : memref<6400xf32, #tpu.memory_space<vmem>>, vector<16xf32>,
      %mul3A_522 = arith.mulf %gather3A_509, %get3A_521 : vector<16xf32>
      %mul3A_523 = arith.constant 16 : i32
      %mul3A_524 = arith.muli %add3A_499, %mul3A_523 : i32
      %swap3A_525 = arith.index_cast %mul3A_524 : i32 to index
      %swap3A_526 = tpu.vector_load %arg18[%swap3A_525] {strides = array<i32>} : memref<6400xf32, #tpu.memory_space<vmem>>, vector<16xf32>,
      tpu.vector_store %arg18[%swap3A_525], %mul3A_522 {strides = array<i32>} : memref<6400xf32, #tpu.memory_space<vmem>>, vector<16xf32>,
      %mul3A_527 = arith.constant 4 : i32
      %mul3A_528 = arith.muli %scan3A_495, %mul3A_527 : i32
      %add3A_529 = arith.constant 1 : i32
      %add3A_530 = arith.addi %mul3A_528, %add3A_529 : i32
      %mul3A_531 = arith.constant 16 : i32
      %mul3A_532 = arith.muli %add3A_530, %mul3A_531 : i32
      %get3A_533 = arith.index_cast %mul3A_532 : i32 to index
      %get3A_534 = tpu.vector_load %arg13[%get3A_533] {strides = array<i32>} : memref<6400xi32, #tpu.memory_space<vmem>>, vector<16xi32>,
      %mul3A_535 = arith.constant 2 : i32
      %mul3A_536 = vector.broadcast %mul3A_535 : i32 to vector<16xi32>
      %mul3A_537 = arith.muli %get3A_534, %mul3A_536 : vector<16xi32>
      %gather3A_538 = tpu.vector_load_idx %arg14[%mul3A_537] : memref<136xf32, #tpu.memory_space<vmem>>[vector<16xi32>], vector<16xf32>,
      %add3A_539 = arith.constant 1 : i32
      %add3A_540 = vector.broadcast %add3A_539 : i32 to vector<16xi32>
      %add3A_541 = arith.addi %mul3A_537, %add3A_540 : vector<16xi32>
      %gather3A_542 = tpu.vector_load_idx %arg14[%add3A_541] : memref<136xf32, #tpu.memory_space<vmem>>[vector<16xi32>], vector<16xf32>,
      %mul3A_543 = arith.constant 16 : i32
      %mul3A_544 = arith.muli %add3A_530, %mul3A_543 : i32
      %get3A_545 = arith.index_cast %mul3A_544 : i32 to index
      %get3A_546 = tpu.vector_load %arg9[%get3A_545] {strides = array<i32>} : memref<6400xf32, #tpu.memory_space<vmem>>, vector<16xf32>,
      %mul3A_547 = arith.mulf %gather3A_538, %get3A_546 : vector<16xf32>
      %mul3A_548 = arith.constant 16 : i32
      %mul3A_549 = arith.muli %add3A_530, %mul3A_548 : i32
      %swap3A_550 = arith.index_cast %mul3A_549 : i32 to index
      %swap3A_551 = tpu.vector_load %arg16[%swap3A_550] {strides = array<i32>} : memref<6400xf32, #tpu.memory_space<vmem>>, vector<16xf32>,
      tpu.vector_store %arg16[%swap3A_550], %mul3A_547 {strides = array<i32>} : memref<6400xf32, #tpu.memory_space<vmem>>, vector<16xf32>,
      %mul3A_552 = arith.constant 16 : i32
      %mul3A_553 = arith.muli %add3A_530, %mul3A_552 : i32
      %get3A_554 = arith.index_cast %mul3A_553 : i32 to index
      %get3A_555 = tpu.vector_load %arg11[%get3A_554] {strides = array<i32>} : memref<6400xf32, #tpu.memory_space<vmem>>, vector<16xf32>,
      %mul3A_556 = arith.mulf %gather3A_542, %get3A_555 : vector<16xf32>
      %mul3A_557 = arith.constant 16 : i32
      %mul3A_558 = arith.muli %add3A_530, %mul3A_557 : i32
      %swap3A_559 = arith.index_cast %mul3A_558 : i32 to index
      %swap3A_560 = tpu.vector_load %arg18[%swap3A_559] {strides = array<i32>} : memref<6400xf32, #tpu.memory_space<vmem>>, vector<16xf32>,
      tpu.vector_store %arg18[%swap3A_559], %mul3A_556 {strides = array<i32>} : memref<6400xf32, #tpu.memory_space<vmem>>, vector<16xf32>,
      %mul3A_561 = arith.constant 4 : i32
      %mul3A_562 = arith.muli %scan3A_495, %mul3A_561 : i32
      %add3A_563 = arith.constant 2 : i32
      %add3A_564 = arith.addi %mul3A_562, %add3A_563 : i32
      %mul3A_565 = arith.constant 16 : i32
      %mul3A_566 = arith.muli %add3A_564, %mul3A_565 : i32
      %get3A_567 = arith.index_cast %mul3A_566 : i32 to index
      %get3A_568 = tpu.vector_load %arg13[%get3A_567] {strides = array<i32>} : memref<6400xi32, #tpu.memory_space<vmem>>, vector<16xi32>,
      %mul3A_569 = arith.constant 2 : i32
      %mul3A_570 = vector.broadcast %mul3A_569 : i32 to vector<16xi32>
      %mul3A_571 = arith.muli %get3A_568, %mul3A_570 : vector<16xi32>
      %gather3A_572 = tpu.vector_load_idx %arg14[%mul3A_571] : memref<136xf32, #tpu.memory_space<vmem>>[vector<16xi32>], vector<16xf32>,
      %add3A_573 = arith.constant 1 : i32
      %add3A_574 = vector.broadcast %add3A_573 : i32 to vector<16xi32>
      %add3A_575 = arith.addi %mul3A_571, %add3A_574 : vector<16xi32>
      %gather3A_576 = tpu.vector_load_idx %arg14[%add3A_575] : memref<136xf32, #tpu.memory_space<vmem>>[vector<16xi32>], vector<16xf32>,
      %mul3A_577 = arith.constant 16 : i32
      %mul3A_578 = arith.muli %add3A_564, %mul3A_577 : i32
      %get3A_579 = arith.index_cast %mul3A_578 : i32 to index
      %get3A_580 = tpu.vector_load %arg9[%get3A_579] {strides = array<i32>} : memref<6400xf32, #tpu.memory_space<vmem>>, vector<16xf32>,
      %mul3A_581 = arith.mulf %gather3A_572, %get3A_580 : vector<16xf32>
      %mul3A_582 = arith.constant 16 : i32
      %mul3A_583 = arith.muli %add3A_564, %mul3A_582 : i32
      %swap3A_584 = arith.index_cast %mul3A_583 : i32 to index
      %swap3A_585 = tpu.vector_load %arg16[%swap3A_584] {strides = array<i32>} : memref<6400xf32, #tpu.memory_space<vmem>>, vector<16xf32>,
      tpu.vector_store %arg16[%swap3A_584], %mul3A_581 {strides = array<i32>} : memref<6400xf32, #tpu.memory_space<vmem>>, vector<16xf32>,
      %mul3A_586 = arith.constant 16 : i32
      %mul3A_587 = arith.muli %add3A_564, %mul3A_586 : i32
      %get3A_588 = arith.index_cast %mul3A_587 : i32 to index
      %get3A_589 = tpu.vector_load %arg11[%get3A_588] {strides = array<i32>} : memref<6400xf32, #tpu.memory_space<vmem>>, vector<16xf32>,
      %mul3A_590 = arith.mulf %gather3A_576, %get3A_589 : vector<16xf32>
      %mul3A_591 = arith.constant 16 : i32
      %mul3A_592 = arith.muli %add3A_564, %mul3A_591 : i32
      %swap3A_593 = arith.index_cast %mul3A_592 : i32 to index
      %swap3A_594 = tpu.vector_load %arg18[%swap3A_593] {strides = array<i32>} : memref<6400xf32, #tpu.memory_space<vmem>>, vector<16xf32>,
      tpu.vector_store %arg18[%swap3A_593], %mul3A_590 {strides = array<i32>} : memref<6400xf32, #tpu.memory_space<vmem>>, vector<16xf32>,
      %mul3A_595 = arith.constant 4 : i32
      %mul3A_596 = arith.muli %scan3A_495, %mul3A_595 : i32
      %add3A_597 = arith.constant 3 : i32
      %add3A_598 = arith.addi %mul3A_596, %add3A_597 : i32
      %mul3A_599 = arith.constant 16 : i32
      %mul3A_600 = arith.muli %add3A_598, %mul3A_599 : i32
      %get3A_601 = arith.index_cast %mul3A_600 : i32 to index
      %get3A_602 = tpu.vector_load %arg13[%get3A_601] {strides = array<i32>} : memref<6400xi32, #tpu.memory_space<vmem>>, vector<16xi32>,
      %mul3A_603 = arith.constant 2 : i32
      %mul3A_604 = vector.broadcast %mul3A_603 : i32 to vector<16xi32>
      %mul3A_605 = arith.muli %get3A_602, %mul3A_604 : vector<16xi32>
      %gather3A_606 = tpu.vector_load_idx %arg14[%mul3A_605] : memref<136xf32, #tpu.memory_space<vmem>>[vector<16xi32>], vector<16xf32>,
      %add3A_607 = arith.constant 1 : i32
      %add3A_608 = vector.broadcast %add3A_607 : i32 to vector<16xi32>
      %add3A_609 = arith.addi %mul3A_605, %add3A_608 : vector<16xi32>
      %gather3A_610 = tpu.vector_load_idx %arg14[%add3A_609] : memref<136xf32, #tpu.memory_space<vmem>>[vector<16xi32>], vector<16xf32>,
      %mul3A_611 = arith.constant 16 : i32
      %mul3A_612 = arith.muli %add3A_598, %mul3A_611 : i32
      %get3A_613 = arith.index_cast %mul3A_612 : i32 to index
      %get3A_614 = tpu.vector_load %arg9[%get3A_613] {strides = array<i32>} : memref<6400xf32, #tpu.memory_space<vmem>>, vector<16xf32>,
      %mul3A_615 = arith.mulf %gather3A_606, %get3A_614 : vector<16xf32>
      %mul3A_616 = arith.constant 16 : i32
      %mul3A_617 = arith.muli %add3A_598, %mul3A_616 : i32
      %swap3A_618 = arith.index_cast %mul3A_617 : i32 to index
      %swap3A_619 = tpu.vector_load %arg16[%swap3A_618] {strides = array<i32>} : memref<6400xf32, #tpu.memory_space<vmem>>, vector<16xf32>,
      tpu.vector_store %arg16[%swap3A_618], %mul3A_615 {strides = array<i32>} : memref<6400xf32, #tpu.memory_space<vmem>>, vector<16xf32>,
      %mul3A_620 = arith.constant 16 : i32
      %mul3A_621 = arith.muli %add3A_598, %mul3A_620 : i32
      %get3A_622 = arith.index_cast %mul3A_621 : i32 to index
      %get3A_623 = tpu.vector_load %arg11[%get3A_622] {strides = array<i32>} : memref<6400xf32, #tpu.memory_space<vmem>>, vector<16xf32>,
      %mul3A_624 = arith.mulf %gather3A_610, %get3A_623 : vector<16xf32>
      %mul3A_625 = arith.constant 16 : i32
      %mul3A_626 = arith.muli %add3A_598, %mul3A_625 : i32
      %swap3A_627 = arith.index_cast %mul3A_626 : i32 to index
      %swap3A_628 = tpu.vector_load %arg18[%swap3A_627] {strides = array<i32>} : memref<6400xf32, #tpu.memory_space<vmem>>, vector<16xf32>,
      tpu.vector_store %arg18[%swap3A_627], %mul3A_624 {strides = array<i32>} : memref<6400xf32, #tpu.memory_space<vmem>>, vector<16xf32>,
    }
    %scan3A_302 = arith.constant 100 : i32
    %add3A_303 = arith.constant 57600 : i32
    %add3A_304 = arith.addi %mul3A_2, %add3A_303 : i32
    %multiple_of3A_305 = tpu.assume_multiple %add3A_304, 64 : i32
    %dma_start3A_306 = tpu.memref_slice %arg6[%multiple_of3A_305] : memref<3276800xf32, #tpu.memory_space<hbm>> -> memref<6400xf32, #tpu.memory_space<hbm>>
    %dma_start3A_307 = tpu.memref_slice %arg6[%multiple_of3A_305] : memref<3276800xf32, #tpu.memory_space<hbm>> -> memref<6400xf32, #tpu.memory_space<hbm>>
    tpu.enqueue_dma source(%arg16 : memref<6400xf32, #tpu.memory_space<vmem>>) target(%dma_start3A_307 : memref<6400xf32, #tpu.memory_space<hbm>>) target_semaphore(%arg22 : memref<!tpu.dma_semaphore, #tpu.memory_space<semaphore_mem>>)
    %dma_start3A_308 = tpu.memref_slice %arg7[%multiple_of3A_305] : memref<3276800xf32, #tpu.memory_space<hbm>> -> memref<6400xf32, #tpu.memory_space<hbm>>
    %dma_start3A_309 = tpu.memref_slice %arg7[%multiple_of3A_305] : memref<3276800xf32, #tpu.memory_space<hbm>> -> memref<6400xf32, #tpu.memory_space<hbm>>
    tpu.enqueue_dma source(%arg18 : memref<6400xf32, #tpu.memory_space<vmem>>) target(%dma_start3A_309 : memref<6400xf32, #tpu.memory_space<hbm>>) target_semaphore(%arg22 : memref<!tpu.dma_semaphore, #tpu.memory_space<semaphore_mem>>)
    %add3A_310 = arith.constant 70400 : i32
    %add3A_311 = arith.addi %mul3A_2, %add3A_310 : i32
    %multiple_of3A_312 = tpu.assume_multiple %add3A_311, 64 : i32
    %dma_start3A_313 = tpu.memref_slice %arg2[%multiple_of3A_312] : memref<3276800xf32, #tpu.memory_space<hbm>> -> memref<6400xf32, #tpu.memory_space<hbm>>
    %dma_start3A_314 = tpu.memref_slice %arg2[%multiple_of3A_312] : memref<3276800xf32, #tpu.memory_space<hbm>> -> memref<6400xf32, #tpu.memory_space<hbm>>
    tpu.enqueue_dma source(%dma_start3A_314 : memref<6400xf32, #tpu.memory_space<hbm>>) target(%arg9 : memref<6400xf32, #tpu.memory_space<vmem>>) target_semaphore(%arg20 : memref<!tpu.dma_semaphore, #tpu.memory_space<semaphore_mem>>)
    %dma_start3A_315 = tpu.memref_slice %arg3[%multiple_of3A_312] : memref<3276800xf32, #tpu.memory_space<hbm>> -> memref<6400xf32, #tpu.memory_space<hbm>>
    %dma_start3A_316 = tpu.memref_slice %arg3[%multiple_of3A_312] : memref<3276800xf32, #tpu.memory_space<hbm>> -> memref<6400xf32, #tpu.memory_space<hbm>>
    tpu.enqueue_dma source(%dma_start3A_316 : memref<6400xf32, #tpu.memory_space<hbm>>) target(%arg11 : memref<6400xf32, #tpu.memory_space<vmem>>) target_semaphore(%arg20 : memref<!tpu.dma_semaphore, #tpu.memory_space<semaphore_mem>>)
    %dma_start3A_317 = tpu.memref_slice %arg4[%multiple_of3A_312] : memref<3276800xi32, #tpu.memory_space<hbm>> -> memref<6400xi32, #tpu.memory_space<hbm>>
    %dma_start3A_318 = tpu.memref_slice %arg4[%multiple_of3A_312] : memref<3276800xi32, #tpu.memory_space<hbm>> -> memref<6400xi32, #tpu.memory_space<hbm>>
    tpu.enqueue_dma source(%dma_start3A_318 : memref<6400xi32, #tpu.memory_space<hbm>>) target(%arg13 : memref<6400xi32, #tpu.memory_space<vmem>>) target_semaphore(%arg20 : memref<!tpu.dma_semaphore, #tpu.memory_space<semaphore_mem>>)
    %dma_wait3A_319 = tpu.memref_slice %arg2[%multiple_of3A_281] : memref<3276800xf32, #tpu.memory_space<hbm>> -> memref<6400xf32, #tpu.memory_space<hbm>>
    %dma_wait3A_320 = tpu.memref_slice %arg2[%multiple_of3A_281] : memref<3276800xf32, #tpu.memory_space<hbm>> -> memref<6400xf32, #tpu.memory_space<hbm>>
    tpu.wait_dma2 semaphore(%arg19 : memref<!tpu.dma_semaphore, #tpu.memory_space<semaphore_mem>>) src(%dma_wait3A_320 : memref<6400xf32, #tpu.memory_space<hbm>>) dst(%arg8 : memref<6400xf32, #tpu.memory_space<vmem>>)
    %dma_wait3A_321 = tpu.memref_slice %arg3[%multiple_of3A_281] : memref<3276800xf32, #tpu.memory_space<hbm>> -> memref<6400xf32, #tpu.memory_space<hbm>>
    %dma_wait3A_322 = tpu.memref_slice %arg3[%multiple_of3A_281] : memref<3276800xf32, #tpu.memory_space<hbm>> -> memref<6400xf32, #tpu.memory_space<hbm>>
    tpu.wait_dma2 semaphore(%arg19 : memref<!tpu.dma_semaphore, #tpu.memory_space<semaphore_mem>>) src(%dma_wait3A_322 : memref<6400xf32, #tpu.memory_space<hbm>>) dst(%arg10 : memref<6400xf32, #tpu.memory_space<vmem>>)
    %dma_wait3A_323 = tpu.memref_slice %arg4[%multiple_of3A_281] : memref<3276800xi32, #tpu.memory_space<hbm>> -> memref<6400xi32, #tpu.memory_space<hbm>>
    %dma_wait3A_324 = tpu.memref_slice %arg4[%multiple_of3A_281] : memref<3276800xi32, #tpu.memory_space<hbm>> -> memref<6400xi32, #tpu.memory_space<hbm>>
    tpu.wait_dma2 semaphore(%arg19 : memref<!tpu.dma_semaphore, #tpu.memory_space<semaphore_mem>>) src(%dma_wait3A_324 : memref<6400xi32, #tpu.memory_space<hbm>>) dst(%arg12 : memref<6400xi32, #tpu.memory_space<vmem>>)
    %dma_wait3A_325 = tpu.memref_slice %arg6[%multiple_of3A_274] : memref<3276800xf32, #tpu.memory_space<hbm>> -> memref<6400xf32, #tpu.memory_space<hbm>>
    %dma_wait3A_326 = tpu.memref_slice %arg6[%multiple_of3A_274] : memref<3276800xf32, #tpu.memory_space<hbm>> -> memref<6400xf32, #tpu.memory_space<hbm>>
    tpu.wait_dma2 semaphore(%arg21 : memref<!tpu.dma_semaphore, #tpu.memory_space<semaphore_mem>>) src(%arg15 : memref<6400xf32, #tpu.memory_space<vmem>>) dst(%dma_wait3A_326 : memref<6400xf32, #tpu.memory_space<hbm>>)
    %dma_wait3A_327 = tpu.memref_slice %arg7[%multiple_of3A_274] : memref<3276800xf32, #tpu.memory_space<hbm>> -> memref<6400xf32, #tpu.memory_space<hbm>>
    %dma_wait3A_328 = tpu.memref_slice %arg7[%multiple_of3A_274] : memref<3276800xf32, #tpu.memory_space<hbm>> -> memref<6400xf32, #tpu.memory_space<hbm>>
    tpu.wait_dma2 semaphore(%arg21 : memref<!tpu.dma_semaphore, #tpu.memory_space<semaphore_mem>>) src(%arg17 : memref<6400xf32, #tpu.memory_space<vmem>>) dst(%dma_wait3A_328 : memref<6400xf32, #tpu.memory_space<hbm>>)
    %scan3A_329 = arith.constant 0 : i32
    %scan3A_330 = arith.constant 100 : i32
    %scan3A_331 = arith.addi %scan3A_329, %scan3A_330 : i32
    %scan3A_332 = arith.constant 1 : i32
    scf.for %scan3A_495 = %scan3A_329 to %scan3A_331 step %scan3A_332  : i32 {
      %mul3A_496 = arith.constant 4 : i32
      %mul3A_497 = arith.muli %scan3A_495, %mul3A_496 : i32
      %add3A_498 = arith.constant 0 : i32
      %add3A_499 = arith.addi %mul3A_497, %add3A_498 : i32
      %mul3A_500 = arith.constant 16 : i32
      %mul3A_501 = arith.muli %add3A_499, %mul3A_500 : i32
      %get3A = arith.index_cast %mul3A_501 : i32 to index
      %get3A_502 = tpu.vector_load %arg12[%get3A] {strides = array<i32>} : memref<6400xi32, #tpu.memory_space<vmem>>, vector<16xi32>,
      %mul3A_503 = arith.constant 2 : i32
      %mul3A_504 = vector.broadcast %mul3A_503 : i32 to vector<16xi32>
      %mul3A_505 = arith.muli %get3A_502, %mul3A_504 : vector<16xi32>
      %gather3A = tpu.vector_load_idx %arg14[%mul3A_505] : memref<136xf32, #tpu.memory_space<vmem>>[vector<16xi32>], vector<16xf32>,
      %add3A_506 = arith.constant 1 : i32
      %add3A_507 = vector.broadcast %add3A_506 : i32 to vector<16xi32>
      %add3A_508 = arith.addi %mul3A_505, %add3A_507 : vector<16xi32>
      %gather3A_509 = tpu.vector_load_idx %arg14[%add3A_508] : memref<136xf32, #tpu.memory_space<vmem>>[vector<16xi32>], vector<16xf32>,
      %mul3A_510 = arith.constant 16 : i32
      %mul3A_511 = arith.muli %add3A_499, %mul3A_510 : i32
      %get3A_512 = arith.index_cast %mul3A_511 : i32 to index
      %get3A_513 = tpu.vector_load %arg8[%get3A_512] {strides = array<i32>} : memref<6400xf32, #tpu.memory_space<vmem>>, vector<16xf32>,
      %mul3A_514 = arith.mulf %gather3A, %get3A_513 : vector<16xf32>
      %mul3A_515 = arith.constant 16 : i32
      %mul3A_516 = arith.muli %add3A_499, %mul3A_515 : i32
      %swap3A = arith.index_cast %mul3A_516 : i32 to index
      %swap3A_517 = tpu.vector_load %arg15[%swap3A] {strides = array<i32>} : memref<6400xf32, #tpu.memory_space<vmem>>, vector<16xf32>,
      tpu.vector_store %arg15[%swap3A], %mul3A_514 {strides = array<i32>} : memref<6400xf32, #tpu.memory_space<vmem>>, vector<16xf32>,
      %mul3A_518 = arith.constant 16 : i32
      %mul3A_519 = arith.muli %add3A_499, %mul3A_518 : i32
      %get3A_520 = arith.index_cast %mul3A_519 : i32 to index
      %get3A_521 = tpu.vector_load %arg10[%get3A_520] {strides = array<i32>} : memref<6400xf32, #tpu.memory_space<vmem>>, vector<16xf32>,
      %mul3A_522 = arith.mulf %gather3A_509, %get3A_521 : vector<16xf32>
      %mul3A_523 = arith.constant 16 : i32
      %mul3A_524 = arith.muli %add3A_499, %mul3A_523 : i32
      %swap3A_525 = arith.index_cast %mul3A_524 : i32 to index
      %swap3A_526 = tpu.vector_load %arg17[%swap3A_525] {strides = array<i32>} : memref<6400xf32, #tpu.memory_space<vmem>>, vector<16xf32>,
      tpu.vector_store %arg17[%swap3A_525], %mul3A_522 {strides = array<i32>} : memref<6400xf32, #tpu.memory_space<vmem>>, vector<16xf32>,
      %mul3A_527 = arith.constant 4 : i32
      %mul3A_528 = arith.muli %scan3A_495, %mul3A_527 : i32
      %add3A_529 = arith.constant 1 : i32
      %add3A_530 = arith.addi %mul3A_528, %add3A_529 : i32
      %mul3A_531 = arith.constant 16 : i32
      %mul3A_532 = arith.muli %add3A_530, %mul3A_531 : i32
      %get3A_533 = arith.index_cast %mul3A_532 : i32 to index
      %get3A_534 = tpu.vector_load %arg12[%get3A_533] {strides = array<i32>} : memref<6400xi32, #tpu.memory_space<vmem>>, vector<16xi32>,
      %mul3A_535 = arith.constant 2 : i32
      %mul3A_536 = vector.broadcast %mul3A_535 : i32 to vector<16xi32>
      %mul3A_537 = arith.muli %get3A_534, %mul3A_536 : vector<16xi32>
      %gather3A_538 = tpu.vector_load_idx %arg14[%mul3A_537] : memref<136xf32, #tpu.memory_space<vmem>>[vector<16xi32>], vector<16xf32>,
      %add3A_539 = arith.constant 1 : i32
      %add3A_540 = vector.broadcast %add3A_539 : i32 to vector<16xi32>
      %add3A_541 = arith.addi %mul3A_537, %add3A_540 : vector<16xi32>
      %gather3A_542 = tpu.vector_load_idx %arg14[%add3A_541] : memref<136xf32, #tpu.memory_space<vmem>>[vector<16xi32>], vector<16xf32>,
      %mul3A_543 = arith.constant 16 : i32
      %mul3A_544 = arith.muli %add3A_530, %mul3A_543 : i32
      %get3A_545 = arith.index_cast %mul3A_544 : i32 to index
      %get3A_546 = tpu.vector_load %arg8[%get3A_545] {strides = array<i32>} : memref<6400xf32, #tpu.memory_space<vmem>>, vector<16xf32>,
      %mul3A_547 = arith.mulf %gather3A_538, %get3A_546 : vector<16xf32>
      %mul3A_548 = arith.constant 16 : i32
      %mul3A_549 = arith.muli %add3A_530, %mul3A_548 : i32
      %swap3A_550 = arith.index_cast %mul3A_549 : i32 to index
      %swap3A_551 = tpu.vector_load %arg15[%swap3A_550] {strides = array<i32>} : memref<6400xf32, #tpu.memory_space<vmem>>, vector<16xf32>,
      tpu.vector_store %arg15[%swap3A_550], %mul3A_547 {strides = array<i32>} : memref<6400xf32, #tpu.memory_space<vmem>>, vector<16xf32>,
      %mul3A_552 = arith.constant 16 : i32
      %mul3A_553 = arith.muli %add3A_530, %mul3A_552 : i32
      %get3A_554 = arith.index_cast %mul3A_553 : i32 to index
      %get3A_555 = tpu.vector_load %arg10[%get3A_554] {strides = array<i32>} : memref<6400xf32, #tpu.memory_space<vmem>>, vector<16xf32>,
      %mul3A_556 = arith.mulf %gather3A_542, %get3A_555 : vector<16xf32>
      %mul3A_557 = arith.constant 16 : i32
      %mul3A_558 = arith.muli %add3A_530, %mul3A_557 : i32
      %swap3A_559 = arith.index_cast %mul3A_558 : i32 to index
      %swap3A_560 = tpu.vector_load %arg17[%swap3A_559] {strides = array<i32>} : memref<6400xf32, #tpu.memory_space<vmem>>, vector<16xf32>,
      tpu.vector_store %arg17[%swap3A_559], %mul3A_556 {strides = array<i32>} : memref<6400xf32, #tpu.memory_space<vmem>>, vector<16xf32>,
      %mul3A_561 = arith.constant 4 : i32
      %mul3A_562 = arith.muli %scan3A_495, %mul3A_561 : i32
      %add3A_563 = arith.constant 2 : i32
      %add3A_564 = arith.addi %mul3A_562, %add3A_563 : i32
      %mul3A_565 = arith.constant 16 : i32
      %mul3A_566 = arith.muli %add3A_564, %mul3A_565 : i32
      %get3A_567 = arith.index_cast %mul3A_566 : i32 to index
      %get3A_568 = tpu.vector_load %arg12[%get3A_567] {strides = array<i32>} : memref<6400xi32, #tpu.memory_space<vmem>>, vector<16xi32>,
      %mul3A_569 = arith.constant 2 : i32
      %mul3A_570 = vector.broadcast %mul3A_569 : i32 to vector<16xi32>
      %mul3A_571 = arith.muli %get3A_568, %mul3A_570 : vector<16xi32>
      %gather3A_572 = tpu.vector_load_idx %arg14[%mul3A_571] : memref<136xf32, #tpu.memory_space<vmem>>[vector<16xi32>], vector<16xf32>,
      %add3A_573 = arith.constant 1 : i32
      %add3A_574 = vector.broadcast %add3A_573 : i32 to vector<16xi32>
      %add3A_575 = arith.addi %mul3A_571, %add3A_574 : vector<16xi32>
      %gather3A_576 = tpu.vector_load_idx %arg14[%add3A_575] : memref<136xf32, #tpu.memory_space<vmem>>[vector<16xi32>], vector<16xf32>,
      %mul3A_577 = arith.constant 16 : i32
      %mul3A_578 = arith.muli %add3A_564, %mul3A_577 : i32
      %get3A_579 = arith.index_cast %mul3A_578 : i32 to index
      %get3A_580 = tpu.vector_load %arg8[%get3A_579] {strides = array<i32>} : memref<6400xf32, #tpu.memory_space<vmem>>, vector<16xf32>,
      %mul3A_581 = arith.mulf %gather3A_572, %get3A_580 : vector<16xf32>
      %mul3A_582 = arith.constant 16 : i32
      %mul3A_583 = arith.muli %add3A_564, %mul3A_582 : i32
      %swap3A_584 = arith.index_cast %mul3A_583 : i32 to index
      %swap3A_585 = tpu.vector_load %arg15[%swap3A_584] {strides = array<i32>} : memref<6400xf32, #tpu.memory_space<vmem>>, vector<16xf32>,
      tpu.vector_store %arg15[%swap3A_584], %mul3A_581 {strides = array<i32>} : memref<6400xf32, #tpu.memory_space<vmem>>, vector<16xf32>,
      %mul3A_586 = arith.constant 16 : i32
      %mul3A_587 = arith.muli %add3A_564, %mul3A_586 : i32
      %get3A_588 = arith.index_cast %mul3A_587 : i32 to index
      %get3A_589 = tpu.vector_load %arg10[%get3A_588] {strides = array<i32>} : memref<6400xf32, #tpu.memory_space<vmem>>, vector<16xf32>,
      %mul3A_590 = arith.mulf %gather3A_576, %get3A_589 : vector<16xf32>
      %mul3A_591 = arith.constant 16 : i32
      %mul3A_592 = arith.muli %add3A_564, %mul3A_591 : i32
      %swap3A_593 = arith.index_cast %mul3A_592 : i32 to index
      %swap3A_594 = tpu.vector_load %arg17[%swap3A_593] {strides = array<i32>} : memref<6400xf32, #tpu.memory_space<vmem>>, vector<16xf32>,
      tpu.vector_store %arg17[%swap3A_593], %mul3A_590 {strides = array<i32>} : memref<6400xf32, #tpu.memory_space<vmem>>, vector<16xf32>,
      %mul3A_595 = arith.constant 4 : i32
      %mul3A_596 = arith.muli %scan3A_495, %mul3A_595 : i32
      %add3A_597 = arith.constant 3 : i32
      %add3A_598 = arith.addi %mul3A_596, %add3A_597 : i32
      %mul3A_599 = arith.constant 16 : i32
      %mul3A_600 = arith.muli %add3A_598, %mul3A_599 : i32
      %get3A_601 = arith.index_cast %mul3A_600 : i32 to index
      %get3A_602 = tpu.vector_load %arg12[%get3A_601] {strides = array<i32>} : memref<6400xi32, #tpu.memory_space<vmem>>, vector<16xi32>,
      %mul3A_603 = arith.constant 2 : i32
      %mul3A_604 = vector.broadcast %mul3A_603 : i32 to vector<16xi32>
      %mul3A_605 = arith.muli %get3A_602, %mul3A_604 : vector<16xi32>
      %gather3A_606 = tpu.vector_load_idx %arg14[%mul3A_605] : memref<136xf32, #tpu.memory_space<vmem>>[vector<16xi32>], vector<16xf32>,
      %add3A_607 = arith.constant 1 : i32
      %add3A_608 = vector.broadcast %add3A_607 : i32 to vector<16xi32>
      %add3A_609 = arith.addi %mul3A_605, %add3A_608 : vector<16xi32>
      %gather3A_610 = tpu.vector_load_idx %arg14[%add3A_609] : memref<136xf32, #tpu.memory_space<vmem>>[vector<16xi32>], vector<16xf32>,
      %mul3A_611 = arith.constant 16 : i32
      %mul3A_612 = arith.muli %add3A_598, %mul3A_611 : i32
      %get3A_613 = arith.index_cast %mul3A_612 : i32 to index
      %get3A_614 = tpu.vector_load %arg8[%get3A_613] {strides = array<i32>} : memref<6400xf32, #tpu.memory_space<vmem>>, vector<16xf32>,
      %mul3A_615 = arith.mulf %gather3A_606, %get3A_614 : vector<16xf32>
      %mul3A_616 = arith.constant 16 : i32
      %mul3A_617 = arith.muli %add3A_598, %mul3A_616 : i32
      %swap3A_618 = arith.index_cast %mul3A_617 : i32 to index
      %swap3A_619 = tpu.vector_load %arg15[%swap3A_618] {strides = array<i32>} : memref<6400xf32, #tpu.memory_space<vmem>>, vector<16xf32>,
      tpu.vector_store %arg15[%swap3A_618], %mul3A_615 {strides = array<i32>} : memref<6400xf32, #tpu.memory_space<vmem>>, vector<16xf32>,
      %mul3A_620 = arith.constant 16 : i32
      %mul3A_621 = arith.muli %add3A_598, %mul3A_620 : i32
      %get3A_622 = arith.index_cast %mul3A_621 : i32 to index
      %get3A_623 = tpu.vector_load %arg10[%get3A_622] {strides = array<i32>} : memref<6400xf32, #tpu.memory_space<vmem>>, vector<16xf32>,
      %mul3A_624 = arith.mulf %gather3A_610, %get3A_623 : vector<16xf32>
      %mul3A_625 = arith.constant 16 : i32
      %mul3A_626 = arith.muli %add3A_598, %mul3A_625 : i32
      %swap3A_627 = arith.index_cast %mul3A_626 : i32 to index
      %swap3A_628 = tpu.vector_load %arg17[%swap3A_627] {strides = array<i32>} : memref<6400xf32, #tpu.memory_space<vmem>>, vector<16xf32>,
      tpu.vector_store %arg17[%swap3A_627], %mul3A_624 {strides = array<i32>} : memref<6400xf32, #tpu.memory_space<vmem>>, vector<16xf32>,
    }
    %scan3A_333 = arith.constant 100 : i32
    %add3A_334 = arith.constant 64000 : i32
    %add3A_335 = arith.addi %mul3A_2, %add3A_334 : i32
    %multiple_of3A_336 = tpu.assume_multiple %add3A_335, 64 : i32
    %dma_start3A_337 = tpu.memref_slice %arg6[%multiple_of3A_336] : memref<3276800xf32, #tpu.memory_space<hbm>> -> memref<6400xf32, #tpu.memory_space<hbm>>
    %dma_start3A_338 = tpu.memref_slice %arg6[%multiple_of3A_336] : memref<3276800xf32, #tpu.memory_space<hbm>> -> memref<6400xf32, #tpu.memory_space<hbm>>
    tpu.enqueue_dma source(%arg15 : memref<6400xf32, #tpu.memory_space<vmem>>) target(%dma_start3A_338 : memref<6400xf32, #tpu.memory_space<hbm>>) target_semaphore(%arg21 : memref<!tpu.dma_semaphore, #tpu.memory_space<semaphore_mem>>)
    %dma_start3A_339 = tpu.memref_slice %arg7[%multiple_of3A_336] : memref<3276800xf32, #tpu.memory_space<hbm>> -> memref<6400xf32, #tpu.memory_space<hbm>>
    %dma_start3A_340 = tpu.memref_slice %arg7[%multiple_of3A_336] : memref<3276800xf32, #tpu.memory_space<hbm>> -> memref<6400xf32, #tpu.memory_space<hbm>>
    tpu.enqueue_dma source(%arg17 : memref<6400xf32, #tpu.memory_space<vmem>>) target(%dma_start3A_340 : memref<6400xf32, #tpu.memory_space<hbm>>) target_semaphore(%arg21 : memref<!tpu.dma_semaphore, #tpu.memory_space<semaphore_mem>>)
    %add3A_341 = arith.constant 76800 : i32
    %add3A_342 = arith.addi %mul3A_2, %add3A_341 : i32
    %multiple_of3A_343 = tpu.assume_multiple %add3A_342, 64 : i32
    %dma_start3A_344 = tpu.memref_slice %arg2[%multiple_of3A_343] : memref<3276800xf32, #tpu.memory_space<hbm>> -> memref<6400xf32, #tpu.memory_space<hbm>>
    %dma_start3A_345 = tpu.memref_slice %arg2[%multiple_of3A_343] : memref<3276800xf32, #tpu.memory_space<hbm>> -> memref<6400xf32, #tpu.memory_space<hbm>>
    tpu.enqueue_dma source(%dma_start3A_345 : memref<6400xf32, #tpu.memory_space<hbm>>) target(%arg8 : memref<6400xf32, #tpu.memory_space<vmem>>) target_semaphore(%arg19 : memref<!tpu.dma_semaphore, #tpu.memory_space<semaphore_mem>>)
    %dma_start3A_346 = tpu.memref_slice %arg3[%multiple_of3A_343] : memref<3276800xf32, #tpu.memory_space<hbm>> -> memref<6400xf32, #tpu.memory_space<hbm>>
    %dma_start3A_347 = tpu.memref_slice %arg3[%multiple_of3A_343] : memref<3276800xf32, #tpu.memory_space<hbm>> -> memref<6400xf32, #tpu.memory_space<hbm>>
    tpu.enqueue_dma source(%dma_start3A_347 : memref<6400xf32, #tpu.memory_space<hbm>>) target(%arg10 : memref<6400xf32, #tpu.memory_space<vmem>>) target_semaphore(%arg19 : memref<!tpu.dma_semaphore, #tpu.memory_space<semaphore_mem>>)
    %dma_start3A_348 = tpu.memref_slice %arg4[%multiple_of3A_343] : memref<3276800xi32, #tpu.memory_space<hbm>> -> memref<6400xi32, #tpu.memory_space<hbm>>
    %dma_start3A_349 = tpu.memref_slice %arg4[%multiple_of3A_343] : memref<3276800xi32, #tpu.memory_space<hbm>> -> memref<6400xi32, #tpu.memory_space<hbm>>
    tpu.enqueue_dma source(%dma_start3A_349 : memref<6400xi32, #tpu.memory_space<hbm>>) target(%arg12 : memref<6400xi32, #tpu.memory_space<vmem>>) target_semaphore(%arg19 : memref<!tpu.dma_semaphore, #tpu.memory_space<semaphore_mem>>)
    %dma_wait3A_350 = tpu.memref_slice %arg2[%multiple_of3A_312] : memref<3276800xf32, #tpu.memory_space<hbm>> -> memref<6400xf32, #tpu.memory_space<hbm>>
    %dma_wait3A_351 = tpu.memref_slice %arg2[%multiple_of3A_312] : memref<3276800xf32, #tpu.memory_space<hbm>> -> memref<6400xf32, #tpu.memory_space<hbm>>
    tpu.wait_dma2 semaphore(%arg20 : memref<!tpu.dma_semaphore, #tpu.memory_space<semaphore_mem>>) src(%dma_wait3A_351 : memref<6400xf32, #tpu.memory_space<hbm>>) dst(%arg9 : memref<6400xf32, #tpu.memory_space<vmem>>)
    %dma_wait3A_352 = tpu.memref_slice %arg3[%multiple_of3A_312] : memref<3276800xf32, #tpu.memory_space<hbm>> -> memref<6400xf32, #tpu.memory_space<hbm>>
    %dma_wait3A_353 = tpu.memref_slice %arg3[%multiple_of3A_312] : memref<3276800xf32, #tpu.memory_space<hbm>> -> memref<6400xf32, #tpu.memory_space<hbm>>
    tpu.wait_dma2 semaphore(%arg20 : memref<!tpu.dma_semaphore, #tpu.memory_space<semaphore_mem>>) src(%dma_wait3A_353 : memref<6400xf32, #tpu.memory_space<hbm>>) dst(%arg11 : memref<6400xf32, #tpu.memory_space<vmem>>)
    %dma_wait3A_354 = tpu.memref_slice %arg4[%multiple_of3A_312] : memref<3276800xi32, #tpu.memory_space<hbm>> -> memref<6400xi32, #tpu.memory_space<hbm>>
    %dma_wait3A_355 = tpu.memref_slice %arg4[%multiple_of3A_312] : memref<3276800xi32, #tpu.memory_space<hbm>> -> memref<6400xi32, #tpu.memory_space<hbm>>
    tpu.wait_dma2 semaphore(%arg20 : memref<!tpu.dma_semaphore, #tpu.memory_space<semaphore_mem>>) src(%dma_wait3A_355 : memref<6400xi32, #tpu.memory_space<hbm>>) dst(%arg13 : memref<6400xi32, #tpu.memory_space<vmem>>)
    %dma_wait3A_356 = tpu.memref_slice %arg6[%multiple_of3A_305] : memref<3276800xf32, #tpu.memory_space<hbm>> -> memref<6400xf32, #tpu.memory_space<hbm>>
    %dma_wait3A_357 = tpu.memref_slice %arg6[%multiple_of3A_305] : memref<3276800xf32, #tpu.memory_space<hbm>> -> memref<6400xf32, #tpu.memory_space<hbm>>
    tpu.wait_dma2 semaphore(%arg22 : memref<!tpu.dma_semaphore, #tpu.memory_space<semaphore_mem>>) src(%arg16 : memref<6400xf32, #tpu.memory_space<vmem>>) dst(%dma_wait3A_357 : memref<6400xf32, #tpu.memory_space<hbm>>)
    %dma_wait3A_358 = tpu.memref_slice %arg7[%multiple_of3A_305] : memref<3276800xf32, #tpu.memory_space<hbm>> -> memref<6400xf32, #tpu.memory_space<hbm>>
    %dma_wait3A_359 = tpu.memref_slice %arg7[%multiple_of3A_305] : memref<3276800xf32, #tpu.memory_space<hbm>> -> memref<6400xf32, #tpu.memory_space<hbm>>
    tpu.wait_dma2 semaphore(%arg22 : memref<!tpu.dma_semaphore, #tpu.memory_space<semaphore_mem>>) src(%arg18 : memref<6400xf32, #tpu.memory_space<vmem>>) dst(%dma_wait3A_359 : memref<6400xf32, #tpu.memory_space<hbm>>)
    %scan3A_360 = arith.constant 0 : i32
    %scan3A_361 = arith.constant 100 : i32
    %scan3A_362 = arith.addi %scan3A_360, %scan3A_361 : i32
    %scan3A_363 = arith.constant 1 : i32
    scf.for %scan3A_495 = %scan3A_360 to %scan3A_362 step %scan3A_363  : i32 {
      %mul3A_496 = arith.constant 4 : i32
      %mul3A_497 = arith.muli %scan3A_495, %mul3A_496 : i32
      %add3A_498 = arith.constant 0 : i32
      %add3A_499 = arith.addi %mul3A_497, %add3A_498 : i32
      %mul3A_500 = arith.constant 16 : i32
      %mul3A_501 = arith.muli %add3A_499, %mul3A_500 : i32
      %get3A = arith.index_cast %mul3A_501 : i32 to index
      %get3A_502 = tpu.vector_load %arg13[%get3A] {strides = array<i32>} : memref<6400xi32, #tpu.memory_space<vmem>>, vector<16xi32>,
      %mul3A_503 = arith.constant 2 : i32
      %mul3A_504 = vector.broadcast %mul3A_503 : i32 to vector<16xi32>
      %mul3A_505 = arith.muli %get3A_502, %mul3A_504 : vector<16xi32>
      %gather3A = tpu.vector_load_idx %arg14[%mul3A_505] : memref<136xf32, #tpu.memory_space<vmem>>[vector<16xi32>], vector<16xf32>,
      %add3A_506 = arith.constant 1 : i32
      %add3A_507 = vector.broadcast %add3A_506 : i32 to vector<16xi32>
      %add3A_508 = arith.addi %mul3A_505, %add3A_507 : vector<16xi32>
      %gather3A_509 = tpu.vector_load_idx %arg14[%add3A_508] : memref<136xf32, #tpu.memory_space<vmem>>[vector<16xi32>], vector<16xf32>,
      %mul3A_510 = arith.constant 16 : i32
      %mul3A_511 = arith.muli %add3A_499, %mul3A_510 : i32
      %get3A_512 = arith.index_cast %mul3A_511 : i32 to index
      %get3A_513 = tpu.vector_load %arg9[%get3A_512] {strides = array<i32>} : memref<6400xf32, #tpu.memory_space<vmem>>, vector<16xf32>,
      %mul3A_514 = arith.mulf %gather3A, %get3A_513 : vector<16xf32>
      %mul3A_515 = arith.constant 16 : i32
      %mul3A_516 = arith.muli %add3A_499, %mul3A_515 : i32
      %swap3A = arith.index_cast %mul3A_516 : i32 to index
      %swap3A_517 = tpu.vector_load %arg16[%swap3A] {strides = array<i32>} : memref<6400xf32, #tpu.memory_space<vmem>>, vector<16xf32>,
      tpu.vector_store %arg16[%swap3A], %mul3A_514 {strides = array<i32>} : memref<6400xf32, #tpu.memory_space<vmem>>, vector<16xf32>,
      %mul3A_518 = arith.constant 16 : i32
      %mul3A_519 = arith.muli %add3A_499, %mul3A_518 : i32
      %get3A_520 = arith.index_cast %mul3A_519 : i32 to index
      %get3A_521 = tpu.vector_load %arg11[%get3A_520] {strides = array<i32>} : memref<6400xf32, #tpu.memory_space<vmem>>, vector<16xf32>,
      %mul3A_522 = arith.mulf %gather3A_509, %get3A_521 : vector<16xf32>
      %mul3A_523 = arith.constant 16 : i32
      %mul3A_524 = arith.muli %add3A_499, %mul3A_523 : i32
      %swap3A_525 = arith.index_cast %mul3A_524 : i32 to index
      %swap3A_526 = tpu.vector_load %arg18[%swap3A_525] {strides = array<i32>} : memref<6400xf32, #tpu.memory_space<vmem>>, vector<16xf32>,
      tpu.vector_store %arg18[%swap3A_525], %mul3A_522 {strides = array<i32>} : memref<6400xf32, #tpu.memory_space<vmem>>, vector<16xf32>,
      %mul3A_527 = arith.constant 4 : i32
      %mul3A_528 = arith.muli %scan3A_495, %mul3A_527 : i32
      %add3A_529 = arith.constant 1 : i32
      %add3A_530 = arith.addi %mul3A_528, %add3A_529 : i32
      %mul3A_531 = arith.constant 16 : i32
      %mul3A_532 = arith.muli %add3A_530, %mul3A_531 : i32
      %get3A_533 = arith.index_cast %mul3A_532 : i32 to index
      %get3A_534 = tpu.vector_load %arg13[%get3A_533] {strides = array<i32>} : memref<6400xi32, #tpu.memory_space<vmem>>, vector<16xi32>,
      %mul3A_535 = arith.constant 2 : i32
      %mul3A_536 = vector.broadcast %mul3A_535 : i32 to vector<16xi32>
      %mul3A_537 = arith.muli %get3A_534, %mul3A_536 : vector<16xi32>
      %gather3A_538 = tpu.vector_load_idx %arg14[%mul3A_537] : memref<136xf32, #tpu.memory_space<vmem>>[vector<16xi32>], vector<16xf32>,
      %add3A_539 = arith.constant 1 : i32
      %add3A_540 = vector.broadcast %add3A_539 : i32 to vector<16xi32>
      %add3A_541 = arith.addi %mul3A_537, %add3A_540 : vector<16xi32>
      %gather3A_542 = tpu.vector_load_idx %arg14[%add3A_541] : memref<136xf32, #tpu.memory_space<vmem>>[vector<16xi32>], vector<16xf32>,
      %mul3A_543 = arith.constant 16 : i32
      %mul3A_544 = arith.muli %add3A_530, %mul3A_543 : i32
      %get3A_545 = arith.index_cast %mul3A_544 : i32 to index
      %get3A_546 = tpu.vector_load %arg9[%get3A_545] {strides = array<i32>} : memref<6400xf32, #tpu.memory_space<vmem>>, vector<16xf32>,
      %mul3A_547 = arith.mulf %gather3A_538, %get3A_546 : vector<16xf32>
      %mul3A_548 = arith.constant 16 : i32
      %mul3A_549 = arith.muli %add3A_530, %mul3A_548 : i32
      %swap3A_550 = arith.index_cast %mul3A_549 : i32 to index
      %swap3A_551 = tpu.vector_load %arg16[%swap3A_550] {strides = array<i32>} : memref<6400xf32, #tpu.memory_space<vmem>>, vector<16xf32>,
      tpu.vector_store %arg16[%swap3A_550], %mul3A_547 {strides = array<i32>} : memref<6400xf32, #tpu.memory_space<vmem>>, vector<16xf32>,
      %mul3A_552 = arith.constant 16 : i32
      %mul3A_553 = arith.muli %add3A_530, %mul3A_552 : i32
      %get3A_554 = arith.index_cast %mul3A_553 : i32 to index
      %get3A_555 = tpu.vector_load %arg11[%get3A_554] {strides = array<i32>} : memref<6400xf32, #tpu.memory_space<vmem>>, vector<16xf32>,
      %mul3A_556 = arith.mulf %gather3A_542, %get3A_555 : vector<16xf32>
      %mul3A_557 = arith.constant 16 : i32
      %mul3A_558 = arith.muli %add3A_530, %mul3A_557 : i32
      %swap3A_559 = arith.index_cast %mul3A_558 : i32 to index
      %swap3A_560 = tpu.vector_load %arg18[%swap3A_559] {strides = array<i32>} : memref<6400xf32, #tpu.memory_space<vmem>>, vector<16xf32>,
      tpu.vector_store %arg18[%swap3A_559], %mul3A_556 {strides = array<i32>} : memref<6400xf32, #tpu.memory_space<vmem>>, vector<16xf32>,
      %mul3A_561 = arith.constant 4 : i32
      %mul3A_562 = arith.muli %scan3A_495, %mul3A_561 : i32
      %add3A_563 = arith.constant 2 : i32
      %add3A_564 = arith.addi %mul3A_562, %add3A_563 : i32
      %mul3A_565 = arith.constant 16 : i32
      %mul3A_566 = arith.muli %add3A_564, %mul3A_565 : i32
      %get3A_567 = arith.index_cast %mul3A_566 : i32 to index
      %get3A_568 = tpu.vector_load %arg13[%get3A_567] {strides = array<i32>} : memref<6400xi32, #tpu.memory_space<vmem>>, vector<16xi32>,
      %mul3A_569 = arith.constant 2 : i32
      %mul3A_570 = vector.broadcast %mul3A_569 : i32 to vector<16xi32>
      %mul3A_571 = arith.muli %get3A_568, %mul3A_570 : vector<16xi32>
      %gather3A_572 = tpu.vector_load_idx %arg14[%mul3A_571] : memref<136xf32, #tpu.memory_space<vmem>>[vector<16xi32>], vector<16xf32>,
      %add3A_573 = arith.constant 1 : i32
      %add3A_574 = vector.broadcast %add3A_573 : i32 to vector<16xi32>
      %add3A_575 = arith.addi %mul3A_571, %add3A_574 : vector<16xi32>
      %gather3A_576 = tpu.vector_load_idx %arg14[%add3A_575] : memref<136xf32, #tpu.memory_space<vmem>>[vector<16xi32>], vector<16xf32>,
      %mul3A_577 = arith.constant 16 : i32
      %mul3A_578 = arith.muli %add3A_564, %mul3A_577 : i32
      %get3A_579 = arith.index_cast %mul3A_578 : i32 to index
      %get3A_580 = tpu.vector_load %arg9[%get3A_579] {strides = array<i32>} : memref<6400xf32, #tpu.memory_space<vmem>>, vector<16xf32>,
      %mul3A_581 = arith.mulf %gather3A_572, %get3A_580 : vector<16xf32>
      %mul3A_582 = arith.constant 16 : i32
      %mul3A_583 = arith.muli %add3A_564, %mul3A_582 : i32
      %swap3A_584 = arith.index_cast %mul3A_583 : i32 to index
      %swap3A_585 = tpu.vector_load %arg16[%swap3A_584] {strides = array<i32>} : memref<6400xf32, #tpu.memory_space<vmem>>, vector<16xf32>,
      tpu.vector_store %arg16[%swap3A_584], %mul3A_581 {strides = array<i32>} : memref<6400xf32, #tpu.memory_space<vmem>>, vector<16xf32>,
      %mul3A_586 = arith.constant 16 : i32
      %mul3A_587 = arith.muli %add3A_564, %mul3A_586 : i32
      %get3A_588 = arith.index_cast %mul3A_587 : i32 to index
      %get3A_589 = tpu.vector_load %arg11[%get3A_588] {strides = array<i32>} : memref<6400xf32, #tpu.memory_space<vmem>>, vector<16xf32>,
      %mul3A_590 = arith.mulf %gather3A_576, %get3A_589 : vector<16xf32>
      %mul3A_591 = arith.constant 16 : i32
      %mul3A_592 = arith.muli %add3A_564, %mul3A_591 : i32
      %swap3A_593 = arith.index_cast %mul3A_592 : i32 to index
      %swap3A_594 = tpu.vector_load %arg18[%swap3A_593] {strides = array<i32>} : memref<6400xf32, #tpu.memory_space<vmem>>, vector<16xf32>,
      tpu.vector_store %arg18[%swap3A_593], %mul3A_590 {strides = array<i32>} : memref<6400xf32, #tpu.memory_space<vmem>>, vector<16xf32>,
      %mul3A_595 = arith.constant 4 : i32
      %mul3A_596 = arith.muli %scan3A_495, %mul3A_595 : i32
      %add3A_597 = arith.constant 3 : i32
      %add3A_598 = arith.addi %mul3A_596, %add3A_597 : i32
      %mul3A_599 = arith.constant 16 : i32
      %mul3A_600 = arith.muli %add3A_598, %mul3A_599 : i32
      %get3A_601 = arith.index_cast %mul3A_600 : i32 to index
      %get3A_602 = tpu.vector_load %arg13[%get3A_601] {strides = array<i32>} : memref<6400xi32, #tpu.memory_space<vmem>>, vector<16xi32>,
      %mul3A_603 = arith.constant 2 : i32
      %mul3A_604 = vector.broadcast %mul3A_603 : i32 to vector<16xi32>
      %mul3A_605 = arith.muli %get3A_602, %mul3A_604 : vector<16xi32>
      %gather3A_606 = tpu.vector_load_idx %arg14[%mul3A_605] : memref<136xf32, #tpu.memory_space<vmem>>[vector<16xi32>], vector<16xf32>,
      %add3A_607 = arith.constant 1 : i32
      %add3A_608 = vector.broadcast %add3A_607 : i32 to vector<16xi32>
      %add3A_609 = arith.addi %mul3A_605, %add3A_608 : vector<16xi32>
      %gather3A_610 = tpu.vector_load_idx %arg14[%add3A_609] : memref<136xf32, #tpu.memory_space<vmem>>[vector<16xi32>], vector<16xf32>,
      %mul3A_611 = arith.constant 16 : i32
      %mul3A_612 = arith.muli %add3A_598, %mul3A_611 : i32
      %get3A_613 = arith.index_cast %mul3A_612 : i32 to index
      %get3A_614 = tpu.vector_load %arg9[%get3A_613] {strides = array<i32>} : memref<6400xf32, #tpu.memory_space<vmem>>, vector<16xf32>,
      %mul3A_615 = arith.mulf %gather3A_606, %get3A_614 : vector<16xf32>
      %mul3A_616 = arith.constant 16 : i32
      %mul3A_617 = arith.muli %add3A_598, %mul3A_616 : i32
      %swap3A_618 = arith.index_cast %mul3A_617 : i32 to index
      %swap3A_619 = tpu.vector_load %arg16[%swap3A_618] {strides = array<i32>} : memref<6400xf32, #tpu.memory_space<vmem>>, vector<16xf32>,
      tpu.vector_store %arg16[%swap3A_618], %mul3A_615 {strides = array<i32>} : memref<6400xf32, #tpu.memory_space<vmem>>, vector<16xf32>,
      %mul3A_620 = arith.constant 16 : i32
      %mul3A_621 = arith.muli %add3A_598, %mul3A_620 : i32
      %get3A_622 = arith.index_cast %mul3A_621 : i32 to index
      %get3A_623 = tpu.vector_load %arg11[%get3A_622] {strides = array<i32>} : memref<6400xf32, #tpu.memory_space<vmem>>, vector<16xf32>,
      %mul3A_624 = arith.mulf %gather3A_610, %get3A_623 : vector<16xf32>
      %mul3A_625 = arith.constant 16 : i32
      %mul3A_626 = arith.muli %add3A_598, %mul3A_625 : i32
      %swap3A_627 = arith.index_cast %mul3A_626 : i32 to index
      %swap3A_628 = tpu.vector_load %arg18[%swap3A_627] {strides = array<i32>} : memref<6400xf32, #tpu.memory_space<vmem>>, vector<16xf32>,
      tpu.vector_store %arg18[%swap3A_627], %mul3A_624 {strides = array<i32>} : memref<6400xf32, #tpu.memory_space<vmem>>, vector<16xf32>,
    }
    %scan3A_364 = arith.constant 100 : i32
    %add3A_365 = arith.constant 70400 : i32
    %add3A_366 = arith.addi %mul3A_2, %add3A_365 : i32
    %multiple_of3A_367 = tpu.assume_multiple %add3A_366, 64 : i32
    %dma_start3A_368 = tpu.memref_slice %arg6[%multiple_of3A_367] : memref<3276800xf32, #tpu.memory_space<hbm>> -> memref<6400xf32, #tpu.memory_space<hbm>>
    %dma_start3A_369 = tpu.memref_slice %arg6[%multiple_of3A_367] : memref<3276800xf32, #tpu.memory_space<hbm>> -> memref<6400xf32, #tpu.memory_space<hbm>>
    tpu.enqueue_dma source(%arg16 : memref<6400xf32, #tpu.memory_space<vmem>>) target(%dma_start3A_369 : memref<6400xf32, #tpu.memory_space<hbm>>) target_semaphore(%arg22 : memref<!tpu.dma_semaphore, #tpu.memory_space<semaphore_mem>>)
    %dma_start3A_370 = tpu.memref_slice %arg7[%multiple_of3A_367] : memref<3276800xf32, #tpu.memory_space<hbm>> -> memref<6400xf32, #tpu.memory_space<hbm>>
    %dma_start3A_371 = tpu.memref_slice %arg7[%multiple_of3A_367] : memref<3276800xf32, #tpu.memory_space<hbm>> -> memref<6400xf32, #tpu.memory_space<hbm>>
    tpu.enqueue_dma source(%arg18 : memref<6400xf32, #tpu.memory_space<vmem>>) target(%dma_start3A_371 : memref<6400xf32, #tpu.memory_space<hbm>>) target_semaphore(%arg22 : memref<!tpu.dma_semaphore, #tpu.memory_space<semaphore_mem>>)
    %add3A_372 = arith.constant 83200 : i32
    %add3A_373 = arith.addi %mul3A_2, %add3A_372 : i32
    %multiple_of3A_374 = tpu.assume_multiple %add3A_373, 64 : i32
    %dma_start3A_375 = tpu.memref_slice %arg2[%multiple_of3A_374] : memref<3276800xf32, #tpu.memory_space<hbm>> -> memref<6400xf32, #tpu.memory_space<hbm>>
    %dma_start3A_376 = tpu.memref_slice %arg2[%multiple_of3A_374] : memref<3276800xf32, #tpu.memory_space<hbm>> -> memref<6400xf32, #tpu.memory_space<hbm>>
    tpu.enqueue_dma source(%dma_start3A_376 : memref<6400xf32, #tpu.memory_space<hbm>>) target(%arg9 : memref<6400xf32, #tpu.memory_space<vmem>>) target_semaphore(%arg20 : memref<!tpu.dma_semaphore, #tpu.memory_space<semaphore_mem>>)
    %dma_start3A_377 = tpu.memref_slice %arg3[%multiple_of3A_374] : memref<3276800xf32, #tpu.memory_space<hbm>> -> memref<6400xf32, #tpu.memory_space<hbm>>
    %dma_start3A_378 = tpu.memref_slice %arg3[%multiple_of3A_374] : memref<3276800xf32, #tpu.memory_space<hbm>> -> memref<6400xf32, #tpu.memory_space<hbm>>
    tpu.enqueue_dma source(%dma_start3A_378 : memref<6400xf32, #tpu.memory_space<hbm>>) target(%arg11 : memref<6400xf32, #tpu.memory_space<vmem>>) target_semaphore(%arg20 : memref<!tpu.dma_semaphore, #tpu.memory_space<semaphore_mem>>)
    %dma_start3A_379 = tpu.memref_slice %arg4[%multiple_of3A_374] : memref<3276800xi32, #tpu.memory_space<hbm>> -> memref<6400xi32, #tpu.memory_space<hbm>>
    %dma_start3A_380 = tpu.memref_slice %arg4[%multiple_of3A_374] : memref<3276800xi32, #tpu.memory_space<hbm>> -> memref<6400xi32, #tpu.memory_space<hbm>>
    tpu.enqueue_dma source(%dma_start3A_380 : memref<6400xi32, #tpu.memory_space<hbm>>) target(%arg13 : memref<6400xi32, #tpu.memory_space<vmem>>) target_semaphore(%arg20 : memref<!tpu.dma_semaphore, #tpu.memory_space<semaphore_mem>>)
    %dma_wait3A_381 = tpu.memref_slice %arg2[%multiple_of3A_343] : memref<3276800xf32, #tpu.memory_space<hbm>> -> memref<6400xf32, #tpu.memory_space<hbm>>
    %dma_wait3A_382 = tpu.memref_slice %arg2[%multiple_of3A_343] : memref<3276800xf32, #tpu.memory_space<hbm>> -> memref<6400xf32, #tpu.memory_space<hbm>>
    tpu.wait_dma2 semaphore(%arg19 : memref<!tpu.dma_semaphore, #tpu.memory_space<semaphore_mem>>) src(%dma_wait3A_382 : memref<6400xf32, #tpu.memory_space<hbm>>) dst(%arg8 : memref<6400xf32, #tpu.memory_space<vmem>>)
    %dma_wait3A_383 = tpu.memref_slice %arg3[%multiple_of3A_343] : memref<3276800xf32, #tpu.memory_space<hbm>> -> memref<6400xf32, #tpu.memory_space<hbm>>
    %dma_wait3A_384 = tpu.memref_slice %arg3[%multiple_of3A_343] : memref<3276800xf32, #tpu.memory_space<hbm>> -> memref<6400xf32, #tpu.memory_space<hbm>>
    tpu.wait_dma2 semaphore(%arg19 : memref<!tpu.dma_semaphore, #tpu.memory_space<semaphore_mem>>) src(%dma_wait3A_384 : memref<6400xf32, #tpu.memory_space<hbm>>) dst(%arg10 : memref<6400xf32, #tpu.memory_space<vmem>>)
    %dma_wait3A_385 = tpu.memref_slice %arg4[%multiple_of3A_343] : memref<3276800xi32, #tpu.memory_space<hbm>> -> memref<6400xi32, #tpu.memory_space<hbm>>
    %dma_wait3A_386 = tpu.memref_slice %arg4[%multiple_of3A_343] : memref<3276800xi32, #tpu.memory_space<hbm>> -> memref<6400xi32, #tpu.memory_space<hbm>>
    tpu.wait_dma2 semaphore(%arg19 : memref<!tpu.dma_semaphore, #tpu.memory_space<semaphore_mem>>) src(%dma_wait3A_386 : memref<6400xi32, #tpu.memory_space<hbm>>) dst(%arg12 : memref<6400xi32, #tpu.memory_space<vmem>>)
    %dma_wait3A_387 = tpu.memref_slice %arg6[%multiple_of3A_336] : memref<3276800xf32, #tpu.memory_space<hbm>> -> memref<6400xf32, #tpu.memory_space<hbm>>
    %dma_wait3A_388 = tpu.memref_slice %arg6[%multiple_of3A_336] : memref<3276800xf32, #tpu.memory_space<hbm>> -> memref<6400xf32, #tpu.memory_space<hbm>>
    tpu.wait_dma2 semaphore(%arg21 : memref<!tpu.dma_semaphore, #tpu.memory_space<semaphore_mem>>) src(%arg15 : memref<6400xf32, #tpu.memory_space<vmem>>) dst(%dma_wait3A_388 : memref<6400xf32, #tpu.memory_space<hbm>>)
    %dma_wait3A_389 = tpu.memref_slice %arg7[%multiple_of3A_336] : memref<3276800xf32, #tpu.memory_space<hbm>> -> memref<6400xf32, #tpu.memory_space<hbm>>
    %dma_wait3A_390 = tpu.memref_slice %arg7[%multiple_of3A_336] : memref<3276800xf32, #tpu.memory_space<hbm>> -> memref<6400xf32, #tpu.memory_space<hbm>>
    tpu.wait_dma2 semaphore(%arg21 : memref<!tpu.dma_semaphore, #tpu.memory_space<semaphore_mem>>) src(%arg17 : memref<6400xf32, #tpu.memory_space<vmem>>) dst(%dma_wait3A_390 : memref<6400xf32, #tpu.memory_space<hbm>>)
    %scan3A_391 = arith.constant 0 : i32
    %scan3A_392 = arith.constant 100 : i32
    %scan3A_393 = arith.addi %scan3A_391, %scan3A_392 : i32
    %scan3A_394 = arith.constant 1 : i32
    scf.for %scan3A_495 = %scan3A_391 to %scan3A_393 step %scan3A_394  : i32 {
      %mul3A_496 = arith.constant 4 : i32
      %mul3A_497 = arith.muli %scan3A_495, %mul3A_496 : i32
      %add3A_498 = arith.constant 0 : i32
      %add3A_499 = arith.addi %mul3A_497, %add3A_498 : i32
      %mul3A_500 = arith.constant 16 : i32
      %mul3A_501 = arith.muli %add3A_499, %mul3A_500 : i32
      %get3A = arith.index_cast %mul3A_501 : i32 to index
      %get3A_502 = tpu.vector_load %arg12[%get3A] {strides = array<i32>} : memref<6400xi32, #tpu.memory_space<vmem>>, vector<16xi32>,
      %mul3A_503 = arith.constant 2 : i32
      %mul3A_504 = vector.broadcast %mul3A_503 : i32 to vector<16xi32>
      %mul3A_505 = arith.muli %get3A_502, %mul3A_504 : vector<16xi32>
      %gather3A = tpu.vector_load_idx %arg14[%mul3A_505] : memref<136xf32, #tpu.memory_space<vmem>>[vector<16xi32>], vector<16xf32>,
      %add3A_506 = arith.constant 1 : i32
      %add3A_507 = vector.broadcast %add3A_506 : i32 to vector<16xi32>
      %add3A_508 = arith.addi %mul3A_505, %add3A_507 : vector<16xi32>
      %gather3A_509 = tpu.vector_load_idx %arg14[%add3A_508] : memref<136xf32, #tpu.memory_space<vmem>>[vector<16xi32>], vector<16xf32>,
      %mul3A_510 = arith.constant 16 : i32
      %mul3A_511 = arith.muli %add3A_499, %mul3A_510 : i32
      %get3A_512 = arith.index_cast %mul3A_511 : i32 to index
      %get3A_513 = tpu.vector_load %arg8[%get3A_512] {strides = array<i32>} : memref<6400xf32, #tpu.memory_space<vmem>>, vector<16xf32>,
      %mul3A_514 = arith.mulf %gather3A, %get3A_513 : vector<16xf32>
      %mul3A_515 = arith.constant 16 : i32
      %mul3A_516 = arith.muli %add3A_499, %mul3A_515 : i32
      %swap3A = arith.index_cast %mul3A_516 : i32 to index
      %swap3A_517 = tpu.vector_load %arg15[%swap3A] {strides = array<i32>} : memref<6400xf32, #tpu.memory_space<vmem>>, vector<16xf32>,
      tpu.vector_store %arg15[%swap3A], %mul3A_514 {strides = array<i32>} : memref<6400xf32, #tpu.memory_space<vmem>>, vector<16xf32>,
      %mul3A_518 = arith.constant 16 : i32
      %mul3A_519 = arith.muli %add3A_499, %mul3A_518 : i32
      %get3A_520 = arith.index_cast %mul3A_519 : i32 to index
      %get3A_521 = tpu.vector_load %arg10[%get3A_520] {strides = array<i32>} : memref<6400xf32, #tpu.memory_space<vmem>>, vector<16xf32>,
      %mul3A_522 = arith.mulf %gather3A_509, %get3A_521 : vector<16xf32>
      %mul3A_523 = arith.constant 16 : i32
      %mul3A_524 = arith.muli %add3A_499, %mul3A_523 : i32
      %swap3A_525 = arith.index_cast %mul3A_524 : i32 to index
      %swap3A_526 = tpu.vector_load %arg17[%swap3A_525] {strides = array<i32>} : memref<6400xf32, #tpu.memory_space<vmem>>, vector<16xf32>,
      tpu.vector_store %arg17[%swap3A_525], %mul3A_522 {strides = array<i32>} : memref<6400xf32, #tpu.memory_space<vmem>>, vector<16xf32>,
      %mul3A_527 = arith.constant 4 : i32
      %mul3A_528 = arith.muli %scan3A_495, %mul3A_527 : i32
      %add3A_529 = arith.constant 1 : i32
      %add3A_530 = arith.addi %mul3A_528, %add3A_529 : i32
      %mul3A_531 = arith.constant 16 : i32
      %mul3A_532 = arith.muli %add3A_530, %mul3A_531 : i32
      %get3A_533 = arith.index_cast %mul3A_532 : i32 to index
      %get3A_534 = tpu.vector_load %arg12[%get3A_533] {strides = array<i32>} : memref<6400xi32, #tpu.memory_space<vmem>>, vector<16xi32>,
      %mul3A_535 = arith.constant 2 : i32
      %mul3A_536 = vector.broadcast %mul3A_535 : i32 to vector<16xi32>
      %mul3A_537 = arith.muli %get3A_534, %mul3A_536 : vector<16xi32>
      %gather3A_538 = tpu.vector_load_idx %arg14[%mul3A_537] : memref<136xf32, #tpu.memory_space<vmem>>[vector<16xi32>], vector<16xf32>,
      %add3A_539 = arith.constant 1 : i32
      %add3A_540 = vector.broadcast %add3A_539 : i32 to vector<16xi32>
      %add3A_541 = arith.addi %mul3A_537, %add3A_540 : vector<16xi32>
      %gather3A_542 = tpu.vector_load_idx %arg14[%add3A_541] : memref<136xf32, #tpu.memory_space<vmem>>[vector<16xi32>], vector<16xf32>,
      %mul3A_543 = arith.constant 16 : i32
      %mul3A_544 = arith.muli %add3A_530, %mul3A_543 : i32
      %get3A_545 = arith.index_cast %mul3A_544 : i32 to index
      %get3A_546 = tpu.vector_load %arg8[%get3A_545] {strides = array<i32>} : memref<6400xf32, #tpu.memory_space<vmem>>, vector<16xf32>,
      %mul3A_547 = arith.mulf %gather3A_538, %get3A_546 : vector<16xf32>
      %mul3A_548 = arith.constant 16 : i32
      %mul3A_549 = arith.muli %add3A_530, %mul3A_548 : i32
      %swap3A_550 = arith.index_cast %mul3A_549 : i32 to index
      %swap3A_551 = tpu.vector_load %arg15[%swap3A_550] {strides = array<i32>} : memref<6400xf32, #tpu.memory_space<vmem>>, vector<16xf32>,
      tpu.vector_store %arg15[%swap3A_550], %mul3A_547 {strides = array<i32>} : memref<6400xf32, #tpu.memory_space<vmem>>, vector<16xf32>,
      %mul3A_552 = arith.constant 16 : i32
      %mul3A_553 = arith.muli %add3A_530, %mul3A_552 : i32
      %get3A_554 = arith.index_cast %mul3A_553 : i32 to index
      %get3A_555 = tpu.vector_load %arg10[%get3A_554] {strides = array<i32>} : memref<6400xf32, #tpu.memory_space<vmem>>, vector<16xf32>,
      %mul3A_556 = arith.mulf %gather3A_542, %get3A_555 : vector<16xf32>
      %mul3A_557 = arith.constant 16 : i32
      %mul3A_558 = arith.muli %add3A_530, %mul3A_557 : i32
      %swap3A_559 = arith.index_cast %mul3A_558 : i32 to index
      %swap3A_560 = tpu.vector_load %arg17[%swap3A_559] {strides = array<i32>} : memref<6400xf32, #tpu.memory_space<vmem>>, vector<16xf32>,
      tpu.vector_store %arg17[%swap3A_559], %mul3A_556 {strides = array<i32>} : memref<6400xf32, #tpu.memory_space<vmem>>, vector<16xf32>,
      %mul3A_561 = arith.constant 4 : i32
      %mul3A_562 = arith.muli %scan3A_495, %mul3A_561 : i32
      %add3A_563 = arith.constant 2 : i32
      %add3A_564 = arith.addi %mul3A_562, %add3A_563 : i32
      %mul3A_565 = arith.constant 16 : i32
      %mul3A_566 = arith.muli %add3A_564, %mul3A_565 : i32
      %get3A_567 = arith.index_cast %mul3A_566 : i32 to index
      %get3A_568 = tpu.vector_load %arg12[%get3A_567] {strides = array<i32>} : memref<6400xi32, #tpu.memory_space<vmem>>, vector<16xi32>,
      %mul3A_569 = arith.constant 2 : i32
      %mul3A_570 = vector.broadcast %mul3A_569 : i32 to vector<16xi32>
      %mul3A_571 = arith.muli %get3A_568, %mul3A_570 : vector<16xi32>
      %gather3A_572 = tpu.vector_load_idx %arg14[%mul3A_571] : memref<136xf32, #tpu.memory_space<vmem>>[vector<16xi32>], vector<16xf32>,
      %add3A_573 = arith.constant 1 : i32
      %add3A_574 = vector.broadcast %add3A_573 : i32 to vector<16xi32>
      %add3A_575 = arith.addi %mul3A_571, %add3A_574 : vector<16xi32>
      %gather3A_576 = tpu.vector_load_idx %arg14[%add3A_575] : memref<136xf32, #tpu.memory_space<vmem>>[vector<16xi32>], vector<16xf32>,
      %mul3A_577 = arith.constant 16 : i32
      %mul3A_578 = arith.muli %add3A_564, %mul3A_577 : i32
      %get3A_579 = arith.index_cast %mul3A_578 : i32 to index
      %get3A_580 = tpu.vector_load %arg8[%get3A_579] {strides = array<i32>} : memref<6400xf32, #tpu.memory_space<vmem>>, vector<16xf32>,
      %mul3A_581 = arith.mulf %gather3A_572, %get3A_580 : vector<16xf32>
      %mul3A_582 = arith.constant 16 : i32
      %mul3A_583 = arith.muli %add3A_564, %mul3A_582 : i32
      %swap3A_584 = arith.index_cast %mul3A_583 : i32 to index
      %swap3A_585 = tpu.vector_load %arg15[%swap3A_584] {strides = array<i32>} : memref<6400xf32, #tpu.memory_space<vmem>>, vector<16xf32>,
      tpu.vector_store %arg15[%swap3A_584], %mul3A_581 {strides = array<i32>} : memref<6400xf32, #tpu.memory_space<vmem>>, vector<16xf32>,
      %mul3A_586 = arith.constant 16 : i32
      %mul3A_587 = arith.muli %add3A_564, %mul3A_586 : i32
      %get3A_588 = arith.index_cast %mul3A_587 : i32 to index
      %get3A_589 = tpu.vector_load %arg10[%get3A_588] {strides = array<i32>} : memref<6400xf32, #tpu.memory_space<vmem>>, vector<16xf32>,
      %mul3A_590 = arith.mulf %gather3A_576, %get3A_589 : vector<16xf32>
      %mul3A_591 = arith.constant 16 : i32
      %mul3A_592 = arith.muli %add3A_564, %mul3A_591 : i32
      %swap3A_593 = arith.index_cast %mul3A_592 : i32 to index
      %swap3A_594 = tpu.vector_load %arg17[%swap3A_593] {strides = array<i32>} : memref<6400xf32, #tpu.memory_space<vmem>>, vector<16xf32>,
      tpu.vector_store %arg17[%swap3A_593], %mul3A_590 {strides = array<i32>} : memref<6400xf32, #tpu.memory_space<vmem>>, vector<16xf32>,
      %mul3A_595 = arith.constant 4 : i32
      %mul3A_596 = arith.muli %scan3A_495, %mul3A_595 : i32
      %add3A_597 = arith.constant 3 : i32
      %add3A_598 = arith.addi %mul3A_596, %add3A_597 : i32
      %mul3A_599 = arith.constant 16 : i32
      %mul3A_600 = arith.muli %add3A_598, %mul3A_599 : i32
      %get3A_601 = arith.index_cast %mul3A_600 : i32 to index
      %get3A_602 = tpu.vector_load %arg12[%get3A_601] {strides = array<i32>} : memref<6400xi32, #tpu.memory_space<vmem>>, vector<16xi32>,
      %mul3A_603 = arith.constant 2 : i32
      %mul3A_604 = vector.broadcast %mul3A_603 : i32 to vector<16xi32>
      %mul3A_605 = arith.muli %get3A_602, %mul3A_604 : vector<16xi32>
      %gather3A_606 = tpu.vector_load_idx %arg14[%mul3A_605] : memref<136xf32, #tpu.memory_space<vmem>>[vector<16xi32>], vector<16xf32>,
      %add3A_607 = arith.constant 1 : i32
      %add3A_608 = vector.broadcast %add3A_607 : i32 to vector<16xi32>
      %add3A_609 = arith.addi %mul3A_605, %add3A_608 : vector<16xi32>
      %gather3A_610 = tpu.vector_load_idx %arg14[%add3A_609] : memref<136xf32, #tpu.memory_space<vmem>>[vector<16xi32>], vector<16xf32>,
      %mul3A_611 = arith.constant 16 : i32
      %mul3A_612 = arith.muli %add3A_598, %mul3A_611 : i32
      %get3A_613 = arith.index_cast %mul3A_612 : i32 to index
      %get3A_614 = tpu.vector_load %arg8[%get3A_613] {strides = array<i32>} : memref<6400xf32, #tpu.memory_space<vmem>>, vector<16xf32>,
      %mul3A_615 = arith.mulf %gather3A_606, %get3A_614 : vector<16xf32>
      %mul3A_616 = arith.constant 16 : i32
      %mul3A_617 = arith.muli %add3A_598, %mul3A_616 : i32
      %swap3A_618 = arith.index_cast %mul3A_617 : i32 to index
      %swap3A_619 = tpu.vector_load %arg15[%swap3A_618] {strides = array<i32>} : memref<6400xf32, #tpu.memory_space<vmem>>, vector<16xf32>,
      tpu.vector_store %arg15[%swap3A_618], %mul3A_615 {strides = array<i32>} : memref<6400xf32, #tpu.memory_space<vmem>>, vector<16xf32>,
      %mul3A_620 = arith.constant 16 : i32
      %mul3A_621 = arith.muli %add3A_598, %mul3A_620 : i32
      %get3A_622 = arith.index_cast %mul3A_621 : i32 to index
      %get3A_623 = tpu.vector_load %arg10[%get3A_622] {strides = array<i32>} : memref<6400xf32, #tpu.memory_space<vmem>>, vector<16xf32>,
      %mul3A_624 = arith.mulf %gather3A_610, %get3A_623 : vector<16xf32>
      %mul3A_625 = arith.constant 16 : i32
      %mul3A_626 = arith.muli %add3A_598, %mul3A_625 : i32
      %swap3A_627 = arith.index_cast %mul3A_626 : i32 to index
      %swap3A_628 = tpu.vector_load %arg17[%swap3A_627] {strides = array<i32>} : memref<6400xf32, #tpu.memory_space<vmem>>, vector<16xf32>,
      tpu.vector_store %arg17[%swap3A_627], %mul3A_624 {strides = array<i32>} : memref<6400xf32, #tpu.memory_space<vmem>>, vector<16xf32>,
    }
    %scan3A_395 = arith.constant 100 : i32
    %add3A_396 = arith.constant 76800 : i32
    %add3A_397 = arith.addi %mul3A_2, %add3A_396 : i32
    %multiple_of3A_398 = tpu.assume_multiple %add3A_397, 64 : i32
    %dma_start3A_399 = tpu.memref_slice %arg6[%multiple_of3A_398] : memref<3276800xf32, #tpu.memory_space<hbm>> -> memref<6400xf32, #tpu.memory_space<hbm>>
    %dma_start3A_400 = tpu.memref_slice %arg6[%multiple_of3A_398] : memref<3276800xf32, #tpu.memory_space<hbm>> -> memref<6400xf32, #tpu.memory_space<hbm>>
    tpu.enqueue_dma source(%arg15 : memref<6400xf32, #tpu.memory_space<vmem>>) target(%dma_start3A_400 : memref<6400xf32, #tpu.memory_space<hbm>>) target_semaphore(%arg21 : memref<!tpu.dma_semaphore, #tpu.memory_space<semaphore_mem>>)
    %dma_start3A_401 = tpu.memref_slice %arg7[%multiple_of3A_398] : memref<3276800xf32, #tpu.memory_space<hbm>> -> memref<6400xf32, #tpu.memory_space<hbm>>
    %dma_start3A_402 = tpu.memref_slice %arg7[%multiple_of3A_398] : memref<3276800xf32, #tpu.memory_space<hbm>> -> memref<6400xf32, #tpu.memory_space<hbm>>
    tpu.enqueue_dma source(%arg17 : memref<6400xf32, #tpu.memory_space<vmem>>) target(%dma_start3A_402 : memref<6400xf32, #tpu.memory_space<hbm>>) target_semaphore(%arg21 : memref<!tpu.dma_semaphore, #tpu.memory_space<semaphore_mem>>)
    %add3A_403 = arith.constant 89600 : i32
    %add3A_404 = arith.addi %mul3A_2, %add3A_403 : i32
    %multiple_of3A_405 = tpu.assume_multiple %add3A_404, 64 : i32
    %dma_start3A_406 = tpu.memref_slice %arg2[%multiple_of3A_405] : memref<3276800xf32, #tpu.memory_space<hbm>> -> memref<6400xf32, #tpu.memory_space<hbm>>
    %dma_start3A_407 = tpu.memref_slice %arg2[%multiple_of3A_405] : memref<3276800xf32, #tpu.memory_space<hbm>> -> memref<6400xf32, #tpu.memory_space<hbm>>
    tpu.enqueue_dma source(%dma_start3A_407 : memref<6400xf32, #tpu.memory_space<hbm>>) target(%arg8 : memref<6400xf32, #tpu.memory_space<vmem>>) target_semaphore(%arg19 : memref<!tpu.dma_semaphore, #tpu.memory_space<semaphore_mem>>)
    %dma_start3A_408 = tpu.memref_slice %arg3[%multiple_of3A_405] : memref<3276800xf32, #tpu.memory_space<hbm>> -> memref<6400xf32, #tpu.memory_space<hbm>>
    %dma_start3A_409 = tpu.memref_slice %arg3[%multiple_of3A_405] : memref<3276800xf32, #tpu.memory_space<hbm>> -> memref<6400xf32, #tpu.memory_space<hbm>>
    tpu.enqueue_dma source(%dma_start3A_409 : memref<6400xf32, #tpu.memory_space<hbm>>) target(%arg10 : memref<6400xf32, #tpu.memory_space<vmem>>) target_semaphore(%arg19 : memref<!tpu.dma_semaphore, #tpu.memory_space<semaphore_mem>>)
    %dma_start3A_410 = tpu.memref_slice %arg4[%multiple_of3A_405] : memref<3276800xi32, #tpu.memory_space<hbm>> -> memref<6400xi32, #tpu.memory_space<hbm>>
    %dma_start3A_411 = tpu.memref_slice %arg4[%multiple_of3A_405] : memref<3276800xi32, #tpu.memory_space<hbm>> -> memref<6400xi32, #tpu.memory_space<hbm>>
    tpu.enqueue_dma source(%dma_start3A_411 : memref<6400xi32, #tpu.memory_space<hbm>>) target(%arg12 : memref<6400xi32, #tpu.memory_space<vmem>>) target_semaphore(%arg19 : memref<!tpu.dma_semaphore, #tpu.memory_space<semaphore_mem>>)
    %dma_wait3A_412 = tpu.memref_slice %arg2[%multiple_of3A_374] : memref<3276800xf32, #tpu.memory_space<hbm>> -> memref<6400xf32, #tpu.memory_space<hbm>>
    %dma_wait3A_413 = tpu.memref_slice %arg2[%multiple_of3A_374] : memref<3276800xf32, #tpu.memory_space<hbm>> -> memref<6400xf32, #tpu.memory_space<hbm>>
    tpu.wait_dma2 semaphore(%arg20 : memref<!tpu.dma_semaphore, #tpu.memory_space<semaphore_mem>>) src(%dma_wait3A_413 : memref<6400xf32, #tpu.memory_space<hbm>>) dst(%arg9 : memref<6400xf32, #tpu.memory_space<vmem>>)
    %dma_wait3A_414 = tpu.memref_slice %arg3[%multiple_of3A_374] : memref<3276800xf32, #tpu.memory_space<hbm>> -> memref<6400xf32, #tpu.memory_space<hbm>>
    %dma_wait3A_415 = tpu.memref_slice %arg3[%multiple_of3A_374] : memref<3276800xf32, #tpu.memory_space<hbm>> -> memref<6400xf32, #tpu.memory_space<hbm>>
    tpu.wait_dma2 semaphore(%arg20 : memref<!tpu.dma_semaphore, #tpu.memory_space<semaphore_mem>>) src(%dma_wait3A_415 : memref<6400xf32, #tpu.memory_space<hbm>>) dst(%arg11 : memref<6400xf32, #tpu.memory_space<vmem>>)
    %dma_wait3A_416 = tpu.memref_slice %arg4[%multiple_of3A_374] : memref<3276800xi32, #tpu.memory_space<hbm>> -> memref<6400xi32, #tpu.memory_space<hbm>>
    %dma_wait3A_417 = tpu.memref_slice %arg4[%multiple_of3A_374] : memref<3276800xi32, #tpu.memory_space<hbm>> -> memref<6400xi32, #tpu.memory_space<hbm>>
    tpu.wait_dma2 semaphore(%arg20 : memref<!tpu.dma_semaphore, #tpu.memory_space<semaphore_mem>>) src(%dma_wait3A_417 : memref<6400xi32, #tpu.memory_space<hbm>>) dst(%arg13 : memref<6400xi32, #tpu.memory_space<vmem>>)
    %dma_wait3A_418 = tpu.memref_slice %arg6[%multiple_of3A_367] : memref<3276800xf32, #tpu.memory_space<hbm>> -> memref<6400xf32, #tpu.memory_space<hbm>>
    %dma_wait3A_419 = tpu.memref_slice %arg6[%multiple_of3A_367] : memref<3276800xf32, #tpu.memory_space<hbm>> -> memref<6400xf32, #tpu.memory_space<hbm>>
    tpu.wait_dma2 semaphore(%arg22 : memref<!tpu.dma_semaphore, #tpu.memory_space<semaphore_mem>>) src(%arg16 : memref<6400xf32, #tpu.memory_space<vmem>>) dst(%dma_wait3A_419 : memref<6400xf32, #tpu.memory_space<hbm>>)
    %dma_wait3A_420 = tpu.memref_slice %arg7[%multiple_of3A_367] : memref<3276800xf32, #tpu.memory_space<hbm>> -> memref<6400xf32, #tpu.memory_space<hbm>>
    %dma_wait3A_421 = tpu.memref_slice %arg7[%multiple_of3A_367] : memref<3276800xf32, #tpu.memory_space<hbm>> -> memref<6400xf32, #tpu.memory_space<hbm>>
    tpu.wait_dma2 semaphore(%arg22 : memref<!tpu.dma_semaphore, #tpu.memory_space<semaphore_mem>>) src(%arg18 : memref<6400xf32, #tpu.memory_space<vmem>>) dst(%dma_wait3A_421 : memref<6400xf32, #tpu.memory_space<hbm>>)
    %scan3A_422 = arith.constant 0 : i32
    %scan3A_423 = arith.constant 100 : i32
    %scan3A_424 = arith.addi %scan3A_422, %scan3A_423 : i32
    %scan3A_425 = arith.constant 1 : i32
    scf.for %scan3A_495 = %scan3A_422 to %scan3A_424 step %scan3A_425  : i32 {
      %mul3A_496 = arith.constant 4 : i32
      %mul3A_497 = arith.muli %scan3A_495, %mul3A_496 : i32
      %add3A_498 = arith.constant 0 : i32
      %add3A_499 = arith.addi %mul3A_497, %add3A_498 : i32
      %mul3A_500 = arith.constant 16 : i32
      %mul3A_501 = arith.muli %add3A_499, %mul3A_500 : i32
      %get3A = arith.index_cast %mul3A_501 : i32 to index
      %get3A_502 = tpu.vector_load %arg13[%get3A] {strides = array<i32>} : memref<6400xi32, #tpu.memory_space<vmem>>, vector<16xi32>,
      %mul3A_503 = arith.constant 2 : i32
      %mul3A_504 = vector.broadcast %mul3A_503 : i32 to vector<16xi32>
      %mul3A_505 = arith.muli %get3A_502, %mul3A_504 : vector<16xi32>
      %gather3A = tpu.vector_load_idx %arg14[%mul3A_505] : memref<136xf32, #tpu.memory_space<vmem>>[vector<16xi32>], vector<16xf32>,
      %add3A_506 = arith.constant 1 : i32
      %add3A_507 = vector.broadcast %add3A_506 : i32 to vector<16xi32>
      %add3A_508 = arith.addi %mul3A_505, %add3A_507 : vector<16xi32>
      %gather3A_509 = tpu.vector_load_idx %arg14[%add3A_508] : memref<136xf32, #tpu.memory_space<vmem>>[vector<16xi32>], vector<16xf32>,
      %mul3A_510 = arith.constant 16 : i32
      %mul3A_511 = arith.muli %add3A_499, %mul3A_510 : i32
      %get3A_512 = arith.index_cast %mul3A_511 : i32 to index
      %get3A_513 = tpu.vector_load %arg9[%get3A_512] {strides = array<i32>} : memref<6400xf32, #tpu.memory_space<vmem>>, vector<16xf32>,
      %mul3A_514 = arith.mulf %gather3A, %get3A_513 : vector<16xf32>
      %mul3A_515 = arith.constant 16 : i32
      %mul3A_516 = arith.muli %add3A_499, %mul3A_515 : i32
      %swap3A = arith.index_cast %mul3A_516 : i32 to index
      %swap3A_517 = tpu.vector_load %arg16[%swap3A] {strides = array<i32>} : memref<6400xf32, #tpu.memory_space<vmem>>, vector<16xf32>,
      tpu.vector_store %arg16[%swap3A], %mul3A_514 {strides = array<i32>} : memref<6400xf32, #tpu.memory_space<vmem>>, vector<16xf32>,
      %mul3A_518 = arith.constant 16 : i32
      %mul3A_519 = arith.muli %add3A_499, %mul3A_518 : i32
      %get3A_520 = arith.index_cast %mul3A_519 : i32 to index
      %get3A_521 = tpu.vector_load %arg11[%get3A_520] {strides = array<i32>} : memref<6400xf32, #tpu.memory_space<vmem>>, vector<16xf32>,
      %mul3A_522 = arith.mulf %gather3A_509, %get3A_521 : vector<16xf32>
      %mul3A_523 = arith.constant 16 : i32
      %mul3A_524 = arith.muli %add3A_499, %mul3A_523 : i32
      %swap3A_525 = arith.index_cast %mul3A_524 : i32 to index
      %swap3A_526 = tpu.vector_load %arg18[%swap3A_525] {strides = array<i32>} : memref<6400xf32, #tpu.memory_space<vmem>>, vector<16xf32>,
      tpu.vector_store %arg18[%swap3A_525], %mul3A_522 {strides = array<i32>} : memref<6400xf32, #tpu.memory_space<vmem>>, vector<16xf32>,
      %mul3A_527 = arith.constant 4 : i32
      %mul3A_528 = arith.muli %scan3A_495, %mul3A_527 : i32
      %add3A_529 = arith.constant 1 : i32
      %add3A_530 = arith.addi %mul3A_528, %add3A_529 : i32
      %mul3A_531 = arith.constant 16 : i32
      %mul3A_532 = arith.muli %add3A_530, %mul3A_531 : i32
      %get3A_533 = arith.index_cast %mul3A_532 : i32 to index
      %get3A_534 = tpu.vector_load %arg13[%get3A_533] {strides = array<i32>} : memref<6400xi32, #tpu.memory_space<vmem>>, vector<16xi32>,
      %mul3A_535 = arith.constant 2 : i32
      %mul3A_536 = vector.broadcast %mul3A_535 : i32 to vector<16xi32>
      %mul3A_537 = arith.muli %get3A_534, %mul3A_536 : vector<16xi32>
      %gather3A_538 = tpu.vector_load_idx %arg14[%mul3A_537] : memref<136xf32, #tpu.memory_space<vmem>>[vector<16xi32>], vector<16xf32>,
      %add3A_539 = arith.constant 1 : i32
      %add3A_540 = vector.broadcast %add3A_539 : i32 to vector<16xi32>
      %add3A_541 = arith.addi %mul3A_537, %add3A_540 : vector<16xi32>
      %gather3A_542 = tpu.vector_load_idx %arg14[%add3A_541] : memref<136xf32, #tpu.memory_space<vmem>>[vector<16xi32>], vector<16xf32>,
      %mul3A_543 = arith.constant 16 : i32
      %mul3A_544 = arith.muli %add3A_530, %mul3A_543 : i32
      %get3A_545 = arith.index_cast %mul3A_544 : i32 to index
      %get3A_546 = tpu.vector_load %arg9[%get3A_545] {strides = array<i32>} : memref<6400xf32, #tpu.memory_space<vmem>>, vector<16xf32>,
      %mul3A_547 = arith.mulf %gather3A_538, %get3A_546 : vector<16xf32>
      %mul3A_548 = arith.constant 16 : i32
      %mul3A_549 = arith.muli %add3A_530, %mul3A_548 : i32
      %swap3A_550 = arith.index_cast %mul3A_549 : i32 to index
      %swap3A_551 = tpu.vector_load %arg16[%swap3A_550] {strides = array<i32>} : memref<6400xf32, #tpu.memory_space<vmem>>, vector<16xf32>,
      tpu.vector_store %arg16[%swap3A_550], %mul3A_547 {strides = array<i32>} : memref<6400xf32, #tpu.memory_space<vmem>>, vector<16xf32>,
      %mul3A_552 = arith.constant 16 : i32
      %mul3A_553 = arith.muli %add3A_530, %mul3A_552 : i32
      %get3A_554 = arith.index_cast %mul3A_553 : i32 to index
      %get3A_555 = tpu.vector_load %arg11[%get3A_554] {strides = array<i32>} : memref<6400xf32, #tpu.memory_space<vmem>>, vector<16xf32>,
      %mul3A_556 = arith.mulf %gather3A_542, %get3A_555 : vector<16xf32>
      %mul3A_557 = arith.constant 16 : i32
      %mul3A_558 = arith.muli %add3A_530, %mul3A_557 : i32
      %swap3A_559 = arith.index_cast %mul3A_558 : i32 to index
      %swap3A_560 = tpu.vector_load %arg18[%swap3A_559] {strides = array<i32>} : memref<6400xf32, #tpu.memory_space<vmem>>, vector<16xf32>,
      tpu.vector_store %arg18[%swap3A_559], %mul3A_556 {strides = array<i32>} : memref<6400xf32, #tpu.memory_space<vmem>>, vector<16xf32>,
      %mul3A_561 = arith.constant 4 : i32
      %mul3A_562 = arith.muli %scan3A_495, %mul3A_561 : i32
      %add3A_563 = arith.constant 2 : i32
      %add3A_564 = arith.addi %mul3A_562, %add3A_563 : i32
      %mul3A_565 = arith.constant 16 : i32
      %mul3A_566 = arith.muli %add3A_564, %mul3A_565 : i32
      %get3A_567 = arith.index_cast %mul3A_566 : i32 to index
      %get3A_568 = tpu.vector_load %arg13[%get3A_567] {strides = array<i32>} : memref<6400xi32, #tpu.memory_space<vmem>>, vector<16xi32>,
      %mul3A_569 = arith.constant 2 : i32
      %mul3A_570 = vector.broadcast %mul3A_569 : i32 to vector<16xi32>
      %mul3A_571 = arith.muli %get3A_568, %mul3A_570 : vector<16xi32>
      %gather3A_572 = tpu.vector_load_idx %arg14[%mul3A_571] : memref<136xf32, #tpu.memory_space<vmem>>[vector<16xi32>], vector<16xf32>,
      %add3A_573 = arith.constant 1 : i32
      %add3A_574 = vector.broadcast %add3A_573 : i32 to vector<16xi32>
      %add3A_575 = arith.addi %mul3A_571, %add3A_574 : vector<16xi32>
      %gather3A_576 = tpu.vector_load_idx %arg14[%add3A_575] : memref<136xf32, #tpu.memory_space<vmem>>[vector<16xi32>], vector<16xf32>,
      %mul3A_577 = arith.constant 16 : i32
      %mul3A_578 = arith.muli %add3A_564, %mul3A_577 : i32
      %get3A_579 = arith.index_cast %mul3A_578 : i32 to index
      %get3A_580 = tpu.vector_load %arg9[%get3A_579] {strides = array<i32>} : memref<6400xf32, #tpu.memory_space<vmem>>, vector<16xf32>,
      %mul3A_581 = arith.mulf %gather3A_572, %get3A_580 : vector<16xf32>
      %mul3A_582 = arith.constant 16 : i32
      %mul3A_583 = arith.muli %add3A_564, %mul3A_582 : i32
      %swap3A_584 = arith.index_cast %mul3A_583 : i32 to index
      %swap3A_585 = tpu.vector_load %arg16[%swap3A_584] {strides = array<i32>} : memref<6400xf32, #tpu.memory_space<vmem>>, vector<16xf32>,
      tpu.vector_store %arg16[%swap3A_584], %mul3A_581 {strides = array<i32>} : memref<6400xf32, #tpu.memory_space<vmem>>, vector<16xf32>,
      %mul3A_586 = arith.constant 16 : i32
      %mul3A_587 = arith.muli %add3A_564, %mul3A_586 : i32
      %get3A_588 = arith.index_cast %mul3A_587 : i32 to index
      %get3A_589 = tpu.vector_load %arg11[%get3A_588] {strides = array<i32>} : memref<6400xf32, #tpu.memory_space<vmem>>, vector<16xf32>,
      %mul3A_590 = arith.mulf %gather3A_576, %get3A_589 : vector<16xf32>
      %mul3A_591 = arith.constant 16 : i32
      %mul3A_592 = arith.muli %add3A_564, %mul3A_591 : i32
      %swap3A_593 = arith.index_cast %mul3A_592 : i32 to index
      %swap3A_594 = tpu.vector_load %arg18[%swap3A_593] {strides = array<i32>} : memref<6400xf32, #tpu.memory_space<vmem>>, vector<16xf32>,
      tpu.vector_store %arg18[%swap3A_593], %mul3A_590 {strides = array<i32>} : memref<6400xf32, #tpu.memory_space<vmem>>, vector<16xf32>,
      %mul3A_595 = arith.constant 4 : i32
      %mul3A_596 = arith.muli %scan3A_495, %mul3A_595 : i32
      %add3A_597 = arith.constant 3 : i32
      %add3A_598 = arith.addi %mul3A_596, %add3A_597 : i32
      %mul3A_599 = arith.constant 16 : i32
      %mul3A_600 = arith.muli %add3A_598, %mul3A_599 : i32
      %get3A_601 = arith.index_cast %mul3A_600 : i32 to index
      %get3A_602 = tpu.vector_load %arg13[%get3A_601] {strides = array<i32>} : memref<6400xi32, #tpu.memory_space<vmem>>, vector<16xi32>,
      %mul3A_603 = arith.constant 2 : i32
      %mul3A_604 = vector.broadcast %mul3A_603 : i32 to vector<16xi32>
      %mul3A_605 = arith.muli %get3A_602, %mul3A_604 : vector<16xi32>
      %gather3A_606 = tpu.vector_load_idx %arg14[%mul3A_605] : memref<136xf32, #tpu.memory_space<vmem>>[vector<16xi32>], vector<16xf32>,
      %add3A_607 = arith.constant 1 : i32
      %add3A_608 = vector.broadcast %add3A_607 : i32 to vector<16xi32>
      %add3A_609 = arith.addi %mul3A_605, %add3A_608 : vector<16xi32>
      %gather3A_610 = tpu.vector_load_idx %arg14[%add3A_609] : memref<136xf32, #tpu.memory_space<vmem>>[vector<16xi32>], vector<16xf32>,
      %mul3A_611 = arith.constant 16 : i32
      %mul3A_612 = arith.muli %add3A_598, %mul3A_611 : i32
      %get3A_613 = arith.index_cast %mul3A_612 : i32 to index
      %get3A_614 = tpu.vector_load %arg9[%get3A_613] {strides = array<i32>} : memref<6400xf32, #tpu.memory_space<vmem>>, vector<16xf32>,
      %mul3A_615 = arith.mulf %gather3A_606, %get3A_614 : vector<16xf32>
      %mul3A_616 = arith.constant 16 : i32
      %mul3A_617 = arith.muli %add3A_598, %mul3A_616 : i32
      %swap3A_618 = arith.index_cast %mul3A_617 : i32 to index
      %swap3A_619 = tpu.vector_load %arg16[%swap3A_618] {strides = array<i32>} : memref<6400xf32, #tpu.memory_space<vmem>>, vector<16xf32>,
      tpu.vector_store %arg16[%swap3A_618], %mul3A_615 {strides = array<i32>} : memref<6400xf32, #tpu.memory_space<vmem>>, vector<16xf32>,
      %mul3A_620 = arith.constant 16 : i32
      %mul3A_621 = arith.muli %add3A_598, %mul3A_620 : i32
      %get3A_622 = arith.index_cast %mul3A_621 : i32 to index
      %get3A_623 = tpu.vector_load %arg11[%get3A_622] {strides = array<i32>} : memref<6400xf32, #tpu.memory_space<vmem>>, vector<16xf32>,
      %mul3A_624 = arith.mulf %gather3A_610, %get3A_623 : vector<16xf32>
      %mul3A_625 = arith.constant 16 : i32
      %mul3A_626 = arith.muli %add3A_598, %mul3A_625 : i32
      %swap3A_627 = arith.index_cast %mul3A_626 : i32 to index
      %swap3A_628 = tpu.vector_load %arg18[%swap3A_627] {strides = array<i32>} : memref<6400xf32, #tpu.memory_space<vmem>>, vector<16xf32>,
      tpu.vector_store %arg18[%swap3A_627], %mul3A_624 {strides = array<i32>} : memref<6400xf32, #tpu.memory_space<vmem>>, vector<16xf32>,
    }
    %scan3A_426 = arith.constant 100 : i32
    %add3A_427 = arith.constant 83200 : i32
    %add3A_428 = arith.addi %mul3A_2, %add3A_427 : i32
    %multiple_of3A_429 = tpu.assume_multiple %add3A_428, 64 : i32
    %dma_start3A_430 = tpu.memref_slice %arg6[%multiple_of3A_429] : memref<3276800xf32, #tpu.memory_space<hbm>> -> memref<6400xf32, #tpu.memory_space<hbm>>
    %dma_start3A_431 = tpu.memref_slice %arg6[%multiple_of3A_429] : memref<3276800xf32, #tpu.memory_space<hbm>> -> memref<6400xf32, #tpu.memory_space<hbm>>
    tpu.enqueue_dma source(%arg16 : memref<6400xf32, #tpu.memory_space<vmem>>) target(%dma_start3A_431 : memref<6400xf32, #tpu.memory_space<hbm>>) target_semaphore(%arg22 : memref<!tpu.dma_semaphore, #tpu.memory_space<semaphore_mem>>)
    %dma_start3A_432 = tpu.memref_slice %arg7[%multiple_of3A_429] : memref<3276800xf32, #tpu.memory_space<hbm>> -> memref<6400xf32, #tpu.memory_space<hbm>>
    %dma_start3A_433 = tpu.memref_slice %arg7[%multiple_of3A_429] : memref<3276800xf32, #tpu.memory_space<hbm>> -> memref<6400xf32, #tpu.memory_space<hbm>>
    tpu.enqueue_dma source(%arg18 : memref<6400xf32, #tpu.memory_space<vmem>>) target(%dma_start3A_433 : memref<6400xf32, #tpu.memory_space<hbm>>) target_semaphore(%arg22 : memref<!tpu.dma_semaphore, #tpu.memory_space<semaphore_mem>>)
    %add3A_434 = arith.constant 96000 : i32
    %add3A_435 = arith.addi %mul3A_2, %add3A_434 : i32
    %multiple_of3A_436 = tpu.assume_multiple %add3A_435, 64 : i32
    %dma_start3A_437 = tpu.memref_slice %arg2[%multiple_of3A_436] : memref<3276800xf32, #tpu.memory_space<hbm>> -> memref<6400xf32, #tpu.memory_space<hbm>>
    %dma_start3A_438 = tpu.memref_slice %arg2[%multiple_of3A_436] : memref<3276800xf32, #tpu.memory_space<hbm>> -> memref<6400xf32, #tpu.memory_space<hbm>>
    tpu.enqueue_dma source(%dma_start3A_438 : memref<6400xf32, #tpu.memory_space<hbm>>) target(%arg9 : memref<6400xf32, #tpu.memory_space<vmem>>) target_semaphore(%arg20 : memref<!tpu.dma_semaphore, #tpu.memory_space<semaphore_mem>>)
    %dma_start3A_439 = tpu.memref_slice %arg3[%multiple_of3A_436] : memref<3276800xf32, #tpu.memory_space<hbm>> -> memref<6400xf32, #tpu.memory_space<hbm>>
    %dma_start3A_440 = tpu.memref_slice %arg3[%multiple_of3A_436] : memref<3276800xf32, #tpu.memory_space<hbm>> -> memref<6400xf32, #tpu.memory_space<hbm>>
    tpu.enqueue_dma source(%dma_start3A_440 : memref<6400xf32, #tpu.memory_space<hbm>>) target(%arg11 : memref<6400xf32, #tpu.memory_space<vmem>>) target_semaphore(%arg20 : memref<!tpu.dma_semaphore, #tpu.memory_space<semaphore_mem>>)
    %dma_start3A_441 = tpu.memref_slice %arg4[%multiple_of3A_436] : memref<3276800xi32, #tpu.memory_space<hbm>> -> memref<6400xi32, #tpu.memory_space<hbm>>
    %dma_start3A_442 = tpu.memref_slice %arg4[%multiple_of3A_436] : memref<3276800xi32, #tpu.memory_space<hbm>> -> memref<6400xi32, #tpu.memory_space<hbm>>
    tpu.enqueue_dma source(%dma_start3A_442 : memref<6400xi32, #tpu.memory_space<hbm>>) target(%arg13 : memref<6400xi32, #tpu.memory_space<vmem>>) target_semaphore(%arg20 : memref<!tpu.dma_semaphore, #tpu.memory_space<semaphore_mem>>)
    %dma_wait3A_443 = tpu.memref_slice %arg2[%multiple_of3A_405] : memref<3276800xf32, #tpu.memory_space<hbm>> -> memref<6400xf32, #tpu.memory_space<hbm>>
    %dma_wait3A_444 = tpu.memref_slice %arg2[%multiple_of3A_405] : memref<3276800xf32, #tpu.memory_space<hbm>> -> memref<6400xf32, #tpu.memory_space<hbm>>
    tpu.wait_dma2 semaphore(%arg19 : memref<!tpu.dma_semaphore, #tpu.memory_space<semaphore_mem>>) src(%dma_wait3A_444 : memref<6400xf32, #tpu.memory_space<hbm>>) dst(%arg8 : memref<6400xf32, #tpu.memory_space<vmem>>)
    %dma_wait3A_445 = tpu.memref_slice %arg3[%multiple_of3A_405] : memref<3276800xf32, #tpu.memory_space<hbm>> -> memref<6400xf32, #tpu.memory_space<hbm>>
    %dma_wait3A_446 = tpu.memref_slice %arg3[%multiple_of3A_405] : memref<3276800xf32, #tpu.memory_space<hbm>> -> memref<6400xf32, #tpu.memory_space<hbm>>
    tpu.wait_dma2 semaphore(%arg19 : memref<!tpu.dma_semaphore, #tpu.memory_space<semaphore_mem>>) src(%dma_wait3A_446 : memref<6400xf32, #tpu.memory_space<hbm>>) dst(%arg10 : memref<6400xf32, #tpu.memory_space<vmem>>)
    %dma_wait3A_447 = tpu.memref_slice %arg4[%multiple_of3A_405] : memref<3276800xi32, #tpu.memory_space<hbm>> -> memref<6400xi32, #tpu.memory_space<hbm>>
    %dma_wait3A_448 = tpu.memref_slice %arg4[%multiple_of3A_405] : memref<3276800xi32, #tpu.memory_space<hbm>> -> memref<6400xi32, #tpu.memory_space<hbm>>
    tpu.wait_dma2 semaphore(%arg19 : memref<!tpu.dma_semaphore, #tpu.memory_space<semaphore_mem>>) src(%dma_wait3A_448 : memref<6400xi32, #tpu.memory_space<hbm>>) dst(%arg12 : memref<6400xi32, #tpu.memory_space<vmem>>)
    %dma_wait3A_449 = tpu.memref_slice %arg6[%multiple_of3A_398] : memref<3276800xf32, #tpu.memory_space<hbm>> -> memref<6400xf32, #tpu.memory_space<hbm>>
    %dma_wait3A_450 = tpu.memref_slice %arg6[%multiple_of3A_398] : memref<3276800xf32, #tpu.memory_space<hbm>> -> memref<6400xf32, #tpu.memory_space<hbm>>
    tpu.wait_dma2 semaphore(%arg21 : memref<!tpu.dma_semaphore, #tpu.memory_space<semaphore_mem>>) src(%arg15 : memref<6400xf32, #tpu.memory_space<vmem>>) dst(%dma_wait3A_450 : memref<6400xf32, #tpu.memory_space<hbm>>)
    %dma_wait3A_451 = tpu.memref_slice %arg7[%multiple_of3A_398] : memref<3276800xf32, #tpu.memory_space<hbm>> -> memref<6400xf32, #tpu.memory_space<hbm>>
    %dma_wait3A_452 = tpu.memref_slice %arg7[%multiple_of3A_398] : memref<3276800xf32, #tpu.memory_space<hbm>> -> memref<6400xf32, #tpu.memory_space<hbm>>
    tpu.wait_dma2 semaphore(%arg21 : memref<!tpu.dma_semaphore, #tpu.memory_space<semaphore_mem>>) src(%arg17 : memref<6400xf32, #tpu.memory_space<vmem>>) dst(%dma_wait3A_452 : memref<6400xf32, #tpu.memory_space<hbm>>)
    %scan3A_453 = arith.constant 0 : i32
    %scan3A_454 = arith.constant 100 : i32
    %scan3A_455 = arith.addi %scan3A_453, %scan3A_454 : i32
    %scan3A_456 = arith.constant 1 : i32
    scf.for %scan3A_495 = %scan3A_453 to %scan3A_455 step %scan3A_456  : i32 {
      %mul3A_496 = arith.constant 4 : i32
      %mul3A_497 = arith.muli %scan3A_495, %mul3A_496 : i32
      %add3A_498 = arith.constant 0 : i32
      %add3A_499 = arith.addi %mul3A_497, %add3A_498 : i32
      %mul3A_500 = arith.constant 16 : i32
      %mul3A_501 = arith.muli %add3A_499, %mul3A_500 : i32
      %get3A = arith.index_cast %mul3A_501 : i32 to index
      %get3A_502 = tpu.vector_load %arg12[%get3A] {strides = array<i32>} : memref<6400xi32, #tpu.memory_space<vmem>>, vector<16xi32>,
      %mul3A_503 = arith.constant 2 : i32
      %mul3A_504 = vector.broadcast %mul3A_503 : i32 to vector<16xi32>
      %mul3A_505 = arith.muli %get3A_502, %mul3A_504 : vector<16xi32>
      %gather3A = tpu.vector_load_idx %arg14[%mul3A_505] : memref<136xf32, #tpu.memory_space<vmem>>[vector<16xi32>], vector<16xf32>,
      %add3A_506 = arith.constant 1 : i32
      %add3A_507 = vector.broadcast %add3A_506 : i32 to vector<16xi32>
      %add3A_508 = arith.addi %mul3A_505, %add3A_507 : vector<16xi32>
      %gather3A_509 = tpu.vector_load_idx %arg14[%add3A_508] : memref<136xf32, #tpu.memory_space<vmem>>[vector<16xi32>], vector<16xf32>,
      %mul3A_510 = arith.constant 16 : i32
      %mul3A_511 = arith.muli %add3A_499, %mul3A_510 : i32
      %get3A_512 = arith.index_cast %mul3A_511 : i32 to index
      %get3A_513 = tpu.vector_load %arg8[%get3A_512] {strides = array<i32>} : memref<6400xf32, #tpu.memory_space<vmem>>, vector<16xf32>,
      %mul3A_514 = arith.mulf %gather3A, %get3A_513 : vector<16xf32>
      %mul3A_515 = arith.constant 16 : i32
      %mul3A_516 = arith.muli %add3A_499, %mul3A_515 : i32
      %swap3A = arith.index_cast %mul3A_516 : i32 to index
      %swap3A_517 = tpu.vector_load %arg15[%swap3A] {strides = array<i32>} : memref<6400xf32, #tpu.memory_space<vmem>>, vector<16xf32>,
      tpu.vector_store %arg15[%swap3A], %mul3A_514 {strides = array<i32>} : memref<6400xf32, #tpu.memory_space<vmem>>, vector<16xf32>,
      %mul3A_518 = arith.constant 16 : i32
      %mul3A_519 = arith.muli %add3A_499, %mul3A_518 : i32
      %get3A_520 = arith.index_cast %mul3A_519 : i32 to index
      %get3A_521 = tpu.vector_load %arg10[%get3A_520] {strides = array<i32>} : memref<6400xf32, #tpu.memory_space<vmem>>, vector<16xf32>,
      %mul3A_522 = arith.mulf %gather3A_509, %get3A_521 : vector<16xf32>
      %mul3A_523 = arith.constant 16 : i32
      %mul3A_524 = arith.muli %add3A_499, %mul3A_523 : i32
      %swap3A_525 = arith.index_cast %mul3A_524 : i32 to index
      %swap3A_526 = tpu.vector_load %arg17[%swap3A_525] {strides = array<i32>} : memref<6400xf32, #tpu.memory_space<vmem>>, vector<16xf32>,
      tpu.vector_store %arg17[%swap3A_525], %mul3A_522 {strides = array<i32>} : memref<6400xf32, #tpu.memory_space<vmem>>, vector<16xf32>,
      %mul3A_527 = arith.constant 4 : i32
      %mul3A_528 = arith.muli %scan3A_495, %mul3A_527 : i32
      %add3A_529 = arith.constant 1 : i32
      %add3A_530 = arith.addi %mul3A_528, %add3A_529 : i32
      %mul3A_531 = arith.constant 16 : i32
      %mul3A_532 = arith.muli %add3A_530, %mul3A_531 : i32
      %get3A_533 = arith.index_cast %mul3A_532 : i32 to index
      %get3A_534 = tpu.vector_load %arg12[%get3A_533] {strides = array<i32>} : memref<6400xi32, #tpu.memory_space<vmem>>, vector<16xi32>,
      %mul3A_535 = arith.constant 2 : i32
      %mul3A_536 = vector.broadcast %mul3A_535 : i32 to vector<16xi32>
      %mul3A_537 = arith.muli %get3A_534, %mul3A_536 : vector<16xi32>
      %gather3A_538 = tpu.vector_load_idx %arg14[%mul3A_537] : memref<136xf32, #tpu.memory_space<vmem>>[vector<16xi32>], vector<16xf32>,
      %add3A_539 = arith.constant 1 : i32
      %add3A_540 = vector.broadcast %add3A_539 : i32 to vector<16xi32>
      %add3A_541 = arith.addi %mul3A_537, %add3A_540 : vector<16xi32>
      %gather3A_542 = tpu.vector_load_idx %arg14[%add3A_541] : memref<136xf32, #tpu.memory_space<vmem>>[vector<16xi32>], vector<16xf32>,
      %mul3A_543 = arith.constant 16 : i32
      %mul3A_544 = arith.muli %add3A_530, %mul3A_543 : i32
      %get3A_545 = arith.index_cast %mul3A_544 : i32 to index
      %get3A_546 = tpu.vector_load %arg8[%get3A_545] {strides = array<i32>} : memref<6400xf32, #tpu.memory_space<vmem>>, vector<16xf32>,
      %mul3A_547 = arith.mulf %gather3A_538, %get3A_546 : vector<16xf32>
      %mul3A_548 = arith.constant 16 : i32
      %mul3A_549 = arith.muli %add3A_530, %mul3A_548 : i32
      %swap3A_550 = arith.index_cast %mul3A_549 : i32 to index
      %swap3A_551 = tpu.vector_load %arg15[%swap3A_550] {strides = array<i32>} : memref<6400xf32, #tpu.memory_space<vmem>>, vector<16xf32>,
      tpu.vector_store %arg15[%swap3A_550], %mul3A_547 {strides = array<i32>} : memref<6400xf32, #tpu.memory_space<vmem>>, vector<16xf32>,
      %mul3A_552 = arith.constant 16 : i32
      %mul3A_553 = arith.muli %add3A_530, %mul3A_552 : i32
      %get3A_554 = arith.index_cast %mul3A_553 : i32 to index
      %get3A_555 = tpu.vector_load %arg10[%get3A_554] {strides = array<i32>} : memref<6400xf32, #tpu.memory_space<vmem>>, vector<16xf32>,
      %mul3A_556 = arith.mulf %gather3A_542, %get3A_555 : vector<16xf32>
      %mul3A_557 = arith.constant 16 : i32
      %mul3A_558 = arith.muli %add3A_530, %mul3A_557 : i32
      %swap3A_559 = arith.index_cast %mul3A_558 : i32 to index
      %swap3A_560 = tpu.vector_load %arg17[%swap3A_559] {strides = array<i32>} : memref<6400xf32, #tpu.memory_space<vmem>>, vector<16xf32>,
      tpu.vector_store %arg17[%swap3A_559], %mul3A_556 {strides = array<i32>} : memref<6400xf32, #tpu.memory_space<vmem>>, vector<16xf32>,
      %mul3A_561 = arith.constant 4 : i32
      %mul3A_562 = arith.muli %scan3A_495, %mul3A_561 : i32
      %add3A_563 = arith.constant 2 : i32
      %add3A_564 = arith.addi %mul3A_562, %add3A_563 : i32
      %mul3A_565 = arith.constant 16 : i32
      %mul3A_566 = arith.muli %add3A_564, %mul3A_565 : i32
      %get3A_567 = arith.index_cast %mul3A_566 : i32 to index
      %get3A_568 = tpu.vector_load %arg12[%get3A_567] {strides = array<i32>} : memref<6400xi32, #tpu.memory_space<vmem>>, vector<16xi32>,
      %mul3A_569 = arith.constant 2 : i32
      %mul3A_570 = vector.broadcast %mul3A_569 : i32 to vector<16xi32>
      %mul3A_571 = arith.muli %get3A_568, %mul3A_570 : vector<16xi32>
      %gather3A_572 = tpu.vector_load_idx %arg14[%mul3A_571] : memref<136xf32, #tpu.memory_space<vmem>>[vector<16xi32>], vector<16xf32>,
      %add3A_573 = arith.constant 1 : i32
      %add3A_574 = vector.broadcast %add3A_573 : i32 to vector<16xi32>
      %add3A_575 = arith.addi %mul3A_571, %add3A_574 : vector<16xi32>
      %gather3A_576 = tpu.vector_load_idx %arg14[%add3A_575] : memref<136xf32, #tpu.memory_space<vmem>>[vector<16xi32>], vector<16xf32>,
      %mul3A_577 = arith.constant 16 : i32
      %mul3A_578 = arith.muli %add3A_564, %mul3A_577 : i32
      %get3A_579 = arith.index_cast %mul3A_578 : i32 to index
      %get3A_580 = tpu.vector_load %arg8[%get3A_579] {strides = array<i32>} : memref<6400xf32, #tpu.memory_space<vmem>>, vector<16xf32>,
      %mul3A_581 = arith.mulf %gather3A_572, %get3A_580 : vector<16xf32>
      %mul3A_582 = arith.constant 16 : i32
      %mul3A_583 = arith.muli %add3A_564, %mul3A_582 : i32
      %swap3A_584 = arith.index_cast %mul3A_583 : i32 to index
      %swap3A_585 = tpu.vector_load %arg15[%swap3A_584] {strides = array<i32>} : memref<6400xf32, #tpu.memory_space<vmem>>, vector<16xf32>,
      tpu.vector_store %arg15[%swap3A_584], %mul3A_581 {strides = array<i32>} : memref<6400xf32, #tpu.memory_space<vmem>>, vector<16xf32>,
      %mul3A_586 = arith.constant 16 : i32
      %mul3A_587 = arith.muli %add3A_564, %mul3A_586 : i32
      %get3A_588 = arith.index_cast %mul3A_587 : i32 to index
      %get3A_589 = tpu.vector_load %arg10[%get3A_588] {strides = array<i32>} : memref<6400xf32, #tpu.memory_space<vmem>>, vector<16xf32>,
      %mul3A_590 = arith.mulf %gather3A_576, %get3A_589 : vector<16xf32>
      %mul3A_591 = arith.constant 16 : i32
      %mul3A_592 = arith.muli %add3A_564, %mul3A_591 : i32
      %swap3A_593 = arith.index_cast %mul3A_592 : i32 to index
      %swap3A_594 = tpu.vector_load %arg17[%swap3A_593] {strides = array<i32>} : memref<6400xf32, #tpu.memory_space<vmem>>, vector<16xf32>,
      tpu.vector_store %arg17[%swap3A_593], %mul3A_590 {strides = array<i32>} : memref<6400xf32, #tpu.memory_space<vmem>>, vector<16xf32>,
      %mul3A_595 = arith.constant 4 : i32
      %mul3A_596 = arith.muli %scan3A_495, %mul3A_595 : i32
      %add3A_597 = arith.constant 3 : i32
      %add3A_598 = arith.addi %mul3A_596, %add3A_597 : i32
      %mul3A_599 = arith.constant 16 : i32
      %mul3A_600 = arith.muli %add3A_598, %mul3A_599 : i32
      %get3A_601 = arith.index_cast %mul3A_600 : i32 to index
      %get3A_602 = tpu.vector_load %arg12[%get3A_601] {strides = array<i32>} : memref<6400xi32, #tpu.memory_space<vmem>>, vector<16xi32>,
      %mul3A_603 = arith.constant 2 : i32
      %mul3A_604 = vector.broadcast %mul3A_603 : i32 to vector<16xi32>
      %mul3A_605 = arith.muli %get3A_602, %mul3A_604 : vector<16xi32>
      %gather3A_606 = tpu.vector_load_idx %arg14[%mul3A_605] : memref<136xf32, #tpu.memory_space<vmem>>[vector<16xi32>], vector<16xf32>,
      %add3A_607 = arith.constant 1 : i32
      %add3A_608 = vector.broadcast %add3A_607 : i32 to vector<16xi32>
      %add3A_609 = arith.addi %mul3A_605, %add3A_608 : vector<16xi32>
      %gather3A_610 = tpu.vector_load_idx %arg14[%add3A_609] : memref<136xf32, #tpu.memory_space<vmem>>[vector<16xi32>], vector<16xf32>,
      %mul3A_611 = arith.constant 16 : i32
      %mul3A_612 = arith.muli %add3A_598, %mul3A_611 : i32
      %get3A_613 = arith.index_cast %mul3A_612 : i32 to index
      %get3A_614 = tpu.vector_load %arg8[%get3A_613] {strides = array<i32>} : memref<6400xf32, #tpu.memory_space<vmem>>, vector<16xf32>,
      %mul3A_615 = arith.mulf %gather3A_606, %get3A_614 : vector<16xf32>
      %mul3A_616 = arith.constant 16 : i32
      %mul3A_617 = arith.muli %add3A_598, %mul3A_616 : i32
      %swap3A_618 = arith.index_cast %mul3A_617 : i32 to index
      %swap3A_619 = tpu.vector_load %arg15[%swap3A_618] {strides = array<i32>} : memref<6400xf32, #tpu.memory_space<vmem>>, vector<16xf32>,
      tpu.vector_store %arg15[%swap3A_618], %mul3A_615 {strides = array<i32>} : memref<6400xf32, #tpu.memory_space<vmem>>, vector<16xf32>,
      %mul3A_620 = arith.constant 16 : i32
      %mul3A_621 = arith.muli %add3A_598, %mul3A_620 : i32
      %get3A_622 = arith.index_cast %mul3A_621 : i32 to index
      %get3A_623 = tpu.vector_load %arg10[%get3A_622] {strides = array<i32>} : memref<6400xf32, #tpu.memory_space<vmem>>, vector<16xf32>,
      %mul3A_624 = arith.mulf %gather3A_610, %get3A_623 : vector<16xf32>
      %mul3A_625 = arith.constant 16 : i32
      %mul3A_626 = arith.muli %add3A_598, %mul3A_625 : i32
      %swap3A_627 = arith.index_cast %mul3A_626 : i32 to index
      %swap3A_628 = tpu.vector_load %arg17[%swap3A_627] {strides = array<i32>} : memref<6400xf32, #tpu.memory_space<vmem>>, vector<16xf32>,
      tpu.vector_store %arg17[%swap3A_627], %mul3A_624 {strides = array<i32>} : memref<6400xf32, #tpu.memory_space<vmem>>, vector<16xf32>,
    }
    %scan3A_457 = arith.constant 100 : i32
    %add3A_458 = arith.constant 89600 : i32
    %add3A_459 = arith.addi %mul3A_2, %add3A_458 : i32
    %multiple_of3A_460 = tpu.assume_multiple %add3A_459, 64 : i32
    %dma_start3A_461 = tpu.memref_slice %arg6[%multiple_of3A_460] : memref<3276800xf32, #tpu.memory_space<hbm>> -> memref<6400xf32, #tpu.memory_space<hbm>>
    %dma_start3A_462 = tpu.memref_slice %arg6[%multiple_of3A_460] : memref<3276800xf32, #tpu.memory_space<hbm>> -> memref<6400xf32, #tpu.memory_space<hbm>>
    tpu.enqueue_dma source(%arg15 : memref<6400xf32, #tpu.memory_space<vmem>>) target(%dma_start3A_462 : memref<6400xf32, #tpu.memory_space<hbm>>) target_semaphore(%arg21 : memref<!tpu.dma_semaphore, #tpu.memory_space<semaphore_mem>>)
    %dma_start3A_463 = tpu.memref_slice %arg7[%multiple_of3A_460] : memref<3276800xf32, #tpu.memory_space<hbm>> -> memref<6400xf32, #tpu.memory_space<hbm>>
    %dma_start3A_464 = tpu.memref_slice %arg7[%multiple_of3A_460] : memref<3276800xf32, #tpu.memory_space<hbm>> -> memref<6400xf32, #tpu.memory_space<hbm>>
    tpu.enqueue_dma source(%arg17 : memref<6400xf32, #tpu.memory_space<vmem>>) target(%dma_start3A_464 : memref<6400xf32, #tpu.memory_space<hbm>>) target_semaphore(%arg21 : memref<!tpu.dma_semaphore, #tpu.memory_space<semaphore_mem>>)
    %dma_wait3A_465 = tpu.memref_slice %arg2[%multiple_of3A_436] : memref<3276800xf32, #tpu.memory_space<hbm>> -> memref<6400xf32, #tpu.memory_space<hbm>>
    %dma_wait3A_466 = tpu.memref_slice %arg2[%multiple_of3A_436] : memref<3276800xf32, #tpu.memory_space<hbm>> -> memref<6400xf32, #tpu.memory_space<hbm>>
    tpu.wait_dma2 semaphore(%arg20 : memref<!tpu.dma_semaphore, #tpu.memory_space<semaphore_mem>>) src(%dma_wait3A_466 : memref<6400xf32, #tpu.memory_space<hbm>>) dst(%arg9 : memref<6400xf32, #tpu.memory_space<vmem>>)
    %dma_wait3A_467 = tpu.memref_slice %arg3[%multiple_of3A_436] : memref<3276800xf32, #tpu.memory_space<hbm>> -> memref<6400xf32, #tpu.memory_space<hbm>>
    %dma_wait3A_468 = tpu.memref_slice %arg3[%multiple_of3A_436] : memref<3276800xf32, #tpu.memory_space<hbm>> -> memref<6400xf32, #tpu.memory_space<hbm>>
    tpu.wait_dma2 semaphore(%arg20 : memref<!tpu.dma_semaphore, #tpu.memory_space<semaphore_mem>>) src(%dma_wait3A_468 : memref<6400xf32, #tpu.memory_space<hbm>>) dst(%arg11 : memref<6400xf32, #tpu.memory_space<vmem>>)
    %dma_wait3A_469 = tpu.memref_slice %arg4[%multiple_of3A_436] : memref<3276800xi32, #tpu.memory_space<hbm>> -> memref<6400xi32, #tpu.memory_space<hbm>>
    %dma_wait3A_470 = tpu.memref_slice %arg4[%multiple_of3A_436] : memref<3276800xi32, #tpu.memory_space<hbm>> -> memref<6400xi32, #tpu.memory_space<hbm>>
    tpu.wait_dma2 semaphore(%arg20 : memref<!tpu.dma_semaphore, #tpu.memory_space<semaphore_mem>>) src(%dma_wait3A_470 : memref<6400xi32, #tpu.memory_space<hbm>>) dst(%arg13 : memref<6400xi32, #tpu.memory_space<vmem>>)
    %dma_wait3A_471 = tpu.memref_slice %arg6[%multiple_of3A_429] : memref<3276800xf32, #tpu.memory_space<hbm>> -> memref<6400xf32, #tpu.memory_space<hbm>>
    %dma_wait3A_472 = tpu.memref_slice %arg6[%multiple_of3A_429] : memref<3276800xf32, #tpu.memory_space<hbm>> -> memref<6400xf32, #tpu.memory_space<hbm>>
    tpu.wait_dma2 semaphore(%arg22 : memref<!tpu.dma_semaphore, #tpu.memory_space<semaphore_mem>>) src(%arg16 : memref<6400xf32, #tpu.memory_space<vmem>>) dst(%dma_wait3A_472 : memref<6400xf32, #tpu.memory_space<hbm>>)
    %dma_wait3A_473 = tpu.memref_slice %arg7[%multiple_of3A_429] : memref<3276800xf32, #tpu.memory_space<hbm>> -> memref<6400xf32, #tpu.memory_space<hbm>>
    %dma_wait3A_474 = tpu.memref_slice %arg7[%multiple_of3A_429] : memref<3276800xf32, #tpu.memory_space<hbm>> -> memref<6400xf32, #tpu.memory_space<hbm>>
    tpu.wait_dma2 semaphore(%arg22 : memref<!tpu.dma_semaphore, #tpu.memory_space<semaphore_mem>>) src(%arg18 : memref<6400xf32, #tpu.memory_space<vmem>>) dst(%dma_wait3A_474 : memref<6400xf32, #tpu.memory_space<hbm>>)
    %scan3A_475 = arith.constant 0 : i32
    %scan3A_476 = arith.constant 100 : i32
    %scan3A_477 = arith.addi %scan3A_475, %scan3A_476 : i32
    %scan3A_478 = arith.constant 1 : i32
    scf.for %scan3A_495 = %scan3A_475 to %scan3A_477 step %scan3A_478  : i32 {
      %mul3A_496 = arith.constant 4 : i32
      %mul3A_497 = arith.muli %scan3A_495, %mul3A_496 : i32
      %add3A_498 = arith.constant 0 : i32
      %add3A_499 = arith.addi %mul3A_497, %add3A_498 : i32
      %mul3A_500 = arith.constant 16 : i32
      %mul3A_501 = arith.muli %add3A_499, %mul3A_500 : i32
      %get3A = arith.index_cast %mul3A_501 : i32 to index
      %get3A_502 = tpu.vector_load %arg13[%get3A] {strides = array<i32>} : memref<6400xi32, #tpu.memory_space<vmem>>, vector<16xi32>,
      %mul3A_503 = arith.constant 2 : i32
      %mul3A_504 = vector.broadcast %mul3A_503 : i32 to vector<16xi32>
      %mul3A_505 = arith.muli %get3A_502, %mul3A_504 : vector<16xi32>
      %gather3A = tpu.vector_load_idx %arg14[%mul3A_505] : memref<136xf32, #tpu.memory_space<vmem>>[vector<16xi32>], vector<16xf32>,
      %add3A_506 = arith.constant 1 : i32
      %add3A_507 = vector.broadcast %add3A_506 : i32 to vector<16xi32>
      %add3A_508 = arith.addi %mul3A_505, %add3A_507 : vector<16xi32>
      %gather3A_509 = tpu.vector_load_idx %arg14[%add3A_508] : memref<136xf32, #tpu.memory_space<vmem>>[vector<16xi32>], vector<16xf32>,
      %mul3A_510 = arith.constant 16 : i32
      %mul3A_511 = arith.muli %add3A_499, %mul3A_510 : i32
      %get3A_512 = arith.index_cast %mul3A_511 : i32 to index
      %get3A_513 = tpu.vector_load %arg9[%get3A_512] {strides = array<i32>} : memref<6400xf32, #tpu.memory_space<vmem>>, vector<16xf32>,
      %mul3A_514 = arith.mulf %gather3A, %get3A_513 : vector<16xf32>
      %mul3A_515 = arith.constant 16 : i32
      %mul3A_516 = arith.muli %add3A_499, %mul3A_515 : i32
      %swap3A = arith.index_cast %mul3A_516 : i32 to index
      %swap3A_517 = tpu.vector_load %arg16[%swap3A] {strides = array<i32>} : memref<6400xf32, #tpu.memory_space<vmem>>, vector<16xf32>,
      tpu.vector_store %arg16[%swap3A], %mul3A_514 {strides = array<i32>} : memref<6400xf32, #tpu.memory_space<vmem>>, vector<16xf32>,
      %mul3A_518 = arith.constant 16 : i32
      %mul3A_519 = arith.muli %add3A_499, %mul3A_518 : i32
      %get3A_520 = arith.index_cast %mul3A_519 : i32 to index
      %get3A_521 = tpu.vector_load %arg11[%get3A_520] {strides = array<i32>} : memref<6400xf32, #tpu.memory_space<vmem>>, vector<16xf32>,
      %mul3A_522 = arith.mulf %gather3A_509, %get3A_521 : vector<16xf32>
      %mul3A_523 = arith.constant 16 : i32
      %mul3A_524 = arith.muli %add3A_499, %mul3A_523 : i32
      %swap3A_525 = arith.index_cast %mul3A_524 : i32 to index
      %swap3A_526 = tpu.vector_load %arg18[%swap3A_525] {strides = array<i32>} : memref<6400xf32, #tpu.memory_space<vmem>>, vector<16xf32>,
      tpu.vector_store %arg18[%swap3A_525], %mul3A_522 {strides = array<i32>} : memref<6400xf32, #tpu.memory_space<vmem>>, vector<16xf32>,
      %mul3A_527 = arith.constant 4 : i32
      %mul3A_528 = arith.muli %scan3A_495, %mul3A_527 : i32
      %add3A_529 = arith.constant 1 : i32
      %add3A_530 = arith.addi %mul3A_528, %add3A_529 : i32
      %mul3A_531 = arith.constant 16 : i32
      %mul3A_532 = arith.muli %add3A_530, %mul3A_531 : i32
      %get3A_533 = arith.index_cast %mul3A_532 : i32 to index
      %get3A_534 = tpu.vector_load %arg13[%get3A_533] {strides = array<i32>} : memref<6400xi32, #tpu.memory_space<vmem>>, vector<16xi32>,
      %mul3A_535 = arith.constant 2 : i32
      %mul3A_536 = vector.broadcast %mul3A_535 : i32 to vector<16xi32>
      %mul3A_537 = arith.muli %get3A_534, %mul3A_536 : vector<16xi32>
      %gather3A_538 = tpu.vector_load_idx %arg14[%mul3A_537] : memref<136xf32, #tpu.memory_space<vmem>>[vector<16xi32>], vector<16xf32>,
      %add3A_539 = arith.constant 1 : i32
      %add3A_540 = vector.broadcast %add3A_539 : i32 to vector<16xi32>
      %add3A_541 = arith.addi %mul3A_537, %add3A_540 : vector<16xi32>
      %gather3A_542 = tpu.vector_load_idx %arg14[%add3A_541] : memref<136xf32, #tpu.memory_space<vmem>>[vector<16xi32>], vector<16xf32>,
      %mul3A_543 = arith.constant 16 : i32
      %mul3A_544 = arith.muli %add3A_530, %mul3A_543 : i32
      %get3A_545 = arith.index_cast %mul3A_544 : i32 to index
      %get3A_546 = tpu.vector_load %arg9[%get3A_545] {strides = array<i32>} : memref<6400xf32, #tpu.memory_space<vmem>>, vector<16xf32>,
      %mul3A_547 = arith.mulf %gather3A_538, %get3A_546 : vector<16xf32>
      %mul3A_548 = arith.constant 16 : i32
      %mul3A_549 = arith.muli %add3A_530, %mul3A_548 : i32
      %swap3A_550 = arith.index_cast %mul3A_549 : i32 to index
      %swap3A_551 = tpu.vector_load %arg16[%swap3A_550] {strides = array<i32>} : memref<6400xf32, #tpu.memory_space<vmem>>, vector<16xf32>,
      tpu.vector_store %arg16[%swap3A_550], %mul3A_547 {strides = array<i32>} : memref<6400xf32, #tpu.memory_space<vmem>>, vector<16xf32>,
      %mul3A_552 = arith.constant 16 : i32
      %mul3A_553 = arith.muli %add3A_530, %mul3A_552 : i32
      %get3A_554 = arith.index_cast %mul3A_553 : i32 to index
      %get3A_555 = tpu.vector_load %arg11[%get3A_554] {strides = array<i32>} : memref<6400xf32, #tpu.memory_space<vmem>>, vector<16xf32>,
      %mul3A_556 = arith.mulf %gather3A_542, %get3A_555 : vector<16xf32>
      %mul3A_557 = arith.constant 16 : i32
      %mul3A_558 = arith.muli %add3A_530, %mul3A_557 : i32
      %swap3A_559 = arith.index_cast %mul3A_558 : i32 to index
      %swap3A_560 = tpu.vector_load %arg18[%swap3A_559] {strides = array<i32>} : memref<6400xf32, #tpu.memory_space<vmem>>, vector<16xf32>,
      tpu.vector_store %arg18[%swap3A_559], %mul3A_556 {strides = array<i32>} : memref<6400xf32, #tpu.memory_space<vmem>>, vector<16xf32>,
      %mul3A_561 = arith.constant 4 : i32
      %mul3A_562 = arith.muli %scan3A_495, %mul3A_561 : i32
      %add3A_563 = arith.constant 2 : i32
      %add3A_564 = arith.addi %mul3A_562, %add3A_563 : i32
      %mul3A_565 = arith.constant 16 : i32
      %mul3A_566 = arith.muli %add3A_564, %mul3A_565 : i32
      %get3A_567 = arith.index_cast %mul3A_566 : i32 to index
      %get3A_568 = tpu.vector_load %arg13[%get3A_567] {strides = array<i32>} : memref<6400xi32, #tpu.memory_space<vmem>>, vector<16xi32>,
      %mul3A_569 = arith.constant 2 : i32
      %mul3A_570 = vector.broadcast %mul3A_569 : i32 to vector<16xi32>
      %mul3A_571 = arith.muli %get3A_568, %mul3A_570 : vector<16xi32>
      %gather3A_572 = tpu.vector_load_idx %arg14[%mul3A_571] : memref<136xf32, #tpu.memory_space<vmem>>[vector<16xi32>], vector<16xf32>,
      %add3A_573 = arith.constant 1 : i32
      %add3A_574 = vector.broadcast %add3A_573 : i32 to vector<16xi32>
      %add3A_575 = arith.addi %mul3A_571, %add3A_574 : vector<16xi32>
      %gather3A_576 = tpu.vector_load_idx %arg14[%add3A_575] : memref<136xf32, #tpu.memory_space<vmem>>[vector<16xi32>], vector<16xf32>,
      %mul3A_577 = arith.constant 16 : i32
      %mul3A_578 = arith.muli %add3A_564, %mul3A_577 : i32
      %get3A_579 = arith.index_cast %mul3A_578 : i32 to index
      %get3A_580 = tpu.vector_load %arg9[%get3A_579] {strides = array<i32>} : memref<6400xf32, #tpu.memory_space<vmem>>, vector<16xf32>,
      %mul3A_581 = arith.mulf %gather3A_572, %get3A_580 : vector<16xf32>
      %mul3A_582 = arith.constant 16 : i32
      %mul3A_583 = arith.muli %add3A_564, %mul3A_582 : i32
      %swap3A_584 = arith.index_cast %mul3A_583 : i32 to index
      %swap3A_585 = tpu.vector_load %arg16[%swap3A_584] {strides = array<i32>} : memref<6400xf32, #tpu.memory_space<vmem>>, vector<16xf32>,
      tpu.vector_store %arg16[%swap3A_584], %mul3A_581 {strides = array<i32>} : memref<6400xf32, #tpu.memory_space<vmem>>, vector<16xf32>,
      %mul3A_586 = arith.constant 16 : i32
      %mul3A_587 = arith.muli %add3A_564, %mul3A_586 : i32
      %get3A_588 = arith.index_cast %mul3A_587 : i32 to index
      %get3A_589 = tpu.vector_load %arg11[%get3A_588] {strides = array<i32>} : memref<6400xf32, #tpu.memory_space<vmem>>, vector<16xf32>,
      %mul3A_590 = arith.mulf %gather3A_576, %get3A_589 : vector<16xf32>
      %mul3A_591 = arith.constant 16 : i32
      %mul3A_592 = arith.muli %add3A_564, %mul3A_591 : i32
      %swap3A_593 = arith.index_cast %mul3A_592 : i32 to index
      %swap3A_594 = tpu.vector_load %arg18[%swap3A_593] {strides = array<i32>} : memref<6400xf32, #tpu.memory_space<vmem>>, vector<16xf32>,
      tpu.vector_store %arg18[%swap3A_593], %mul3A_590 {strides = array<i32>} : memref<6400xf32, #tpu.memory_space<vmem>>, vector<16xf32>,
      %mul3A_595 = arith.constant 4 : i32
      %mul3A_596 = arith.muli %scan3A_495, %mul3A_595 : i32
      %add3A_597 = arith.constant 3 : i32
      %add3A_598 = arith.addi %mul3A_596, %add3A_597 : i32
      %mul3A_599 = arith.constant 16 : i32
      %mul3A_600 = arith.muli %add3A_598, %mul3A_599 : i32
      %get3A_601 = arith.index_cast %mul3A_600 : i32 to index
      %get3A_602 = tpu.vector_load %arg13[%get3A_601] {strides = array<i32>} : memref<6400xi32, #tpu.memory_space<vmem>>, vector<16xi32>,
      %mul3A_603 = arith.constant 2 : i32
      %mul3A_604 = vector.broadcast %mul3A_603 : i32 to vector<16xi32>
      %mul3A_605 = arith.muli %get3A_602, %mul3A_604 : vector<16xi32>
      %gather3A_606 = tpu.vector_load_idx %arg14[%mul3A_605] : memref<136xf32, #tpu.memory_space<vmem>>[vector<16xi32>], vector<16xf32>,
      %add3A_607 = arith.constant 1 : i32
      %add3A_608 = vector.broadcast %add3A_607 : i32 to vector<16xi32>
      %add3A_609 = arith.addi %mul3A_605, %add3A_608 : vector<16xi32>
      %gather3A_610 = tpu.vector_load_idx %arg14[%add3A_609] : memref<136xf32, #tpu.memory_space<vmem>>[vector<16xi32>], vector<16xf32>,
      %mul3A_611 = arith.constant 16 : i32
      %mul3A_612 = arith.muli %add3A_598, %mul3A_611 : i32
      %get3A_613 = arith.index_cast %mul3A_612 : i32 to index
      %get3A_614 = tpu.vector_load %arg9[%get3A_613] {strides = array<i32>} : memref<6400xf32, #tpu.memory_space<vmem>>, vector<16xf32>,
      %mul3A_615 = arith.mulf %gather3A_606, %get3A_614 : vector<16xf32>
      %mul3A_616 = arith.constant 16 : i32
      %mul3A_617 = arith.muli %add3A_598, %mul3A_616 : i32
      %swap3A_618 = arith.index_cast %mul3A_617 : i32 to index
      %swap3A_619 = tpu.vector_load %arg16[%swap3A_618] {strides = array<i32>} : memref<6400xf32, #tpu.memory_space<vmem>>, vector<16xf32>,
      tpu.vector_store %arg16[%swap3A_618], %mul3A_615 {strides = array<i32>} : memref<6400xf32, #tpu.memory_space<vmem>>, vector<16xf32>,
      %mul3A_620 = arith.constant 16 : i32
      %mul3A_621 = arith.muli %add3A_598, %mul3A_620 : i32
      %get3A_622 = arith.index_cast %mul3A_621 : i32 to index
      %get3A_623 = tpu.vector_load %arg11[%get3A_622] {strides = array<i32>} : memref<6400xf32, #tpu.memory_space<vmem>>, vector<16xf32>,
      %mul3A_624 = arith.mulf %gather3A_610, %get3A_623 : vector<16xf32>
      %mul3A_625 = arith.constant 16 : i32
      %mul3A_626 = arith.muli %add3A_598, %mul3A_625 : i32
      %swap3A_627 = arith.index_cast %mul3A_626 : i32 to index
      %swap3A_628 = tpu.vector_load %arg18[%swap3A_627] {strides = array<i32>} : memref<6400xf32, #tpu.memory_space<vmem>>, vector<16xf32>,
      tpu.vector_store %arg18[%swap3A_627], %mul3A_624 {strides = array<i32>} : memref<6400xf32, #tpu.memory_space<vmem>>, vector<16xf32>,
    }
    %scan3A_479 = arith.constant 100 : i32
    %add3A_480 = arith.constant 96000 : i32
    %add3A_481 = arith.addi %mul3A_2, %add3A_480 : i32
    %multiple_of3A_482 = tpu.assume_multiple %add3A_481, 64 : i32
    %dma_start3A_483 = tpu.memref_slice %arg6[%multiple_of3A_482] : memref<3276800xf32, #tpu.memory_space<hbm>> -> memref<6400xf32, #tpu.memory_space<hbm>>
    %dma_start3A_484 = tpu.memref_slice %arg6[%multiple_of3A_482] : memref<3276800xf32, #tpu.memory_space<hbm>> -> memref<6400xf32, #tpu.memory_space<hbm>>
    tpu.enqueue_dma source(%arg16 : memref<6400xf32, #tpu.memory_space<vmem>>) target(%dma_start3A_484 : memref<6400xf32, #tpu.memory_space<hbm>>) target_semaphore(%arg22 : memref<!tpu.dma_semaphore, #tpu.memory_space<semaphore_mem>>)
    %dma_start3A_485 = tpu.memref_slice %arg7[%multiple_of3A_482] : memref<3276800xf32, #tpu.memory_space<hbm>> -> memref<6400xf32, #tpu.memory_space<hbm>>
    %dma_start3A_486 = tpu.memref_slice %arg7[%multiple_of3A_482] : memref<3276800xf32, #tpu.memory_space<hbm>> -> memref<6400xf32, #tpu.memory_space<hbm>>
    tpu.enqueue_dma source(%arg18 : memref<6400xf32, #tpu.memory_space<vmem>>) target(%dma_start3A_486 : memref<6400xf32, #tpu.memory_space<hbm>>) target_semaphore(%arg22 : memref<!tpu.dma_semaphore, #tpu.memory_space<semaphore_mem>>)
    %dma_wait3A_487 = tpu.memref_slice %arg6[%multiple_of3A_460] : memref<3276800xf32, #tpu.memory_space<hbm>> -> memref<6400xf32, #tpu.memory_space<hbm>>
    %dma_wait3A_488 = tpu.memref_slice %arg6[%multiple_of3A_460] : memref<3276800xf32, #tpu.memory_space<hbm>> -> memref<6400xf32, #tpu.memory_space<hbm>>
    tpu.wait_dma2 semaphore(%arg21 : memref<!tpu.dma_semaphore, #tpu.memory_space<semaphore_mem>>) src(%arg15 : memref<6400xf32, #tpu.memory_space<vmem>>) dst(%dma_wait3A_488 : memref<6400xf32, #tpu.memory_space<hbm>>)
    %dma_wait3A_489 = tpu.memref_slice %arg7[%multiple_of3A_460] : memref<3276800xf32, #tpu.memory_space<hbm>> -> memref<6400xf32, #tpu.memory_space<hbm>>
    %dma_wait3A_490 = tpu.memref_slice %arg7[%multiple_of3A_460] : memref<3276800xf32, #tpu.memory_space<hbm>> -> memref<6400xf32, #tpu.memory_space<hbm>>
    tpu.wait_dma2 semaphore(%arg21 : memref<!tpu.dma_semaphore, #tpu.memory_space<semaphore_mem>>) src(%arg17 : memref<6400xf32, #tpu.memory_space<vmem>>) dst(%dma_wait3A_490 : memref<6400xf32, #tpu.memory_space<hbm>>)
    %dma_wait3A_491 = tpu.memref_slice %arg6[%multiple_of3A_482] : memref<3276800xf32, #tpu.memory_space<hbm>> -> memref<6400xf32, #tpu.memory_space<hbm>>
    %dma_wait3A_492 = tpu.memref_slice %arg6[%multiple_of3A_482] : memref<3276800xf32, #tpu.memory_space<hbm>> -> memref<6400xf32, #tpu.memory_space<hbm>>
    tpu.wait_dma2 semaphore(%arg22 : memref<!tpu.dma_semaphore, #tpu.memory_space<semaphore_mem>>) src(%arg16 : memref<6400xf32, #tpu.memory_space<vmem>>) dst(%dma_wait3A_492 : memref<6400xf32, #tpu.memory_space<hbm>>)
    %dma_wait3A_493 = tpu.memref_slice %arg7[%multiple_of3A_482] : memref<3276800xf32, #tpu.memory_space<hbm>> -> memref<6400xf32, #tpu.memory_space<hbm>>
    %dma_wait3A_494 = tpu.memref_slice %arg7[%multiple_of3A_482] : memref<3276800xf32, #tpu.memory_space<hbm>> -> memref<6400xf32, #tpu.memory_space<hbm>>
    tpu.wait_dma2 semaphore(%arg22 : memref<!tpu.dma_semaphore, #tpu.memory_space<semaphore_mem>>) src(%arg18 : memref<6400xf32, #tpu.memory_space<vmem>>) dst(%dma_wait3A_494 : memref<6400xf32, #tpu.memory_space<hbm>>)
    return
  }
}

module attributes {stable_mosaic.version = 14 : i64} {
  func.func @_tc_body(%arg0: i32, %arg1: memref<131072xf32, #tpu.memory_space<vmem>>, %arg2: memref<131072xf32, #tpu.memory_space<vmem>>, %arg3: memref<131072xi32, #tpu.memory_space<vmem>>, %arg4: memref<131072xf32, #tpu.memory_space<vmem>>, %arg5: memref<131072xf32, #tpu.memory_space<vmem>>) attributes {dimension_semantics = [#tpu.dimension_semantics<arbitrary>], iteration_bounds = array<i64: 25>, scalar_prefetch = 0 : i64, scratch_operands = 0 : i64, tpu.core_type = #tpu.core_type<tc>, window_params = [{transform_indices = @transform_0, window_bounds = array<i64: 131072>}, {transform_indices = @transform_1, window_bounds = array<i64: 131072>}, {transform_indices = @transform_2, window_bounds = array<i64: 131072>}, {transform_indices = @transform_3, window_bounds = array<i64: 131072>}, {transform_indices = @transform_4, window_bounds = array<i64: 131072>}]} {
    %get3A = arith.constant 0 : index
    %get3A_0 = vector.load %arg3[%get3A] : memref<131072xi32, #tpu.memory_space<vmem>>, vector<131072xi32>
    %get3A_1 = arith.constant dense<0> : vector<131072xi32>
    %get3A_2 = arith.cmpi ne, %get3A_0, %get3A_1 : vector<131072xi32>
    %not3A = arith.constant dense<true> : vector<131072xi1>
    %not3A_3 = arith.xori %get3A_2, %not3A : vector<131072xi1>
    %get3A_4 = arith.constant 0 : index
    %get3A_5 = vector.load %arg1[%get3A_4] : memref<131072xf32, #tpu.memory_space<vmem>>, vector<131072xf32>
    %jit3A = arith.constant -4.000000e+00 : f32
    %jit3A_6 = arith.constant 4.000000e+00 : f32
    %max3A = vector.broadcast %jit3A : f32 to vector<131072xf32>
    %max3A_7 = arith.maximumf %max3A, %get3A_5 : vector<131072xf32>
    %min3A = vector.broadcast %jit3A_6 : f32 to vector<131072xf32>
    %min3A_8 = arith.minimumf %min3A, %max3A_7 : vector<131072xf32>
    %exp3A = math.exp %min3A_8 : vector<131072xf32>
    %jit3A_9 = arith.constant 0.000000e+00 : f32
    %broadcast_in_dim3A = vector.broadcast %jit3A_9 : f32 to vector<131072xf32>
    %select_n3A = arith.select %not3A_3, %exp3A, %broadcast_in_dim3A : vector<131072xi1>, vector<131072xf32>
    %swap3A = arith.constant 0 : index
    %swap3A_10 = vector.load %arg4[%swap3A] : memref<131072xf32, #tpu.memory_space<vmem>>, vector<131072xf32>
    tpu.vector_store %arg4[%swap3A], %select_n3A {strides = array<i32>} : memref<131072xf32, #tpu.memory_space<vmem>>, vector<131072xf32>,
    %get3A_11 = arith.constant 0 : index
    %get3A_12 = vector.load %arg2[%get3A_11] : memref<131072xf32, #tpu.memory_space<vmem>>, vector<131072xf32>
    %jit3A_13 = arith.constant -4.000000e+00 : f32
    %jit3A_14 = arith.constant 4.000000e+00 : f32
    %max3A_15 = vector.broadcast %jit3A_13 : f32 to vector<131072xf32>
    %max3A_16 = arith.maximumf %max3A_15, %get3A_12 : vector<131072xf32>
    %min3A_17 = vector.broadcast %jit3A_14 : f32 to vector<131072xf32>
    %min3A_18 = arith.minimumf %min3A_17, %max3A_16 : vector<131072xf32>
    %exp3A_19 = math.exp %min3A_18 : vector<131072xf32>
    %jit3A_20 = arith.constant 0.000000e+00 : f32
    %broadcast_in_dim3A_21 = vector.broadcast %jit3A_20 : f32 to vector<131072xf32>
    %select_n3A_22 = arith.select %not3A_3, %exp3A_19, %broadcast_in_dim3A_21 : vector<131072xi1>, vector<131072xf32>
    %swap3A_23 = arith.constant 0 : index
    %swap3A_24 = vector.load %arg5[%swap3A_23] : memref<131072xf32, #tpu.memory_space<vmem>>, vector<131072xf32>
    tpu.vector_store %arg5[%swap3A_23], %select_n3A_22 {strides = array<i32>} : memref<131072xf32, #tpu.memory_space<vmem>>, vector<131072xf32>,
    return
  }
  func.func @transform_0(%arg0: i32) -> i32 {
    %c0_i32 = arith.constant 0 : i32
    return %arg0 : i32
  }
  func.func @transform_1(%arg0: i32) -> i32 {
    %c0_i32 = arith.constant 0 : i32
    return %arg0 : i32
  }
  func.func @transform_2(%arg0: i32) -> i32 {
    %c0_i32 = arith.constant 0 : i32
    return %arg0 : i32
  }
  func.func @transform_3(%arg0: i32) -> i32 {
    %c0_i32 = arith.constant 0 : i32
    return %arg0 : i32
  }
  func.func @transform_4(%arg0: i32) -> i32 {
    %c0_i32 = arith.constant 0 : i32
    return %arg0 : i32
  }
}

</mosaic_0001>

<sc_bundles>
// kernel: kernel.4.cloned.1.call-start
scs
__scs_entry_jumppad:
0x0: {  	(pc) =	sbr.rel $0x88, $3  }
0x1: {  	(tag) =	ssettag $0x0;
	lr =	simm.s32 $0x1  }
0x2: {  	[smem:$0x3F9D] =	sst lr;
	_ =	strace $0xD0000000  }
0x3: {  	_ = 	snop  }
0x4: {  	_ = 	snop  }
0x5: {  	_ = 	snop  }
0x6: {  	_ = 	snop  }
0x7: {  	_ = 	snop  }
__scs_overlays_trampoline_lowered:
0x8: {  	[smem:$0x3FAC] =	sst s0  }
0x9: {  	[smem:$0x3FAD] =	sst s1  }
0xa: {  	[smem:$0x3FAE] =	sst s2  }
0xb: {  	[smem:$0x3FAF] =	sst s3  }
0xc: {  	[smem:$0x3FB0] =	sst s4  }
0xd: {  	[smem:$0x3FB1] =	sst s5  }
0xe: {  	[smem:$0x3FB2] =	sst s6  }
0xf: {  	[smem:$0x3FB3] =	sst s7  }
0x10: {  	[smem:$0x3FB4] =	sst s8  }
0x11: {  	[smem:$0x3FB5] =	sst s9;
	s0 =	simm.s32 @!p0 $0x0  }
0x12: {  	s1 =	sld [smem:$0x3F9B];
	s0 =	simm.s32 @p0 $0x1  }
0x13: {  	[smem:$0x3FB6] =	sst s0;
	s0 =	simm.s32 @!p1 $0x0  }
0x14: {  	s2 =	sld [smem:$0x3F9A];
	s0 =	simm.s32 @p1 $0x1  }
0x15: {  	[smem:$0x3FB7] =	sst s0;
	s0 =	simm.s32 @!p2 $0x0  }
0x16: {  	s3 =	sld [smem:$0x3FDB];
	s0 =	simm.s32 @p2 $0x1  }
0x17: {  	s4 =	simm.s32 $0x1BF5;
	[smem:$0x3FB9] =	sst s0  }
0x18: {  	s0 =	sld [smem:$0x3F9C];
	_ =	swait.ge [sflag:s4], $0x0  }
0x19: {  	s7 =	sld [smem:$0x3F9D]  }
0x1a: {  	s8 =	sadd.s32 $0xFFFFE003, lr  }
0x1b: {  	s9 =	sadd.s32 $0xFFFFFEF7, lr;
	s5 =	simm.s32 $0xFFFFFFFF;
	p2 =	slt.u32 s8, $0xFFFFF086  }
0x1c: {  	p1 =	slt.u32 s9, $0xF7A;
	s5 =	simm.s32 @!p2 $0x0  }
0x1d: {  	s5 =	simm.s32 @p1 $0x1;
	p0 =	seq.s32 s7, s2  }
0x1e: {  	s7 =	smul.u32 @!p0 $0xF7A, s2;
	p2 =	seq.s32 @!p0 s5, $0x0  }
0x1f: {  	s9 =	smul.u32 $0xF7A, s1;
	s8 =	simm.s32 @!p0 $0x1BF5;
	p2 =	por !p2, p0  }
0x20: {  	[sflag:s8] =	ssyncset.s32 @!p0 $0xFFFFF086;
	s6 =	sadd.s32 @!p0 s3, s7;
	s7 =	simm.s32 @!p0 $0x108  }
0x21: {  	s3 =	sadd.s32 s3, s9;
	s6 =	sadd.s32 @!p0 $0x88, s6;
	s7 =	simm.s32 @p2 $0x1082  }
0x22: {  	[simem:s7], [sflag:s8] =	dma.local @!p0 [hbm:s6], $0xF7A  }
0x23: {  	s9 =	sor.u32 $0xD0000000, s2;
	s6 =	simm.s32 $0x108;
	_ =	swait.ge @!p0 [sflag:s8], $0x0  }
0x24: {  	s3 =	sadd.s32 $0x88, s3;
	s6 =	simm.s32 @!p1 $0x1082;
	[sflag:s4] =	ssyncset.s32 $0xFFFFF086  }
0x25: {  	[simem:s6], [sflag:s4] =	dma.local [hbm:s3], $0xF7A  }
0x26: {  	[smem:$0x3F9D] =	sst s1;
	(tag) =	ssettag s2;
	_ =	strace s9  }
0x27: {  	s1 =	sld [smem:$0x3FAD]  }
0x28: {  	s2 =	sld [smem:$0x3FAE]  }
0x29: {  	s4 =	sld [smem:$0x3FB0]  }
0x2a: {  	p0 =	seq.s32 s5, $0x0;
	s5 =	sld [smem:$0x3FB1]  }
0x2b: {  	s6 =	sld [smem:$0x3FB2]  }
0x2c: {  	s7 =	sld [smem:$0x3FB3]  }
0x2d: {  	s3 =	simm.s32 $0x108;
	s8 =	sld [smem:$0x3FB4]  }
0x2e: {  	s3 =	simm.s32 @!p0 $0x1082;
	s9 =	sld [smem:$0x3FB5]  }
0x2f: {  	lr =	sadd.s32 s0, s3;
	s0 =	sld [smem:$0x3FAC]  }
0x30: {  	s3 =	sld [smem:$0x3FAF]  }
0x31: {  	[smem:$0x3FB8] =	sst s10  }
0x32: {  	s10 =	sld [smem:$0x3FB6];
	_ =	sdelay $0x3  }
0x33: {  	p0 =	seq.s32 s10, $0x1;
	s10 =	sld [smem:$0x3FB8];
	_ =	sdelay $0x3  }
0x34: {  	[smem:$0x3FB8] =	sst s10  }
0x35: {  	s10 =	sld [smem:$0x3FB7];
	_ =	sdelay $0x3  }
0x36: {  	p1 =	seq.s32 s10, $0x1;
	s10 =	sld [smem:$0x3FB8];
	_ =	sdelay $0x3  }
0x37: {  	[smem:$0x3FB8] =	sst s10  }
0x38: {  	s10 =	sld [smem:$0x3FB9]  }
0x39: {  	_ = 	snop;
	(pc) =	sbr.ind lr, $3  }
0x3a: {  	_ = 	snop  }
0x3b: {  	_ = 	snop  }
0x3c: {  	p2 =	seq.s32 s10, $0x1;
	s10 =	sld [smem:$0x3FB8]  }
0x3d: {  	_ =	shalt  }
0x3e: {  	_ =	shalt  }
0x3f: {  	_ =	shalt  }
0x40: {  	_ =	shalt  }
0x41: {  	_ =	shalt  }
0x42: {  	_ =	shalt  }
0x43: {  	_ =	shalt  }
0x44: {  	_ =	shalt  }
0x45: {  	_ =	shalt  }
0x46: {  	_ =	shalt  }
0x47: {  	_ =	shalt  }
0x48: {  	_ =	shalt  }
0x49: {  	_ =	shalt  }
0x4a: {  	_ =	shalt  }
0x4b: {  	_ =	shalt  }
0x4c: {  	_ =	shalt  }
0x4d: {  	_ =	shalt  }
0x4e: {  	_ =	shalt  }
0x4f: {  	_ =	shalt  }
0x50: {  	_ =	shalt  }
0x51: {  	_ =	shalt  }
0x52: {  	_ =	shalt  }
0x53: {  	_ =	shalt  }
0x54: {  	_ =	shalt  }
0x55: {  	_ =	shalt  }
0x56: {  	_ =	shalt  }
0x57: {  	_ =	shalt  }
0x58: {  	_ =	shalt  }
0x59: {  	_ =	shalt  }
0x5a: {  	_ =	shalt  }
0x5b: {  	_ =	shalt  }
0x5c: {  	_ =	shalt  }
0x5d: {  	_ =	shalt  }
0x5e: {  	_ =	shalt  }
0x5f: {  	_ =	shalt  }
0x60: {  	_ =	shalt  }
0x61: {  	_ =	shalt  }
0x62: {  	_ =	shalt  }
0x63: {  	_ =	shalt  }
0x64: {  	_ =	shalt  }
0x65: {  	_ =	shalt  }
0x66: {  	_ =	shalt  }
0x67: {  	_ =	shalt  }
0x68: {  	_ =	shalt  }
0x69: {  	_ =	shalt  }
0x6a: {  	_ =	shalt  }
0x6b: {  	_ =	shalt  }
0x6c: {  	_ =	shalt  }
0x6d: {  	_ =	shalt  }
0x6e: {  	_ =	shalt  }
0x6f: {  	_ =	shalt  }
0x70: {  	_ =	shalt  }
0x71: {  	_ =	shalt  }
0x72: {  	_ =	shalt  }
0x73: {  	_ =	shalt  }
0x74: {  	_ =	shalt  }
0x75: {  	_ =	shalt  }
0x76: {  	_ =	shalt  }
0x77: {  	_ =	shalt  }
0x78: {  	_ =	shalt  }
0x79: {  	_ =	shalt  }
0x7a: {  	_ =	shalt  }
0x7b: {  	_ =	shalt  }
0x7c: {  	_ =	shalt  }
0x7d: {  	_ =	shalt  }
0x7e: {  	_ =	shalt  }
0x7f: {  	_ =	shalt  }
0x80: {  	_ =	shalt  }
0x81: {  	_ =	shalt  }
0x82: {  	_ =	shalt  }
0x83: {  	_ =	shalt  }
0x84: {  	_ =	shalt  }
0x85: {  	_ =	shalt  }
0x86: {  	_ =	shalt  }
0x87: {  	_ =	shalt  }
.Lfunc_end0:
.L_simem_size_0:
called_computation_lowered:
.L_overlay_start_0:
0x88: {  	s2 =	sld [smem:$0x3FD9]  }
0x89: {  	s3 =	sld [smem:$0x3FFE];
	_ =	sdelay $0x1  }
0x8a: {  	s1 =	srdreg.scid  }
0x8b: {  	s0 =	sand.u32 $0x1, s1  }
0x8c: {  	s14 =	sshll.u32 s0, $0xA;
	s2 =	sadd.s32 s3, s2  }
0x8d: {  	s2 =	sadd.s32 s2, s14  }
0x8e: {  	[smem:$0x3FC4] =	sst s2  }
0x8f: {  	_ = 	snop  }
0x90: {  	s2 =	sld [smem:$0x3FD0];
	_ =	sdelay $0x2  }
0x91: {  	s15 =	simm.s32 $0xA;
	s4 =	simm.s32 $0x10  }
0x92: {  	[smem:s4], [sflag:s15] =	dma.local [hbm:s2], $0x1  }
0x93: {  	_ =	swait.eq [sflag:s15], $0x1  }
0x94: {  	[sflag:s15] =	ssyncset.done $0x0  }
0x95: {  	s16 =	sld [smem:$0x10];
	[sflag:s15] =	ssyncadd.s32 $0xFFFFFFFF  }
0x96: {  	s17 =	sld [smem:$0x11];
	(tm) =	ssettm $0x1  }
0x97: {  	s18 =	sld [smem:$0x3FFB];
	_ =	sdelay $0x3  }
0x98: {  	_ =	strace s18  }
0x99: {  	s4 =	sld [smem:$0x3FFC];
	_ =	sdelay $0x3  }
0x9a: {  	_ =	strace s4  }
0x9b: {  	s4 =	sld [smem:$0x3FFD];
	_ =	sdelay $0x3  }
0x9c: {  	_ =	strace s4  }
0x9d: {  	_ =	strace $0x8FFFFFFF  }
0x9e: {  	s19 =	sld [smem:$0x3FDB];
	_ =	sdelay $0x1  }
0x9f: {  	s5 =	simm.s32 $_scs_section_size  }
0xa0: {  	s6 =	simm.s32 $_size__tile_overlayer_lowered;
	s7 =	simm.s32 $_tile_overlayer_lowered  }
0xa1: {  	s22 =	simm.s32 $0x1BFF;
	s21 =	sshll.u32 s7, $0x1;
	s4 =	sadd.s32 s5, s19  }
0xa2: {  	s8 =	simm.s32 $0x0;
	s20 =	sshll.u32 s6, $0x1;
	s6 =	sadd.s32 s21, s4  }
0xa3: {  	[timem:s8], [sflag:s22] =	dma.local [hbm:s6], s20  }
0xa4: {  	_ =	swait.ge [sflag:s22], s20  }
0xa5: {  	s5 =	ssub.s32 $0x0, s20;
	[sflag:s22] =	ssyncset.done $0x0  }
0xa6: {  	[sflag:s22] =	ssyncadd.s32 s5;
	_ =	sdelay $0x1  }
0xa7: {  	s23 =	simm.s32 $0x1B8B  }
0xa8: {  	_ =	swait.ge [sflag:s23], $0x1  }
0xa9: {  	[sflag:s23] =	ssyncset.done $0x0  }
0xaa: {  	s25 =	simm.s32 $0x1B8E;
	s24 =	sld [smem:$0x3FFE];
	[sflag:s23] =	ssyncadd.s32 $0xFFFFFFFF  }
0xab: {  	s26 =	simm.s32 $execute0_lowered;
	[smem:$0x3FD2] =	sst s25  }
0xac: {  	s6 =	sshll.u32 s26, $0x1;
	_ =	strace $0x80000046;
	[dreg:$0x1] =	wrdreg $0xFFFFFFFF  }
0xad: {  	s28 =	simm.s32 $_size_execute0_lowered;
	s4 =	sadd.s32 s4, s6;
	[dreg:$0x0] =	wrdreg $0x0  }
0xae: {  	s6 =	sshll.u32 s28, $0x1;
	[dreg:$0x2] =	wrdreg s4  }
0xaf: {  	[dreg:$0x3] =	wrdreg s6  }
0xb0: {  	[dreg:$0x4] =	wrdreg $0xC0  }
0xb1: {  	_ =	task [dreg:s8], $0x5FFFF  }
0xb2: {  	[dreg:$0x1] =	wrdreg $0xFFFFFFFF  }
0xb3: {  	[dreg:$0x0] =	wrdreg $0x60  }
0xb4: {  	[dreg:$0x2] =	wrdreg s17  }
0xb5: {  	[dreg:$0x3] =	wrdreg s24  }
0xb6: {  	[dreg:$0x4] =	wrdreg s16  }
0xb7: {  	[dreg:$0x5] =	wrdreg $0x9  }
0xb8: {  	_ =	task.clear_ibuf [dreg:s8], $0x6FFFF;
	_ =	strace $0x90000046  }
0xb9: {  	s29 =	simm.s32 $0x9;
	_ =	strace $0x80000048  }
0xba: {  	_ =	swait.ge [sflag:s29], $0x1  }
0xbb: {  	[sflag:s29] =	ssyncadd.s32 $0xFFFFFFFF  }
0xbc: {  	_ =	strace $0x90000048  }
0xbd: {  	_ =	sfence  }
0xbe: {  	s30 =	sld [smem:$0x0];
	_ =	sdelay $0x2  }
0xbf: {  	s31 =	sshll.u32 s1, $0xD;
	s1 =	sshrl.u32 s1, $0x2  }
0xc0: {  	s3 =	sand.u32 $0x4000, s31;
	s1 =	sadd.s32 s1, s30  }
0xc1: {  	s0 =	sor.u32 s3, s0;
	s1 =	sshll.u32 s1, $0x11  }
0xc2: {  	s0 =	sor.u32 s1, s0  }
0xc3: {  	s0 =	sadd.s32 $0x8F2B, s0  }
0xc4: {  	[sflag:s0] =	ssyncadd.remote.s32 $0x1  }
0xc5: {  	_ =	sfence.sel $0xFFFF  }
0xc6: {  	[dreg:$0x0] =	wrdreg $0xFFFFFFFF;
	(pc) =	sbr.abs _section_cstart, $3  }
0xc7: {  	[dreg:$0x1] =	wrdreg $0xFFFFFFFF  }
0xc8: {  	_ =	task.clear_ibuf [dreg:s8], $0x2FFFF;
	_ =	strace $0x9FFFFFFF  }
0xc9: {  	(tm) =	ssettm $0x7FFFFFFF  }
tec
execute0_lowered:
.L_overlay_start_1:
0x0: {  	(tag) =	ssettag $0x1  }
0x1: {  	s0 =	srdreg.scid;
	s1 =	stileid.u32  }
0x2: {  	s4 =	sand.u32 $0x1, s0;
	s1 =	sshll.u32 s1, $0x1  }
0x3: {  	s5 =	sor.u32 s4, s1  }
0x4: {  	s5 =	smul.u32 $0x19000, s5  }
0x5: {  	s3 =	rddreg [dreg:$0x0]  }
0x6: {  	s2 =	rddreg [dreg:$0x2];
	s8 =	sshrl.u32 s5, $0x3  }
0x7: {  	s0 =	rddreg [dreg:$0x1];
	s1 =	simm.s32 $0x0;
	s18 =	sadd.s32 $0x320, s8  }
0x8: {  	s6 =	sadd.s32 $0xCA400, s0;
	[smem:$0x7FF] =	sst s1;
	s10 =	sadd.s32 s3, s18  }
0x9: {  	s7 =	sadd.s32 $0x66200, s0;
	s19 =	sadd.s32 s6, s18;
	[dreg:$0x4] =	wrdreg s10  }
0xa: {  	s20 =	sadd.s32 $0x640, s8;
	s11 =	sadd.s32 s7, s18;
	[dreg:$0x5] =	wrdreg s19  }
0xb: {  	s4 =	ssub.s32 $0x2, s4;
	s21 =	sadd.s32 s3, s20;
	[dreg:$0x6] =	wrdreg s11  }
0xc: {  	s9 =	sshrl.u32 s4, $0x1;
	s22 =	sadd.s32 s6, s20;
	[dreg:$0x7] =	wrdreg s21  }
0xd: {  	s4 =	ssub.s32 s4, s9;
	s23 =	sadd.s32 s7, s20;
	[dreg:$0x8] =	wrdreg s22  }
0xe: {  	s5 =	sadd.s32 $0x2200, s0;
	s24 =	sadd.s32 s2, s18;
	[dreg:$0x9] =	wrdreg s23  }
0xf: {  	s25 =	sadd.s32 $0x960, s8;
	s9 =	sadd.s32 s5, s18;
	[dreg:$0xa] =	wrdreg s24  }
0x10: {  	s26 =	sadd.s32 s3, s25;
	[dreg:$0xb] =	wrdreg s9  }
0x11: {  	s12 =	sadd.s32 s6, s25;
	[dreg:$0xc] =	wrdreg s26  }
0x12: {  	s13 =	sadd.s32 s7, s25;
	[dreg:$0xd] =	wrdreg s12  }
0x13: {  	s14 =	sadd.s32 s2, s20;
	[dreg:$0xe] =	wrdreg s13  }
0x14: {  	s15 =	sadd.s32 s5, s20;
	[dreg:$0xf] =	wrdreg s14  }
0x15: {  	s17 =	sadd.s32 s2, s25;
	[dreg:$0x10] =	wrdreg s15  }
0x16: {  	s16 =	sadd.s32 $0xC80, s8;
	s18 =	sadd.s32 s5, s25;
	[dreg:$0x11] =	wrdreg s17  }
0x17: {  	s20 =	sadd.s32 s6, s16;
	[dreg:$0x12] =	wrdreg s18  }
0x18: {  	s19 =	sadd.s32 s3, s16;
	[dreg:$0x14] =	wrdreg s20  }
0x19: {  	s21 =	sadd.s32 s7, s16;
	[dreg:$0x13] =	wrdreg s19  }
0x1a: {  	s22 =	sadd.s32 s2, s16;
	[dreg:$0x15] =	wrdreg s21  }
0x1b: {  	s9 =	sadd.s32 s5, s16;
	s23 =	sadd.s32 $0xFA0, s8;
	[dreg:$0x16] =	wrdreg s22  }
0x1c: {  	[dreg:$0x17] =	wrdreg s9;
	s24 =	sadd.s32 s3, s23  }
0x1d: {  	s25 =	sadd.s32 s6, s23;
	[dreg:$0x18] =	wrdreg s24  }
0x1e: {  	s26 =	sadd.s32 s7, s23;
	[dreg:$0x19] =	wrdreg s25  }
0x1f: {  	s11 =	sadd.s32 s2, s23;
	[dreg:$0x1a] =	wrdreg s26  }
0x20: {  	s12 =	sadd.s32 $0x12C0, s8;
	s9 =	sadd.s32 s5, s23;
	[dreg:$0x1b] =	wrdreg s11  }
0x21: {  	s13 =	sadd.s32 s3, s12;
	[dreg:$0x1c] =	wrdreg s9  }
0x22: {  	s14 =	sadd.s32 s6, s12;
	[dreg:$0x1d] =	wrdreg s13  }
0x23: {  	s15 =	sadd.s32 s7, s12;
	[dreg:$0x1e] =	wrdreg s14  }
0x24: {  	s17 =	sadd.s32 $0x15E0, s8;
	s16 =	sadd.s32 s2, s12;
	[dreg:$0x1f] =	wrdreg s15  }
0x25: {  	s18 =	sadd.s32 s3, s17;
	[smem:$0x7D2] =	sst s16  }
0x26: {  	s19 =	sadd.s32 s6, s17;
	[smem:$0x7D4] =	sst s18  }
0x27: {  	s20 =	sadd.s32 s7, s17;
	[smem:$0x7D5] =	sst s19  }
0x28: {  	s21 =	sadd.s32 s2, s17;
	[smem:$0x7D6] =	sst s20  }
0x29: {  	s22 =	sadd.s32 $0x1900, s8;
	s9 =	sadd.s32 s5, s12;
	[smem:$0x7D7] =	sst s21  }
0x2a: {  	s23 =	sadd.s32 s3, s22;
	[smem:$0x7D3] =	sst s9  }
0x2b: {  	s24 =	sadd.s32 s6, s22;
	[smem:$0x7D9] =	sst s23  }
0x2c: {  	s25 =	sadd.s32 s7, s22;
	[smem:$0x7DA] =	sst s24  }
0x2d: {  	s26 =	sadd.s32 s2, s22;
	[smem:$0x7DB] =	sst s25  }
0x2e: {  	s11 =	sadd.s32 $0x1C20, s8;
	s9 =	sadd.s32 s5, s17;
	[smem:$0x7DC] =	sst s26  }
0x2f: {  	s12 =	sadd.s32 s3, s11;
	[smem:$0x7D8] =	sst s9  }
0x30: {  	s13 =	sadd.s32 s6, s11;
	[smem:$0x7DE] =	sst s12  }
0x31: {  	s14 =	sadd.s32 s7, s11;
	[smem:$0x7DF] =	sst s13  }
0x32: {  	s16 =	sadd.s32 $0x1F40, s8;
	s15 =	sadd.s32 s2, s11;
	[smem:$0x7E0] =	sst s14  }
0x33: {  	s17 =	sadd.s32 s3, s16;
	[smem:$0x7E1] =	sst s15  }
0x34: {  	s18 =	sadd.s32 s6, s16;
	[smem:$0x7E3] =	sst s17  }
0x35: {  	s19 =	sadd.s32 s7, s16;
	[smem:$0x7E4] =	sst s18  }
0x36: {  	s21 =	sadd.s32 $0x2260, s8;
	s20 =	sadd.s32 s2, s16;
	[smem:$0x7E5] =	sst s19  }
0x37: {  	s23 =	sadd.s32 s6, s21;
	[smem:$0x7E6] =	sst s20  }
0x38: {  	s24 =	sadd.s32 s7, s21;
	[smem:$0x7E9] =	sst s23  }
0x39: {  	s25 =	sadd.s32 s2, s21;
	[smem:$0x7EA] =	sst s24  }
0x3a: {  	s9 =	sadd.s32 s5, s22;
	[smem:$0x7EB] =	sst s25  }
0x3b: {  	s26 =	sadd.s32 $0x2580, s8;
	s22 =	sadd.s32 s3, s21;
	[smem:$0x7DD] =	sst s9  }
0x3c: {  	s12 =	sadd.s32 s6, s26;
	[smem:$0x7E8] =	sst s22  }
0x3d: {  	s28 =	simm.s32 $0x6400;
	s13 =	sadd.s32 s7, s26;
	[smem:$0x7EE] =	sst s12  }
0x3e: {  	s29 =	simm.s32 $0x1900;
	s14 =	sadd.s32 s2, s26;
	[smem:$0x7EF] =	sst s13  }
0x3f: {  	s30 =	simm.s32 $0x4B00;
	s20 =	sadd.s32 s3, s8;
	[smem:$0x7F0] =	sst s14  }
0x40: {  	s31 =	simm.s32 $0x7D00;
	s23 =	sadd.s32 s2, s8;
	[smem:$0x7F7] =	sst s20  }
0x41: {  	s15 =	sadd.s32 $0x28A0, s8;
	s24 =	sadd.s32 s5, s8;
	[smem:$0x7FA] =	sst s23  }
0x42: {  	s25 =	sadd.s32 $0x2BC0, s8;
	s9 =	sadd.s32 s5, s11;
	[smem:$0x7FB] =	sst s24  }
0x43: {  	s11 =	sadd.s32 s3, s26;
	s17 =	sadd.s32 s6, s15;
	[smem:$0x7E2] =	sst s9  }
0x44: {  	s18 =	sadd.s32 s7, s15;
	s19 =	sadd.s32 s2, s15;
	[smem:$0x7ED] =	sst s11  }
0x45: {  	s22 =	sadd.s32 s7, s8;
	s14 =	sadd.s32 s6, s25;
	[smem:$0x7F3] =	sst s17  }
0x46: {  	s23 =	smax.u32 s4, $0x1;
	s24 =	simm.s32 $0x9600;
	[smem:$0x7F4] =	sst s18  }
0x47: {  	s4 =	simm.s32 $0x2;
	s9 =	sadd.s32 s5, s16;
	[smem:$0x7F5] =	sst s19  }
0x48: {  	s16 =	sadd.s32 s3, s15;
	[smem:$0x7F9] =	sst s22;
	s18 =	sadd.s32 s2, s25  }
0x49: {  	s19 =	sadd.s32 s5, s25;
	s22 =	sadd.s32 $0xCA200, s0;
	[smem:$0x7E7] =	sst s9  }
0x4a: {  	s0 =	simm.s32 $0x1;
	s9 =	sadd.s32 s5, s21;
	[smem:$0x7F2] =	sst s16  }
0x4b: {  	s21 =	sadd.s32 s6, s8;
	s8 =	sadd.s32 $0x2EE0, s8;
	[smem:$0x7EC] =	sst s9  }
0x4c: {  	s16 =	sadd.s32 s7, s25;
	s9 =	sadd.s32 s5, s26;
	[smem:$0x7F8] =	sst s21  }
0x4d: {  	s26 =	sadd.s32 s3, s25;
	s3 =	sadd.s32 s3, s8;
	s17 =	sadd.s32 s7, s8  }
0x4e: {  	s20 =	sadd.s32 s2, s8;
	s21 =	sadd.s32 s5, s8;
	[smem:$0x7F1] =	sst s9  }
0x4f: {  	s25 =	simm.s32 $0x5;
	s2 =	simm.s32 $0x9700;
	[smem:$0x7FC] =	sst s26  }
0x50: {  	s7 =	simm.s32 $0x3;
	s9 =	sadd.s32 s5, s15;
	[smem:$0x7FD] =	sst s3  }
0x51: {  	s15 =	sadd.s32 s6, s8;
	s26 =	simm.s32 $0x3200;
	s3 =	simm.s32 $0xC900  }
0x52: {  	s5 =	simm.s32 $0xB000;
	s6 =	simm.s32 $0xE200;
	[smem:$0x7F6] =	sst s9  }
0x53: {  	s8 =	simm.s32 $0x4;
	s9 =	simm.s32 $0x0;
	_ =	strace $0x80000047  }
.LBB2_1:
0x54: {  	[tilespmem:s24], [sflag:$0x5] =	stream.linear.gather [hbm4b:s22+s1], $0x100, $0x38;
	[tilespmem:$0xFB00] =	vst v63  }
0x55: {  	_ =	swait.ge [sflag:s25], $0x100  }
0x56: {  	s10 =	sld [smem:$0x7F7]  }
0x57: {  	[sflag:s25] =	ssyncset.done $0x0  }
0x58: {  	s12 =	sld [smem:$0x7F8];
	[sflag:s25] =	ssyncadd.s32 $0xFFFFFF00  }
0x59: {  	[tilespmem:s1], [sflag:$0x1] =	stream.linear.gather [hbm4b:s10+s1], $0x1900, $0x38;
	[tilespmem:$0xFB00] =	vst v63  }
0x5a: {  	s13 =	sld [smem:$0x7F9]  }
0x5b: {  	[tilespmem:s26], [sflag:$0x1] =	stream.linear.gather [hbm4b:s12+s1], $0x1900, $0x38;
	[tilespmem:$0xFB00] =	vst v63  }
0x5c: {  	_ = 	snop  }
0x5d: {  	[tilespmem:s28], [sflag:$0x1] =	stream.linear.gather [hbm4b:s13+s1], $0x1900, $0x38;
	[tilespmem:$0xFB00] =	vst v63  }
0x5e: {  	s11 =	rddreg [dreg:$0x4]  }
0x5f: {  	[tilespmem:s29], [sflag:$0x2] =	stream.linear.gather [hbm4b:s11+s1], $0x1900, $0x38;
	[tilespmem:$0xFB00] =	vst v63  }
0x60: {  	s12 =	rddreg [dreg:$0x5]  }
0x61: {  	[tilespmem:s30], [sflag:$0x2] =	stream.linear.gather [hbm4b:s12+s1], $0x1900, $0x38;
	[tilespmem:$0xFB00] =	vst v63  }
0x62: {  	s13 =	rddreg [dreg:$0x6]  }
0x63: {  	[tilespmem:s31], [sflag:$0x2] =	stream.linear.gather [hbm4b:s13+s1], $0x1900, $0x38;
	[tilespmem:$0xFB00] =	vst v63  }
0x64: {  	_ =	swait.ge [sflag:s0], $0x1900  }
0x65: {  	[sflag:s0] =	ssyncset.done $0x0  }
0x66: {  	[sflag:s0] =	ssyncadd.s32 $0xFFFFE700  }
0x67: {  	_ =	swait.ge [sflag:s0], $0x1900  }
0x68: {  	[sflag:s0] =	ssyncset.done $0x0  }
0x69: {  	[sflag:s0] =	ssyncadd.s32 $0xFFFFE700  }
0x6a: {  	_ =	swait.ge [sflag:s0], $0x1900  }
0x6b: {  	[sflag:s0] =	ssyncset.done $0x0  }
0x6c: {  	s10 =	simm.s32 $0x0;
	[sflag:s0] =	ssyncadd.s32 $0xFFFFE700  }
0x6d: {  	v0 =	vld [tilespmem:s10+$0x6400];
	_ =	sdelay $0x4  }
0x6e: {  	v0 =	vshll.u32 v0, $0x1  }
0x6f: {  	v1 =	vor.u32 $0x1, v0  }
0x70: {  	v2 =	vld [tilespmem:s10+$0x6410]  }
0x71: {  	v3 =	vld [tilespmem:s10+$0x0]  }
0x72: {  	v4 =	vld [tilespmem:s10+$0x3200]  }
0x73: {  	v0 =	vld.idx.msk [tilespmem:v0+s24+$0x0], $0xffff  }
0x74: {  	v1 =	vld.idx.msk [tilespmem:v1+s24+$0x0], $0xffff;
	_ =	sdelay $0x2  }
0x75: {  	v2 =	vshll.u32 v2, $0x1  }
0x76: {  	v6 =	vor.u32 $0x1, v2;
	v0 =	vmul.f32 v3, v0  }
0x77: {  	v5 =	vld [tilespmem:s10+$0x6420];
	v1 =	vmul.f32 v4, v1  }
0x78: {  	v4 =	vld [tilespmem:s10+$0x3210];
	[tilespmem:s10+$0x9700] =	vst v0  }
0x79: {  	v0 =	vld [tilespmem:s10+$0x10];
	[tilespmem:s10+$0xC900] =	vst v1  }
0x7a: {  	v1 =	vld.idx.msk [tilespmem:v2+s24+$0x0], $0xffff  }
0x7b: {  	v2 =	vld.idx.msk [tilespmem:v6+s24+$0x0], $0xffff;
	_ =	sdelay $0x2  }
0x7c: {  	v5 =	vshll.u32 v5, $0x1  }
0x7d: {  	v0 =	vmul.f32 v0, v1  }
0x7e: {  	v1 =	vmul.f32 v4, v2;
	v2 =	vor.u32 $0x1, v5  }
0x7f: {  	v3 =	vld [tilespmem:s10+$0x6430];
	[tilespmem:s10+$0x9710] =	vst v0  }
0x80: {  	[tilespmem:s10+$0xC910] =	vst v1;
	v0 =	vld [tilespmem:s10+$0x20]  }
0x81: {  	v1 =	vld.idx.msk [tilespmem:v5+s24+$0x0], $0xffff  }
0x82: {  	v4 =	vld [tilespmem:s10+$0x3220]  }
0x83: {  	v2 =	vld.idx.msk [tilespmem:v2+s24+$0x0], $0xffff;
	_ =	sdelay $0x1  }
0x84: {  	v5 =	vshll.u32 v3, $0x1  }
0x85: {  	v0 =	vmul.f32 v0, v1;
	v1 =	vor.u32 $0x1, v5;
	_ =	sdelay $0x1  }
0x86: {  	v3 =	vld [tilespmem:s10+$0x3230];
	[tilespmem:s10+$0x9720] =	vst v0;
	v0 =	vmul.f32 v4, v2  }
0x87: {  	s12 =	simm.s32 $0x40;
	v4 =	vld [tilespmem:s10+$0x30]  }
0x88: {  	v7 =	vld [tilespmem:s12+$0x6400];
	[tilespmem:s10+$0xC920] =	vst v0  }
0x89: {  	v6 =	vld.idx.msk [tilespmem:v1+s24+$0x0], $0xffff  }
0x8a: {  	v5 =	vld.idx.msk [tilespmem:v5+s24+$0x0], $0xffff  }
0x8b: {  	v2 =	vld [tilespmem:s12+$0x6410]  }
0x8c: {  	v1 =	vld [tilespmem:s12+$0x6420]  }
0x8d: {  	s11 =	simm.s32 $0x200;
	v0 =	vld [tilespmem:s12+$0x6430]  }
.LBB2_2:
0x8e: {  	p0 =	sne.s32 s11, $0x6300;
	v7 =	vshll.u32 v7, $0x1;
	s13 =	smov.u32 s11;
	s11 =	sadd.s32 $0x100, s11  }
0x8f: {  	v3 =	vmul.f32 v3, v6;
	v8 =	vor.u32 $0x1, v7  }
0x90: {  	v4 =	vmul.f32 v4, v5  }
0x91: {  	[tilespmem:s10+$0xC930] =	vst v3  }
0x92: {  	v3 =	vld [tilespmem:s12+$0x0];
	[tilespmem:s10+$0x9730] =	vst v4;
	s10 =	smov.u32 s12  }
0x93: {  	v4 =	vld.idx.msk [tilespmem:v7+s24+$0x0], $0xffff  }
0x94: {  	v5 =	vld.idx.msk [tilespmem:v8+s24+$0x0], $0xffff  }
0x95: {  	v6 =	vld [tilespmem:s10+$0x3200];
	_ =	sdelay $0x2  }
0x96: {  	v2 =	vshll.u32 v2, $0x1  }
0x97: {  	v3 =	vmul.f32 v3, v4;
	v4 =	vor.u32 $0x1, v2  }
0x98: {  	v5 =	vmul.f32 v6, v5  }
0x99: {  	[tilespmem:s10+$0x9700] =	vst v3  }
0x9a: {  	[tilespmem:s10+$0xC900] =	vst v5;
	v3 =	vld [tilespmem:s10+$0x10]  }
0x9b: {  	v2 =	vld.idx.msk [tilespmem:v2+s24+$0x0], $0xffff  }
0x9c: {  	v4 =	vld.idx.msk [tilespmem:v4+s24+$0x0], $0xffff  }
0x9d: {  	v5 =	vld [tilespmem:s10+$0x3210];
	_ =	sdelay $0x2  }
0x9e: {  	v1 =	vshll.u32 v1, $0x1  }
0x9f: {  	v2 =	vmul.f32 v3, v2;
	v3 =	vor.u32 $0x1, v1  }
0xa0: {  	v4 =	vmul.f32 v5, v4  }
0xa1: {  	[tilespmem:s10+$0x9710] =	vst v2  }
0xa2: {  	[tilespmem:s10+$0xC910] =	vst v4;
	v2 =	vld [tilespmem:s10+$0x20]  }
0xa3: {  	v1 =	vld.idx.msk [tilespmem:v1+s24+$0x0], $0xffff  }
0xa4: {  	v3 =	vld.idx.msk [tilespmem:v3+s24+$0x0], $0xffff  }
0xa5: {  	v4 =	vld [tilespmem:s10+$0x3220];
	_ =	sdelay $0x1  }
0xa6: {  	v0 =	vshll.u32 v0, $0x1  }
0xa7: {  	v5 =	vor.u32 $0x1, v0  }
0xa8: {  	v1 =	vmul.f32 v2, v1  }
0xa9: {  	v2 =	vmul.f32 v4, v3;
	v3 =	vld [tilespmem:s10+$0x3230]  }
0xaa: {  	s12 =	sshra.s32 s13, $0x2;
	[tilespmem:s10+$0x9720] =	vst v1;
	v4 =	vld [tilespmem:s10+$0x30]  }
0xab: {  	v7 =	vld [tilespmem:s12+$0x6400];
	[tilespmem:s10+$0xC920] =	vst v2  }
.Ltmp0:
0xac: {  	v6 =	vld.idx.msk [tilespmem:v5+s24+$0x0], $0xffff;
	(pc) =	sbr.rel @p0 .LBB2_2-.Ltmp0, $4  }
0xad: {  	v5 =	vld.idx.msk [tilespmem:v0+s24+$0x0], $0xffff  }
0xae: {  	v2 =	vld [tilespmem:s12+$0x6410]  }
0xaf: {  	v1 =	vld [tilespmem:s12+$0x6420]  }
0xb0: {  	v0 =	vld [tilespmem:s12+$0x6430]  }
0xb1: {  	v7 =	vshll.u32 v7, $0x1  }
0xb2: {  	v3 =	vmul.f32 v3, v6;
	v6 =	vor.u32 $0x1, v7  }
0xb3: {  	v4 =	vmul.f32 v4, v5  }
0xb4: {  	[tilespmem:s10+$0xC930] =	vst v3  }
0xb5: {  	v3 =	vld [tilespmem:s12+$0x0];
	[tilespmem:s10+$0x9730] =	vst v4  }
0xb6: {  	v4 =	vld.idx.msk [tilespmem:v7+s24+$0x0], $0xffff  }
0xb7: {  	v5 =	vld.idx.msk [tilespmem:v6+s24+$0x0], $0xffff  }
0xb8: {  	v6 =	vld [tilespmem:s12+$0x3200];
	_ =	sdelay $0x2  }
0xb9: {  	v2 =	vshll.u32 v2, $0x1  }
0xba: {  	v3 =	vmul.f32 v3, v4;
	v4 =	vor.u32 $0x1, v2  }
0xbb: {  	v5 =	vmul.f32 v6, v5  }
0xbc: {  	[tilespmem:s12+$0x9700] =	vst v3;
	v3 =	vld [tilespmem:s12+$0x10]  }
0xbd: {  	[tilespmem:s12+$0xC900] =	vst v5;
	v5 =	vld [tilespmem:s12+$0x3210]  }
0xbe: {  	v2 =	vld.idx.msk [tilespmem:v2+s24+$0x0], $0xffff  }
0xbf: {  	v4 =	vld.idx.msk [tilespmem:v4+s24+$0x0], $0xffff;
	_ =	sdelay $0x2  }
0xc0: {  	v1 =	vshll.u32 v1, $0x1  }
0xc1: {  	v2 =	vmul.f32 v3, v2;
	v3 =	vor.u32 $0x1, v1  }
0xc2: {  	v4 =	vmul.f32 v5, v4  }
0xc3: {  	[tilespmem:s12+$0x9710] =	vst v2;
	v2 =	vld [tilespmem:s12+$0x20]  }
0xc4: {  	[tilespmem:s12+$0xC910] =	vst v4;
	v4 =	vld [tilespmem:s12+$0x3220]  }
0xc5: {  	v1 =	vld.idx.msk [tilespmem:v1+s24+$0x0], $0xffff  }
0xc6: {  	v3 =	vld.idx.msk [tilespmem:v3+s24+$0x0], $0xffff;
	_ =	sdelay $0x1  }
0xc7: {  	v0 =	vshll.u32 v0, $0x1  }
0xc8: {  	v5 =	vor.u32 $0x1, v0  }
0xc9: {  	v1 =	vmul.f32 v2, v1  }
0xca: {  	v3 =	vmul.f32 v4, v3  }
0xcb: {  	v2 =	vld [tilespmem:s12+$0x3230];
	[tilespmem:s12+$0x9720] =	vst v1  }
0xcc: {  	v1 =	vld [tilespmem:s12+$0x30];
	[tilespmem:s12+$0xC920] =	vst v3  }
0xcd: {  	v3 =	vld.idx.msk [tilespmem:v5+s24+$0x0], $0xffff  }
0xce: {  	v0 =	vld.idx.msk [tilespmem:v0+s24+$0x0], $0xffff;
	_ =	sdelay $0x3  }
0xcf: {  	v2 =	vmul.f32 v2, v3  }
0xd0: {  	s11 =	sld [smem:$0x7FA];
	v0 =	vmul.f32 v1, v0  }
0xd1: {  	[tilespmem:s12+$0xC930] =	vst v2  }
0xd2: {  	s10 =	simm.s32 $0x0;
	[tilespmem:s12+$0x9730] =	vst v0;
	s12 =	sld [smem:$0x7FB]  }
0xd3: {  	[hbm4b:s11+s10] =	stream.linear.scatter [tilespmem:s2], [sflag:$0x3], $0x1900, $0x38;
	[tilespmem:$0xFB00] =	vst v63  }
0xd4: {  	_ = 	snop  }
0xd5: {  	[hbm4b:s12+s10] =	stream.linear.scatter [tilespmem:s3], [sflag:$0x3], $0x1900, $0x38;
	[tilespmem:$0xFB00] =	vst v63  }
0xd6: {  	s13 =	rddreg [dreg:$0x7]  }
0xd7: {  	[tilespmem:s10], [sflag:$0x1] =	stream.linear.gather [hbm4b:s13+s10], $0x1900, $0x38;
	[tilespmem:$0xFB00] =	vst v63  }
0xd8: {  	s12 =	rddreg [dreg:$0x8]  }
0xd9: {  	[tilespmem:s26], [sflag:$0x1] =	stream.linear.gather [hbm4b:s12+s10], $0x1900, $0x38;
	[tilespmem:$0xFB00] =	vst v63  }
0xda: {  	s13 =	rddreg [dreg:$0x9]  }
0xdb: {  	[tilespmem:s28], [sflag:$0x1] =	stream.linear.gather [hbm4b:s13+s10], $0x1900, $0x38;
	[tilespmem:$0xFB00] =	vst v63  }
0xdc: {  	_ =	swait.ge [sflag:s4], $0x1900  }
0xdd: {  	[sflag:s4] =	ssyncset.done $0x0  }
0xde: {  	[sflag:s4] =	ssyncadd.s32 $0xFFFFE700  }
0xdf: {  	_ =	swait.ge [sflag:s4], $0x1900  }
0xe0: {  	[sflag:s4] =	ssyncset.done $0x0  }
0xe1: {  	[sflag:s4] =	ssyncadd.s32 $0xFFFFE700  }
0xe2: {  	_ =	swait.ge [sflag:s4], $0x1900  }
0xe3: {  	[sflag:s4] =	ssyncset.done $0x0  }
0xe4: {  	s10 =	simm.s32 $0x0;
	[sflag:s4] =	ssyncadd.s32 $0xFFFFE700  }
0xe5: {  	v0 =	vld [tilespmem:s10+$0x7D00];
	_ =	sdelay $0x4  }
0xe6: {  	v0 =	vshll.u32 v0, $0x1  }
0xe7: {  	v1 =	vor.u32 $0x1, v0  }
0xe8: {  	v2 =	vld [tilespmem:s10+$0x7D10]  }
0xe9: {  	v3 =	vld [tilespmem:s10+$0x1900]  }
0xea: {  	v4 =	vld [tilespmem:s10+$0x4B00]  }
0xeb: {  	v0 =	vld.idx.msk [tilespmem:v0+s24+$0x0], $0xffff  }
0xec: {  	v1 =	vld.idx.msk [tilespmem:v1+s24+$0x0], $0xffff;
	_ =	sdelay $0x2  }
0xed: {  	v2 =	vshll.u32 v2, $0x1  }
0xee: {  	v6 =	vor.u32 $0x1, v2;
	v0 =	vmul.f32 v3, v0  }
0xef: {  	v5 =	vld [tilespmem:s10+$0x7D20];
	v1 =	vmul.f32 v4, v1  }
0xf0: {  	v4 =	vld [tilespmem:s10+$0x4B10];
	[tilespmem:s10+$0xB000] =	vst v0  }
0xf1: {  	v0 =	vld [tilespmem:s10+$0x1910];
	[tilespmem:s10+$0xE200] =	vst v1  }
0xf2: {  	v1 =	vld.idx.msk [tilespmem:v2+s24+$0x0], $0xffff  }
0xf3: {  	v2 =	vld.idx.msk [tilespmem:v6+s24+$0x0], $0xffff;
	_ =	sdelay $0x2  }
0xf4: {  	v5 =	vshll.u32 v5, $0x1  }
0xf5: {  	v0 =	vmul.f32 v0, v1  }
0xf6: {  	v1 =	vmul.f32 v4, v2;
	v2 =	vor.u32 $0x1, v5  }
0xf7: {  	v3 =	vld [tilespmem:s10+$0x7D30];
	[tilespmem:s10+$0xB010] =	vst v0  }
0xf8: {  	[tilespmem:s10+$0xE210] =	vst v1;
	v0 =	vld [tilespmem:s10+$0x1920]  }
0xf9: {  	v1 =	vld.idx.msk [tilespmem:v5+s24+$0x0], $0xffff  }
0xfa: {  	v4 =	vld [tilespmem:s10+$0x4B20]  }
0xfb: {  	v2 =	vld.idx.msk [tilespmem:v2+s24+$0x0], $0xffff;
	_ =	sdelay $0x1  }
0xfc: {  	v5 =	vshll.u32 v3, $0x1  }
0xfd: {  	v0 =	vmul.f32 v0, v1;
	v1 =	vor.u32 $0x1, v5;
	_ =	sdelay $0x1  }
0xfe: {  	v3 =	vld [tilespmem:s10+$0x4B30];
	[tilespmem:s10+$0xB020] =	vst v0;
	v0 =	vmul.f32 v4, v2  }
0xff: {  	s12 =	simm.s32 $0x40;
	v4 =	vld [tilespmem:s10+$0x1930]  }
0x100: {  	v7 =	vld [tilespmem:s12+$0x7D00];
	[tilespmem:s10+$0xE220] =	vst v0  }
0x101: {  	v6 =	vld.idx.msk [tilespmem:v1+s24+$0x0], $0xffff  }
0x102: {  	v5 =	vld.idx.msk [tilespmem:v5+s24+$0x0], $0xffff  }
0x103: {  	v2 =	vld [tilespmem:s12+$0x7D10]  }
0x104: {  	v1 =	vld [tilespmem:s12+$0x7D20]  }
0x105: {  	s11 =	simm.s32 $0x200;
	v0 =	vld [tilespmem:s12+$0x7D30]  }
.LBB2_4:
0x106: {  	p0 =	sne.s32 s11, $0x6300;
	v7 =	vshll.u32 v7, $0x1;
	s13 =	smov.u32 s11;
	s11 =	sadd.s32 $0x100, s11  }
0x107: {  	v3 =	vmul.f32 v3, v6;
	v8 =	vor.u32 $0x1, v7  }
0x108: {  	v4 =	vmul.f32 v4, v5  }
0x109: {  	[tilespmem:s10+$0xE230] =	vst v3  }
0x10a: {  	v3 =	vld [tilespmem:s12+$0x1900];
	[tilespmem:s10+$0xB030] =	vst v4;
	s10 =	smov.u32 s12  }
0x10b: {  	v4 =	vld.idx.msk [tilespmem:v7+s24+$0x0], $0xffff  }
0x10c: {  	v5 =	vld.idx.msk [tilespmem:v8+s24+$0x0], $0xffff  }
0x10d: {  	v6 =	vld [tilespmem:s10+$0x4B00];
	_ =	sdelay $0x2  }
0x10e: {  	v2 =	vshll.u32 v2, $0x1  }
0x10f: {  	v3 =	vmul.f32 v3, v4;
	v4 =	vor.u32 $0x1, v2  }
0x110: {  	v5 =	vmul.f32 v6, v5  }
0x111: {  	[tilespmem:s10+$0xB000] =	vst v3  }
0x112: {  	[tilespmem:s10+$0xE200] =	vst v5;
	v3 =	vld [tilespmem:s10+$0x1910]  }
0x113: {  	v2 =	vld.idx.msk [tilespmem:v2+s24+$0x0], $0xffff  }
0x114: {  	v4 =	vld.idx.msk [tilespmem:v4+s24+$0x0], $0xffff  }
0x115: {  	v5 =	vld [tilespmem:s10+$0x4B10];
	_ =	sdelay $0x2  }
0x116: {  	v1 =	vshll.u32 v1, $0x1  }
0x117: {  	v2 =	vmul.f32 v3, v2;
	v3 =	vor.u32 $0x1, v1  }
0x118: {  	v4 =	vmul.f32 v5, v4  }
0x119: {  	[tilespmem:s10+$0xB010] =	vst v2  }
0x11a: {  	[tilespmem:s10+$0xE210] =	vst v4;
	v2 =	vld [tilespmem:s10+$0x1920]  }
0x11b: {  	v1 =	vld.idx.msk [tilespmem:v1+s24+$0x0], $0xffff  }
0x11c: {  	v3 =	vld.idx.msk [tilespmem:v3+s24+$0x0], $0xffff  }
0x11d: {  	v4 =	vld [tilespmem:s10+$0x4B20];
	_ =	sdelay $0x1  }
0x11e: {  	v0 =	vshll.u32 v0, $0x1  }
0x11f: {  	v5 =	vor.u32 $0x1, v0  }
0x120: {  	v1 =	vmul.f32 v2, v1  }
0x121: {  	v2 =	vmul.f32 v4, v3;
	v3 =	vld [tilespmem:s10+$0x4B30]  }
0x122: {  	s12 =	sshra.s32 s13, $0x2;
	[tilespmem:s10+$0xB020] =	vst v1;
	v4 =	vld [tilespmem:s10+$0x1930]  }
0x123: {  	v7 =	vld [tilespmem:s12+$0x7D00];
	[tilespmem:s10+$0xE220] =	vst v2  }
.Ltmp1:
0x124: {  	v6 =	vld.idx.msk [tilespmem:v5+s24+$0x0], $0xffff;
	(pc) =	sbr.rel @p0 .LBB2_4-.Ltmp1, $4  }
0x125: {  	v5 =	vld.idx.msk [tilespmem:v0+s24+$0x0], $0xffff  }
0x126: {  	v2 =	vld [tilespmem:s12+$0x7D10]  }
0x127: {  	v1 =	vld [tilespmem:s12+$0x7D20]  }
0x128: {  	v0 =	vld [tilespmem:s12+$0x7D30]  }
0x129: {  	v7 =	vshll.u32 v7, $0x1  }
0x12a: {  	v3 =	vmul.f32 v3, v6;
	v6 =	vor.u32 $0x1, v7  }
0x12b: {  	v4 =	vmul.f32 v4, v5  }
0x12c: {  	[tilespmem:s10+$0xE230] =	vst v3  }
0x12d: {  	v3 =	vld [tilespmem:s12+$0x1900];
	[tilespmem:s10+$0xB030] =	vst v4  }
0x12e: {  	v4 =	vld.idx.msk [tilespmem:v7+s24+$0x0], $0xffff  }
0x12f: {  	v5 =	vld.idx.msk [tilespmem:v6+s24+$0x0], $0xffff  }
0x130: {  	v6 =	vld [tilespmem:s12+$0x4B00];
	_ =	sdelay $0x2  }
0x131: {  	v2 =	vshll.u32 v2, $0x1  }
0x132: {  	v3 =	vmul.f32 v3, v4;
	v4 =	vor.u32 $0x1, v2  }
0x133: {  	v5 =	vmul.f32 v6, v5  }
0x134: {  	[tilespmem:s12+$0xB000] =	vst v3;
	v3 =	vld [tilespmem:s12+$0x1910]  }
0x135: {  	[tilespmem:s12+$0xE200] =	vst v5;
	v5 =	vld [tilespmem:s12+$0x4B10]  }
0x136: {  	v2 =	vld.idx.msk [tilespmem:v2+s24+$0x0], $0xffff  }
0x137: {  	v4 =	vld.idx.msk [tilespmem:v4+s24+$0x0], $0xffff;
	_ =	sdelay $0x2  }
0x138: {  	v1 =	vshll.u32 v1, $0x1  }
0x139: {  	v2 =	vmul.f32 v3, v2;
	v3 =	vor.u32 $0x1, v1  }
0x13a: {  	v4 =	vmul.f32 v5, v4  }
0x13b: {  	[tilespmem:s12+$0xB010] =	vst v2;
	v2 =	vld [tilespmem:s12+$0x1920]  }
0x13c: {  	[tilespmem:s12+$0xE210] =	vst v4;
	v4 =	vld [tilespmem:s12+$0x4B20]  }
0x13d: {  	v1 =	vld.idx.msk [tilespmem:v1+s24+$0x0], $0xffff  }
0x13e: {  	v3 =	vld.idx.msk [tilespmem:v3+s24+$0x0], $0xffff;
	_ =	sdelay $0x1  }
0x13f: {  	v0 =	vshll.u32 v0, $0x1  }
0x140: {  	v5 =	vor.u32 $0x1, v0  }
0x141: {  	v1 =	vmul.f32 v2, v1  }
0x142: {  	v3 =	vmul.f32 v4, v3  }
0x143: {  	v2 =	vld [tilespmem:s12+$0x4B30];
	[tilespmem:s12+$0xB020] =	vst v1  }
0x144: {  	v1 =	vld [tilespmem:s12+$0x1930];
	[tilespmem:s12+$0xE220] =	vst v3  }
0x145: {  	v3 =	vld.idx.msk [tilespmem:v5+s24+$0x0], $0xffff  }
0x146: {  	v0 =	vld.idx.msk [tilespmem:v0+s24+$0x0], $0xffff;
	_ =	sdelay $0x3  }
0x147: {  	v2 =	vmul.f32 v2, v3  }
0x148: {  	v0 =	vmul.f32 v1, v0  }
0x149: {  	[tilespmem:s12+$0xE230] =	vst v2  }
0x14a: {  	s11 =	rddreg [dreg:$0xa];
	s10 =	simm.s32 $0x0;
	[tilespmem:s12+$0xB030] =	vst v0  }
0x14b: {  	[hbm4b:s11+s10] =	stream.linear.scatter [tilespmem:s5], [sflag:$0x4], $0x1900, $0x38;
	[tilespmem:$0xFB00] =	vst v63  }
0x14c: {  	s12 =	rddreg [dreg:$0xb]  }
0x14d: {  	[hbm4b:s12+s10] =	stream.linear.scatter [tilespmem:s6], [sflag:$0x4], $0x1900, $0x38;
	[tilespmem:$0xFB00] =	vst v63  }
0x14e: {  	s13 =	rddreg [dreg:$0xc]  }
0x14f: {  	[tilespmem:s29], [sflag:$0x2] =	stream.linear.gather [hbm4b:s13+s10], $0x1900, $0x38;
	[tilespmem:$0xFB00] =	vst v63  }
0x150: {  	s12 =	rddreg [dreg:$0xd]  }
0x151: {  	[tilespmem:s30], [sflag:$0x2] =	stream.linear.gather [hbm4b:s12+s10], $0x1900, $0x38;
	[tilespmem:$0xFB00] =	vst v63  }
0x152: {  	s13 =	rddreg [dreg:$0xe]  }
0x153: {  	[tilespmem:s31], [sflag:$0x2] =	stream.linear.gather [hbm4b:s13+s10], $0x1900, $0x38;
	[tilespmem:$0xFB00] =	vst v63  }
0x154: {  	_ =	swait.ge [sflag:s0], $0x1900  }
0x155: {  	[sflag:s0] =	ssyncset.done $0x0  }
0x156: {  	[sflag:s0] =	ssyncadd.s32 $0xFFFFE700  }
0x157: {  	_ =	swait.ge [sflag:s0], $0x1900  }
0x158: {  	[sflag:s0] =	ssyncset.done $0x0  }
0x159: {  	[sflag:s0] =	ssyncadd.s32 $0xFFFFE700  }
0x15a: {  	_ =	swait.ge [sflag:s0], $0x1900  }
0x15b: {  	[sflag:s0] =	ssyncset.done $0x0  }
0x15c: {  	[sflag:s0] =	ssyncadd.s32 $0xFFFFE700  }
0x15d: {  	_ =	swait.ge [sflag:s7], $0x1900  }
0x15e: {  	[sflag:s7] =	ssyncset.done $0x0  }
0x15f: {  	[sflag:s7] =	ssyncadd.s32 $0xFFFFE700  }
0x160: {  	_ =	swait.ge [sflag:s7], $0x1900  }
0x161: {  	[sflag:s7] =	ssyncset.done $0x0  }
0x162: {  	s10 =	simm.s32 $0x0;
	[sflag:s7] =	ssyncadd.s32 $0xFFFFE700  }
0x163: {  	v0 =	vld [tilespmem:s10+$0x6400];
	_ =	sdelay $0x4  }
0x164: {  	v0 =	vshll.u32 v0, $0x1  }
0x165: {  	v1 =	vor.u32 $0x1, v0  }
0x166: {  	v2 =	vld [tilespmem:s10+$0x6410]  }
0x167: {  	v3 =	vld [tilespmem:s10+$0x0]  }
0x168: {  	v4 =	vld [tilespmem:s10+$0x3200]  }
0x169: {  	v0 =	vld.idx.msk [tilespmem:v0+s24+$0x0], $0xffff  }
0x16a: {  	v1 =	vld.idx.msk [tilespmem:v1+s24+$0x0], $0xffff;
	_ =	sdelay $0x2  }
0x16b: {  	v2 =	vshll.u32 v2, $0x1  }
0x16c: {  	v6 =	vor.u32 $0x1, v2;
	v0 =	vmul.f32 v3, v0  }
0x16d: {  	v5 =	vld [tilespmem:s10+$0x6420];
	v1 =	vmul.f32 v4, v1  }
0x16e: {  	v4 =	vld [tilespmem:s10+$0x3210];
	[tilespmem:s10+$0x9700] =	vst v0  }
0x16f: {  	v0 =	vld [tilespmem:s10+$0x10];
	[tilespmem:s10+$0xC900] =	vst v1  }
0x170: {  	v1 =	vld.idx.msk [tilespmem:v2+s24+$0x0], $0xffff  }
0x171: {  	v2 =	vld.idx.msk [tilespmem:v6+s24+$0x0], $0xffff;
	_ =	sdelay $0x2  }
0x172: {  	v5 =	vshll.u32 v5, $0x1  }
0x173: {  	v0 =	vmul.f32 v0, v1  }
0x174: {  	v1 =	vmul.f32 v4, v2;
	v2 =	vor.u32 $0x1, v5  }
0x175: {  	v3 =	vld [tilespmem:s10+$0x6430];
	[tilespmem:s10+$0x9710] =	vst v0  }
0x176: {  	[tilespmem:s10+$0xC910] =	vst v1;
	v0 =	vld [tilespmem:s10+$0x20]  }
0x177: {  	v1 =	vld.idx.msk [tilespmem:v5+s24+$0x0], $0xffff  }
0x178: {  	v4 =	vld [tilespmem:s10+$0x3220]  }
0x179: {  	v2 =	vld.idx.msk [tilespmem:v2+s24+$0x0], $0xffff;
	_ =	sdelay $0x1  }
0x17a: {  	v5 =	vshll.u32 v3, $0x1  }
0x17b: {  	v0 =	vmul.f32 v0, v1;
	v1 =	vor.u32 $0x1, v5;
	_ =	sdelay $0x1  }
0x17c: {  	v3 =	vld [tilespmem:s10+$0x3230];
	[tilespmem:s10+$0x9720] =	vst v0;
	v0 =	vmul.f32 v4, v2  }
0x17d: {  	s12 =	simm.s32 $0x40;
	v4 =	vld [tilespmem:s10+$0x30]  }
0x17e: {  	v7 =	vld [tilespmem:s12+$0x6400];
	[tilespmem:s10+$0xC920] =	vst v0  }
0x17f: {  	v6 =	vld.idx.msk [tilespmem:v1+s24+$0x0], $0xffff  }
0x180: {  	v5 =	vld.idx.msk [tilespmem:v5+s24+$0x0], $0xffff  }
0x181: {  	v2 =	vld [tilespmem:s12+$0x6410]  }
0x182: {  	v1 =	vld [tilespmem:s12+$0x6420]  }
0x183: {  	s11 =	simm.s32 $0x200;
	v0 =	vld [tilespmem:s12+$0x6430]  }
.LBB2_6:
0x184: {  	p0 =	sne.s32 s11, $0x6300;
	v7 =	vshll.u32 v7, $0x1;
	s13 =	smov.u32 s11;
	s11 =	sadd.s32 $0x100, s11  }
0x185: {  	v3 =	vmul.f32 v3, v6;
	v8 =	vor.u32 $0x1, v7  }
0x186: {  	v4 =	vmul.f32 v4, v5  }
0x187: {  	[tilespmem:s10+$0xC930] =	vst v3  }
0x188: {  	v3 =	vld [tilespmem:s12+$0x0];
	[tilespmem:s10+$0x9730] =	vst v4;
	s10 =	smov.u32 s12  }
0x189: {  	v4 =	vld.idx.msk [tilespmem:v7+s24+$0x0], $0xffff  }
0x18a: {  	v5 =	vld.idx.msk [tilespmem:v8+s24+$0x0], $0xffff  }
0x18b: {  	v6 =	vld [tilespmem:s10+$0x3200];
	_ =	sdelay $0x2  }
0x18c: {  	v2 =	vshll.u32 v2, $0x1  }
0x18d: {  	v3 =	vmul.f32 v3, v4;
	v4 =	vor.u32 $0x1, v2  }
0x18e: {  	v5 =	vmul.f32 v6, v5  }
0x18f: {  	[tilespmem:s10+$0x9700] =	vst v3  }
0x190: {  	[tilespmem:s10+$0xC900] =	vst v5;
	v3 =	vld [tilespmem:s10+$0x10]  }
0x191: {  	v2 =	vld.idx.msk [tilespmem:v2+s24+$0x0], $0xffff  }
0x192: {  	v4 =	vld.idx.msk [tilespmem:v4+s24+$0x0], $0xffff  }
0x193: {  	v5 =	vld [tilespmem:s10+$0x3210];
	_ =	sdelay $0x2  }
0x194: {  	v1 =	vshll.u32 v1, $0x1  }
0x195: {  	v2 =	vmul.f32 v3, v2;
	v3 =	vor.u32 $0x1, v1  }
0x196: {  	v4 =	vmul.f32 v5, v4  }
0x197: {  	[tilespmem:s10+$0x9710] =	vst v2  }
0x198: {  	[tilespmem:s10+$0xC910] =	vst v4;
	v2 =	vld [tilespmem:s10+$0x20]  }
0x199: {  	v1 =	vld.idx.msk [tilespmem:v1+s24+$0x0], $0xffff  }
0x19a: {  	v3 =	vld.idx.msk [tilespmem:v3+s24+$0x0], $0xffff  }
0x19b: {  	v4 =	vld [tilespmem:s10+$0x3220];
	_ =	sdelay $0x1  }
0x19c: {  	v0 =	vshll.u32 v0, $0x1  }
0x19d: {  	v5 =	vor.u32 $0x1, v0  }
0x19e: {  	v1 =	vmul.f32 v2, v1  }
0x19f: {  	v2 =	vmul.f32 v4, v3;
	v3 =	vld [tilespmem:s10+$0x3230]  }
0x1a0: {  	s12 =	sshra.s32 s13, $0x2;
	[tilespmem:s10+$0x9720] =	vst v1;
	v4 =	vld [tilespmem:s10+$0x30]  }
0x1a1: {  	v7 =	vld [tilespmem:s12+$0x6400];
	[tilespmem:s10+$0xC920] =	vst v2  }
.Ltmp2:
0x1a2: {  	v6 =	vld.idx.msk [tilespmem:v5+s24+$0x0], $0xffff;
	(pc) =	sbr.rel @p0 .LBB2_6-.Ltmp2, $4  }
0x1a3: {  	v5 =	vld.idx.msk [tilespmem:v0+s24+$0x0], $0xffff  }
0x1a4: {  	v2 =	vld [tilespmem:s12+$0x6410]  }
0x1a5: {  	v1 =	vld [tilespmem:s12+$0x6420]  }
0x1a6: {  	v0 =	vld [tilespmem:s12+$0x6430]  }
0x1a7: {  	v7 =	vshll.u32 v7, $0x1  }
0x1a8: {  	v3 =	vmul.f32 v3, v6;
	v6 =	vor.u32 $0x1, v7  }
0x1a9: {  	v4 =	vmul.f32 v4, v5  }
0x1aa: {  	[tilespmem:s10+$0xC930] =	vst v3  }
0x1ab: {  	v3 =	vld [tilespmem:s12+$0x0];
	[tilespmem:s10+$0x9730] =	vst v4  }
0x1ac: {  	v4 =	vld.idx.msk [tilespmem:v7+s24+$0x0], $0xffff  }
0x1ad: {  	v5 =	vld.idx.msk [tilespmem:v6+s24+$0x0], $0xffff  }
0x1ae: {  	v6 =	vld [tilespmem:s12+$0x3200];
	_ =	sdelay $0x2  }
0x1af: {  	v2 =	vshll.u32 v2, $0x1  }
0x1b0: {  	v3 =	vmul.f32 v3, v4;
	v4 =	vor.u32 $0x1, v2  }
0x1b1: {  	v5 =	vmul.f32 v6, v5  }
0x1b2: {  	[tilespmem:s12+$0x9700] =	vst v3;
	v3 =	vld [tilespmem:s12+$0x10]  }
0x1b3: {  	[tilespmem:s12+$0xC900] =	vst v5;
	v5 =	vld [tilespmem:s12+$0x3210]  }
0x1b4: {  	v2 =	vld.idx.msk [tilespmem:v2+s24+$0x0], $0xffff  }
0x1b5: {  	v4 =	vld.idx.msk [tilespmem:v4+s24+$0x0], $0xffff;
	_ =	sdelay $0x2  }
0x1b6: {  	v1 =	vshll.u32 v1, $0x1  }
0x1b7: {  	v2 =	vmul.f32 v3, v2;
	v3 =	vor.u32 $0x1, v1  }
0x1b8: {  	v4 =	vmul.f32 v5, v4  }
0x1b9: {  	[tilespmem:s12+$0x9710] =	vst v2;
	v2 =	vld [tilespmem:s12+$0x20]  }
0x1ba: {  	[tilespmem:s12+$0xC910] =	vst v4;
	v4 =	vld [tilespmem:s12+$0x3220]  }
0x1bb: {  	v1 =	vld.idx.msk [tilespmem:v1+s24+$0x0], $0xffff  }
0x1bc: {  	v3 =	vld.idx.msk [tilespmem:v3+s24+$0x0], $0xffff;
	_ =	sdelay $0x1  }
0x1bd: {  	v0 =	vshll.u32 v0, $0x1  }
0x1be: {  	v5 =	vor.u32 $0x1, v0  }
0x1bf: {  	v1 =	vmul.f32 v2, v1  }
0x1c0: {  	v3 =	vmul.f32 v4, v3  }
0x1c1: {  	v2 =	vld [tilespmem:s12+$0x3230];
	[tilespmem:s12+$0x9720] =	vst v1  }
0x1c2: {  	v1 =	vld [tilespmem:s12+$0x30];
	[tilespmem:s12+$0xC920] =	vst v3  }
0x1c3: {  	v3 =	vld.idx.msk [tilespmem:v5+s24+$0x0], $0xffff  }
0x1c4: {  	v0 =	vld.idx.msk [tilespmem:v0+s24+$0x0], $0xffff;
	_ =	sdelay $0x3  }
0x1c5: {  	v2 =	vmul.f32 v2, v3  }
0x1c6: {  	v0 =	vmul.f32 v1, v0  }
0x1c7: {  	[tilespmem:s12+$0xC930] =	vst v2  }
0x1c8: {  	s11 =	rddreg [dreg:$0xf];
	s10 =	simm.s32 $0x0;
	[tilespmem:s12+$0x9730] =	vst v0  }
0x1c9: {  	[hbm4b:s11+s10] =	stream.linear.scatter [tilespmem:s2], [sflag:$0x3], $0x1900, $0x38;
	[tilespmem:$0xFB00] =	vst v63  }
0x1ca: {  	s12 =	rddreg [dreg:$0x10]  }
0x1cb: {  	[hbm4b:s12+s10] =	stream.linear.scatter [tilespmem:s3], [sflag:$0x3], $0x1900, $0x38;
	[tilespmem:$0xFB00] =	vst v63  }
0x1cc: {  	s13 =	rddreg [dreg:$0x13]  }
0x1cd: {  	[tilespmem:s10], [sflag:$0x1] =	stream.linear.gather [hbm4b:s13+s10], $0x1900, $0x38;
	[tilespmem:$0xFB00] =	vst v63  }
0x1ce: {  	s12 =	rddreg [dreg:$0x14]  }
0x1cf: {  	[tilespmem:s26], [sflag:$0x1] =	stream.linear.gather [hbm4b:s12+s10], $0x1900, $0x38;
	[tilespmem:$0xFB00] =	vst v63  }
0x1d0: {  	s13 =	rddreg [dreg:$0x15]  }
0x1d1: {  	[tilespmem:s28], [sflag:$0x1] =	stream.linear.gather [hbm4b:s13+s10], $0x1900, $0x38;
	[tilespmem:$0xFB00] =	vst v63  }
0x1d2: {  	_ =	swait.ge [sflag:s4], $0x1900  }
0x1d3: {  	[sflag:s4] =	ssyncset.done $0x0  }
0x1d4: {  	[sflag:s4] =	ssyncadd.s32 $0xFFFFE700  }
0x1d5: {  	_ =	swait.ge [sflag:s4], $0x1900  }
0x1d6: {  	[sflag:s4] =	ssyncset.done $0x0  }
0x1d7: {  	[sflag:s4] =	ssyncadd.s32 $0xFFFFE700  }
0x1d8: {  	_ =	swait.ge [sflag:s4], $0x1900  }
0x1d9: {  	[sflag:s4] =	ssyncset.done $0x0  }
0x1da: {  	[sflag:s4] =	ssyncadd.s32 $0xFFFFE700  }
0x1db: {  	_ =	swait.ge [sflag:s8], $0x1900  }
0x1dc: {  	[sflag:s8] =	ssyncset.done $0x0  }
0x1dd: {  	[sflag:s8] =	ssyncadd.s32 $0xFFFFE700  }
0x1de: {  	_ =	swait.ge [sflag:s8], $0x1900  }
0x1df: {  	[sflag:s8] =	ssyncset.done $0x0  }
0x1e0: {  	s10 =	simm.s32 $0x0;
	[sflag:s8] =	ssyncadd.s32 $0xFFFFE700  }
0x1e1: {  	v0 =	vld [tilespmem:s10+$0x7D00];
	_ =	sdelay $0x4  }
0x1e2: {  	v0 =	vshll.u32 v0, $0x1  }
0x1e3: {  	v1 =	vor.u32 $0x1, v0  }
0x1e4: {  	v2 =	vld [tilespmem:s10+$0x7D10]  }
0x1e5: {  	v3 =	vld [tilespmem:s10+$0x1900]  }
0x1e6: {  	v4 =	vld [tilespmem:s10+$0x4B00]  }
0x1e7: {  	v0 =	vld.idx.msk [tilespmem:v0+s24+$0x0], $0xffff  }
0x1e8: {  	v1 =	vld.idx.msk [tilespmem:v1+s24+$0x0], $0xffff;
	_ =	sdelay $0x2  }
0x1e9: {  	v2 =	vshll.u32 v2, $0x1  }
0x1ea: {  	v6 =	vor.u32 $0x1, v2;
	v0 =	vmul.f32 v3, v0  }
0x1eb: {  	v5 =	vld [tilespmem:s10+$0x7D20];
	v1 =	vmul.f32 v4, v1  }
0x1ec: {  	v4 =	vld [tilespmem:s10+$0x4B10];
	[tilespmem:s10+$0xB000] =	vst v0  }
0x1ed: {  	v0 =	vld [tilespmem:s10+$0x1910];
	[tilespmem:s10+$0xE200] =	vst v1  }
0x1ee: {  	v1 =	vld.idx.msk [tilespmem:v2+s24+$0x0], $0xffff  }
0x1ef: {  	v2 =	vld.idx.msk [tilespmem:v6+s24+$0x0], $0xffff;
	_ =	sdelay $0x2  }
0x1f0: {  	v5 =	vshll.u32 v5, $0x1  }
0x1f1: {  	v0 =	vmul.f32 v0, v1  }
0x1f2: {  	v1 =	vmul.f32 v4, v2;
	v2 =	vor.u32 $0x1, v5  }
0x1f3: {  	v3 =	vld [tilespmem:s10+$0x7D30];
	[tilespmem:s10+$0xB010] =	vst v0  }
0x1f4: {  	[tilespmem:s10+$0xE210] =	vst v1;
	v0 =	vld [tilespmem:s10+$0x1920]  }
0x1f5: {  	v1 =	vld.idx.msk [tilespmem:v5+s24+$0x0], $0xffff  }
0x1f6: {  	v4 =	vld [tilespmem:s10+$0x4B20]  }
0x1f7: {  	v2 =	vld.idx.msk [tilespmem:v2+s24+$0x0], $0xffff;
	_ =	sdelay $0x1  }
0x1f8: {  	v5 =	vshll.u32 v3, $0x1  }
0x1f9: {  	v0 =	vmul.f32 v0, v1;
	v1 =	vor.u32 $0x1, v5;
	_ =	sdelay $0x1  }
0x1fa: {  	v3 =	vld [tilespmem:s10+$0x4B30];
	[tilespmem:s10+$0xB020] =	vst v0;
	v0 =	vmul.f32 v4, v2  }
0x1fb: {  	s12 =	simm.s32 $0x40;
	v4 =	vld [tilespmem:s10+$0x1930]  }
0x1fc: {  	v7 =	vld [tilespmem:s12+$0x7D00];
	[tilespmem:s10+$0xE220] =	vst v0  }
0x1fd: {  	v6 =	vld.idx.msk [tilespmem:v1+s24+$0x0], $0xffff  }
0x1fe: {  	v5 =	vld.idx.msk [tilespmem:v5+s24+$0x0], $0xffff  }
0x1ff: {  	v2 =	vld [tilespmem:s12+$0x7D10]  }
0x200: {  	v1 =	vld [tilespmem:s12+$0x7D20]  }
0x201: {  	s11 =	simm.s32 $0x200;
	v0 =	vld [tilespmem:s12+$0x7D30]  }
.LBB2_8:
0x202: {  	p0 =	sne.s32 s11, $0x6300;
	v7 =	vshll.u32 v7, $0x1;
	s13 =	smov.u32 s11;
	s11 =	sadd.s32 $0x100, s11  }
0x203: {  	v3 =	vmul.f32 v3, v6;
	v8 =	vor.u32 $0x1, v7  }
0x204: {  	v4 =	vmul.f32 v4, v5  }
0x205: {  	[tilespmem:s10+$0xE230] =	vst v3  }
0x206: {  	v3 =	vld [tilespmem:s12+$0x1900];
	[tilespmem:s10+$0xB030] =	vst v4;
	s10 =	smov.u32 s12  }
0x207: {  	v4 =	vld.idx.msk [tilespmem:v7+s24+$0x0], $0xffff  }
0x208: {  	v5 =	vld.idx.msk [tilespmem:v8+s24+$0x0], $0xffff  }
0x209: {  	v6 =	vld [tilespmem:s10+$0x4B00];
	_ =	sdelay $0x2  }
0x20a: {  	v2 =	vshll.u32 v2, $0x1  }
0x20b: {  	v3 =	vmul.f32 v3, v4;
	v4 =	vor.u32 $0x1, v2  }
0x20c: {  	v5 =	vmul.f32 v6, v5  }
0x20d: {  	[tilespmem:s10+$0xB000] =	vst v3  }
0x20e: {  	[tilespmem:s10+$0xE200] =	vst v5;
	v3 =	vld [tilespmem:s10+$0x1910]  }
0x20f: {  	v2 =	vld.idx.msk [tilespmem:v2+s24+$0x0], $0xffff  }
0x210: {  	v4 =	vld.idx.msk [tilespmem:v4+s24+$0x0], $0xffff  }
0x211: {  	v5 =	vld [tilespmem:s10+$0x4B10];
	_ =	sdelay $0x2  }
0x212: {  	v1 =	vshll.u32 v1, $0x1  }
0x213: {  	v2 =	vmul.f32 v3, v2;
	v3 =	vor.u32 $0x1, v1  }
0x214: {  	v4 =	vmul.f32 v5, v4  }
0x215: {  	[tilespmem:s10+$0xB010] =	vst v2  }
0x216: {  	[tilespmem:s10+$0xE210] =	vst v4;
	v2 =	vld [tilespmem:s10+$0x1920]  }
0x217: {  	v1 =	vld.idx.msk [tilespmem:v1+s24+$0x0], $0xffff  }
0x218: {  	v3 =	vld.idx.msk [tilespmem:v3+s24+$0x0], $0xffff  }
0x219: {  	v4 =	vld [tilespmem:s10+$0x4B20];
	_ =	sdelay $0x1  }
0x21a: {  	v0 =	vshll.u32 v0, $0x1  }
0x21b: {  	v5 =	vor.u32 $0x1, v0  }
0x21c: {  	v1 =	vmul.f32 v2, v1  }
0x21d: {  	v2 =	vmul.f32 v4, v3;
	v3 =	vld [tilespmem:s10+$0x4B30]  }
0x21e: {  	s12 =	sshra.s32 s13, $0x2;
	[tilespmem:s10+$0xB020] =	vst v1;
	v4 =	vld [tilespmem:s10+$0x1930]  }
0x21f: {  	v7 =	vld [tilespmem:s12+$0x7D00];
	[tilespmem:s10+$0xE220] =	vst v2  }
.Ltmp3:
0x220: {  	v6 =	vld.idx.msk [tilespmem:v5+s24+$0x0], $0xffff;
	(pc) =	sbr.rel @p0 .LBB2_8-.Ltmp3, $4  }
0x221: {  	v5 =	vld.idx.msk [tilespmem:v0+s24+$0x0], $0xffff  }
0x222: {  	v2 =	vld [tilespmem:s12+$0x7D10]  }
0x223: {  	v1 =	vld [tilespmem:s12+$0x7D20]  }
0x224: {  	v0 =	vld [tilespmem:s12+$0x7D30]  }
0x225: {  	v7 =	vshll.u32 v7, $0x1  }
0x226: {  	v3 =	vmul.f32 v3, v6;
	v6 =	vor.u32 $0x1, v7  }
0x227: {  	v4 =	vmul.f32 v4, v5  }
0x228: {  	[tilespmem:s10+$0xE230] =	vst v3  }
0x229: {  	v3 =	vld [tilespmem:s12+$0x1900];
	[tilespmem:s10+$0xB030] =	vst v4  }
0x22a: {  	v4 =	vld.idx.msk [tilespmem:v7+s24+$0x0], $0xffff  }
0x22b: {  	v5 =	vld.idx.msk [tilespmem:v6+s24+$0x0], $0xffff  }
0x22c: {  	v6 =	vld [tilespmem:s12+$0x4B00];
	_ =	sdelay $0x2  }
0x22d: {  	v2 =	vshll.u32 v2, $0x1  }
0x22e: {  	v3 =	vmul.f32 v3, v4;
	v4 =	vor.u32 $0x1, v2  }
0x22f: {  	v5 =	vmul.f32 v6, v5  }
0x230: {  	[tilespmem:s12+$0xB000] =	vst v3;
	v3 =	vld [tilespmem:s12+$0x1910]  }
0x231: {  	[tilespmem:s12+$0xE200] =	vst v5;
	v5 =	vld [tilespmem:s12+$0x4B10]  }
0x232: {  	v2 =	vld.idx.msk [tilespmem:v2+s24+$0x0], $0xffff  }
0x233: {  	v4 =	vld.idx.msk [tilespmem:v4+s24+$0x0], $0xffff;
	_ =	sdelay $0x2  }
0x234: {  	v1 =	vshll.u32 v1, $0x1  }
0x235: {  	v2 =	vmul.f32 v3, v2;
	v3 =	vor.u32 $0x1, v1  }
0x236: {  	v4 =	vmul.f32 v5, v4  }
0x237: {  	[tilespmem:s12+$0xB010] =	vst v2;
	v2 =	vld [tilespmem:s12+$0x1920]  }
0x238: {  	[tilespmem:s12+$0xE210] =	vst v4;
	v4 =	vld [tilespmem:s12+$0x4B20]  }
0x239: {  	v1 =	vld.idx.msk [tilespmem:v1+s24+$0x0], $0xffff  }
0x23a: {  	v3 =	vld.idx.msk [tilespmem:v3+s24+$0x0], $0xffff;
	_ =	sdelay $0x1  }
0x23b: {  	v0 =	vshll.u32 v0, $0x1  }
0x23c: {  	v5 =	vor.u32 $0x1, v0  }
0x23d: {  	v1 =	vmul.f32 v2, v1  }
0x23e: {  	v3 =	vmul.f32 v4, v3  }
0x23f: {  	v2 =	vld [tilespmem:s12+$0x4B30];
	[tilespmem:s12+$0xB020] =	vst v1  }
0x240: {  	v1 =	vld [tilespmem:s12+$0x1930];
	[tilespmem:s12+$0xE220] =	vst v3  }
0x241: {  	v3 =	vld.idx.msk [tilespmem:v5+s24+$0x0], $0xffff  }
0x242: {  	v0 =	vld.idx.msk [tilespmem:v0+s24+$0x0], $0xffff;
	_ =	sdelay $0x3  }
0x243: {  	v2 =	vmul.f32 v2, v3  }
0x244: {  	v0 =	vmul.f32 v1, v0  }
0x245: {  	[tilespmem:s12+$0xE230] =	vst v2  }
0x246: {  	s11 =	rddreg [dreg:$0x11];
	s10 =	simm.s32 $0x0;
	[tilespmem:s12+$0xB030] =	vst v0  }
0x247: {  	[hbm4b:s11+s10] =	stream.linear.scatter [tilespmem:s5], [sflag:$0x4], $0x1900, $0x38;
	[tilespmem:$0xFB00] =	vst v63  }
0x248: {  	s12 =	rddreg [dreg:$0x12]  }
0x249: {  	[hbm4b:s12+s10] =	stream.linear.scatter [tilespmem:s6], [sflag:$0x4], $0x1900, $0x38;
	[tilespmem:$0xFB00] =	vst v63  }
0x24a: {  	s13 =	rddreg [dreg:$0x18]  }
0x24b: {  	[tilespmem:s29], [sflag:$0x2] =	stream.linear.gather [hbm4b:s13+s10], $0x1900, $0x38;
	[tilespmem:$0xFB00] =	vst v63  }
0x24c: {  	s12 =	rddreg [dreg:$0x19]  }
0x24d: {  	[tilespmem:s30], [sflag:$0x2] =	stream.linear.gather [hbm4b:s12+s10], $0x1900, $0x38;
	[tilespmem:$0xFB00] =	vst v63  }
0x24e: {  	s13 =	rddreg [dreg:$0x1a]  }
0x24f: {  	[tilespmem:s31], [sflag:$0x2] =	stream.linear.gather [hbm4b:s13+s10], $0x1900, $0x38;
	[tilespmem:$0xFB00] =	vst v63  }
0x250: {  	_ =	swait.ge [sflag:s0], $0x1900  }
0x251: {  	[sflag:s0] =	ssyncset.done $0x0  }
0x252: {  	[sflag:s0] =	ssyncadd.s32 $0xFFFFE700  }
0x253: {  	_ =	swait.ge [sflag:s0], $0x1900  }
0x254: {  	[sflag:s0] =	ssyncset.done $0x0  }
0x255: {  	[sflag:s0] =	ssyncadd.s32 $0xFFFFE700  }
0x256: {  	_ =	swait.ge [sflag:s0], $0x1900  }
0x257: {  	[sflag:s0] =	ssyncset.done $0x0  }
0x258: {  	[sflag:s0] =	ssyncadd.s32 $0xFFFFE700  }
0x259: {  	_ =	swait.ge [sflag:s7], $0x1900  }
0x25a: {  	[sflag:s7] =	ssyncset.done $0x0  }
0x25b: {  	[sflag:s7] =	ssyncadd.s32 $0xFFFFE700  }
0x25c: {  	_ =	swait.ge [sflag:s7], $0x1900  }
0x25d: {  	[sflag:s7] =	ssyncset.done $0x0  }
0x25e: {  	s10 =	simm.s32 $0x0;
	[sflag:s7] =	ssyncadd.s32 $0xFFFFE700  }
0x25f: {  	v0 =	vld [tilespmem:s10+$0x6400];
	_ =	sdelay $0x4  }
0x260: {  	v0 =	vshll.u32 v0, $0x1  }
0x261: {  	v1 =	vor.u32 $0x1, v0  }
0x262: {  	v2 =	vld [tilespmem:s10+$0x6410]  }
0x263: {  	v3 =	vld [tilespmem:s10+$0x0]  }
0x264: {  	v4 =	vld [tilespmem:s10+$0x3200]  }
0x265: {  	v0 =	vld.idx.msk [tilespmem:v0+s24+$0x0], $0xffff  }
0x266: {  	v1 =	vld.idx.msk [tilespmem:v1+s24+$0x0], $0xffff;
	_ =	sdelay $0x2  }
0x267: {  	v2 =	vshll.u32 v2, $0x1  }
0x268: {  	v6 =	vor.u32 $0x1, v2;
	v0 =	vmul.f32 v3, v0  }
0x269: {  	v5 =	vld [tilespmem:s10+$0x6420];
	v1 =	vmul.f32 v4, v1  }
0x26a: {  	v4 =	vld [tilespmem:s10+$0x3210];
	[tilespmem:s10+$0x9700] =	vst v0  }
0x26b: {  	v0 =	vld [tilespmem:s10+$0x10];
	[tilespmem:s10+$0xC900] =	vst v1  }
0x26c: {  	v1 =	vld.idx.msk [tilespmem:v2+s24+$0x0], $0xffff  }
0x26d: {  	v2 =	vld.idx.msk [tilespmem:v6+s24+$0x0], $0xffff;
	_ =	sdelay $0x2  }
0x26e: {  	v5 =	vshll.u32 v5, $0x1  }
0x26f: {  	v0 =	vmul.f32 v0, v1  }
0x270: {  	v1 =	vmul.f32 v4, v2;
	v2 =	vor.u32 $0x1, v5  }
0x271: {  	v3 =	vld [tilespmem:s10+$0x6430];
	[tilespmem:s10+$0x9710] =	vst v0  }
0x272: {  	[tilespmem:s10+$0xC910] =	vst v1;
	v0 =	vld [tilespmem:s10+$0x20]  }
0x273: {  	v1 =	vld.idx.msk [tilespmem:v5+s24+$0x0], $0xffff  }
0x274: {  	v4 =	vld [tilespmem:s10+$0x3220]  }
0x275: {  	v2 =	vld.idx.msk [tilespmem:v2+s24+$0x0], $0xffff;
	_ =	sdelay $0x1  }
0x276: {  	v5 =	vshll.u32 v3, $0x1  }
0x277: {  	v0 =	vmul.f32 v0, v1;
	v1 =	vor.u32 $0x1, v5;
	_ =	sdelay $0x1  }
0x278: {  	v3 =	vld [tilespmem:s10+$0x3230];
	[tilespmem:s10+$0x9720] =	vst v0;
	v0 =	vmul.f32 v4, v2  }
0x279: {  	s12 =	simm.s32 $0x40;
	v4 =	vld [tilespmem:s10+$0x30]  }
0x27a: {  	v7 =	vld [tilespmem:s12+$0x6400];
	[tilespmem:s10+$0xC920] =	vst v0  }
0x27b: {  	v6 =	vld.idx.msk [tilespmem:v1+s24+$0x0], $0xffff  }
0x27c: {  	v5 =	vld.idx.msk [tilespmem:v5+s24+$0x0], $0xffff  }
0x27d: {  	v2 =	vld [tilespmem:s12+$0x6410]  }
0x27e: {  	v1 =	vld [tilespmem:s12+$0x6420]  }
0x27f: {  	s11 =	simm.s32 $0x200;
	v0 =	vld [tilespmem:s12+$0x6430]  }
.LBB2_10:
0x280: {  	p0 =	sne.s32 s11, $0x6300;
	v7 =	vshll.u32 v7, $0x1;
	s13 =	smov.u32 s11;
	s11 =	sadd.s32 $0x100, s11  }
0x281: {  	v3 =	vmul.f32 v3, v6;
	v8 =	vor.u32 $0x1, v7  }
0x282: {  	v4 =	vmul.f32 v4, v5  }
0x283: {  	[tilespmem:s10+$0xC930] =	vst v3  }
0x284: {  	v3 =	vld [tilespmem:s12+$0x0];
	[tilespmem:s10+$0x9730] =	vst v4;
	s10 =	smov.u32 s12  }
0x285: {  	v4 =	vld.idx.msk [tilespmem:v7+s24+$0x0], $0xffff  }
0x286: {  	v5 =	vld.idx.msk [tilespmem:v8+s24+$0x0], $0xffff  }
0x287: {  	v6 =	vld [tilespmem:s10+$0x3200];
	_ =	sdelay $0x2  }
0x288: {  	v2 =	vshll.u32 v2, $0x1  }
0x289: {  	v3 =	vmul.f32 v3, v4;
	v4 =	vor.u32 $0x1, v2  }
0x28a: {  	v5 =	vmul.f32 v6, v5  }
0x28b: {  	[tilespmem:s10+$0x9700] =	vst v3  }
0x28c: {  	[tilespmem:s10+$0xC900] =	vst v5;
	v3 =	vld [tilespmem:s10+$0x10]  }
0x28d: {  	v2 =	vld.idx.msk [tilespmem:v2+s24+$0x0], $0xffff  }
0x28e: {  	v4 =	vld.idx.msk [tilespmem:v4+s24+$0x0], $0xffff  }
0x28f: {  	v5 =	vld [tilespmem:s10+$0x3210];
	_ =	sdelay $0x2  }
0x290: {  	v1 =	vshll.u32 v1, $0x1  }
0x291: {  	v2 =	vmul.f32 v3, v2;
	v3 =	vor.u32 $0x1, v1  }
0x292: {  	v4 =	vmul.f32 v5, v4  }
0x293: {  	[tilespmem:s10+$0x9710] =	vst v2  }
0x294: {  	[tilespmem:s10+$0xC910] =	vst v4;
	v2 =	vld [tilespmem:s10+$0x20]  }
0x295: {  	v1 =	vld.idx.msk [tilespmem:v1+s24+$0x0], $0xffff  }
0x296: {  	v3 =	vld.idx.msk [tilespmem:v3+s24+$0x0], $0xffff  }
0x297: {  	v4 =	vld [tilespmem:s10+$0x3220];
	_ =	sdelay $0x1  }
0x298: {  	v0 =	vshll.u32 v0, $0x1  }
0x299: {  	v5 =	vor.u32 $0x1, v0  }
0x29a: {  	v1 =	vmul.f32 v2, v1  }
0x29b: {  	v2 =	vmul.f32 v4, v3;
	v3 =	vld [tilespmem:s10+$0x3230]  }
0x29c: {  	s12 =	sshra.s32 s13, $0x2;
	[tilespmem:s10+$0x9720] =	vst v1;
	v4 =	vld [tilespmem:s10+$0x30]  }
0x29d: {  	v7 =	vld [tilespmem:s12+$0x6400];
	[tilespmem:s10+$0xC920] =	vst v2  }
.Ltmp4:
0x29e: {  	v6 =	vld.idx.msk [tilespmem:v5+s24+$0x0], $0xffff;
	(pc) =	sbr.rel @p0 .LBB2_10-.Ltmp4, $4  }
0x29f: {  	v5 =	vld.idx.msk [tilespmem:v0+s24+$0x0], $0xffff  }
0x2a0: {  	v2 =	vld [tilespmem:s12+$0x6410]  }
0x2a1: {  	v1 =	vld [tilespmem:s12+$0x6420]  }
0x2a2: {  	v0 =	vld [tilespmem:s12+$0x6430]  }
0x2a3: {  	v7 =	vshll.u32 v7, $0x1  }
0x2a4: {  	v3 =	vmul.f32 v3, v6;
	v6 =	vor.u32 $0x1, v7  }
0x2a5: {  	v4 =	vmul.f32 v4, v5  }
0x2a6: {  	[tilespmem:s10+$0xC930] =	vst v3  }
0x2a7: {  	v3 =	vld [tilespmem:s12+$0x0];
	[tilespmem:s10+$0x9730] =	vst v4  }
0x2a8: {  	v4 =	vld.idx.msk [tilespmem:v7+s24+$0x0], $0xffff  }
0x2a9: {  	v5 =	vld.idx.msk [tilespmem:v6+s24+$0x0], $0xffff  }
0x2aa: {  	v6 =	vld [tilespmem:s12+$0x3200];
	_ =	sdelay $0x2  }
0x2ab: {  	v2 =	vshll.u32 v2, $0x1  }
0x2ac: {  	v3 =	vmul.f32 v3, v4;
	v4 =	vor.u32 $0x1, v2  }
0x2ad: {  	v5 =	vmul.f32 v6, v5  }
0x2ae: {  	[tilespmem:s12+$0x9700] =	vst v3;
	v3 =	vld [tilespmem:s12+$0x10]  }
0x2af: {  	[tilespmem:s12+$0xC900] =	vst v5;
	v5 =	vld [tilespmem:s12+$0x3210]  }
0x2b0: {  	v2 =	vld.idx.msk [tilespmem:v2+s24+$0x0], $0xffff  }
0x2b1: {  	v4 =	vld.idx.msk [tilespmem:v4+s24+$0x0], $0xffff;
	_ =	sdelay $0x2  }
0x2b2: {  	v1 =	vshll.u32 v1, $0x1  }
0x2b3: {  	v2 =	vmul.f32 v3, v2;
	v3 =	vor.u32 $0x1, v1  }
0x2b4: {  	v4 =	vmul.f32 v5, v4  }
0x2b5: {  	[tilespmem:s12+$0x9710] =	vst v2;
	v2 =	vld [tilespmem:s12+$0x20]  }
0x2b6: {  	[tilespmem:s12+$0xC910] =	vst v4;
	v4 =	vld [tilespmem:s12+$0x3220]  }
0x2b7: {  	v1 =	vld.idx.msk [tilespmem:v1+s24+$0x0], $0xffff  }
0x2b8: {  	v3 =	vld.idx.msk [tilespmem:v3+s24+$0x0], $0xffff;
	_ =	sdelay $0x1  }
0x2b9: {  	v0 =	vshll.u32 v0, $0x1  }
0x2ba: {  	v5 =	vor.u32 $0x1, v0  }
0x2bb: {  	v1 =	vmul.f32 v2, v1  }
0x2bc: {  	v3 =	vmul.f32 v4, v3  }
0x2bd: {  	v2 =	vld [tilespmem:s12+$0x3230];
	[tilespmem:s12+$0x9720] =	vst v1  }
0x2be: {  	v1 =	vld [tilespmem:s12+$0x30];
	[tilespmem:s12+$0xC920] =	vst v3  }
0x2bf: {  	v3 =	vld.idx.msk [tilespmem:v5+s24+$0x0], $0xffff  }
0x2c0: {  	v0 =	vld.idx.msk [tilespmem:v0+s24+$0x0], $0xffff;
	_ =	sdelay $0x3  }
0x2c1: {  	v2 =	vmul.f32 v2, v3  }
0x2c2: {  	v0 =	vmul.f32 v1, v0  }
0x2c3: {  	[tilespmem:s12+$0xC930] =	vst v2  }
0x2c4: {  	s11 =	rddreg [dreg:$0x16];
	s10 =	simm.s32 $0x0;
	[tilespmem:s12+$0x9730] =	vst v0  }
0x2c5: {  	[hbm4b:s11+s10] =	stream.linear.scatter [tilespmem:s2], [sflag:$0x3], $0x1900, $0x38;
	[tilespmem:$0xFB00] =	vst v63  }
0x2c6: {  	s12 =	rddreg [dreg:$0x17]  }
0x2c7: {  	[hbm4b:s12+s10] =	stream.linear.scatter [tilespmem:s3], [sflag:$0x3], $0x1900, $0x38;
	[tilespmem:$0xFB00] =	vst v63  }
0x2c8: {  	s13 =	rddreg [dreg:$0x1d]  }
0x2c9: {  	[tilespmem:s10], [sflag:$0x1] =	stream.linear.gather [hbm4b:s13+s10], $0x1900, $0x38;
	[tilespmem:$0xFB00] =	vst v63  }
0x2ca: {  	s12 =	rddreg [dreg:$0x1e]  }
0x2cb: {  	[tilespmem:s26], [sflag:$0x1] =	stream.linear.gather [hbm4b:s12+s10], $0x1900, $0x38;
	[tilespmem:$0xFB00] =	vst v63  }
0x2cc: {  	s13 =	rddreg [dreg:$0x1f]  }
0x2cd: {  	[tilespmem:s28], [sflag:$0x1] =	stream.linear.gather [hbm4b:s13+s10], $0x1900, $0x38;
	[tilespmem:$0xFB00] =	vst v63  }
0x2ce: {  	_ =	swait.ge [sflag:s4], $0x1900  }
0x2cf: {  	[sflag:s4] =	ssyncset.done $0x0  }
0x2d0: {  	[sflag:s4] =	ssyncadd.s32 $0xFFFFE700  }
0x2d1: {  	_ =	swait.ge [sflag:s4], $0x1900  }
0x2d2: {  	[sflag:s4] =	ssyncset.done $0x0  }
0x2d3: {  	[sflag:s4] =	ssyncadd.s32 $0xFFFFE700  }
0x2d4: {  	_ =	swait.ge [sflag:s4], $0x1900  }
0x2d5: {  	[sflag:s4] =	ssyncset.done $0x0  }
0x2d6: {  	[sflag:s4] =	ssyncadd.s32 $0xFFFFE700  }
0x2d7: {  	_ =	swait.ge [sflag:s8], $0x1900  }
0x2d8: {  	[sflag:s8] =	ssyncset.done $0x0  }
0x2d9: {  	[sflag:s8] =	ssyncadd.s32 $0xFFFFE700  }
0x2da: {  	_ =	swait.ge [sflag:s8], $0x1900  }
0x2db: {  	[sflag:s8] =	ssyncset.done $0x0  }
0x2dc: {  	s10 =	simm.s32 $0x0;
	[sflag:s8] =	ssyncadd.s32 $0xFFFFE700  }
0x2dd: {  	v0 =	vld [tilespmem:s10+$0x7D00];
	_ =	sdelay $0x4  }
0x2de: {  	v0 =	vshll.u32 v0, $0x1  }
0x2df: {  	v1 =	vor.u32 $0x1, v0  }
0x2e0: {  	v2 =	vld [tilespmem:s10+$0x7D10]  }
0x2e1: {  	v3 =	vld [tilespmem:s10+$0x1900]  }
0x2e2: {  	v4 =	vld [tilespmem:s10+$0x4B00]  }
0x2e3: {  	v0 =	vld.idx.msk [tilespmem:v0+s24+$0x0], $0xffff  }
0x2e4: {  	v1 =	vld.idx.msk [tilespmem:v1+s24+$0x0], $0xffff;
	_ =	sdelay $0x2  }
0x2e5: {  	v2 =	vshll.u32 v2, $0x1  }
0x2e6: {  	v6 =	vor.u32 $0x1, v2;
	v0 =	vmul.f32 v3, v0  }
0x2e7: {  	v5 =	vld [tilespmem:s10+$0x7D20];
	v1 =	vmul.f32 v4, v1  }
0x2e8: {  	v4 =	vld [tilespmem:s10+$0x4B10];
	[tilespmem:s10+$0xB000] =	vst v0  }
0x2e9: {  	v0 =	vld [tilespmem:s10+$0x1910];
	[tilespmem:s10+$0xE200] =	vst v1  }
0x2ea: {  	v1 =	vld.idx.msk [tilespmem:v2+s24+$0x0], $0xffff  }
0x2eb: {  	v2 =	vld.idx.msk [tilespmem:v6+s24+$0x0], $0xffff;
	_ =	sdelay $0x2  }
0x2ec: {  	v5 =	vshll.u32 v5, $0x1  }
0x2ed: {  	v0 =	vmul.f32 v0, v1  }
0x2ee: {  	v1 =	vmul.f32 v4, v2;
	v2 =	vor.u32 $0x1, v5  }
0x2ef: {  	v3 =	vld [tilespmem:s10+$0x7D30];
	[tilespmem:s10+$0xB010] =	vst v0  }
0x2f0: {  	[tilespmem:s10+$0xE210] =	vst v1;
	v0 =	vld [tilespmem:s10+$0x1920]  }
0x2f1: {  	v1 =	vld.idx.msk [tilespmem:v5+s24+$0x0], $0xffff  }
0x2f2: {  	v4 =	vld [tilespmem:s10+$0x4B20]  }
0x2f3: {  	v2 =	vld.idx.msk [tilespmem:v2+s24+$0x0], $0xffff;
	_ =	sdelay $0x1  }
0x2f4: {  	v5 =	vshll.u32 v3, $0x1  }
0x2f5: {  	v0 =	vmul.f32 v0, v1;
	v1 =	vor.u32 $0x1, v5;
	_ =	sdelay $0x1  }
0x2f6: {  	v3 =	vld [tilespmem:s10+$0x4B30];
	[tilespmem:s10+$0xB020] =	vst v0;
	v0 =	vmul.f32 v4, v2  }
0x2f7: {  	s12 =	simm.s32 $0x40;
	v4 =	vld [tilespmem:s10+$0x1930]  }
0x2f8: {  	v7 =	vld [tilespmem:s12+$0x7D00];
	[tilespmem:s10+$0xE220] =	vst v0  }
0x2f9: {  	v6 =	vld.idx.msk [tilespmem:v1+s24+$0x0], $0xffff  }
0x2fa: {  	v5 =	vld.idx.msk [tilespmem:v5+s24+$0x0], $0xffff  }
0x2fb: {  	v2 =	vld [tilespmem:s12+$0x7D10]  }
0x2fc: {  	v1 =	vld [tilespmem:s12+$0x7D20]  }
0x2fd: {  	s11 =	simm.s32 $0x200;
	v0 =	vld [tilespmem:s12+$0x7D30]  }
.LBB2_12:
0x2fe: {  	p0 =	sne.s32 s11, $0x6300;
	v7 =	vshll.u32 v7, $0x1;
	s13 =	smov.u32 s11;
	s11 =	sadd.s32 $0x100, s11  }
0x2ff: {  	v3 =	vmul.f32 v3, v6;
	v8 =	vor.u32 $0x1, v7  }
0x300: {  	v4 =	vmul.f32 v4, v5  }
0x301: {  	[tilespmem:s10+$0xE230] =	vst v3  }
0x302: {  	v3 =	vld [tilespmem:s12+$0x1900];
	[tilespmem:s10+$0xB030] =	vst v4;
	s10 =	smov.u32 s12  }
0x303: {  	v4 =	vld.idx.msk [tilespmem:v7+s24+$0x0], $0xffff  }
0x304: {  	v5 =	vld.idx.msk [tilespmem:v8+s24+$0x0], $0xffff  }
0x305: {  	v6 =	vld [tilespmem:s10+$0x4B00];
	_ =	sdelay $0x2  }
0x306: {  	v2 =	vshll.u32 v2, $0x1  }
0x307: {  	v3 =	vmul.f32 v3, v4;
	v4 =	vor.u32 $0x1, v2  }
0x308: {  	v5 =	vmul.f32 v6, v5  }
0x309: {  	[tilespmem:s10+$0xB000] =	vst v3  }
0x30a: {  	[tilespmem:s10+$0xE200] =	vst v5;
	v3 =	vld [tilespmem:s10+$0x1910]  }
0x30b: {  	v2 =	vld.idx.msk [tilespmem:v2+s24+$0x0], $0xffff  }
0x30c: {  	v4 =	vld.idx.msk [tilespmem:v4+s24+$0x0], $0xffff  }
0x30d: {  	v5 =	vld [tilespmem:s10+$0x4B10];
	_ =	sdelay $0x2  }
0x30e: {  	v1 =	vshll.u32 v1, $0x1  }
0x30f: {  	v2 =	vmul.f32 v3, v2;
	v3 =	vor.u32 $0x1, v1  }
0x310: {  	v4 =	vmul.f32 v5, v4  }
0x311: {  	[tilespmem:s10+$0xB010] =	vst v2  }
0x312: {  	[tilespmem:s10+$0xE210] =	vst v4;
	v2 =	vld [tilespmem:s10+$0x1920]  }
0x313: {  	v1 =	vld.idx.msk [tilespmem:v1+s24+$0x0], $0xffff  }
0x314: {  	v3 =	vld.idx.msk [tilespmem:v3+s24+$0x0], $0xffff  }
0x315: {  	v4 =	vld [tilespmem:s10+$0x4B20];
	_ =	sdelay $0x1  }
0x316: {  	v0 =	vshll.u32 v0, $0x1  }
0x317: {  	v5 =	vor.u32 $0x1, v0  }
0x318: {  	v1 =	vmul.f32 v2, v1  }
0x319: {  	v2 =	vmul.f32 v4, v3;
	v3 =	vld [tilespmem:s10+$0x4B30]  }
0x31a: {  	s12 =	sshra.s32 s13, $0x2;
	[tilespmem:s10+$0xB020] =	vst v1;
	v4 =	vld [tilespmem:s10+$0x1930]  }
0x31b: {  	v7 =	vld [tilespmem:s12+$0x7D00];
	[tilespmem:s10+$0xE220] =	vst v2  }
.Ltmp5:
0x31c: {  	v6 =	vld.idx.msk [tilespmem:v5+s24+$0x0], $0xffff;
	(pc) =	sbr.rel @p0 .LBB2_12-.Ltmp5, $4  }
0x31d: {  	v5 =	vld.idx.msk [tilespmem:v0+s24+$0x0], $0xffff  }
0x31e: {  	v2 =	vld [tilespmem:s12+$0x7D10]  }
0x31f: {  	v1 =	vld [tilespmem:s12+$0x7D20]  }
0x320: {  	v0 =	vld [tilespmem:s12+$0x7D30]  }
0x321: {  	v7 =	vshll.u32 v7, $0x1  }
0x322: {  	v3 =	vmul.f32 v3, v6;
	v6 =	vor.u32 $0x1, v7  }
0x323: {  	v4 =	vmul.f32 v4, v5  }
0x324: {  	[tilespmem:s10+$0xE230] =	vst v3  }
0x325: {  	v3 =	vld [tilespmem:s12+$0x1900];
	[tilespmem:s10+$0xB030] =	vst v4  }
0x326: {  	v4 =	vld.idx.msk [tilespmem:v7+s24+$0x0], $0xffff  }
0x327: {  	v5 =	vld.idx.msk [tilespmem:v6+s24+$0x0], $0xffff  }
0x328: {  	v6 =	vld [tilespmem:s12+$0x4B00];
	_ =	sdelay $0x2  }
0x329: {  	v2 =	vshll.u32 v2, $0x1  }
0x32a: {  	v3 =	vmul.f32 v3, v4;
	v4 =	vor.u32 $0x1, v2  }
0x32b: {  	v5 =	vmul.f32 v6, v5  }
0x32c: {  	[tilespmem:s12+$0xB000] =	vst v3;
	v3 =	vld [tilespmem:s12+$0x1910]  }
0x32d: {  	[tilespmem:s12+$0xE200] =	vst v5;
	v5 =	vld [tilespmem:s12+$0x4B10]  }
0x32e: {  	v2 =	vld.idx.msk [tilespmem:v2+s24+$0x0], $0xffff  }
0x32f: {  	v4 =	vld.idx.msk [tilespmem:v4+s24+$0x0], $0xffff;
	_ =	sdelay $0x2  }
0x330: {  	v1 =	vshll.u32 v1, $0x1  }
0x331: {  	v2 =	vmul.f32 v3, v2;
	v3 =	vor.u32 $0x1, v1  }
0x332: {  	v4 =	vmul.f32 v5, v4  }
0x333: {  	[tilespmem:s12+$0xB010] =	vst v2;
	v2 =	vld [tilespmem:s12+$0x1920]  }
0x334: {  	[tilespmem:s12+$0xE210] =	vst v4;
	v4 =	vld [tilespmem:s12+$0x4B20]  }
0x335: {  	v1 =	vld.idx.msk [tilespmem:v1+s24+$0x0], $0xffff  }
0x336: {  	v3 =	vld.idx.msk [tilespmem:v3+s24+$0x0], $0xffff;
	_ =	sdelay $0x1  }
0x337: {  	v0 =	vshll.u32 v0, $0x1  }
0x338: {  	v5 =	vor.u32 $0x1, v0  }
0x339: {  	v1 =	vmul.f32 v2, v1  }
0x33a: {  	v3 =	vmul.f32 v4, v3  }
0x33b: {  	v2 =	vld [tilespmem:s12+$0x4B30];
	[tilespmem:s12+$0xB020] =	vst v1  }
0x33c: {  	v1 =	vld [tilespmem:s12+$0x1930];
	[tilespmem:s12+$0xE220] =	vst v3  }
0x33d: {  	v3 =	vld.idx.msk [tilespmem:v5+s24+$0x0], $0xffff  }
0x33e: {  	v0 =	vld.idx.msk [tilespmem:v0+s24+$0x0], $0xffff;
	_ =	sdelay $0x3  }
0x33f: {  	v2 =	vmul.f32 v2, v3  }
0x340: {  	v0 =	vmul.f32 v1, v0  }
0x341: {  	s11 =	rddreg [dreg:$0x1b];
	[tilespmem:s12+$0xE230] =	vst v2  }
0x342: {  	s13 =	sld [smem:$0x7D4];
	s10 =	simm.s32 $0x0;
	[tilespmem:s12+$0xB030] =	vst v0  }
0x343: {  	[hbm4b:s11+s10] =	stream.linear.scatter [tilespmem:s5], [sflag:$0x4], $0x1900, $0x38;
	[tilespmem:$0xFB00] =	vst v63  }
0x344: {  	s12 =	rddreg [dreg:$0x1c]  }
0x345: {  	[hbm4b:s12+s10] =	stream.linear.scatter [tilespmem:s6], [sflag:$0x4], $0x1900, $0x38;
	[tilespmem:$0xFB00] =	vst v63  }
0x346: {  	s12 =	sld [smem:$0x7D5]  }
0x347: {  	[tilespmem:s29], [sflag:$0x2] =	stream.linear.gather [hbm4b:s13+s10], $0x1900, $0x38;
	[tilespmem:$0xFB00] =	vst v63  }
0x348: {  	s13 =	sld [smem:$0x7D6]  }
0x349: {  	[tilespmem:s30], [sflag:$0x2] =	stream.linear.gather [hbm4b:s12+s10], $0x1900, $0x38;
	[tilespmem:$0xFB00] =	vst v63  }
0x34a: {  	_ = 	snop  }
0x34b: {  	[tilespmem:s31], [sflag:$0x2] =	stream.linear.gather [hbm4b:s13+s10], $0x1900, $0x38;
	[tilespmem:$0xFB00] =	vst v63  }
0x34c: {  	_ =	swait.ge [sflag:s0], $0x1900  }
0x34d: {  	[sflag:s0] =	ssyncset.done $0x0  }
0x34e: {  	[sflag:s0] =	ssyncadd.s32 $0xFFFFE700  }
0x34f: {  	_ =	swait.ge [sflag:s0], $0x1900  }
0x350: {  	[sflag:s0] =	ssyncset.done $0x0  }
0x351: {  	[sflag:s0] =	ssyncadd.s32 $0xFFFFE700  }
0x352: {  	_ =	swait.ge [sflag:s0], $0x1900  }
0x353: {  	[sflag:s0] =	ssyncset.done $0x0  }
0x354: {  	[sflag:s0] =	ssyncadd.s32 $0xFFFFE700  }
0x355: {  	_ =	swait.ge [sflag:s7], $0x1900  }
0x356: {  	[sflag:s7] =	ssyncset.done $0x0  }
0x357: {  	[sflag:s7] =	ssyncadd.s32 $0xFFFFE700  }
0x358: {  	_ =	swait.ge [sflag:s7], $0x1900  }
0x359: {  	[sflag:s7] =	ssyncset.done $0x0  }
0x35a: {  	s10 =	simm.s32 $0x0;
	[sflag:s7] =	ssyncadd.s32 $0xFFFFE700  }
0x35b: {  	v0 =	vld [tilespmem:s10+$0x6400];
	_ =	sdelay $0x4  }
0x35c: {  	v0 =	vshll.u32 v0, $0x1  }
0x35d: {  	v1 =	vor.u32 $0x1, v0  }
0x35e: {  	v2 =	vld [tilespmem:s10+$0x6410]  }
0x35f: {  	v3 =	vld [tilespmem:s10+$0x0]  }
0x360: {  	v4 =	vld [tilespmem:s10+$0x3200]  }
0x361: {  	v0 =	vld.idx.msk [tilespmem:v0+s24+$0x0], $0xffff  }
0x362: {  	v1 =	vld.idx.msk [tilespmem:v1+s24+$0x0], $0xffff;
	_ =	sdelay $0x2  }
0x363: {  	v2 =	vshll.u32 v2, $0x1  }
0x364: {  	v6 =	vor.u32 $0x1, v2;
	v0 =	vmul.f32 v3, v0  }
0x365: {  	v5 =	vld [tilespmem:s10+$0x6420];
	v1 =	vmul.f32 v4, v1  }
0x366: {  	v4 =	vld [tilespmem:s10+$0x3210];
	[tilespmem:s10+$0x9700] =	vst v0  }
0x367: {  	v0 =	vld [tilespmem:s10+$0x10];
	[tilespmem:s10+$0xC900] =	vst v1  }
0x368: {  	v1 =	vld.idx.msk [tilespmem:v2+s24+$0x0], $0xffff  }
0x369: {  	v2 =	vld.idx.msk [tilespmem:v6+s24+$0x0], $0xffff;
	_ =	sdelay $0x2  }
0x36a: {  	v5 =	vshll.u32 v5, $0x1  }
0x36b: {  	v0 =	vmul.f32 v0, v1  }
0x36c: {  	v1 =	vmul.f32 v4, v2;
	v2 =	vor.u32 $0x1, v5  }
0x36d: {  	v3 =	vld [tilespmem:s10+$0x6430];
	[tilespmem:s10+$0x9710] =	vst v0  }
0x36e: {  	[tilespmem:s10+$0xC910] =	vst v1;
	v0 =	vld [tilespmem:s10+$0x20]  }
0x36f: {  	v1 =	vld.idx.msk [tilespmem:v5+s24+$0x0], $0xffff  }
0x370: {  	v4 =	vld [tilespmem:s10+$0x3220]  }
0x371: {  	v2 =	vld.idx.msk [tilespmem:v2+s24+$0x0], $0xffff;
	_ =	sdelay $0x1  }
0x372: {  	v5 =	vshll.u32 v3, $0x1  }
0x373: {  	v0 =	vmul.f32 v0, v1;
	v1 =	vor.u32 $0x1, v5;
	_ =	sdelay $0x1  }
0x374: {  	v3 =	vld [tilespmem:s10+$0x3230];
	[tilespmem:s10+$0x9720] =	vst v0;
	v0 =	vmul.f32 v4, v2  }
0x375: {  	s12 =	simm.s32 $0x40;
	v4 =	vld [tilespmem:s10+$0x30]  }
0x376: {  	v7 =	vld [tilespmem:s12+$0x6400];
	[tilespmem:s10+$0xC920] =	vst v0  }
0x377: {  	v6 =	vld.idx.msk [tilespmem:v1+s24+$0x0], $0xffff  }
0x378: {  	v5 =	vld.idx.msk [tilespmem:v5+s24+$0x0], $0xffff  }
0x379: {  	v2 =	vld [tilespmem:s12+$0x6410]  }
0x37a: {  	v1 =	vld [tilespmem:s12+$0x6420]  }
0x37b: {  	s11 =	simm.s32 $0x200;
	v0 =	vld [tilespmem:s12+$0x6430]  }
.LBB2_14:
0x37c: {  	p0 =	sne.s32 s11, $0x6300;
	v7 =	vshll.u32 v7, $0x1;
	s13 =	smov.u32 s11;
	s11 =	sadd.s32 $0x100, s11  }
0x37d: {  	v3 =	vmul.f32 v3, v6;
	v8 =	vor.u32 $0x1, v7  }
0x37e: {  	v4 =	vmul.f32 v4, v5  }
0x37f: {  	[tilespmem:s10+$0xC930] =	vst v3  }
0x380: {  	v3 =	vld [tilespmem:s12+$0x0];
	[tilespmem:s10+$0x9730] =	vst v4;
	s10 =	smov.u32 s12  }
0x381: {  	v4 =	vld.idx.msk [tilespmem:v7+s24+$0x0], $0xffff  }
0x382: {  	v5 =	vld.idx.msk [tilespmem:v8+s24+$0x0], $0xffff  }
0x383: {  	v6 =	vld [tilespmem:s10+$0x3200];
	_ =	sdelay $0x2  }
0x384: {  	v2 =	vshll.u32 v2, $0x1  }
0x385: {  	v3 =	vmul.f32 v3, v4;
	v4 =	vor.u32 $0x1, v2  }
0x386: {  	v5 =	vmul.f32 v6, v5  }
0x387: {  	[tilespmem:s10+$0x9700] =	vst v3  }
0x388: {  	[tilespmem:s10+$0xC900] =	vst v5;
	v3 =	vld [tilespmem:s10+$0x10]  }
0x389: {  	v2 =	vld.idx.msk [tilespmem:v2+s24+$0x0], $0xffff  }
0x38a: {  	v4 =	vld.idx.msk [tilespmem:v4+s24+$0x0], $0xffff  }
0x38b: {  	v5 =	vld [tilespmem:s10+$0x3210];
	_ =	sdelay $0x2  }
0x38c: {  	v1 =	vshll.u32 v1, $0x1  }
0x38d: {  	v2 =	vmul.f32 v3, v2;
	v3 =	vor.u32 $0x1, v1  }
0x38e: {  	v4 =	vmul.f32 v5, v4  }
0x38f: {  	[tilespmem:s10+$0x9710] =	vst v2  }
0x390: {  	[tilespmem:s10+$0xC910] =	vst v4;
	v2 =	vld [tilespmem:s10+$0x20]  }
0x391: {  	v1 =	vld.idx.msk [tilespmem:v1+s24+$0x0], $0xffff  }
0x392: {  	v3 =	vld.idx.msk [tilespmem:v3+s24+$0x0], $0xffff  }
0x393: {  	v4 =	vld [tilespmem:s10+$0x3220];
	_ =	sdelay $0x1  }
0x394: {  	v0 =	vshll.u32 v0, $0x1  }
0x395: {  	v5 =	vor.u32 $0x1, v0  }
0x396: {  	v1 =	vmul.f32 v2, v1  }
0x397: {  	v2 =	vmul.f32 v4, v3;
	v3 =	vld [tilespmem:s10+$0x3230]  }
0x398: {  	s12 =	sshra.s32 s13, $0x2;
	[tilespmem:s10+$0x9720] =	vst v1;
	v4 =	vld [tilespmem:s10+$0x30]  }
0x399: {  	v7 =	vld [tilespmem:s12+$0x6400];
	[tilespmem:s10+$0xC920] =	vst v2  }
.Ltmp6:
0x39a: {  	v6 =	vld.idx.msk [tilespmem:v5+s24+$0x0], $0xffff;
	(pc) =	sbr.rel @p0 .LBB2_14-.Ltmp6, $4  }
0x39b: {  	v5 =	vld.idx.msk [tilespmem:v0+s24+$0x0], $0xffff  }
0x39c: {  	v2 =	vld [tilespmem:s12+$0x6410]  }
0x39d: {  	v1 =	vld [tilespmem:s12+$0x6420]  }
0x39e: {  	v0 =	vld [tilespmem:s12+$0x6430]  }
0x39f: {  	v7 =	vshll.u32 v7, $0x1  }
0x3a0: {  	v3 =	vmul.f32 v3, v6;
	v6 =	vor.u32 $0x1, v7  }
0x3a1: {  	v4 =	vmul.f32 v4, v5  }
0x3a2: {  	[tilespmem:s10+$0xC930] =	vst v3  }
0x3a3: {  	v3 =	vld [tilespmem:s12+$0x0];
	[tilespmem:s10+$0x9730] =	vst v4  }
0x3a4: {  	v4 =	vld.idx.msk [tilespmem:v7+s24+$0x0], $0xffff  }
0x3a5: {  	v5 =	vld.idx.msk [tilespmem:v6+s24+$0x0], $0xffff  }
0x3a6: {  	v6 =	vld [tilespmem:s12+$0x3200];
	_ =	sdelay $0x2  }
0x3a7: {  	v2 =	vshll.u32 v2, $0x1  }
0x3a8: {  	v3 =	vmul.f32 v3, v4;
	v4 =	vor.u32 $0x1, v2  }
0x3a9: {  	v5 =	vmul.f32 v6, v5  }
0x3aa: {  	[tilespmem:s12+$0x9700] =	vst v3;
	v3 =	vld [tilespmem:s12+$0x10]  }
0x3ab: {  	[tilespmem:s12+$0xC900] =	vst v5;
	v5 =	vld [tilespmem:s12+$0x3210]  }
0x3ac: {  	v2 =	vld.idx.msk [tilespmem:v2+s24+$0x0], $0xffff  }
0x3ad: {  	v4 =	vld.idx.msk [tilespmem:v4+s24+$0x0], $0xffff;
	_ =	sdelay $0x2  }
0x3ae: {  	v1 =	vshll.u32 v1, $0x1  }
0x3af: {  	v2 =	vmul.f32 v3, v2;
	v3 =	vor.u32 $0x1, v1  }
0x3b0: {  	v4 =	vmul.f32 v5, v4  }
0x3b1: {  	[tilespmem:s12+$0x9710] =	vst v2;
	v2 =	vld [tilespmem:s12+$0x20]  }
0x3b2: {  	[tilespmem:s12+$0xC910] =	vst v4;
	v4 =	vld [tilespmem:s12+$0x3220]  }
0x3b3: {  	v1 =	vld.idx.msk [tilespmem:v1+s24+$0x0], $0xffff  }
0x3b4: {  	v3 =	vld.idx.msk [tilespmem:v3+s24+$0x0], $0xffff;
	_ =	sdelay $0x1  }
0x3b5: {  	v0 =	vshll.u32 v0, $0x1  }
0x3b6: {  	v5 =	vor.u32 $0x1, v0  }
0x3b7: {  	v1 =	vmul.f32 v2, v1  }
0x3b8: {  	v3 =	vmul.f32 v4, v3  }
0x3b9: {  	v2 =	vld [tilespmem:s12+$0x3230];
	[tilespmem:s12+$0x9720] =	vst v1  }
0x3ba: {  	v1 =	vld [tilespmem:s12+$0x30];
	[tilespmem:s12+$0xC920] =	vst v3  }
0x3bb: {  	v3 =	vld.idx.msk [tilespmem:v5+s24+$0x0], $0xffff  }
0x3bc: {  	v0 =	vld.idx.msk [tilespmem:v0+s24+$0x0], $0xffff;
	_ =	sdelay $0x3  }
0x3bd: {  	v2 =	vmul.f32 v2, v3  }
0x3be: {  	s11 =	sld [smem:$0x7D2];
	v0 =	vmul.f32 v1, v0  }
0x3bf: {  	[tilespmem:s12+$0xC930] =	vst v2  }
0x3c0: {  	s10 =	simm.s32 $0x0;
	[tilespmem:s12+$0x9730] =	vst v0;
	s12 =	sld [smem:$0x7D3]  }
0x3c1: {  	[hbm4b:s11+s10] =	stream.linear.scatter [tilespmem:s2], [sflag:$0x3], $0x1900, $0x38;
	[tilespmem:$0xFB00] =	vst v63  }
0x3c2: {  	s13 =	sld [smem:$0x7D9]  }
0x3c3: {  	[hbm4b:s12+s10] =	stream.linear.scatter [tilespmem:s3], [sflag:$0x3], $0x1900, $0x38;
	[tilespmem:$0xFB00] =	vst v63  }
0x3c4: {  	s12 =	sld [smem:$0x7DA]  }
0x3c5: {  	[tilespmem:s10], [sflag:$0x1] =	stream.linear.gather [hbm4b:s13+s10], $0x1900, $0x38;
	[tilespmem:$0xFB00] =	vst v63  }
0x3c6: {  	s13 =	sld [smem:$0x7DB]  }
0x3c7: {  	[tilespmem:s26], [sflag:$0x1] =	stream.linear.gather [hbm4b:s12+s10], $0x1900, $0x38;
	[tilespmem:$0xFB00] =	vst v63  }
0x3c8: {  	_ = 	snop  }
0x3c9: {  	[tilespmem:s28], [sflag:$0x1] =	stream.linear.gather [hbm4b:s13+s10], $0x1900, $0x38;
	[tilespmem:$0xFB00] =	vst v63  }
0x3ca: {  	_ =	swait.ge [sflag:s4], $0x1900  }
0x3cb: {  	[sflag:s4] =	ssyncset.done $0x0  }
0x3cc: {  	[sflag:s4] =	ssyncadd.s32 $0xFFFFE700  }
0x3cd: {  	_ =	swait.ge [sflag:s4], $0x1900  }
0x3ce: {  	[sflag:s4] =	ssyncset.done $0x0  }
0x3cf: {  	[sflag:s4] =	ssyncadd.s32 $0xFFFFE700  }
0x3d0: {  	_ =	swait.ge [sflag:s4], $0x1900  }
0x3d1: {  	[sflag:s4] =	ssyncset.done $0x0  }
0x3d2: {  	[sflag:s4] =	ssyncadd.s32 $0xFFFFE700  }
0x3d3: {  	_ =	swait.ge [sflag:s8], $0x1900  }
0x3d4: {  	[sflag:s8] =	ssyncset.done $0x0  }
0x3d5: {  	[sflag:s8] =	ssyncadd.s32 $0xFFFFE700  }
0x3d6: {  	_ =	swait.ge [sflag:s8], $0x1900  }
0x3d7: {  	[sflag:s8] =	ssyncset.done $0x0  }
0x3d8: {  	s10 =	simm.s32 $0x0;
	[sflag:s8] =	ssyncadd.s32 $0xFFFFE700  }
0x3d9: {  	v0 =	vld [tilespmem:s10+$0x7D00];
	_ =	sdelay $0x4  }
0x3da: {  	v0 =	vshll.u32 v0, $0x1  }
0x3db: {  	v1 =	vor.u32 $0x1, v0  }
0x3dc: {  	v2 =	vld [tilespmem:s10+$0x7D10]  }
0x3dd: {  	v3 =	vld [tilespmem:s10+$0x1900]  }
0x3de: {  	v4 =	vld [tilespmem:s10+$0x4B00]  }
0x3df: {  	v0 =	vld.idx.msk [tilespmem:v0+s24+$0x0], $0xffff  }
0x3e0: {  	v1 =	vld.idx.msk [tilespmem:v1+s24+$0x0], $0xffff;
	_ =	sdelay $0x2  }
0x3e1: {  	v2 =	vshll.u32 v2, $0x1  }
0x3e2: {  	v6 =	vor.u32 $0x1, v2;
	v0 =	vmul.f32 v3, v0  }
0x3e3: {  	v5 =	vld [tilespmem:s10+$0x7D20];
	v1 =	vmul.f32 v4, v1  }
0x3e4: {  	v4 =	vld [tilespmem:s10+$0x4B10];
	[tilespmem:s10+$0xB000] =	vst v0  }
0x3e5: {  	v0 =	vld [tilespmem:s10+$0x1910];
	[tilespmem:s10+$0xE200] =	vst v1  }
0x3e6: {  	v1 =	vld.idx.msk [tilespmem:v2+s24+$0x0], $0xffff  }
0x3e7: {  	v2 =	vld.idx.msk [tilespmem:v6+s24+$0x0], $0xffff;
	_ =	sdelay $0x2  }
0x3e8: {  	v5 =	vshll.u32 v5, $0x1  }
0x3e9: {  	v0 =	vmul.f32 v0, v1  }
0x3ea: {  	v1 =	vmul.f32 v4, v2;
	v2 =	vor.u32 $0x1, v5  }
0x3eb: {  	v3 =	vld [tilespmem:s10+$0x7D30];
	[tilespmem:s10+$0xB010] =	vst v0  }
0x3ec: {  	[tilespmem:s10+$0xE210] =	vst v1;
	v0 =	vld [tilespmem:s10+$0x1920]  }
0x3ed: {  	v1 =	vld.idx.msk [tilespmem:v5+s24+$0x0], $0xffff  }
0x3ee: {  	v4 =	vld [tilespmem:s10+$0x4B20]  }
0x3ef: {  	v2 =	vld.idx.msk [tilespmem:v2+s24+$0x0], $0xffff;
	_ =	sdelay $0x1  }
0x3f0: {  	v5 =	vshll.u32 v3, $0x1  }
0x3f1: {  	v0 =	vmul.f32 v0, v1;
	v1 =	vor.u32 $0x1, v5;
	_ =	sdelay $0x1  }
0x3f2: {  	v3 =	vld [tilespmem:s10+$0x4B30];
	[tilespmem:s10+$0xB020] =	vst v0;
	v0 =	vmul.f32 v4, v2  }
0x3f3: {  	s12 =	simm.s32 $0x40;
	v4 =	vld [tilespmem:s10+$0x1930]  }
0x3f4: {  	v7 =	vld [tilespmem:s12+$0x7D00];
	[tilespmem:s10+$0xE220] =	vst v0  }
0x3f5: {  	v6 =	vld.idx.msk [tilespmem:v1+s24+$0x0], $0xffff  }
0x3f6: {  	v5 =	vld.idx.msk [tilespmem:v5+s24+$0x0], $0xffff  }
0x3f7: {  	v2 =	vld [tilespmem:s12+$0x7D10]  }
0x3f8: {  	v1 =	vld [tilespmem:s12+$0x7D20]  }
0x3f9: {  	s11 =	simm.s32 $0x200;
	v0 =	vld [tilespmem:s12+$0x7D30]  }
.LBB2_16:
0x3fa: {  	p0 =	sne.s32 s11, $0x6300;
	v7 =	vshll.u32 v7, $0x1;
	s13 =	smov.u32 s11;
	s11 =	sadd.s32 $0x100, s11  }
0x3fb: {  	v3 =	vmul.f32 v3, v6;
	v8 =	vor.u32 $0x1, v7  }
0x3fc: {  	v4 =	vmul.f32 v4, v5  }
0x3fd: {  	[tilespmem:s10+$0xE230] =	vst v3  }
0x3fe: {  	v3 =	vld [tilespmem:s12+$0x1900];
	[tilespmem:s10+$0xB030] =	vst v4;
	s10 =	smov.u32 s12  }
0x3ff: {  	v4 =	vld.idx.msk [tilespmem:v7+s24+$0x0], $0xffff  }
0x400: {  	v5 =	vld.idx.msk [tilespmem:v8+s24+$0x0], $0xffff  }
0x401: {  	v6 =	vld [tilespmem:s10+$0x4B00];
	_ =	sdelay $0x2  }
0x402: {  	v2 =	vshll.u32 v2, $0x1  }
0x403: {  	v3 =	vmul.f32 v3, v4;
	v4 =	vor.u32 $0x1, v2  }
0x404: {  	v5 =	vmul.f32 v6, v5  }
0x405: {  	[tilespmem:s10+$0xB000] =	vst v3  }
0x406: {  	[tilespmem:s10+$0xE200] =	vst v5;
	v3 =	vld [tilespmem:s10+$0x1910]  }
0x407: {  	v2 =	vld.idx.msk [tilespmem:v2+s24+$0x0], $0xffff  }
0x408: {  	v4 =	vld.idx.msk [tilespmem:v4+s24+$0x0], $0xffff  }
0x409: {  	v5 =	vld [tilespmem:s10+$0x4B10];
	_ =	sdelay $0x2  }
0x40a: {  	v1 =	vshll.u32 v1, $0x1  }
0x40b: {  	v2 =	vmul.f32 v3, v2;
	v3 =	vor.u32 $0x1, v1  }
0x40c: {  	v4 =	vmul.f32 v5, v4  }
0x40d: {  	[tilespmem:s10+$0xB010] =	vst v2  }
0x40e: {  	[tilespmem:s10+$0xE210] =	vst v4;
	v2 =	vld [tilespmem:s10+$0x1920]  }
0x40f: {  	v1 =	vld.idx.msk [tilespmem:v1+s24+$0x0], $0xffff  }
0x410: {  	v3 =	vld.idx.msk [tilespmem:v3+s24+$0x0], $0xffff  }
0x411: {  	v4 =	vld [tilespmem:s10+$0x4B20];
	_ =	sdelay $0x1  }
0x412: {  	v0 =	vshll.u32 v0, $0x1  }
0x413: {  	v5 =	vor.u32 $0x1, v0  }
0x414: {  	v1 =	vmul.f32 v2, v1  }
0x415: {  	v2 =	vmul.f32 v4, v3;
	v3 =	vld [tilespmem:s10+$0x4B30]  }
0x416: {  	s12 =	sshra.s32 s13, $0x2;
	[tilespmem:s10+$0xB020] =	vst v1;
	v4 =	vld [tilespmem:s10+$0x1930]  }
0x417: {  	v7 =	vld [tilespmem:s12+$0x7D00];
	[tilespmem:s10+$0xE220] =	vst v2  }
.Ltmp7:
0x418: {  	v6 =	vld.idx.msk [tilespmem:v5+s24+$0x0], $0xffff;
	(pc) =	sbr.rel @p0 .LBB2_16-.Ltmp7, $4  }
0x419: {  	v5 =	vld.idx.msk [tilespmem:v0+s24+$0x0], $0xffff  }
0x41a: {  	v2 =	vld [tilespmem:s12+$0x7D10]  }
0x41b: {  	v1 =	vld [tilespmem:s12+$0x7D20]  }
0x41c: {  	v0 =	vld [tilespmem:s12+$0x7D30]  }
0x41d: {  	v7 =	vshll.u32 v7, $0x1  }
0x41e: {  	v3 =	vmul.f32 v3, v6;
	v6 =	vor.u32 $0x1, v7  }
0x41f: {  	v4 =	vmul.f32 v4, v5  }
0x420: {  	[tilespmem:s10+$0xE230] =	vst v3  }
0x421: {  	v3 =	vld [tilespmem:s12+$0x1900];
	[tilespmem:s10+$0xB030] =	vst v4  }
0x422: {  	v4 =	vld.idx.msk [tilespmem:v7+s24+$0x0], $0xffff  }
0x423: {  	v5 =	vld.idx.msk [tilespmem:v6+s24+$0x0], $0xffff  }
0x424: {  	v6 =	vld [tilespmem:s12+$0x4B00];
	_ =	sdelay $0x2  }
0x425: {  	v2 =	vshll.u32 v2, $0x1  }
0x426: {  	v3 =	vmul.f32 v3, v4;
	v4 =	vor.u32 $0x1, v2  }
0x427: {  	v5 =	vmul.f32 v6, v5  }
0x428: {  	[tilespmem:s12+$0xB000] =	vst v3;
	v3 =	vld [tilespmem:s12+$0x1910]  }
0x429: {  	[tilespmem:s12+$0xE200] =	vst v5;
	v5 =	vld [tilespmem:s12+$0x4B10]  }
0x42a: {  	v2 =	vld.idx.msk [tilespmem:v2+s24+$0x0], $0xffff  }
0x42b: {  	v4 =	vld.idx.msk [tilespmem:v4+s24+$0x0], $0xffff;
	_ =	sdelay $0x2  }
0x42c: {  	v1 =	vshll.u32 v1, $0x1  }
0x42d: {  	v2 =	vmul.f32 v3, v2;
	v3 =	vor.u32 $0x1, v1  }
0x42e: {  	v4 =	vmul.f32 v5, v4  }
0x42f: {  	[tilespmem:s12+$0xB010] =	vst v2;
	v2 =	vld [tilespmem:s12+$0x1920]  }
0x430: {  	[tilespmem:s12+$0xE210] =	vst v4;
	v4 =	vld [tilespmem:s12+$0x4B20]  }
0x431: {  	v1 =	vld.idx.msk [tilespmem:v1+s24+$0x0], $0xffff  }
0x432: {  	v3 =	vld.idx.msk [tilespmem:v3+s24+$0x0], $0xffff;
	_ =	sdelay $0x1  }
0x433: {  	v0 =	vshll.u32 v0, $0x1  }
0x434: {  	v5 =	vor.u32 $0x1, v0  }
0x435: {  	v1 =	vmul.f32 v2, v1  }
0x436: {  	v3 =	vmul.f32 v4, v3  }
0x437: {  	v2 =	vld [tilespmem:s12+$0x4B30];
	[tilespmem:s12+$0xB020] =	vst v1  }
0x438: {  	v1 =	vld [tilespmem:s12+$0x1930];
	[tilespmem:s12+$0xE220] =	vst v3  }
0x439: {  	v3 =	vld.idx.msk [tilespmem:v5+s24+$0x0], $0xffff  }
0x43a: {  	v0 =	vld.idx.msk [tilespmem:v0+s24+$0x0], $0xffff;
	_ =	sdelay $0x3  }
0x43b: {  	v2 =	vmul.f32 v2, v3  }
0x43c: {  	s11 =	sld [smem:$0x7D7];
	v0 =	vmul.f32 v1, v0  }
0x43d: {  	[tilespmem:s12+$0xE230] =	vst v2  }
0x43e: {  	s10 =	simm.s32 $0x0;
	[tilespmem:s12+$0xB030] =	vst v0;
	s12 =	sld [smem:$0x7D8]  }
0x43f: {  	[hbm4b:s11+s10] =	stream.linear.scatter [tilespmem:s5], [sflag:$0x4], $0x1900, $0x38;
	[tilespmem:$0xFB00] =	vst v63  }
0x440: {  	s13 =	sld [smem:$0x7DE]  }
0x441: {  	[hbm4b:s12+s10] =	stream.linear.scatter [tilespmem:s6], [sflag:$0x4], $0x1900, $0x38;
	[tilespmem:$0xFB00] =	vst v63  }
0x442: {  	s12 =	sld [smem:$0x7DF]  }
0x443: {  	[tilespmem:s29], [sflag:$0x2] =	stream.linear.gather [hbm4b:s13+s10], $0x1900, $0x38;
	[tilespmem:$0xFB00] =	vst v63  }
0x444: {  	s13 =	sld [smem:$0x7E0]  }
0x445: {  	[tilespmem:s30], [sflag:$0x2] =	stream.linear.gather [hbm4b:s12+s10], $0x1900, $0x38;
	[tilespmem:$0xFB00] =	vst v63  }
0x446: {  	_ = 	snop  }
0x447: {  	[tilespmem:s31], [sflag:$0x2] =	stream.linear.gather [hbm4b:s13+s10], $0x1900, $0x38;
	[tilespmem:$0xFB00] =	vst v63  }
0x448: {  	_ =	swait.ge [sflag:s0], $0x1900  }
0x449: {  	[sflag:s0] =	ssyncset.done $0x0  }
0x44a: {  	[sflag:s0] =	ssyncadd.s32 $0xFFFFE700  }
0x44b: {  	_ =	swait.ge [sflag:s0], $0x1900  }
0x44c: {  	[sflag:s0] =	ssyncset.done $0x0  }
0x44d: {  	[sflag:s0] =	ssyncadd.s32 $0xFFFFE700  }
0x44e: {  	_ =	swait.ge [sflag:s0], $0x1900  }
0x44f: {  	[sflag:s0] =	ssyncset.done $0x0  }
0x450: {  	[sflag:s0] =	ssyncadd.s32 $0xFFFFE700  }
0x451: {  	_ =	swait.ge [sflag:s7], $0x1900  }
0x452: {  	[sflag:s7] =	ssyncset.done $0x0  }
0x453: {  	[sflag:s7] =	ssyncadd.s32 $0xFFFFE700  }
0x454: {  	_ =	swait.ge [sflag:s7], $0x1900  }
0x455: {  	[sflag:s7] =	ssyncset.done $0x0  }
0x456: {  	s10 =	simm.s32 $0x0;
	[sflag:s7] =	ssyncadd.s32 $0xFFFFE700  }
0x457: {  	v0 =	vld [tilespmem:s10+$0x6400];
	_ =	sdelay $0x4  }
0x458: {  	v0 =	vshll.u32 v0, $0x1  }
0x459: {  	v1 =	vor.u32 $0x1, v0  }
0x45a: {  	v2 =	vld [tilespmem:s10+$0x6410]  }
0x45b: {  	v3 =	vld [tilespmem:s10+$0x0]  }
0x45c: {  	v4 =	vld [tilespmem:s10+$0x3200]  }
0x45d: {  	v0 =	vld.idx.msk [tilespmem:v0+s24+$0x0], $0xffff  }
0x45e: {  	v1 =	vld.idx.msk [tilespmem:v1+s24+$0x0], $0xffff;
	_ =	sdelay $0x2  }
0x45f: {  	v2 =	vshll.u32 v2, $0x1  }
0x460: {  	v6 =	vor.u32 $0x1, v2;
	v0 =	vmul.f32 v3, v0  }
0x461: {  	v5 =	vld [tilespmem:s10+$0x6420];
	v1 =	vmul.f32 v4, v1  }
0x462: {  	v4 =	vld [tilespmem:s10+$0x3210];
	[tilespmem:s10+$0x9700] =	vst v0  }
0x463: {  	v0 =	vld [tilespmem:s10+$0x10];
	[tilespmem:s10+$0xC900] =	vst v1  }
0x464: {  	v1 =	vld.idx.msk [tilespmem:v2+s24+$0x0], $0xffff  }
0x465: {  	v2 =	vld.idx.msk [tilespmem:v6+s24+$0x0], $0xffff;
	_ =	sdelay $0x2  }
0x466: {  	v5 =	vshll.u32 v5, $0x1  }
0x467: {  	v0 =	vmul.f32 v0, v1  }
0x468: {  	v1 =	vmul.f32 v4, v2;
	v2 =	vor.u32 $0x1, v5  }
0x469: {  	v3 =	vld [tilespmem:s10+$0x6430];
	[tilespmem:s10+$0x9710] =	vst v0  }
0x46a: {  	[tilespmem:s10+$0xC910] =	vst v1;
	v0 =	vld [tilespmem:s10+$0x20]  }
0x46b: {  	v1 =	vld.idx.msk [tilespmem:v5+s24+$0x0], $0xffff  }
0x46c: {  	v4 =	vld [tilespmem:s10+$0x3220]  }
0x46d: {  	v2 =	vld.idx.msk [tilespmem:v2+s24+$0x0], $0xffff;
	_ =	sdelay $0x1  }
0x46e: {  	v5 =	vshll.u32 v3, $0x1  }
0x46f: {  	v0 =	vmul.f32 v0, v1;
	v1 =	vor.u32 $0x1, v5;
	_ =	sdelay $0x1  }
0x470: {  	v3 =	vld [tilespmem:s10+$0x3230];
	[tilespmem:s10+$0x9720] =	vst v0;
	v0 =	vmul.f32 v4, v2  }
0x471: {  	s12 =	simm.s32 $0x40;
	v4 =	vld [tilespmem:s10+$0x30]  }
0x472: {  	v7 =	vld [tilespmem:s12+$0x6400];
	[tilespmem:s10+$0xC920] =	vst v0  }
0x473: {  	v6 =	vld.idx.msk [tilespmem:v1+s24+$0x0], $0xffff  }
0x474: {  	v5 =	vld.idx.msk [tilespmem:v5+s24+$0x0], $0xffff  }
0x475: {  	v2 =	vld [tilespmem:s12+$0x6410]  }
0x476: {  	v1 =	vld [tilespmem:s12+$0x6420]  }
0x477: {  	s11 =	simm.s32 $0x200;
	v0 =	vld [tilespmem:s12+$0x6430]  }
.LBB2_18:
0x478: {  	p0 =	sne.s32 s11, $0x6300;
	v7 =	vshll.u32 v7, $0x1;
	s13 =	smov.u32 s11;
	s11 =	sadd.s32 $0x100, s11  }
0x479: {  	v3 =	vmul.f32 v3, v6;
	v8 =	vor.u32 $0x1, v7  }
0x47a: {  	v4 =	vmul.f32 v4, v5  }
0x47b: {  	[tilespmem:s10+$0xC930] =	vst v3  }
0x47c: {  	v3 =	vld [tilespmem:s12+$0x0];
	[tilespmem:s10+$0x9730] =	vst v4;
	s10 =	smov.u32 s12  }
0x47d: {  	v4 =	vld.idx.msk [tilespmem:v7+s24+$0x0], $0xffff  }
0x47e: {  	v5 =	vld.idx.msk [tilespmem:v8+s24+$0x0], $0xffff  }
0x47f: {  	v6 =	vld [tilespmem:s10+$0x3200];
	_ =	sdelay $0x2  }
0x480: {  	v2 =	vshll.u32 v2, $0x1  }
0x481: {  	v3 =	vmul.f32 v3, v4;
	v4 =	vor.u32 $0x1, v2  }
0x482: {  	v5 =	vmul.f32 v6, v5  }
0x483: {  	[tilespmem:s10+$0x9700] =	vst v3  }
0x484: {  	[tilespmem:s10+$0xC900] =	vst v5;
	v3 =	vld [tilespmem:s10+$0x10]  }
0x485: {  	v2 =	vld.idx.msk [tilespmem:v2+s24+$0x0], $0xffff  }
0x486: {  	v4 =	vld.idx.msk [tilespmem:v4+s24+$0x0], $0xffff  }
0x487: {  	v5 =	vld [tilespmem:s10+$0x3210];
	_ =	sdelay $0x2  }
0x488: {  	v1 =	vshll.u32 v1, $0x1  }
0x489: {  	v2 =	vmul.f32 v3, v2;
	v3 =	vor.u32 $0x1, v1  }
0x48a: {  	v4 =	vmul.f32 v5, v4  }
0x48b: {  	[tilespmem:s10+$0x9710] =	vst v2  }
0x48c: {  	[tilespmem:s10+$0xC910] =	vst v4;
	v2 =	vld [tilespmem:s10+$0x20]  }
0x48d: {  	v1 =	vld.idx.msk [tilespmem:v1+s24+$0x0], $0xffff  }
0x48e: {  	v3 =	vld.idx.msk [tilespmem:v3+s24+$0x0], $0xffff  }
0x48f: {  	v4 =	vld [tilespmem:s10+$0x3220];
	_ =	sdelay $0x1  }
0x490: {  	v0 =	vshll.u32 v0, $0x1  }
0x491: {  	v5 =	vor.u32 $0x1, v0  }
0x492: {  	v1 =	vmul.f32 v2, v1  }
0x493: {  	v2 =	vmul.f32 v4, v3;
	v3 =	vld [tilespmem:s10+$0x3230]  }
0x494: {  	s12 =	sshra.s32 s13, $0x2;
	[tilespmem:s10+$0x9720] =	vst v1;
	v4 =	vld [tilespmem:s10+$0x30]  }
0x495: {  	v7 =	vld [tilespmem:s12+$0x6400];
	[tilespmem:s10+$0xC920] =	vst v2  }
.Ltmp8:
0x496: {  	v6 =	vld.idx.msk [tilespmem:v5+s24+$0x0], $0xffff;
	(pc) =	sbr.rel @p0 .LBB2_18-.Ltmp8, $4  }
0x497: {  	v5 =	vld.idx.msk [tilespmem:v0+s24+$0x0], $0xffff  }
0x498: {  	v2 =	vld [tilespmem:s12+$0x6410]  }
0x499: {  	v1 =	vld [tilespmem:s12+$0x6420]  }
0x49a: {  	v0 =	vld [tilespmem:s12+$0x6430]  }
0x49b: {  	v7 =	vshll.u32 v7, $0x1  }
0x49c: {  	v3 =	vmul.f32 v3, v6;
	v6 =	vor.u32 $0x1, v7  }
0x49d: {  	v4 =	vmul.f32 v4, v5  }
0x49e: {  	[tilespmem:s10+$0xC930] =	vst v3  }
0x49f: {  	v3 =	vld [tilespmem:s12+$0x0];
	[tilespmem:s10+$0x9730] =	vst v4  }
0x4a0: {  	v4 =	vld.idx.msk [tilespmem:v7+s24+$0x0], $0xffff  }
0x4a1: {  	v5 =	vld.idx.msk [tilespmem:v6+s24+$0x0], $0xffff  }
0x4a2: {  	v6 =	vld [tilespmem:s12+$0x3200];
	_ =	sdelay $0x2  }
0x4a3: {  	v2 =	vshll.u32 v2, $0x1  }
0x4a4: {  	v3 =	vmul.f32 v3, v4;
	v4 =	vor.u32 $0x1, v2  }
0x4a5: {  	v5 =	vmul.f32 v6, v5  }
0x4a6: {  	[tilespmem:s12+$0x9700] =	vst v3;
	v3 =	vld [tilespmem:s12+$0x10]  }
0x4a7: {  	[tilespmem:s12+$0xC900] =	vst v5;
	v5 =	vld [tilespmem:s12+$0x3210]  }
0x4a8: {  	v2 =	vld.idx.msk [tilespmem:v2+s24+$0x0], $0xffff  }
0x4a9: {  	v4 =	vld.idx.msk [tilespmem:v4+s24+$0x0], $0xffff;
	_ =	sdelay $0x2  }
0x4aa: {  	v1 =	vshll.u32 v1, $0x1  }
0x4ab: {  	v2 =	vmul.f32 v3, v2;
	v3 =	vor.u32 $0x1, v1  }
0x4ac: {  	v4 =	vmul.f32 v5, v4  }
0x4ad: {  	[tilespmem:s12+$0x9710] =	vst v2;
	v2 =	vld [tilespmem:s12+$0x20]  }
0x4ae: {  	[tilespmem:s12+$0xC910] =	vst v4;
	v4 =	vld [tilespmem:s12+$0x3220]  }
0x4af: {  	v1 =	vld.idx.msk [tilespmem:v1+s24+$0x0], $0xffff  }
0x4b0: {  	v3 =	vld.idx.msk [tilespmem:v3+s24+$0x0], $0xffff;
	_ =	sdelay $0x1  }
0x4b1: {  	v0 =	vshll.u32 v0, $0x1  }
0x4b2: {  	v5 =	vor.u32 $0x1, v0  }
0x4b3: {  	v1 =	vmul.f32 v2, v1  }
0x4b4: {  	v3 =	vmul.f32 v4, v3  }
0x4b5: {  	v2 =	vld [tilespmem:s12+$0x3230];
	[tilespmem:s12+$0x9720] =	vst v1  }
0x4b6: {  	v1 =	vld [tilespmem:s12+$0x30];
	[tilespmem:s12+$0xC920] =	vst v3  }
0x4b7: {  	v3 =	vld.idx.msk [tilespmem:v5+s24+$0x0], $0xffff  }
0x4b8: {  	v0 =	vld.idx.msk [tilespmem:v0+s24+$0x0], $0xffff;
	_ =	sdelay $0x3  }
0x4b9: {  	v2 =	vmul.f32 v2, v3  }
0x4ba: {  	s11 =	sld [smem:$0x7DC];
	v0 =	vmul.f32 v1, v0  }
0x4bb: {  	[tilespmem:s12+$0xC930] =	vst v2  }
0x4bc: {  	s10 =	simm.s32 $0x0;
	[tilespmem:s12+$0x9730] =	vst v0;
	s12 =	sld [smem:$0x7DD]  }
0x4bd: {  	[hbm4b:s11+s10] =	stream.linear.scatter [tilespmem:s2], [sflag:$0x3], $0x1900, $0x38;
	[tilespmem:$0xFB00] =	vst v63  }
0x4be: {  	s13 =	sld [smem:$0x7E3]  }
0x4bf: {  	[hbm4b:s12+s10] =	stream.linear.scatter [tilespmem:s3], [sflag:$0x3], $0x1900, $0x38;
	[tilespmem:$0xFB00] =	vst v63  }
0x4c0: {  	s12 =	sld [smem:$0x7E4]  }
0x4c1: {  	[tilespmem:s10], [sflag:$0x1] =	stream.linear.gather [hbm4b:s13+s10], $0x1900, $0x38;
	[tilespmem:$0xFB00] =	vst v63  }
0x4c2: {  	s13 =	sld [smem:$0x7E5]  }
0x4c3: {  	[tilespmem:s26], [sflag:$0x1] =	stream.linear.gather [hbm4b:s12+s10], $0x1900, $0x38;
	[tilespmem:$0xFB00] =	vst v63  }
0x4c4: {  	_ = 	snop  }
0x4c5: {  	[tilespmem:s28], [sflag:$0x1] =	stream.linear.gather [hbm4b:s13+s10], $0x1900, $0x38;
	[tilespmem:$0xFB00] =	vst v63  }
0x4c6: {  	_ =	swait.ge [sflag:s4], $0x1900  }
0x4c7: {  	[sflag:s4] =	ssyncset.done $0x0  }
0x4c8: {  	[sflag:s4] =	ssyncadd.s32 $0xFFFFE700  }
0x4c9: {  	_ =	swait.ge [sflag:s4], $0x1900  }
0x4ca: {  	[sflag:s4] =	ssyncset.done $0x0  }
0x4cb: {  	[sflag:s4] =	ssyncadd.s32 $0xFFFFE700  }
0x4cc: {  	_ =	swait.ge [sflag:s4], $0x1900  }
0x4cd: {  	[sflag:s4] =	ssyncset.done $0x0  }
0x4ce: {  	[sflag:s4] =	ssyncadd.s32 $0xFFFFE700  }
0x4cf: {  	_ =	swait.ge [sflag:s8], $0x1900  }
0x4d0: {  	[sflag:s8] =	ssyncset.done $0x0  }
0x4d1: {  	[sflag:s8] =	ssyncadd.s32 $0xFFFFE700  }
0x4d2: {  	_ =	swait.ge [sflag:s8], $0x1900  }
0x4d3: {  	[sflag:s8] =	ssyncset.done $0x0  }
0x4d4: {  	s10 =	simm.s32 $0x0;
	[sflag:s8] =	ssyncadd.s32 $0xFFFFE700  }
0x4d5: {  	v0 =	vld [tilespmem:s10+$0x7D00];
	_ =	sdelay $0x4  }
0x4d6: {  	v0 =	vshll.u32 v0, $0x1  }
0x4d7: {  	v1 =	vor.u32 $0x1, v0  }
0x4d8: {  	v2 =	vld [tilespmem:s10+$0x7D10]  }
0x4d9: {  	v3 =	vld [tilespmem:s10+$0x1900]  }
0x4da: {  	v4 =	vld [tilespmem:s10+$0x4B00]  }
0x4db: {  	v0 =	vld.idx.msk [tilespmem:v0+s24+$0x0], $0xffff  }
0x4dc: {  	v1 =	vld.idx.msk [tilespmem:v1+s24+$0x0], $0xffff;
	_ =	sdelay $0x2  }
0x4dd: {  	v2 =	vshll.u32 v2, $0x1  }
0x4de: {  	v6 =	vor.u32 $0x1, v2;
	v0 =	vmul.f32 v3, v0  }
0x4df: {  	v5 =	vld [tilespmem:s10+$0x7D20];
	v1 =	vmul.f32 v4, v1  }
0x4e0: {  	v4 =	vld [tilespmem:s10+$0x4B10];
	[tilespmem:s10+$0xB000] =	vst v0  }
0x4e1: {  	v0 =	vld [tilespmem:s10+$0x1910];
	[tilespmem:s10+$0xE200] =	vst v1  }
0x4e2: {  	v1 =	vld.idx.msk [tilespmem:v2+s24+$0x0], $0xffff  }
0x4e3: {  	v2 =	vld.idx.msk [tilespmem:v6+s24+$0x0], $0xffff;
	_ =	sdelay $0x2  }
0x4e4: {  	v5 =	vshll.u32 v5, $0x1  }
0x4e5: {  	v0 =	vmul.f32 v0, v1  }
0x4e6: {  	v1 =	vmul.f32 v4, v2;
	v2 =	vor.u32 $0x1, v5  }
0x4e7: {  	v3 =	vld [tilespmem:s10+$0x7D30];
	[tilespmem:s10+$0xB010] =	vst v0  }
0x4e8: {  	[tilespmem:s10+$0xE210] =	vst v1;
	v0 =	vld [tilespmem:s10+$0x1920]  }
0x4e9: {  	v1 =	vld.idx.msk [tilespmem:v5+s24+$0x0], $0xffff  }
0x4ea: {  	v4 =	vld [tilespmem:s10+$0x4B20]  }
0x4eb: {  	v2 =	vld.idx.msk [tilespmem:v2+s24+$0x0], $0xffff;
	_ =	sdelay $0x1  }
0x4ec: {  	v5 =	vshll.u32 v3, $0x1  }
0x4ed: {  	v0 =	vmul.f32 v0, v1;
	v1 =	vor.u32 $0x1, v5;
	_ =	sdelay $0x1  }
0x4ee: {  	v3 =	vld [tilespmem:s10+$0x4B30];
	[tilespmem:s10+$0xB020] =	vst v0;
	v0 =	vmul.f32 v4, v2  }
0x4ef: {  	s12 =	simm.s32 $0x40;
	v4 =	vld [tilespmem:s10+$0x1930]  }
0x4f0: {  	v7 =	vld [tilespmem:s12+$0x7D00];
	[tilespmem:s10+$0xE220] =	vst v0  }
0x4f1: {  	v6 =	vld.idx.msk [tilespmem:v1+s24+$0x0], $0xffff  }
0x4f2: {  	v5 =	vld.idx.msk [tilespmem:v5+s24+$0x0], $0xffff  }
0x4f3: {  	v2 =	vld [tilespmem:s12+$0x7D10]  }
0x4f4: {  	v1 =	vld [tilespmem:s12+$0x7D20]  }
0x4f5: {  	s11 =	simm.s32 $0x200;
	v0 =	vld [tilespmem:s12+$0x7D30]  }
.LBB2_20:
0x4f6: {  	p0 =	sne.s32 s11, $0x6300;
	v7 =	vshll.u32 v7, $0x1;
	s13 =	smov.u32 s11;
	s11 =	sadd.s32 $0x100, s11  }
0x4f7: {  	v3 =	vmul.f32 v3, v6;
	v8 =	vor.u32 $0x1, v7  }
0x4f8: {  	v4 =	vmul.f32 v4, v5  }
0x4f9: {  	[tilespmem:s10+$0xE230] =	vst v3  }
0x4fa: {  	v3 =	vld [tilespmem:s12+$0x1900];
	[tilespmem:s10+$0xB030] =	vst v4;
	s10 =	smov.u32 s12  }
0x4fb: {  	v4 =	vld.idx.msk [tilespmem:v7+s24+$0x0], $0xffff  }
0x4fc: {  	v5 =	vld.idx.msk [tilespmem:v8+s24+$0x0], $0xffff  }
0x4fd: {  	v6 =	vld [tilespmem:s10+$0x4B00];
	_ =	sdelay $0x2  }
0x4fe: {  	v2 =	vshll.u32 v2, $0x1  }
0x4ff: {  	v3 =	vmul.f32 v3, v4;
	v4 =	vor.u32 $0x1, v2  }
0x500: {  	v5 =	vmul.f32 v6, v5  }
0x501: {  	[tilespmem:s10+$0xB000] =	vst v3  }
0x502: {  	[tilespmem:s10+$0xE200] =	vst v5;
	v3 =	vld [tilespmem:s10+$0x1910]  }
0x503: {  	v2 =	vld.idx.msk [tilespmem:v2+s24+$0x0], $0xffff  }
0x504: {  	v4 =	vld.idx.msk [tilespmem:v4+s24+$0x0], $0xffff  }
0x505: {  	v5 =	vld [tilespmem:s10+$0x4B10];
	_ =	sdelay $0x2  }
0x506: {  	v1 =	vshll.u32 v1, $0x1  }
0x507: {  	v2 =	vmul.f32 v3, v2;
	v3 =	vor.u32 $0x1, v1  }
0x508: {  	v4 =	vmul.f32 v5, v4  }
0x509: {  	[tilespmem:s10+$0xB010] =	vst v2  }
0x50a: {  	[tilespmem:s10+$0xE210] =	vst v4;
	v2 =	vld [tilespmem:s10+$0x1920]  }
0x50b: {  	v1 =	vld.idx.msk [tilespmem:v1+s24+$0x0], $0xffff  }
0x50c: {  	v3 =	vld.idx.msk [tilespmem:v3+s24+$0x0], $0xffff  }
0x50d: {  	v4 =	vld [tilespmem:s10+$0x4B20];
	_ =	sdelay $0x1  }
0x50e: {  	v0 =	vshll.u32 v0, $0x1  }
0x50f: {  	v5 =	vor.u32 $0x1, v0  }
0x510: {  	v1 =	vmul.f32 v2, v1  }
0x511: {  	v2 =	vmul.f32 v4, v3;
	v3 =	vld [tilespmem:s10+$0x4B30]  }
0x512: {  	s12 =	sshra.s32 s13, $0x2;
	[tilespmem:s10+$0xB020] =	vst v1;
	v4 =	vld [tilespmem:s10+$0x1930]  }
0x513: {  	v7 =	vld [tilespmem:s12+$0x7D00];
	[tilespmem:s10+$0xE220] =	vst v2  }
.Ltmp9:
0x514: {  	v6 =	vld.idx.msk [tilespmem:v5+s24+$0x0], $0xffff;
	(pc) =	sbr.rel @p0 .LBB2_20-.Ltmp9, $4  }
0x515: {  	v5 =	vld.idx.msk [tilespmem:v0+s24+$0x0], $0xffff  }
0x516: {  	v2 =	vld [tilespmem:s12+$0x7D10]  }
0x517: {  	v1 =	vld [tilespmem:s12+$0x7D20]  }
0x518: {  	v0 =	vld [tilespmem:s12+$0x7D30]  }
0x519: {  	v7 =	vshll.u32 v7, $0x1  }
0x51a: {  	v3 =	vmul.f32 v3, v6;
	v6 =	vor.u32 $0x1, v7  }
0x51b: {  	v4 =	vmul.f32 v4, v5  }
0x51c: {  	[tilespmem:s10+$0xE230] =	vst v3  }
0x51d: {  	v3 =	vld [tilespmem:s12+$0x1900];
	[tilespmem:s10+$0xB030] =	vst v4  }
0x51e: {  	v4 =	vld.idx.msk [tilespmem:v7+s24+$0x0], $0xffff  }
0x51f: {  	v5 =	vld.idx.msk [tilespmem:v6+s24+$0x0], $0xffff  }
0x520: {  	v6 =	vld [tilespmem:s12+$0x4B00];
	_ =	sdelay $0x2  }
0x521: {  	v2 =	vshll.u32 v2, $0x1  }
0x522: {  	v3 =	vmul.f32 v3, v4;
	v4 =	vor.u32 $0x1, v2  }
0x523: {  	v5 =	vmul.f32 v6, v5  }
0x524: {  	[tilespmem:s12+$0xB000] =	vst v3;
	v3 =	vld [tilespmem:s12+$0x1910]  }
0x525: {  	[tilespmem:s12+$0xE200] =	vst v5;
	v5 =	vld [tilespmem:s12+$0x4B10]  }
0x526: {  	v2 =	vld.idx.msk [tilespmem:v2+s24+$0x0], $0xffff  }
0x527: {  	v4 =	vld.idx.msk [tilespmem:v4+s24+$0x0], $0xffff;
	_ =	sdelay $0x2  }
0x528: {  	v1 =	vshll.u32 v1, $0x1  }
0x529: {  	v2 =	vmul.f32 v3, v2;
	v3 =	vor.u32 $0x1, v1  }
0x52a: {  	v4 =	vmul.f32 v5, v4  }
0x52b: {  	[tilespmem:s12+$0xB010] =	vst v2;
	v2 =	vld [tilespmem:s12+$0x1920]  }
0x52c: {  	[tilespmem:s12+$0xE210] =	vst v4;
	v4 =	vld [tilespmem:s12+$0x4B20]  }
0x52d: {  	v1 =	vld.idx.msk [tilespmem:v1+s24+$0x0], $0xffff  }
0x52e: {  	v3 =	vld.idx.msk [tilespmem:v3+s24+$0x0], $0xffff;
	_ =	sdelay $0x1  }
0x52f: {  	v0 =	vshll.u32 v0, $0x1  }
0x530: {  	v5 =	vor.u32 $0x1, v0  }
0x531: {  	v1 =	vmul.f32 v2, v1  }
0x532: {  	v3 =	vmul.f32 v4, v3  }
0x533: {  	v2 =	vld [tilespmem:s12+$0x4B30];
	[tilespmem:s12+$0xB020] =	vst v1  }
0x534: {  	v1 =	vld [tilespmem:s12+$0x1930];
	[tilespmem:s12+$0xE220] =	vst v3  }
0x535: {  	v3 =	vld.idx.msk [tilespmem:v5+s24+$0x0], $0xffff  }
0x536: {  	v0 =	vld.idx.msk [tilespmem:v0+s24+$0x0], $0xffff;
	_ =	sdelay $0x3  }
0x537: {  	v2 =	vmul.f32 v2, v3  }
0x538: {  	s11 =	sld [smem:$0x7E1];
	v0 =	vmul.f32 v1, v0  }
0x539: {  	[tilespmem:s12+$0xE230] =	vst v2  }
0x53a: {  	s10 =	simm.s32 $0x0;
	[tilespmem:s12+$0xB030] =	vst v0;
	s12 =	sld [smem:$0x7E2]  }
0x53b: {  	[hbm4b:s11+s10] =	stream.linear.scatter [tilespmem:s5], [sflag:$0x4], $0x1900, $0x38;
	[tilespmem:$0xFB00] =	vst v63  }
0x53c: {  	s13 =	sld [smem:$0x7E8]  }
0x53d: {  	[hbm4b:s12+s10] =	stream.linear.scatter [tilespmem:s6], [sflag:$0x4], $0x1900, $0x38;
	[tilespmem:$0xFB00] =	vst v63  }
0x53e: {  	s12 =	sld [smem:$0x7E9]  }
0x53f: {  	[tilespmem:s29], [sflag:$0x2] =	stream.linear.gather [hbm4b:s13+s10], $0x1900, $0x38;
	[tilespmem:$0xFB00] =	vst v63  }
0x540: {  	s13 =	sld [smem:$0x7EA]  }
0x541: {  	[tilespmem:s30], [sflag:$0x2] =	stream.linear.gather [hbm4b:s12+s10], $0x1900, $0x38;
	[tilespmem:$0xFB00] =	vst v63  }
0x542: {  	_ = 	snop  }
0x543: {  	[tilespmem:s31], [sflag:$0x2] =	stream.linear.gather [hbm4b:s13+s10], $0x1900, $0x38;
	[tilespmem:$0xFB00] =	vst v63  }
0x544: {  	_ =	swait.ge [sflag:s0], $0x1900  }
0x545: {  	[sflag:s0] =	ssyncset.done $0x0  }
0x546: {  	[sflag:s0] =	ssyncadd.s32 $0xFFFFE700  }
0x547: {  	_ =	swait.ge [sflag:s0], $0x1900  }
0x548: {  	[sflag:s0] =	ssyncset.done $0x0  }
0x549: {  	[sflag:s0] =	ssyncadd.s32 $0xFFFFE700  }
0x54a: {  	_ =	swait.ge [sflag:s0], $0x1900  }
0x54b: {  	[sflag:s0] =	ssyncset.done $0x0  }
0x54c: {  	[sflag:s0] =	ssyncadd.s32 $0xFFFFE700  }
0x54d: {  	_ =	swait.ge [sflag:s7], $0x1900  }
0x54e: {  	[sflag:s7] =	ssyncset.done $0x0  }
0x54f: {  	[sflag:s7] =	ssyncadd.s32 $0xFFFFE700  }
0x550: {  	_ =	swait.ge [sflag:s7], $0x1900  }
0x551: {  	[sflag:s7] =	ssyncset.done $0x0  }
0x552: {  	s10 =	simm.s32 $0x0;
	[sflag:s7] =	ssyncadd.s32 $0xFFFFE700  }
0x553: {  	v0 =	vld [tilespmem:s10+$0x6400];
	_ =	sdelay $0x4  }
0x554: {  	v0 =	vshll.u32 v0, $0x1  }
0x555: {  	v1 =	vor.u32 $0x1, v0  }
0x556: {  	v2 =	vld [tilespmem:s10+$0x6410]  }
0x557: {  	v3 =	vld [tilespmem:s10+$0x0]  }
0x558: {  	v4 =	vld [tilespmem:s10+$0x3200]  }
0x559: {  	v0 =	vld.idx.msk [tilespmem:v0+s24+$0x0], $0xffff  }
0x55a: {  	v1 =	vld.idx.msk [tilespmem:v1+s24+$0x0], $0xffff;
	_ =	sdelay $0x2  }
0x55b: {  	v2 =	vshll.u32 v2, $0x1  }
0x55c: {  	v6 =	vor.u32 $0x1, v2;
	v0 =	vmul.f32 v3, v0  }
0x55d: {  	v5 =	vld [tilespmem:s10+$0x6420];
	v1 =	vmul.f32 v4, v1  }
0x55e: {  	v4 =	vld [tilespmem:s10+$0x3210];
	[tilespmem:s10+$0x9700] =	vst v0  }
0x55f: {  	v0 =	vld [tilespmem:s10+$0x10];
	[tilespmem:s10+$0xC900] =	vst v1  }
0x560: {  	v1 =	vld.idx.msk [tilespmem:v2+s24+$0x0], $0xffff  }
0x561: {  	v2 =	vld.idx.msk [tilespmem:v6+s24+$0x0], $0xffff;
	_ =	sdelay $0x2  }
0x562: {  	v5 =	vshll.u32 v5, $0x1  }
0x563: {  	v0 =	vmul.f32 v0, v1  }
0x564: {  	v1 =	vmul.f32 v4, v2;
	v2 =	vor.u32 $0x1, v5  }
0x565: {  	v3 =	vld [tilespmem:s10+$0x6430];
	[tilespmem:s10+$0x9710] =	vst v0  }
0x566: {  	[tilespmem:s10+$0xC910] =	vst v1;
	v0 =	vld [tilespmem:s10+$0x20]  }
0x567: {  	v1 =	vld.idx.msk [tilespmem:v5+s24+$0x0], $0xffff  }
0x568: {  	v4 =	vld [tilespmem:s10+$0x3220]  }
0x569: {  	v2 =	vld.idx.msk [tilespmem:v2+s24+$0x0], $0xffff;
	_ =	sdelay $0x1  }
0x56a: {  	v5 =	vshll.u32 v3, $0x1  }
0x56b: {  	v0 =	vmul.f32 v0, v1;
	v1 =	vor.u32 $0x1, v5;
	_ =	sdelay $0x1  }
0x56c: {  	v3 =	vld [tilespmem:s10+$0x3230];
	[tilespmem:s10+$0x9720] =	vst v0;
	v0 =	vmul.f32 v4, v2  }
0x56d: {  	s12 =	simm.s32 $0x40;
	v4 =	vld [tilespmem:s10+$0x30]  }
0x56e: {  	v7 =	vld [tilespmem:s12+$0x6400];
	[tilespmem:s10+$0xC920] =	vst v0  }
0x56f: {  	v6 =	vld.idx.msk [tilespmem:v1+s24+$0x0], $0xffff  }
0x570: {  	v5 =	vld.idx.msk [tilespmem:v5+s24+$0x0], $0xffff  }
0x571: {  	v2 =	vld [tilespmem:s12+$0x6410]  }
0x572: {  	v1 =	vld [tilespmem:s12+$0x6420]  }
0x573: {  	s11 =	simm.s32 $0x200;
	v0 =	vld [tilespmem:s12+$0x6430]  }
.LBB2_22:
0x574: {  	p0 =	sne.s32 s11, $0x6300;
	v7 =	vshll.u32 v7, $0x1;
	s13 =	smov.u32 s11;
	s11 =	sadd.s32 $0x100, s11  }
0x575: {  	v3 =	vmul.f32 v3, v6;
	v8 =	vor.u32 $0x1, v7  }
0x576: {  	v4 =	vmul.f32 v4, v5  }
0x577: {  	[tilespmem:s10+$0xC930] =	vst v3  }
0x578: {  	v3 =	vld [tilespmem:s12+$0x0];
	[tilespmem:s10+$0x9730] =	vst v4;
	s10 =	smov.u32 s12  }
0x579: {  	v4 =	vld.idx.msk [tilespmem:v7+s24+$0x0], $0xffff  }
0x57a: {  	v5 =	vld.idx.msk [tilespmem:v8+s24+$0x0], $0xffff  }
0x57b: {  	v6 =	vld [tilespmem:s10+$0x3200];
	_ =	sdelay $0x2  }
0x57c: {  	v2 =	vshll.u32 v2, $0x1  }
0x57d: {  	v3 =	vmul.f32 v3, v4;
	v4 =	vor.u32 $0x1, v2  }
0x57e: {  	v5 =	vmul.f32 v6, v5  }
0x57f: {  	[tilespmem:s10+$0x9700] =	vst v3  }
0x580: {  	[tilespmem:s10+$0xC900] =	vst v5;
	v3 =	vld [tilespmem:s10+$0x10]  }
0x581: {  	v2 =	vld.idx.msk [tilespmem:v2+s24+$0x0], $0xffff  }
0x582: {  	v4 =	vld.idx.msk [tilespmem:v4+s24+$0x0], $0xffff  }
0x583: {  	v5 =	vld [tilespmem:s10+$0x3210];
	_ =	sdelay $0x2  }
0x584: {  	v1 =	vshll.u32 v1, $0x1  }
0x585: {  	v2 =	vmul.f32 v3, v2;
	v3 =	vor.u32 $0x1, v1  }
0x586: {  	v4 =	vmul.f32 v5, v4  }
0x587: {  	[tilespmem:s10+$0x9710] =	vst v2  }
0x588: {  	[tilespmem:s10+$0xC910] =	vst v4;
	v2 =	vld [tilespmem:s10+$0x20]  }
0x589: {  	v1 =	vld.idx.msk [tilespmem:v1+s24+$0x0], $0xffff  }
0x58a: {  	v3 =	vld.idx.msk [tilespmem:v3+s24+$0x0], $0xffff  }
0x58b: {  	v4 =	vld [tilespmem:s10+$0x3220];
	_ =	sdelay $0x1  }
0x58c: {  	v0 =	vshll.u32 v0, $0x1  }
0x58d: {  	v5 =	vor.u32 $0x1, v0  }
0x58e: {  	v1 =	vmul.f32 v2, v1  }
0x58f: {  	v2 =	vmul.f32 v4, v3;
	v3 =	vld [tilespmem:s10+$0x3230]  }
0x590: {  	s12 =	sshra.s32 s13, $0x2;
	[tilespmem:s10+$0x9720] =	vst v1;
	v4 =	vld [tilespmem:s10+$0x30]  }
0x591: {  	v7 =	vld [tilespmem:s12+$0x6400];
	[tilespmem:s10+$0xC920] =	vst v2  }
.Ltmp10:
0x592: {  	v6 =	vld.idx.msk [tilespmem:v5+s24+$0x0], $0xffff;
	(pc) =	sbr.rel @p0 .LBB2_22-.Ltmp10, $4  }
0x593: {  	v5 =	vld.idx.msk [tilespmem:v0+s24+$0x0], $0xffff  }
0x594: {  	v2 =	vld [tilespmem:s12+$0x6410]  }
0x595: {  	v1 =	vld [tilespmem:s12+$0x6420]  }
0x596: {  	v0 =	vld [tilespmem:s12+$0x6430]  }
0x597: {  	v7 =	vshll.u32 v7, $0x1  }
0x598: {  	v3 =	vmul.f32 v3, v6;
	v6 =	vor.u32 $0x1, v7  }
0x599: {  	v4 =	vmul.f32 v4, v5  }
0x59a: {  	[tilespmem:s10+$0xC930] =	vst v3  }
0x59b: {  	v3 =	vld [tilespmem:s12+$0x0];
	[tilespmem:s10+$0x9730] =	vst v4  }
0x59c: {  	v4 =	vld.idx.msk [tilespmem:v7+s24+$0x0], $0xffff  }
0x59d: {  	v5 =	vld.idx.msk [tilespmem:v6+s24+$0x0], $0xffff  }
0x59e: {  	v6 =	vld [tilespmem:s12+$0x3200];
	_ =	sdelay $0x2  }
0x59f: {  	v2 =	vshll.u32 v2, $0x1  }
0x5a0: {  	v3 =	vmul.f32 v3, v4;
	v4 =	vor.u32 $0x1, v2  }
0x5a1: {  	v5 =	vmul.f32 v6, v5  }
0x5a2: {  	[tilespmem:s12+$0x9700] =	vst v3;
	v3 =	vld [tilespmem:s12+$0x10]  }
0x5a3: {  	[tilespmem:s12+$0xC900] =	vst v5;
	v5 =	vld [tilespmem:s12+$0x3210]  }
0x5a4: {  	v2 =	vld.idx.msk [tilespmem:v2+s24+$0x0], $0xffff  }
0x5a5: {  	v4 =	vld.idx.msk [tilespmem:v4+s24+$0x0], $0xffff;
	_ =	sdelay $0x2  }
0x5a6: {  	v1 =	vshll.u32 v1, $0x1  }
0x5a7: {  	v2 =	vmul.f32 v3, v2;
	v3 =	vor.u32 $0x1, v1  }
0x5a8: {  	v4 =	vmul.f32 v5, v4  }
0x5a9: {  	[tilespmem:s12+$0x9710] =	vst v2;
	v2 =	vld [tilespmem:s12+$0x20]  }
0x5aa: {  	[tilespmem:s12+$0xC910] =	vst v4;
	v4 =	vld [tilespmem:s12+$0x3220]  }
0x5ab: {  	v1 =	vld.idx.msk [tilespmem:v1+s24+$0x0], $0xffff  }
0x5ac: {  	v3 =	vld.idx.msk [tilespmem:v3+s24+$0x0], $0xffff;
	_ =	sdelay $0x1  }
0x5ad: {  	v0 =	vshll.u32 v0, $0x1  }
0x5ae: {  	v5 =	vor.u32 $0x1, v0  }
0x5af: {  	v1 =	vmul.f32 v2, v1  }
0x5b0: {  	v3 =	vmul.f32 v4, v3  }
0x5b1: {  	v2 =	vld [tilespmem:s12+$0x3230];
	[tilespmem:s12+$0x9720] =	vst v1  }
0x5b2: {  	v1 =	vld [tilespmem:s12+$0x30];
	[tilespmem:s12+$0xC920] =	vst v3  }
0x5b3: {  	v3 =	vld.idx.msk [tilespmem:v5+s24+$0x0], $0xffff  }
0x5b4: {  	v0 =	vld.idx.msk [tilespmem:v0+s24+$0x0], $0xffff;
	_ =	sdelay $0x3  }
0x5b5: {  	v2 =	vmul.f32 v2, v3  }
0x5b6: {  	s11 =	sld [smem:$0x7E6];
	v0 =	vmul.f32 v1, v0  }
0x5b7: {  	[tilespmem:s12+$0xC930] =	vst v2  }
0x5b8: {  	s10 =	simm.s32 $0x0;
	[tilespmem:s12+$0x9730] =	vst v0;
	s12 =	sld [smem:$0x7E7]  }
0x5b9: {  	[hbm4b:s11+s10] =	stream.linear.scatter [tilespmem:s2], [sflag:$0x3], $0x1900, $0x38;
	[tilespmem:$0xFB00] =	vst v63  }
0x5ba: {  	s13 =	sld [smem:$0x7ED]  }
0x5bb: {  	[hbm4b:s12+s10] =	stream.linear.scatter [tilespmem:s3], [sflag:$0x3], $0x1900, $0x38;
	[tilespmem:$0xFB00] =	vst v63  }
0x5bc: {  	s12 =	sld [smem:$0x7EE]  }
0x5bd: {  	[tilespmem:s10], [sflag:$0x1] =	stream.linear.gather [hbm4b:s13+s10], $0x1900, $0x38;
	[tilespmem:$0xFB00] =	vst v63  }
0x5be: {  	s13 =	sld [smem:$0x7EF]  }
0x5bf: {  	[tilespmem:s26], [sflag:$0x1] =	stream.linear.gather [hbm4b:s12+s10], $0x1900, $0x38;
	[tilespmem:$0xFB00] =	vst v63  }
0x5c0: {  	_ = 	snop  }
0x5c1: {  	[tilespmem:s28], [sflag:$0x1] =	stream.linear.gather [hbm4b:s13+s10], $0x1900, $0x38;
	[tilespmem:$0xFB00] =	vst v63  }
0x5c2: {  	_ =	swait.ge [sflag:s4], $0x1900  }
0x5c3: {  	[sflag:s4] =	ssyncset.done $0x0  }
0x5c4: {  	[sflag:s4] =	ssyncadd.s32 $0xFFFFE700  }
0x5c5: {  	_ =	swait.ge [sflag:s4], $0x1900  }
0x5c6: {  	[sflag:s4] =	ssyncset.done $0x0  }
0x5c7: {  	[sflag:s4] =	ssyncadd.s32 $0xFFFFE700  }
0x5c8: {  	_ =	swait.ge [sflag:s4], $0x1900  }
0x5c9: {  	[sflag:s4] =	ssyncset.done $0x0  }
0x5ca: {  	[sflag:s4] =	ssyncadd.s32 $0xFFFFE700  }
0x5cb: {  	_ =	swait.ge [sflag:s8], $0x1900  }
0x5cc: {  	[sflag:s8] =	ssyncset.done $0x0  }
0x5cd: {  	[sflag:s8] =	ssyncadd.s32 $0xFFFFE700  }
0x5ce: {  	_ =	swait.ge [sflag:s8], $0x1900  }
0x5cf: {  	[sflag:s8] =	ssyncset.done $0x0  }
0x5d0: {  	s10 =	simm.s32 $0x0;
	[sflag:s8] =	ssyncadd.s32 $0xFFFFE700  }
0x5d1: {  	v0 =	vld [tilespmem:s10+$0x7D00];
	_ =	sdelay $0x4  }
0x5d2: {  	v0 =	vshll.u32 v0, $0x1  }
0x5d3: {  	v1 =	vor.u32 $0x1, v0  }
0x5d4: {  	v2 =	vld [tilespmem:s10+$0x7D10]  }
0x5d5: {  	v3 =	vld [tilespmem:s10+$0x1900]  }
0x5d6: {  	v4 =	vld [tilespmem:s10+$0x4B00]  }
0x5d7: {  	v0 =	vld.idx.msk [tilespmem:v0+s24+$0x0], $0xffff  }
0x5d8: {  	v1 =	vld.idx.msk [tilespmem:v1+s24+$0x0], $0xffff;
	_ =	sdelay $0x2  }
0x5d9: {  	v2 =	vshll.u32 v2, $0x1  }
0x5da: {  	v6 =	vor.u32 $0x1, v2;
	v0 =	vmul.f32 v3, v0  }
0x5db: {  	v5 =	vld [tilespmem:s10+$0x7D20];
	v1 =	vmul.f32 v4, v1  }
0x5dc: {  	v4 =	vld [tilespmem:s10+$0x4B10];
	[tilespmem:s10+$0xB000] =	vst v0  }
0x5dd: {  	v0 =	vld [tilespmem:s10+$0x1910];
	[tilespmem:s10+$0xE200] =	vst v1  }
0x5de: {  	v1 =	vld.idx.msk [tilespmem:v2+s24+$0x0], $0xffff  }
0x5df: {  	v2 =	vld.idx.msk [tilespmem:v6+s24+$0x0], $0xffff;
	_ =	sdelay $0x2  }
0x5e0: {  	v5 =	vshll.u32 v5, $0x1  }
0x5e1: {  	v0 =	vmul.f32 v0, v1  }
0x5e2: {  	v1 =	vmul.f32 v4, v2;
	v2 =	vor.u32 $0x1, v5  }
0x5e3: {  	v3 =	vld [tilespmem:s10+$0x7D30];
	[tilespmem:s10+$0xB010] =	vst v0  }
0x5e4: {  	[tilespmem:s10+$0xE210] =	vst v1;
	v0 =	vld [tilespmem:s10+$0x1920]  }
0x5e5: {  	v1 =	vld.idx.msk [tilespmem:v5+s24+$0x0], $0xffff  }
0x5e6: {  	v4 =	vld [tilespmem:s10+$0x4B20]  }
0x5e7: {  	v2 =	vld.idx.msk [tilespmem:v2+s24+$0x0], $0xffff;
	_ =	sdelay $0x1  }
0x5e8: {  	v5 =	vshll.u32 v3, $0x1  }
0x5e9: {  	v0 =	vmul.f32 v0, v1;
	v1 =	vor.u32 $0x1, v5;
	_ =	sdelay $0x1  }
0x5ea: {  	v3 =	vld [tilespmem:s10+$0x4B30];
	[tilespmem:s10+$0xB020] =	vst v0;
	v0 =	vmul.f32 v4, v2  }
0x5eb: {  	s12 =	simm.s32 $0x40;
	v4 =	vld [tilespmem:s10+$0x1930]  }
0x5ec: {  	v7 =	vld [tilespmem:s12+$0x7D00];
	[tilespmem:s10+$0xE220] =	vst v0  }
0x5ed: {  	v6 =	vld.idx.msk [tilespmem:v1+s24+$0x0], $0xffff  }
0x5ee: {  	v5 =	vld.idx.msk [tilespmem:v5+s24+$0x0], $0xffff  }
0x5ef: {  	v2 =	vld [tilespmem:s12+$0x7D10]  }
0x5f0: {  	v1 =	vld [tilespmem:s12+$0x7D20]  }
0x5f1: {  	s11 =	simm.s32 $0x200;
	v0 =	vld [tilespmem:s12+$0x7D30]  }
.LBB2_24:
0x5f2: {  	p0 =	sne.s32 s11, $0x6300;
	v7 =	vshll.u32 v7, $0x1;
	s13 =	smov.u32 s11;
	s11 =	sadd.s32 $0x100, s11  }
0x5f3: {  	v3 =	vmul.f32 v3, v6;
	v8 =	vor.u32 $0x1, v7  }
0x5f4: {  	v4 =	vmul.f32 v4, v5  }
0x5f5: {  	[tilespmem:s10+$0xE230] =	vst v3  }
0x5f6: {  	v3 =	vld [tilespmem:s12+$0x1900];
	[tilespmem:s10+$0xB030] =	vst v4;
	s10 =	smov.u32 s12  }
0x5f7: {  	v4 =	vld.idx.msk [tilespmem:v7+s24+$0x0], $0xffff  }
0x5f8: {  	v5 =	vld.idx.msk [tilespmem:v8+s24+$0x0], $0xffff  }
0x5f9: {  	v6 =	vld [tilespmem:s10+$0x4B00];
	_ =	sdelay $0x2  }
0x5fa: {  	v2 =	vshll.u32 v2, $0x1  }
0x5fb: {  	v3 =	vmul.f32 v3, v4;
	v4 =	vor.u32 $0x1, v2  }
0x5fc: {  	v5 =	vmul.f32 v6, v5  }
0x5fd: {  	[tilespmem:s10+$0xB000] =	vst v3  }
0x5fe: {  	[tilespmem:s10+$0xE200] =	vst v5;
	v3 =	vld [tilespmem:s10+$0x1910]  }
0x5ff: {  	v2 =	vld.idx.msk [tilespmem:v2+s24+$0x0], $0xffff  }
0x600: {  	v4 =	vld.idx.msk [tilespmem:v4+s24+$0x0], $0xffff  }
0x601: {  	v5 =	vld [tilespmem:s10+$0x4B10];
	_ =	sdelay $0x2  }
0x602: {  	v1 =	vshll.u32 v1, $0x1  }
0x603: {  	v2 =	vmul.f32 v3, v2;
	v3 =	vor.u32 $0x1, v1  }
0x604: {  	v4 =	vmul.f32 v5, v4  }
0x605: {  	[tilespmem:s10+$0xB010] =	vst v2  }
0x606: {  	[tilespmem:s10+$0xE210] =	vst v4;
	v2 =	vld [tilespmem:s10+$0x1920]  }
0x607: {  	v1 =	vld.idx.msk [tilespmem:v1+s24+$0x0], $0xffff  }
0x608: {  	v3 =	vld.idx.msk [tilespmem:v3+s24+$0x0], $0xffff  }
0x609: {  	v4 =	vld [tilespmem:s10+$0x4B20];
	_ =	sdelay $0x1  }
0x60a: {  	v0 =	vshll.u32 v0, $0x1  }
0x60b: {  	v5 =	vor.u32 $0x1, v0  }
0x60c: {  	v1 =	vmul.f32 v2, v1  }
0x60d: {  	v2 =	vmul.f32 v4, v3;
	v3 =	vld [tilespmem:s10+$0x4B30]  }
0x60e: {  	s12 =	sshra.s32 s13, $0x2;
	[tilespmem:s10+$0xB020] =	vst v1;
	v4 =	vld [tilespmem:s10+$0x1930]  }
0x60f: {  	v7 =	vld [tilespmem:s12+$0x7D00];
	[tilespmem:s10+$0xE220] =	vst v2  }
.Ltmp11:
0x610: {  	v6 =	vld.idx.msk [tilespmem:v5+s24+$0x0], $0xffff;
	(pc) =	sbr.rel @p0 .LBB2_24-.Ltmp11, $4  }
0x611: {  	v5 =	vld.idx.msk [tilespmem:v0+s24+$0x0], $0xffff  }
0x612: {  	v2 =	vld [tilespmem:s12+$0x7D10]  }
0x613: {  	v1 =	vld [tilespmem:s12+$0x7D20]  }
0x614: {  	v0 =	vld [tilespmem:s12+$0x7D30]  }
0x615: {  	v7 =	vshll.u32 v7, $0x1  }
0x616: {  	v3 =	vmul.f32 v3, v6;
	v6 =	vor.u32 $0x1, v7  }
0x617: {  	v4 =	vmul.f32 v4, v5  }
0x618: {  	[tilespmem:s10+$0xE230] =	vst v3  }
0x619: {  	v3 =	vld [tilespmem:s12+$0x1900];
	[tilespmem:s10+$0xB030] =	vst v4  }
0x61a: {  	v4 =	vld.idx.msk [tilespmem:v7+s24+$0x0], $0xffff  }
0x61b: {  	v5 =	vld.idx.msk [tilespmem:v6+s24+$0x0], $0xffff  }
0x61c: {  	v6 =	vld [tilespmem:s12+$0x4B00];
	_ =	sdelay $0x2  }
0x61d: {  	v2 =	vshll.u32 v2, $0x1  }
0x61e: {  	v3 =	vmul.f32 v3, v4;
	v4 =	vor.u32 $0x1, v2  }
0x61f: {  	v5 =	vmul.f32 v6, v5  }
0x620: {  	[tilespmem:s12+$0xB000] =	vst v3;
	v3 =	vld [tilespmem:s12+$0x1910]  }
0x621: {  	[tilespmem:s12+$0xE200] =	vst v5;
	v5 =	vld [tilespmem:s12+$0x4B10]  }
0x622: {  	v2 =	vld.idx.msk [tilespmem:v2+s24+$0x0], $0xffff  }
0x623: {  	v4 =	vld.idx.msk [tilespmem:v4+s24+$0x0], $0xffff;
	_ =	sdelay $0x2  }
0x624: {  	v1 =	vshll.u32 v1, $0x1  }
0x625: {  	v2 =	vmul.f32 v3, v2;
	v3 =	vor.u32 $0x1, v1  }
0x626: {  	v4 =	vmul.f32 v5, v4  }
0x627: {  	[tilespmem:s12+$0xB010] =	vst v2;
	v2 =	vld [tilespmem:s12+$0x1920]  }
0x628: {  	[tilespmem:s12+$0xE210] =	vst v4;
	v4 =	vld [tilespmem:s12+$0x4B20]  }
0x629: {  	v1 =	vld.idx.msk [tilespmem:v1+s24+$0x0], $0xffff  }
0x62a: {  	v3 =	vld.idx.msk [tilespmem:v3+s24+$0x0], $0xffff;
	_ =	sdelay $0x1  }
0x62b: {  	v0 =	vshll.u32 v0, $0x1  }
0x62c: {  	v5 =	vor.u32 $0x1, v0  }
0x62d: {  	v1 =	vmul.f32 v2, v1  }
0x62e: {  	v3 =	vmul.f32 v4, v3  }
0x62f: {  	v2 =	vld [tilespmem:s12+$0x4B30];
	[tilespmem:s12+$0xB020] =	vst v1  }
0x630: {  	v1 =	vld [tilespmem:s12+$0x1930];
	[tilespmem:s12+$0xE220] =	vst v3  }
0x631: {  	v3 =	vld.idx.msk [tilespmem:v5+s24+$0x0], $0xffff  }
0x632: {  	v0 =	vld.idx.msk [tilespmem:v0+s24+$0x0], $0xffff;
	_ =	sdelay $0x3  }
0x633: {  	v2 =	vmul.f32 v2, v3  }
0x634: {  	s11 =	sld [smem:$0x7EB];
	v0 =	vmul.f32 v1, v0  }
0x635: {  	[tilespmem:s12+$0xE230] =	vst v2  }
0x636: {  	s10 =	simm.s32 $0x0;
	[tilespmem:s12+$0xB030] =	vst v0;
	s12 =	sld [smem:$0x7EC]  }
0x637: {  	[hbm4b:s11+s10] =	stream.linear.scatter [tilespmem:s5], [sflag:$0x4], $0x1900, $0x38;
	[tilespmem:$0xFB00] =	vst v63  }
0x638: {  	s13 =	sld [smem:$0x7F2]  }
0x639: {  	[hbm4b:s12+s10] =	stream.linear.scatter [tilespmem:s6], [sflag:$0x4], $0x1900, $0x38;
	[tilespmem:$0xFB00] =	vst v63  }
0x63a: {  	s12 =	sld [smem:$0x7F3]  }
0x63b: {  	[tilespmem:s29], [sflag:$0x2] =	stream.linear.gather [hbm4b:s13+s10], $0x1900, $0x38;
	[tilespmem:$0xFB00] =	vst v63  }
0x63c: {  	s13 =	sld [smem:$0x7F4]  }
0x63d: {  	[tilespmem:s30], [sflag:$0x2] =	stream.linear.gather [hbm4b:s12+s10], $0x1900, $0x38;
	[tilespmem:$0xFB00] =	vst v63  }
0x63e: {  	_ = 	snop  }
0x63f: {  	[tilespmem:s31], [sflag:$0x2] =	stream.linear.gather [hbm4b:s13+s10], $0x1900, $0x38;
	[tilespmem:$0xFB00] =	vst v63  }
0x640: {  	_ =	swait.ge [sflag:s0], $0x1900  }
0x641: {  	[sflag:s0] =	ssyncset.done $0x0  }
0x642: {  	[sflag:s0] =	ssyncadd.s32 $0xFFFFE700  }
0x643: {  	_ =	swait.ge [sflag:s0], $0x1900  }
0x644: {  	[sflag:s0] =	ssyncset.done $0x0  }
0x645: {  	[sflag:s0] =	ssyncadd.s32 $0xFFFFE700  }
0x646: {  	_ =	swait.ge [sflag:s0], $0x1900  }
0x647: {  	[sflag:s0] =	ssyncset.done $0x0  }
0x648: {  	[sflag:s0] =	ssyncadd.s32 $0xFFFFE700  }
0x649: {  	_ =	swait.ge [sflag:s7], $0x1900  }
0x64a: {  	[sflag:s7] =	ssyncset.done $0x0  }
0x64b: {  	[sflag:s7] =	ssyncadd.s32 $0xFFFFE700  }
0x64c: {  	_ =	swait.ge [sflag:s7], $0x1900  }
0x64d: {  	[sflag:s7] =	ssyncset.done $0x0  }
0x64e: {  	s10 =	simm.s32 $0x0;
	[sflag:s7] =	ssyncadd.s32 $0xFFFFE700  }
0x64f: {  	v0 =	vld [tilespmem:s10+$0x6400];
	_ =	sdelay $0x4  }
0x650: {  	v0 =	vshll.u32 v0, $0x1  }
0x651: {  	v1 =	vor.u32 $0x1, v0  }
0x652: {  	v2 =	vld [tilespmem:s10+$0x6410]  }
0x653: {  	v3 =	vld [tilespmem:s10+$0x0]  }
0x654: {  	v4 =	vld [tilespmem:s10+$0x3200]  }
0x655: {  	v0 =	vld.idx.msk [tilespmem:v0+s24+$0x0], $0xffff  }
0x656: {  	v1 =	vld.idx.msk [tilespmem:v1+s24+$0x0], $0xffff;
	_ =	sdelay $0x2  }
0x657: {  	v2 =	vshll.u32 v2, $0x1  }
0x658: {  	v6 =	vor.u32 $0x1, v2;
	v0 =	vmul.f32 v3, v0  }
0x659: {  	v5 =	vld [tilespmem:s10+$0x6420];
	v1 =	vmul.f32 v4, v1  }
0x65a: {  	v4 =	vld [tilespmem:s10+$0x3210];
	[tilespmem:s10+$0x9700] =	vst v0  }
0x65b: {  	v0 =	vld [tilespmem:s10+$0x10];
	[tilespmem:s10+$0xC900] =	vst v1  }
0x65c: {  	v1 =	vld.idx.msk [tilespmem:v2+s24+$0x0], $0xffff  }
0x65d: {  	v2 =	vld.idx.msk [tilespmem:v6+s24+$0x0], $0xffff;
	_ =	sdelay $0x2  }
0x65e: {  	v5 =	vshll.u32 v5, $0x1  }
0x65f: {  	v0 =	vmul.f32 v0, v1  }
0x660: {  	v1 =	vmul.f32 v4, v2;
	v2 =	vor.u32 $0x1, v5  }
0x661: {  	v3 =	vld [tilespmem:s10+$0x6430];
	[tilespmem:s10+$0x9710] =	vst v0  }
0x662: {  	[tilespmem:s10+$0xC910] =	vst v1;
	v0 =	vld [tilespmem:s10+$0x20]  }
0x663: {  	v1 =	vld.idx.msk [tilespmem:v5+s24+$0x0], $0xffff  }
0x664: {  	v4 =	vld [tilespmem:s10+$0x3220]  }
0x665: {  	v2 =	vld.idx.msk [tilespmem:v2+s24+$0x0], $0xffff;
	_ =	sdelay $0x1  }
0x666: {  	v5 =	vshll.u32 v3, $0x1  }
0x667: {  	v0 =	vmul.f32 v0, v1;
	v1 =	vor.u32 $0x1, v5;
	_ =	sdelay $0x1  }
0x668: {  	v3 =	vld [tilespmem:s10+$0x3230];
	[tilespmem:s10+$0x9720] =	vst v0;
	v0 =	vmul.f32 v4, v2  }
0x669: {  	s12 =	simm.s32 $0x40;
	v4 =	vld [tilespmem:s10+$0x30]  }
0x66a: {  	v7 =	vld [tilespmem:s12+$0x6400];
	[tilespmem:s10+$0xC920] =	vst v0  }
0x66b: {  	v6 =	vld.idx.msk [tilespmem:v1+s24+$0x0], $0xffff  }
0x66c: {  	v5 =	vld.idx.msk [tilespmem:v5+s24+$0x0], $0xffff  }
0x66d: {  	v2 =	vld [tilespmem:s12+$0x6410]  }
0x66e: {  	v1 =	vld [tilespmem:s12+$0x6420]  }
0x66f: {  	s11 =	simm.s32 $0x200;
	v0 =	vld [tilespmem:s12+$0x6430]  }
.LBB2_26:
0x670: {  	p0 =	sne.s32 s11, $0x6300;
	v7 =	vshll.u32 v7, $0x1;
	s13 =	smov.u32 s11;
	s11 =	sadd.s32 $0x100, s11  }
0x671: {  	v3 =	vmul.f32 v3, v6;
	v8 =	vor.u32 $0x1, v7  }
0x672: {  	v4 =	vmul.f32 v4, v5  }
0x673: {  	[tilespmem:s10+$0xC930] =	vst v3  }
0x674: {  	v3 =	vld [tilespmem:s12+$0x0];
	[tilespmem:s10+$0x9730] =	vst v4;
	s10 =	smov.u32 s12  }
0x675: {  	v4 =	vld.idx.msk [tilespmem:v7+s24+$0x0], $0xffff  }
0x676: {  	v5 =	vld.idx.msk [tilespmem:v8+s24+$0x0], $0xffff  }
0x677: {  	v6 =	vld [tilespmem:s10+$0x3200];
	_ =	sdelay $0x2  }
0x678: {  	v2 =	vshll.u32 v2, $0x1  }
0x679: {  	v3 =	vmul.f32 v3, v4;
	v4 =	vor.u32 $0x1, v2  }
0x67a: {  	v5 =	vmul.f32 v6, v5  }
0x67b: {  	[tilespmem:s10+$0x9700] =	vst v3  }
0x67c: {  	[tilespmem:s10+$0xC900] =	vst v5;
	v3 =	vld [tilespmem:s10+$0x10]  }
0x67d: {  	v2 =	vld.idx.msk [tilespmem:v2+s24+$0x0], $0xffff  }
0x67e: {  	v4 =	vld.idx.msk [tilespmem:v4+s24+$0x0], $0xffff  }
0x67f: {  	v5 =	vld [tilespmem:s10+$0x3210];
	_ =	sdelay $0x2  }
0x680: {  	v1 =	vshll.u32 v1, $0x1  }
0x681: {  	v2 =	vmul.f32 v3, v2;
	v3 =	vor.u32 $0x1, v1  }
0x682: {  	v4 =	vmul.f32 v5, v4  }
0x683: {  	[tilespmem:s10+$0x9710] =	vst v2  }
0x684: {  	[tilespmem:s10+$0xC910] =	vst v4;
	v2 =	vld [tilespmem:s10+$0x20]  }
0x685: {  	v1 =	vld.idx.msk [tilespmem:v1+s24+$0x0], $0xffff  }
0x686: {  	v3 =	vld.idx.msk [tilespmem:v3+s24+$0x0], $0xffff  }
0x687: {  	v4 =	vld [tilespmem:s10+$0x3220];
	_ =	sdelay $0x1  }
0x688: {  	v0 =	vshll.u32 v0, $0x1  }
0x689: {  	v5 =	vor.u32 $0x1, v0  }
0x68a: {  	v1 =	vmul.f32 v2, v1  }
0x68b: {  	v2 =	vmul.f32 v4, v3;
	v3 =	vld [tilespmem:s10+$0x3230]  }
0x68c: {  	s12 =	sshra.s32 s13, $0x2;
	[tilespmem:s10+$0x9720] =	vst v1;
	v4 =	vld [tilespmem:s10+$0x30]  }
0x68d: {  	v7 =	vld [tilespmem:s12+$0x6400];
	[tilespmem:s10+$0xC920] =	vst v2  }
.Ltmp12:
0x68e: {  	v6 =	vld.idx.msk [tilespmem:v5+s24+$0x0], $0xffff;
	(pc) =	sbr.rel @p0 .LBB2_26-.Ltmp12, $4  }
0x68f: {  	v5 =	vld.idx.msk [tilespmem:v0+s24+$0x0], $0xffff  }
0x690: {  	v2 =	vld [tilespmem:s12+$0x6410]  }
0x691: {  	v1 =	vld [tilespmem:s12+$0x6420]  }
0x692: {  	v0 =	vld [tilespmem:s12+$0x6430]  }
0x693: {  	v7 =	vshll.u32 v7, $0x1  }
0x694: {  	v3 =	vmul.f32 v3, v6;
	v6 =	vor.u32 $0x1, v7  }
0x695: {  	v4 =	vmul.f32 v4, v5  }
0x696: {  	[tilespmem:s10+$0xC930] =	vst v3  }
0x697: {  	v3 =	vld [tilespmem:s12+$0x0];
	[tilespmem:s10+$0x9730] =	vst v4  }
0x698: {  	v4 =	vld.idx.msk [tilespmem:v7+s24+$0x0], $0xffff  }
0x699: {  	v5 =	vld.idx.msk [tilespmem:v6+s24+$0x0], $0xffff  }
0x69a: {  	v6 =	vld [tilespmem:s12+$0x3200];
	_ =	sdelay $0x2  }
0x69b: {  	v2 =	vshll.u32 v2, $0x1  }
0x69c: {  	v3 =	vmul.f32 v3, v4;
	v4 =	vor.u32 $0x1, v2  }
0x69d: {  	v5 =	vmul.f32 v6, v5  }
0x69e: {  	[tilespmem:s12+$0x9700] =	vst v3;
	v3 =	vld [tilespmem:s12+$0x10]  }
0x69f: {  	[tilespmem:s12+$0xC900] =	vst v5;
	v5 =	vld [tilespmem:s12+$0x3210]  }
0x6a0: {  	v2 =	vld.idx.msk [tilespmem:v2+s24+$0x0], $0xffff  }
0x6a1: {  	v4 =	vld.idx.msk [tilespmem:v4+s24+$0x0], $0xffff;
	_ =	sdelay $0x2  }
0x6a2: {  	v1 =	vshll.u32 v1, $0x1  }
0x6a3: {  	v2 =	vmul.f32 v3, v2;
	v3 =	vor.u32 $0x1, v1  }
0x6a4: {  	v4 =	vmul.f32 v5, v4  }
0x6a5: {  	[tilespmem:s12+$0x9710] =	vst v2;
	v2 =	vld [tilespmem:s12+$0x20]  }
0x6a6: {  	[tilespmem:s12+$0xC910] =	vst v4;
	v4 =	vld [tilespmem:s12+$0x3220]  }
0x6a7: {  	v1 =	vld.idx.msk [tilespmem:v1+s24+$0x0], $0xffff  }
0x6a8: {  	v3 =	vld.idx.msk [tilespmem:v3+s24+$0x0], $0xffff;
	_ =	sdelay $0x1  }
0x6a9: {  	v0 =	vshll.u32 v0, $0x1  }
0x6aa: {  	v5 =	vor.u32 $0x1, v0  }
0x6ab: {  	v1 =	vmul.f32 v2, v1  }
0x6ac: {  	v3 =	vmul.f32 v4, v3  }
0x6ad: {  	v2 =	vld [tilespmem:s12+$0x3230];
	[tilespmem:s12+$0x9720] =	vst v1  }
0x6ae: {  	v1 =	vld [tilespmem:s12+$0x30];
	[tilespmem:s12+$0xC920] =	vst v3  }
0x6af: {  	v3 =	vld.idx.msk [tilespmem:v5+s24+$0x0], $0xffff  }
0x6b0: {  	v0 =	vld.idx.msk [tilespmem:v0+s24+$0x0], $0xffff;
	_ =	sdelay $0x3  }
0x6b1: {  	v2 =	vmul.f32 v2, v3  }
0x6b2: {  	s11 =	sld [smem:$0x7F0];
	v0 =	vmul.f32 v1, v0  }
0x6b3: {  	[tilespmem:s12+$0xC930] =	vst v2  }
0x6b4: {  	s10 =	simm.s32 $0x0;
	[tilespmem:s12+$0x9730] =	vst v0;
	s12 =	sld [smem:$0x7F1]  }
0x6b5: {  	[hbm4b:s11+s10] =	stream.linear.scatter [tilespmem:s2], [sflag:$0x3], $0x1900, $0x38;
	[tilespmem:$0xFB00] =	vst v63  }
0x6b6: {  	s13 =	sld [smem:$0x7FC]  }
0x6b7: {  	[hbm4b:s12+s10] =	stream.linear.scatter [tilespmem:s3], [sflag:$0x3], $0x1900, $0x38;
	[tilespmem:$0xFB00] =	vst v63  }
0x6b8: {  	_ = 	snop  }
0x6b9: {  	[tilespmem:s10], [sflag:$0x1] =	stream.linear.gather [hbm4b:s13+s10], $0x1900, $0x38;
	[tilespmem:$0xFB00] =	vst v63  }
0x6ba: {  	_ = 	snop  }
0x6bb: {  	[tilespmem:s26], [sflag:$0x1] =	stream.linear.gather [hbm4b:s14+s10], $0x1900, $0x38;
	[tilespmem:$0xFB00] =	vst v63  }
0x6bc: {  	_ = 	snop  }
0x6bd: {  	[tilespmem:s28], [sflag:$0x1] =	stream.linear.gather [hbm4b:s16+s10], $0x1900, $0x38;
	[tilespmem:$0xFB00] =	vst v63  }
0x6be: {  	_ =	swait.ge [sflag:s4], $0x1900  }
0x6bf: {  	[sflag:s4] =	ssyncset.done $0x0  }
0x6c0: {  	[sflag:s4] =	ssyncadd.s32 $0xFFFFE700  }
0x6c1: {  	_ =	swait.ge [sflag:s4], $0x1900  }
0x6c2: {  	[sflag:s4] =	ssyncset.done $0x0  }
0x6c3: {  	[sflag:s4] =	ssyncadd.s32 $0xFFFFE700  }
0x6c4: {  	_ =	swait.ge [sflag:s4], $0x1900  }
0x6c5: {  	[sflag:s4] =	ssyncset.done $0x0  }
0x6c6: {  	[sflag:s4] =	ssyncadd.s32 $0xFFFFE700  }
0x6c7: {  	_ =	swait.ge [sflag:s8], $0x1900  }
0x6c8: {  	[sflag:s8] =	ssyncset.done $0x0  }
0x6c9: {  	[sflag:s8] =	ssyncadd.s32 $0xFFFFE700  }
0x6ca: {  	_ =	swait.ge [sflag:s8], $0x1900  }
0x6cb: {  	[sflag:s8] =	ssyncset.done $0x0  }
0x6cc: {  	s10 =	simm.s32 $0x0;
	[sflag:s8] =	ssyncadd.s32 $0xFFFFE700  }
0x6cd: {  	v0 =	vld [tilespmem:s10+$0x7D00];
	_ =	sdelay $0x4  }
0x6ce: {  	v0 =	vshll.u32 v0, $0x1  }
0x6cf: {  	v1 =	vor.u32 $0x1, v0  }
0x6d0: {  	v2 =	vld [tilespmem:s10+$0x7D10]  }
0x6d1: {  	v3 =	vld [tilespmem:s10+$0x1900]  }
0x6d2: {  	v4 =	vld [tilespmem:s10+$0x4B00]  }
0x6d3: {  	v0 =	vld.idx.msk [tilespmem:v0+s24+$0x0], $0xffff  }
0x6d4: {  	v1 =	vld.idx.msk [tilespmem:v1+s24+$0x0], $0xffff;
	_ =	sdelay $0x2  }
0x6d5: {  	v2 =	vshll.u32 v2, $0x1  }
0x6d6: {  	v6 =	vor.u32 $0x1, v2;
	v0 =	vmul.f32 v3, v0  }
0x6d7: {  	v5 =	vld [tilespmem:s10+$0x7D20];
	v1 =	vmul.f32 v4, v1  }
0x6d8: {  	v4 =	vld [tilespmem:s10+$0x4B10];
	[tilespmem:s10+$0xB000] =	vst v0  }
0x6d9: {  	v0 =	vld [tilespmem:s10+$0x1910];
	[tilespmem:s10+$0xE200] =	vst v1  }
0x6da: {  	v1 =	vld.idx.msk [tilespmem:v2+s24+$0x0], $0xffff  }
0x6db: {  	v2 =	vld.idx.msk [tilespmem:v6+s24+$0x0], $0xffff;
	_ =	sdelay $0x2  }
0x6dc: {  	v5 =	vshll.u32 v5, $0x1  }
0x6dd: {  	v0 =	vmul.f32 v0, v1  }
0x6de: {  	v1 =	vmul.f32 v4, v2;
	v2 =	vor.u32 $0x1, v5  }
0x6df: {  	v3 =	vld [tilespmem:s10+$0x7D30];
	[tilespmem:s10+$0xB010] =	vst v0  }
0x6e0: {  	[tilespmem:s10+$0xE210] =	vst v1;
	v0 =	vld [tilespmem:s10+$0x1920]  }
0x6e1: {  	v1 =	vld.idx.msk [tilespmem:v5+s24+$0x0], $0xffff  }
0x6e2: {  	v4 =	vld [tilespmem:s10+$0x4B20]  }
0x6e3: {  	v2 =	vld.idx.msk [tilespmem:v2+s24+$0x0], $0xffff;
	_ =	sdelay $0x1  }
0x6e4: {  	v5 =	vshll.u32 v3, $0x1  }
0x6e5: {  	v0 =	vmul.f32 v0, v1;
	v1 =	vor.u32 $0x1, v5;
	_ =	sdelay $0x1  }
0x6e6: {  	v3 =	vld [tilespmem:s10+$0x4B30];
	[tilespmem:s10+$0xB020] =	vst v0;
	v0 =	vmul.f32 v4, v2  }
0x6e7: {  	s12 =	simm.s32 $0x40;
	v4 =	vld [tilespmem:s10+$0x1930]  }
0x6e8: {  	v7 =	vld [tilespmem:s12+$0x7D00];
	[tilespmem:s10+$0xE220] =	vst v0  }
0x6e9: {  	v6 =	vld.idx.msk [tilespmem:v1+s24+$0x0], $0xffff  }
0x6ea: {  	v5 =	vld.idx.msk [tilespmem:v5+s24+$0x0], $0xffff  }
0x6eb: {  	v2 =	vld [tilespmem:s12+$0x7D10]  }
0x6ec: {  	v1 =	vld [tilespmem:s12+$0x7D20]  }
0x6ed: {  	s11 =	simm.s32 $0x200;
	v0 =	vld [tilespmem:s12+$0x7D30]  }
.LBB2_28:
0x6ee: {  	p0 =	sne.s32 s11, $0x6300;
	v7 =	vshll.u32 v7, $0x1;
	s13 =	smov.u32 s11;
	s11 =	sadd.s32 $0x100, s11  }
0x6ef: {  	v3 =	vmul.f32 v3, v6;
	v8 =	vor.u32 $0x1, v7  }
0x6f0: {  	v4 =	vmul.f32 v4, v5  }
0x6f1: {  	[tilespmem:s10+$0xE230] =	vst v3  }
0x6f2: {  	v3 =	vld [tilespmem:s12+$0x1900];
	[tilespmem:s10+$0xB030] =	vst v4;
	s10 =	smov.u32 s12  }
0x6f3: {  	v4 =	vld.idx.msk [tilespmem:v7+s24+$0x0], $0xffff  }
0x6f4: {  	v5 =	vld.idx.msk [tilespmem:v8+s24+$0x0], $0xffff  }
0x6f5: {  	v6 =	vld [tilespmem:s10+$0x4B00];
	_ =	sdelay $0x2  }
0x6f6: {  	v2 =	vshll.u32 v2, $0x1  }
0x6f7: {  	v3 =	vmul.f32 v3, v4;
	v4 =	vor.u32 $0x1, v2  }
0x6f8: {  	v5 =	vmul.f32 v6, v5  }
0x6f9: {  	[tilespmem:s10+$0xB000] =	vst v3  }
0x6fa: {  	[tilespmem:s10+$0xE200] =	vst v5;
	v3 =	vld [tilespmem:s10+$0x1910]  }
0x6fb: {  	v2 =	vld.idx.msk [tilespmem:v2+s24+$0x0], $0xffff  }
0x6fc: {  	v4 =	vld.idx.msk [tilespmem:v4+s24+$0x0], $0xffff  }
0x6fd: {  	v5 =	vld [tilespmem:s10+$0x4B10];
	_ =	sdelay $0x2  }
0x6fe: {  	v1 =	vshll.u32 v1, $0x1  }
0x6ff: {  	v2 =	vmul.f32 v3, v2;
	v3 =	vor.u32 $0x1, v1  }
0x700: {  	v4 =	vmul.f32 v5, v4  }
0x701: {  	[tilespmem:s10+$0xB010] =	vst v2  }
0x702: {  	[tilespmem:s10+$0xE210] =	vst v4;
	v2 =	vld [tilespmem:s10+$0x1920]  }
0x703: {  	v1 =	vld.idx.msk [tilespmem:v1+s24+$0x0], $0xffff  }
0x704: {  	v3 =	vld.idx.msk [tilespmem:v3+s24+$0x0], $0xffff  }
0x705: {  	v4 =	vld [tilespmem:s10+$0x4B20];
	_ =	sdelay $0x1  }
0x706: {  	v0 =	vshll.u32 v0, $0x1  }
0x707: {  	v5 =	vor.u32 $0x1, v0  }
0x708: {  	v1 =	vmul.f32 v2, v1  }
0x709: {  	v2 =	vmul.f32 v4, v3;
	v3 =	vld [tilespmem:s10+$0x4B30]  }
0x70a: {  	s12 =	sshra.s32 s13, $0x2;
	[tilespmem:s10+$0xB020] =	vst v1;
	v4 =	vld [tilespmem:s10+$0x1930]  }
0x70b: {  	v7 =	vld [tilespmem:s12+$0x7D00];
	[tilespmem:s10+$0xE220] =	vst v2  }
.Ltmp13:
0x70c: {  	v6 =	vld.idx.msk [tilespmem:v5+s24+$0x0], $0xffff;
	(pc) =	sbr.rel @p0 .LBB2_28-.Ltmp13, $4  }
0x70d: {  	v5 =	vld.idx.msk [tilespmem:v0+s24+$0x0], $0xffff  }
0x70e: {  	v2 =	vld [tilespmem:s12+$0x7D10]  }
0x70f: {  	v1 =	vld [tilespmem:s12+$0x7D20]  }
0x710: {  	v0 =	vld [tilespmem:s12+$0x7D30]  }
0x711: {  	v7 =	vshll.u32 v7, $0x1  }
0x712: {  	v3 =	vmul.f32 v3, v6;
	v6 =	vor.u32 $0x1, v7  }
0x713: {  	v4 =	vmul.f32 v4, v5  }
0x714: {  	[tilespmem:s10+$0xE230] =	vst v3  }
0x715: {  	v3 =	vld [tilespmem:s12+$0x1900];
	[tilespmem:s10+$0xB030] =	vst v4  }
0x716: {  	v4 =	vld.idx.msk [tilespmem:v7+s24+$0x0], $0xffff  }
0x717: {  	v5 =	vld.idx.msk [tilespmem:v6+s24+$0x0], $0xffff  }
0x718: {  	v6 =	vld [tilespmem:s12+$0x4B00];
	_ =	sdelay $0x2  }
0x719: {  	v2 =	vshll.u32 v2, $0x1  }
0x71a: {  	v3 =	vmul.f32 v3, v4;
	v4 =	vor.u32 $0x1, v2  }
0x71b: {  	v5 =	vmul.f32 v6, v5  }
0x71c: {  	[tilespmem:s12+$0xB000] =	vst v3;
	v3 =	vld [tilespmem:s12+$0x1910]  }
0x71d: {  	[tilespmem:s12+$0xE200] =	vst v5;
	v5 =	vld [tilespmem:s12+$0x4B10]  }
0x71e: {  	v2 =	vld.idx.msk [tilespmem:v2+s24+$0x0], $0xffff  }
0x71f: {  	v4 =	vld.idx.msk [tilespmem:v4+s24+$0x0], $0xffff;
	_ =	sdelay $0x2  }
0x720: {  	v1 =	vshll.u32 v1, $0x1  }
0x721: {  	v2 =	vmul.f32 v3, v2;
	v3 =	vor.u32 $0x1, v1  }
0x722: {  	v4 =	vmul.f32 v5, v4  }
0x723: {  	[tilespmem:s12+$0xB010] =	vst v2;
	v2 =	vld [tilespmem:s12+$0x1920]  }
0x724: {  	[tilespmem:s12+$0xE210] =	vst v4;
	v4 =	vld [tilespmem:s12+$0x4B20]  }
0x725: {  	v1 =	vld.idx.msk [tilespmem:v1+s24+$0x0], $0xffff  }
0x726: {  	v3 =	vld.idx.msk [tilespmem:v3+s24+$0x0], $0xffff;
	_ =	sdelay $0x1  }
0x727: {  	v0 =	vshll.u32 v0, $0x1  }
0x728: {  	v5 =	vor.u32 $0x1, v0  }
0x729: {  	v1 =	vmul.f32 v2, v1  }
0x72a: {  	v3 =	vmul.f32 v4, v3  }
0x72b: {  	v2 =	vld [tilespmem:s12+$0x4B30];
	[tilespmem:s12+$0xB020] =	vst v1  }
0x72c: {  	v1 =	vld [tilespmem:s12+$0x1930];
	[tilespmem:s12+$0xE220] =	vst v3  }
0x72d: {  	v3 =	vld.idx.msk [tilespmem:v5+s24+$0x0], $0xffff  }
0x72e: {  	v0 =	vld.idx.msk [tilespmem:v0+s24+$0x0], $0xffff;
	_ =	sdelay $0x3  }
0x72f: {  	v2 =	vmul.f32 v2, v3  }
0x730: {  	s11 =	sld [smem:$0x7F5];
	v0 =	vmul.f32 v1, v0  }
0x731: {  	[tilespmem:s12+$0xE230] =	vst v2  }
0x732: {  	s10 =	simm.s32 $0x0;
	[tilespmem:s12+$0xB030] =	vst v0;
	s12 =	sld [smem:$0x7F6]  }
0x733: {  	[hbm4b:s11+s10] =	stream.linear.scatter [tilespmem:s5], [sflag:$0x4], $0x1900, $0x38;
	[tilespmem:$0xFB00] =	vst v63  }
0x734: {  	s13 =	sld [smem:$0x7FD]  }
0x735: {  	[hbm4b:s12+s10] =	stream.linear.scatter [tilespmem:s6], [sflag:$0x4], $0x1900, $0x38;
	[tilespmem:$0xFB00] =	vst v63  }
0x736: {  	_ = 	snop  }
0x737: {  	[tilespmem:s29], [sflag:$0x2] =	stream.linear.gather [hbm4b:s13+s10], $0x1900, $0x38;
	[tilespmem:$0xFB00] =	vst v63  }
0x738: {  	_ = 	snop  }
0x739: {  	[tilespmem:s30], [sflag:$0x2] =	stream.linear.gather [hbm4b:s15+s10], $0x1900, $0x38;
	[tilespmem:$0xFB00] =	vst v63  }
0x73a: {  	_ = 	snop  }
0x73b: {  	[tilespmem:s31], [sflag:$0x2] =	stream.linear.gather [hbm4b:s17+s10], $0x1900, $0x38;
	[tilespmem:$0xFB00] =	vst v63  }
0x73c: {  	_ =	swait.ge [sflag:s0], $0x1900  }
0x73d: {  	[sflag:s0] =	ssyncset.done $0x0  }
0x73e: {  	[sflag:s0] =	ssyncadd.s32 $0xFFFFE700  }
0x73f: {  	_ =	swait.ge [sflag:s0], $0x1900  }
0x740: {  	[sflag:s0] =	ssyncset.done $0x0  }
0x741: {  	[sflag:s0] =	ssyncadd.s32 $0xFFFFE700  }
0x742: {  	_ =	swait.ge [sflag:s0], $0x1900  }
0x743: {  	[sflag:s0] =	ssyncset.done $0x0  }
0x744: {  	[sflag:s0] =	ssyncadd.s32 $0xFFFFE700  }
0x745: {  	_ =	swait.ge [sflag:s7], $0x1900  }
0x746: {  	[sflag:s7] =	ssyncset.done $0x0  }
0x747: {  	[sflag:s7] =	ssyncadd.s32 $0xFFFFE700  }
0x748: {  	_ =	swait.ge [sflag:s7], $0x1900  }
0x749: {  	[sflag:s7] =	ssyncset.done $0x0  }
0x74a: {  	s10 =	simm.s32 $0x0;
	[sflag:s7] =	ssyncadd.s32 $0xFFFFE700  }
0x74b: {  	v0 =	vld [tilespmem:s10+$0x6400];
	_ =	sdelay $0x4  }
0x74c: {  	v0 =	vshll.u32 v0, $0x1  }
0x74d: {  	v1 =	vor.u32 $0x1, v0  }
0x74e: {  	v2 =	vld [tilespmem:s10+$0x6410]  }
0x74f: {  	v3 =	vld [tilespmem:s10+$0x0]  }
0x750: {  	v4 =	vld [tilespmem:s10+$0x3200]  }
0x751: {  	v0 =	vld.idx.msk [tilespmem:v0+s24+$0x0], $0xffff  }
0x752: {  	v1 =	vld.idx.msk [tilespmem:v1+s24+$0x0], $0xffff;
	_ =	sdelay $0x2  }
0x753: {  	v2 =	vshll.u32 v2, $0x1  }
0x754: {  	v6 =	vor.u32 $0x1, v2;
	v0 =	vmul.f32 v3, v0  }
0x755: {  	v5 =	vld [tilespmem:s10+$0x6420];
	v1 =	vmul.f32 v4, v1  }
0x756: {  	v4 =	vld [tilespmem:s10+$0x3210];
	[tilespmem:s10+$0x9700] =	vst v0  }
0x757: {  	v0 =	vld [tilespmem:s10+$0x10];
	[tilespmem:s10+$0xC900] =	vst v1  }
0x758: {  	v1 =	vld.idx.msk [tilespmem:v2+s24+$0x0], $0xffff  }
0x759: {  	v2 =	vld.idx.msk [tilespmem:v6+s24+$0x0], $0xffff;
	_ =	sdelay $0x2  }
0x75a: {  	v5 =	vshll.u32 v5, $0x1  }
0x75b: {  	v0 =	vmul.f32 v0, v1  }
0x75c: {  	v1 =	vmul.f32 v4, v2;
	v2 =	vor.u32 $0x1, v5  }
0x75d: {  	v3 =	vld [tilespmem:s10+$0x6430];
	[tilespmem:s10+$0x9710] =	vst v0  }
0x75e: {  	[tilespmem:s10+$0xC910] =	vst v1;
	v0 =	vld [tilespmem:s10+$0x20]  }
0x75f: {  	v1 =	vld.idx.msk [tilespmem:v5+s24+$0x0], $0xffff  }
0x760: {  	v4 =	vld [tilespmem:s10+$0x3220]  }
0x761: {  	v2 =	vld.idx.msk [tilespmem:v2+s24+$0x0], $0xffff;
	_ =	sdelay $0x1  }
0x762: {  	v5 =	vshll.u32 v3, $0x1  }
0x763: {  	v0 =	vmul.f32 v0, v1;
	v1 =	vor.u32 $0x1, v5;
	_ =	sdelay $0x1  }
0x764: {  	v3 =	vld [tilespmem:s10+$0x3230];
	[tilespmem:s10+$0x9720] =	vst v0;
	v0 =	vmul.f32 v4, v2  }
0x765: {  	s12 =	simm.s32 $0x40;
	v4 =	vld [tilespmem:s10+$0x30]  }
0x766: {  	v7 =	vld [tilespmem:s12+$0x6400];
	[tilespmem:s10+$0xC920] =	vst v0  }
0x767: {  	v6 =	vld.idx.msk [tilespmem:v1+s24+$0x0], $0xffff  }
0x768: {  	v5 =	vld.idx.msk [tilespmem:v5+s24+$0x0], $0xffff  }
0x769: {  	v2 =	vld [tilespmem:s12+$0x6410]  }
0x76a: {  	v1 =	vld [tilespmem:s12+$0x6420]  }
0x76b: {  	s11 =	simm.s32 $0x200;
	v0 =	vld [tilespmem:s12+$0x6430]  }
.LBB2_30:
0x76c: {  	p0 =	sne.s32 s11, $0x6300;
	v7 =	vshll.u32 v7, $0x1;
	s13 =	smov.u32 s11;
	s11 =	sadd.s32 $0x100, s11  }
0x76d: {  	v3 =	vmul.f32 v3, v6;
	v8 =	vor.u32 $0x1, v7  }
0x76e: {  	v4 =	vmul.f32 v4, v5  }
0x76f: {  	[tilespmem:s10+$0xC930] =	vst v3  }
0x770: {  	v3 =	vld [tilespmem:s12+$0x0];
	[tilespmem:s10+$0x9730] =	vst v4;
	s10 =	smov.u32 s12  }
0x771: {  	v4 =	vld.idx.msk [tilespmem:v7+s24+$0x0], $0xffff  }
0x772: {  	v5 =	vld.idx.msk [tilespmem:v8+s24+$0x0], $0xffff  }
0x773: {  	v6 =	vld [tilespmem:s10+$0x3200];
	_ =	sdelay $0x2  }
0x774: {  	v2 =	vshll.u32 v2, $0x1  }
0x775: {  	v3 =	vmul.f32 v3, v4;
	v4 =	vor.u32 $0x1, v2  }
0x776: {  	v5 =	vmul.f32 v6, v5  }
0x777: {  	[tilespmem:s10+$0x9700] =	vst v3  }
0x778: {  	[tilespmem:s10+$0xC900] =	vst v5;
	v3 =	vld [tilespmem:s10+$0x10]  }
0x779: {  	v2 =	vld.idx.msk [tilespmem:v2+s24+$0x0], $0xffff  }
0x77a: {  	v4 =	vld.idx.msk [tilespmem:v4+s24+$0x0], $0xffff  }
0x77b: {  	v5 =	vld [tilespmem:s10+$0x3210];
	_ =	sdelay $0x2  }
0x77c: {  	v1 =	vshll.u32 v1, $0x1  }
0x77d: {  	v2 =	vmul.f32 v3, v2;
	v3 =	vor.u32 $0x1, v1  }
0x77e: {  	v4 =	vmul.f32 v5, v4  }
0x77f: {  	[tilespmem:s10+$0x9710] =	vst v2  }
0x780: {  	[tilespmem:s10+$0xC910] =	vst v4;
	v2 =	vld [tilespmem:s10+$0x20]  }
0x781: {  	v1 =	vld.idx.msk [tilespmem:v1+s24+$0x0], $0xffff  }
0x782: {  	v3 =	vld.idx.msk [tilespmem:v3+s24+$0x0], $0xffff  }
0x783: {  	v4 =	vld [tilespmem:s10+$0x3220];
	_ =	sdelay $0x1  }
0x784: {  	v0 =	vshll.u32 v0, $0x1  }
0x785: {  	v5 =	vor.u32 $0x1, v0  }
0x786: {  	v1 =	vmul.f32 v2, v1  }
0x787: {  	v2 =	vmul.f32 v4, v3;
	v3 =	vld [tilespmem:s10+$0x3230]  }
0x788: {  	s12 =	sshra.s32 s13, $0x2;
	[tilespmem:s10+$0x9720] =	vst v1;
	v4 =	vld [tilespmem:s10+$0x30]  }
0x789: {  	v7 =	vld [tilespmem:s12+$0x6400];
	[tilespmem:s10+$0xC920] =	vst v2  }
.Ltmp14:
0x78a: {  	v6 =	vld.idx.msk [tilespmem:v5+s24+$0x0], $0xffff;
	(pc) =	sbr.rel @p0 .LBB2_30-.Ltmp14, $4  }
0x78b: {  	v5 =	vld.idx.msk [tilespmem:v0+s24+$0x0], $0xffff  }
0x78c: {  	v2 =	vld [tilespmem:s12+$0x6410]  }
0x78d: {  	v1 =	vld [tilespmem:s12+$0x6420]  }
0x78e: {  	v0 =	vld [tilespmem:s12+$0x6430]  }
0x78f: {  	v7 =	vshll.u32 v7, $0x1  }
0x790: {  	v3 =	vmul.f32 v3, v6;
	v6 =	vor.u32 $0x1, v7  }
0x791: {  	v4 =	vmul.f32 v4, v5  }
0x792: {  	[tilespmem:s10+$0xC930] =	vst v3  }
0x793: {  	v3 =	vld [tilespmem:s12+$0x0];
	[tilespmem:s10+$0x9730] =	vst v4  }
0x794: {  	v4 =	vld.idx.msk [tilespmem:v7+s24+$0x0], $0xffff  }
0x795: {  	v5 =	vld.idx.msk [tilespmem:v6+s24+$0x0], $0xffff  }
0x796: {  	v6 =	vld [tilespmem:s12+$0x3200];
	_ =	sdelay $0x2  }
0x797: {  	v2 =	vshll.u32 v2, $0x1  }
0x798: {  	v3 =	vmul.f32 v3, v4;
	v4 =	vor.u32 $0x1, v2  }
0x799: {  	v5 =	vmul.f32 v6, v5  }
0x79a: {  	[tilespmem:s12+$0x9700] =	vst v3;
	v3 =	vld [tilespmem:s12+$0x10]  }
0x79b: {  	[tilespmem:s12+$0xC900] =	vst v5;
	v5 =	vld [tilespmem:s12+$0x3210]  }
0x79c: {  	v2 =	vld.idx.msk [tilespmem:v2+s24+$0x0], $0xffff  }
0x79d: {  	v4 =	vld.idx.msk [tilespmem:v4+s24+$0x0], $0xffff;
	_ =	sdelay $0x2  }
0x79e: {  	v1 =	vshll.u32 v1, $0x1  }
0x79f: {  	v2 =	vmul.f32 v3, v2;
	v3 =	vor.u32 $0x1, v1  }
0x7a0: {  	v4 =	vmul.f32 v5, v4  }
0x7a1: {  	[tilespmem:s12+$0x9710] =	vst v2;
	v2 =	vld [tilespmem:s12+$0x20]  }
0x7a2: {  	[tilespmem:s12+$0xC910] =	vst v4;
	v4 =	vld [tilespmem:s12+$0x3220]  }
0x7a3: {  	v1 =	vld.idx.msk [tilespmem:v1+s24+$0x0], $0xffff  }
0x7a4: {  	v3 =	vld.idx.msk [tilespmem:v3+s24+$0x0], $0xffff;
	_ =	sdelay $0x1  }
0x7a5: {  	v0 =	vshll.u32 v0, $0x1  }
0x7a6: {  	v5 =	vor.u32 $0x1, v0  }
0x7a7: {  	v1 =	vmul.f32 v2, v1  }
0x7a8: {  	v3 =	vmul.f32 v4, v3  }
0x7a9: {  	v2 =	vld [tilespmem:s12+$0x3230];
	[tilespmem:s12+$0x9720] =	vst v1  }
0x7aa: {  	v1 =	vld [tilespmem:s12+$0x30];
	[tilespmem:s12+$0xC920] =	vst v3  }
0x7ab: {  	v3 =	vld.idx.msk [tilespmem:v5+s24+$0x0], $0xffff  }
0x7ac: {  	v0 =	vld.idx.msk [tilespmem:v0+s24+$0x0], $0xffff;
	_ =	sdelay $0x3  }
0x7ad: {  	v2 =	vmul.f32 v2, v3  }
0x7ae: {  	v0 =	vmul.f32 v1, v0  }
0x7af: {  	[tilespmem:s12+$0xC930] =	vst v2  }
0x7b0: {  	s13 =	simm.s32 $0x0;
	[tilespmem:s12+$0x9730] =	vst v0  }
0x7b1: {  	[hbm4b:s18+s13] =	stream.linear.scatter [tilespmem:s2], [sflag:$0x3], $0x1900, $0x38;
	[tilespmem:$0xFB00] =	vst v63  }
0x7b2: {  	_ = 	snop  }
0x7b3: {  	[hbm4b:s19+s13] =	stream.linear.scatter [tilespmem:s3], [sflag:$0x3], $0x1900, $0x38;
	[tilespmem:$0xFB00] =	vst v63  }
0x7b4: {  	_ =	swait.ge [sflag:s4], $0x1900  }
0x7b5: {  	[sflag:s4] =	ssyncset.done $0x0  }
0x7b6: {  	[sflag:s4] =	ssyncadd.s32 $0xFFFFE700  }
0x7b7: {  	_ =	swait.ge [sflag:s4], $0x1900  }
0x7b8: {  	[sflag:s4] =	ssyncset.done $0x0  }
0x7b9: {  	[sflag:s4] =	ssyncadd.s32 $0xFFFFE700  }
0x7ba: {  	_ =	swait.ge [sflag:s4], $0x1900  }
0x7bb: {  	[sflag:s4] =	ssyncset.done $0x0  }
0x7bc: {  	[sflag:s4] =	ssyncadd.s32 $0xFFFFE700  }
0x7bd: {  	_ =	swait.ge [sflag:s8], $0x1900  }
0x7be: {  	[sflag:s8] =	ssyncset.done $0x0  }
0x7bf: {  	[sflag:s8] =	ssyncadd.s32 $0xFFFFE700  }
0x7c0: {  	_ =	swait.ge [sflag:s8], $0x1900  }
0x7c1: {  	[sflag:s8] =	ssyncset.done $0x0  }
0x7c2: {  	s10 =	simm.s32 $0x0;
	[sflag:s8] =	ssyncadd.s32 $0xFFFFE700  }
0x7c3: {  	v0 =	vld [tilespmem:s10+$0x7D00];
	_ =	sdelay $0x4  }
0x7c4: {  	v0 =	vshll.u32 v0, $0x1  }
0x7c5: {  	v1 =	vor.u32 $0x1, v0  }
0x7c6: {  	v2 =	vld [tilespmem:s10+$0x7D10]  }
0x7c7: {  	v3 =	vld [tilespmem:s10+$0x1900]  }
0x7c8: {  	v4 =	vld [tilespmem:s10+$0x4B00]  }
0x7c9: {  	v0 =	vld.idx.msk [tilespmem:v0+s24+$0x0], $0xffff  }
0x7ca: {  	v1 =	vld.idx.msk [tilespmem:v1+s24+$0x0], $0xffff;
	_ =	sdelay $0x2  }
0x7cb: {  	v2 =	vshll.u32 v2, $0x1  }
0x7cc: {  	v6 =	vor.u32 $0x1, v2;
	v0 =	vmul.f32 v3, v0  }
0x7cd: {  	v5 =	vld [tilespmem:s10+$0x7D20];
	v1 =	vmul.f32 v4, v1  }
0x7ce: {  	v4 =	vld [tilespmem:s10+$0x4B10];
	[tilespmem:s10+$0xB000] =	vst v0  }
0x7cf: {  	v0 =	vld [tilespmem:s10+$0x1910];
	[tilespmem:s10+$0xE200] =	vst v1  }
0x7d0: {  	v1 =	vld.idx.msk [tilespmem:v2+s24+$0x0], $0xffff  }
0x7d1: {  	v2 =	vld.idx.msk [tilespmem:v6+s24+$0x0], $0xffff;
	_ =	sdelay $0x2  }
0x7d2: {  	v5 =	vshll.u32 v5, $0x1  }
0x7d3: {  	v0 =	vmul.f32 v0, v1  }
0x7d4: {  	v1 =	vmul.f32 v4, v2;
	v2 =	vor.u32 $0x1, v5  }
0x7d5: {  	v3 =	vld [tilespmem:s10+$0x7D30];
	[tilespmem:s10+$0xB010] =	vst v0  }
0x7d6: {  	[tilespmem:s10+$0xE210] =	vst v1;
	v0 =	vld [tilespmem:s10+$0x1920]  }
0x7d7: {  	v1 =	vld.idx.msk [tilespmem:v5+s24+$0x0], $0xffff  }
0x7d8: {  	v4 =	vld [tilespmem:s10+$0x4B20]  }
0x7d9: {  	v2 =	vld.idx.msk [tilespmem:v2+s24+$0x0], $0xffff;
	_ =	sdelay $0x1  }
0x7da: {  	v5 =	vshll.u32 v3, $0x1  }
0x7db: {  	v0 =	vmul.f32 v0, v1;
	v1 =	vor.u32 $0x1, v5;
	_ =	sdelay $0x1  }
0x7dc: {  	v3 =	vld [tilespmem:s10+$0x4B30];
	[tilespmem:s10+$0xB020] =	vst v0;
	v0 =	vmul.f32 v4, v2  }
0x7dd: {  	s12 =	simm.s32 $0x40;
	v4 =	vld [tilespmem:s10+$0x1930]  }
0x7de: {  	v7 =	vld [tilespmem:s12+$0x7D00];
	[tilespmem:s10+$0xE220] =	vst v0  }
0x7df: {  	v6 =	vld.idx.msk [tilespmem:v1+s24+$0x0], $0xffff  }
0x7e0: {  	v5 =	vld.idx.msk [tilespmem:v5+s24+$0x0], $0xffff  }
0x7e1: {  	v2 =	vld [tilespmem:s12+$0x7D10]  }
0x7e2: {  	v1 =	vld [tilespmem:s12+$0x7D20]  }
0x7e3: {  	s11 =	simm.s32 $0x200;
	v0 =	vld [tilespmem:s12+$0x7D30]  }
.LBB2_32:
0x7e4: {  	p0 =	sne.s32 s11, $0x6300;
	v7 =	vshll.u32 v7, $0x1;
	s13 =	smov.u32 s11;
	s11 =	sadd.s32 $0x100, s11  }
0x7e5: {  	v3 =	vmul.f32 v3, v6;
	v8 =	vor.u32 $0x1, v7  }
0x7e6: {  	v4 =	vmul.f32 v4, v5  }
0x7e7: {  	[tilespmem:s10+$0xE230] =	vst v3  }
0x7e8: {  	v3 =	vld [tilespmem:s12+$0x1900];
	[tilespmem:s10+$0xB030] =	vst v4;
	s10 =	smov.u32 s12  }
0x7e9: {  	v4 =	vld.idx.msk [tilespmem:v7+s24+$0x0], $0xffff  }
0x7ea: {  	v5 =	vld.idx.msk [tilespmem:v8+s24+$0x0], $0xffff  }
0x7eb: {  	v6 =	vld [tilespmem:s10+$0x4B00];
	_ =	sdelay $0x2  }
0x7ec: {  	v2 =	vshll.u32 v2, $0x1  }
0x7ed: {  	v3 =	vmul.f32 v3, v4;
	v4 =	vor.u32 $0x1, v2  }
0x7ee: {  	v5 =	vmul.f32 v6, v5  }
0x7ef: {  	[tilespmem:s10+$0xB000] =	vst v3  }
0x7f0: {  	[tilespmem:s10+$0xE200] =	vst v5;
	v3 =	vld [tilespmem:s10+$0x1910]  }
0x7f1: {  	v2 =	vld.idx.msk [tilespmem:v2+s24+$0x0], $0xffff  }
0x7f2: {  	v4 =	vld.idx.msk [tilespmem:v4+s24+$0x0], $0xffff  }
0x7f3: {  	v5 =	vld [tilespmem:s10+$0x4B10];
	_ =	sdelay $0x2  }
0x7f4: {  	v1 =	vshll.u32 v1, $0x1  }
0x7f5: {  	v2 =	vmul.f32 v3, v2;
	v3 =	vor.u32 $0x1, v1  }
0x7f6: {  	v4 =	vmul.f32 v5, v4  }
0x7f7: {  	[tilespmem:s10+$0xB010] =	vst v2  }
0x7f8: {  	[tilespmem:s10+$0xE210] =	vst v4;
	v2 =	vld [tilespmem:s10+$0x1920]  }
0x7f9: {  	v1 =	vld.idx.msk [tilespmem:v1+s24+$0x0], $0xffff  }
0x7fa: {  	v3 =	vld.idx.msk [tilespmem:v3+s24+$0x0], $0xffff  }
0x7fb: {  	v4 =	vld [tilespmem:s10+$0x4B20];
	_ =	sdelay $0x1  }
0x7fc: {  	v0 =	vshll.u32 v0, $0x1  }
0x7fd: {  	v5 =	vor.u32 $0x1, v0  }
0x7fe: {  	v1 =	vmul.f32 v2, v1  }
0x7ff: {  	v2 =	vmul.f32 v4, v3;
	v3 =	vld [tilespmem:s10+$0x4B30]  }
0x800: {  	s12 =	sshra.s32 s13, $0x2;
	[tilespmem:s10+$0xB020] =	vst v1;
	v4 =	vld [tilespmem:s10+$0x1930]  }
0x801: {  	v7 =	vld [tilespmem:s12+$0x7D00];
	[tilespmem:s10+$0xE220] =	vst v2  }
.Ltmp15:
0x802: {  	v6 =	vld.idx.msk [tilespmem:v5+s24+$0x0], $0xffff;
	(pc) =	sbr.rel @p0 .LBB2_32-.Ltmp15, $4  }
0x803: {  	v5 =	vld.idx.msk [tilespmem:v0+s24+$0x0], $0xffff  }
0x804: {  	v2 =	vld [tilespmem:s12+$0x7D10]  }
0x805: {  	v1 =	vld [tilespmem:s12+$0x7D20]  }
0x806: {  	v0 =	vld [tilespmem:s12+$0x7D30]  }
0x807: {  	v7 =	vshll.u32 v7, $0x1;
	v3 =	vmul.f32 v3, v6  }
0x808: {  	v52 =	vor.u32 $0x1, v7;
	v4 =	vmul.f32 v4, v5  }
0x809: {  	[tilespmem:s10+$0xE230] =	vst v3  }
0x80a: {  	v3 =	vld [tilespmem:s12+$0x1900];
	[tilespmem:s10+$0xB030] =	vst v4  }
0x80b: {  	v54 =	vld [tilespmem:s12+$0x4B00]  }
0x80c: {  	v4 =	vld.idx.msk [tilespmem:v7+s24+$0x0], $0xffff  }
0x80d: {  	v53 =	vld.idx.msk [tilespmem:v52+s24+$0x0], $0xffff;
	_ =	sdelay $0x2  }
0x80e: {  	v2 =	vshll.u32 v2, $0x1  }
0x80f: {  	v55 =	vor.u32 $0x1, v2;
	v3 =	vmul.f32 v3, v4  }
0x810: {  	v5 =	vmul.f32 v54, v53  }
0x811: {  	v56 =	vld [tilespmem:s12+$0x1910];
	[tilespmem:s12+$0xB000] =	vst v3  }
0x812: {  	v57 =	vld [tilespmem:s12+$0x4B10];
	[tilespmem:s12+$0xE200] =	vst v5  }
0x813: {  	v2 =	vld.idx.msk [tilespmem:v2+s24+$0x0], $0xffff  }
0x814: {  	v4 =	vld.idx.msk [tilespmem:v55+s24+$0x0], $0xffff;
	_ =	sdelay $0x2  }
0x815: {  	v1 =	vshll.u32 v1, $0x1  }
0x816: {  	v58 =	vor.u32 $0x1, v1;
	v2 =	vmul.f32 v56, v2  }
0x817: {  	v4 =	vmul.f32 v57, v4  }
0x818: {  	v59 =	vld [tilespmem:s12+$0x1920];
	[tilespmem:s12+$0xB010] =	vst v2  }
0x819: {  	v60 =	vld [tilespmem:s12+$0x4B20];
	[tilespmem:s12+$0xE210] =	vst v4  }
0x81a: {  	v1 =	vld.idx.msk [tilespmem:v1+s24+$0x0], $0xffff  }
0x81b: {  	v3 =	vld.idx.msk [tilespmem:v58+s24+$0x0], $0xffff;
	_ =	sdelay $0x1  }
0x81c: {  	v0 =	vshll.u32 v0, $0x1  }
0x81d: {  	v61 =	vor.u32 $0x1, v0  }
0x81e: {  	v1 =	vmul.f32 v59, v1  }
0x81f: {  	v3 =	vmul.f32 v60, v3  }
0x820: {  	v62 =	vld [tilespmem:s12+$0x4B30];
	[tilespmem:s12+$0xB020] =	vst v1  }
0x821: {  	v63 =	vld [tilespmem:s12+$0x1930];
	[tilespmem:s12+$0xE220] =	vst v3  }
0x822: {  	v3 =	vld.idx.msk [tilespmem:v61+s24+$0x0], $0xffff  }
0x823: {  	v0 =	vld.idx.msk [tilespmem:v0+s24+$0x0], $0xffff;
	_ =	sdelay $0x3  }
0x824: {  	v2 =	vmul.f32 v62, v3  }
0x825: {  	v0 =	vmul.f32 v63, v0  }
0x826: {  	[tilespmem:s12+$0xE230] =	vst v2  }
0x827: {  	[tilespmem:s12+$0xB030] =	vst v0  }
0x828: {  	[hbm4b:s20+s1] =	stream.linear.scatter [tilespmem:s5], [sflag:$0x4], $0x1900, $0x38;
	[tilespmem:$0xFB00] =	vst v63  }
0x829: {  	_ = 	snop  }
0x82a: {  	[hbm4b:s21+s1] =	stream.linear.scatter [tilespmem:s6], [sflag:$0x4], $0x1900, $0x38;
	[tilespmem:$0xFB00] =	vst v63  }
0x82b: {  	_ =	swait.ge [sflag:s7], $0x1900  }
0x82c: {  	[sflag:s7] =	ssyncset.done $0x0  }
0x82d: {  	[sflag:s7] =	ssyncadd.s32 $0xFFFFE700  }
0x82e: {  	_ =	swait.ge [sflag:s7], $0x1900  }
0x82f: {  	[sflag:s7] =	ssyncset.done $0x0  }
0x830: {  	s9 =	sadd.s32 $0x1, s9;
	[sflag:s7] =	ssyncadd.s32 $0xFFFFE700  }
0x831: {  	p0 =	sne.s32 s9, s23;
	_ =	swait.ge [sflag:s8], $0x1900  }
.Ltmp16:
0x832: {  	[sflag:s8] =	ssyncset.done $0x0;
	(pc) =	sbr.rel @p0 .LBB2_1-.Ltmp16, $4  }
0x833: {  	[sflag:s8] =	ssyncadd.s32 $0xFFFFE700  }
0x834: {  	_ =	swait.ge [sflag:s8], $0x1900  }
0x835: {  	[sflag:s8] =	ssyncset.done $0x0  }
0x836: {  	[sflag:s8] =	ssyncadd.s32 $0xFFFFE700  }
0x837: {  	_ =	sfence.sel $0x180000  }
0x838: {  	[bflag:$0x0] =	sbarrier.arrive $0xFFFF  }
0x839: {  	_ =	strace $0x90000047  }
0x83a: {  	s0 =	stileid.u32;
	[bflag:$0x2] =	sbarrier.arrive $0xFFFF  }
0x83b: {  	p0 =	sne.s32 s0, $0x0;
	s0 =	rddreg [dreg:$0x3]  }
0x83c: {  	s0 =	sadd.s32 @!p0 $0x100000, s0  }
0x83d: {  	[sflag:s0] =	ssyncadd.tile.s32 @!p0 $0x1;
	_ =	shalt  }
.Lfunc_end2:
_tile_overlayer_lowered:
.L_overlay_start_2:
0x83e: {  	(tag) =	ssettag $0x2  }
0x83f: {  	s0 =	rddreg [dreg:$0x0];
	s2 =	stileid.u32  }
0x840: {  	s1 =	rddreg [dreg:$0x1];
	p0 =	sne.s32 s2, $0x0  }
0x841: {  	s3 =	rddreg [dreg:$0x2];
	[bflag:$0x3] =	sbarrier.arrive $0xFFFF;
	s2 =	simm.s32 @!p0 $0x1C05  }
0x842: {  	[timem:s3], [sflag:s2] =	dma.local @!p0 [hbm:s0], s1  }
0x843: {  	s0 =	simm.s32 @!p0 $0x5  }
0x844: {  	_ =	swait.ge @!p0 [sflag:s0], s1  }
0x845: {  	s1 =	ssub.s32 @!p0 $0x0, s1;
	[sflag:s0] =	ssyncset.done @!p0 $0x0  }
0x846: {  	[sflag:s0] =	ssyncadd.s32 @!p0 s1  }
0x847: {  	[bflag:$0x3] =	sbarrier.arrive $0xFFFF  }
0x848: {  	_ =	shalt  }

</sc_bundles>
